<compile_context>
chip_gen: v7x
topology: tpu7x:2x2x1
jax: 0.10.2.dev20260603
libtpu: 0.0.44.dev20260713+nightly
codegen_flags: <defaults>
</compile_context>

<pallas_src>
import functools

import jax
import jax.numpy as jnp
from jax import lax
from jax.experimental import pallas as pl
from jax.experimental.pallas import tpu as pltpu
from jax.experimental.pallas import tpu_sc as plsc

N = 10000
E = 320000
D = 128
G = 128

NC = 2
NS = 16
NW = NC * NS
CH = 64
NCHB = 156
XTRA = (E - NW * NCHB * CH) // CH
NSL = 4
NPAIR = NCHB // NSL
NPAD = 10240
ZPT = NPAD // NS
ZCH = ZPT // CH

_sc_mesh = plsc.VectorSubcoreMesh(
    core_axis_name="c", subcore_axis_name="s", num_cores=NC, num_subcores=NS)


@functools.partial(
    pl.kernel,
    out_type=jax.ShapeDtypeStruct((NC, NPAD, D), jnp.float32),
    mesh=_sc_mesh,
    scratch_types=[
        pltpu.VMEM((NSL, CH), jnp.int32),
        pltpu.VMEM((NSL, CH), jnp.int32),
        pltpu.VMEM((NSL, CH, D), jnp.float32),
        pltpu.VMEM_SHARED((NPAD, D), jnp.float32),
    ] + [pltpu.SemaphoreType.DMA] * (4 * NSL),
)
def _edge_agg(h_hbm, src_hbm, dst_hbm, out_hbm, sring, dring, rows_v,
              acc_sh, *sems):
    is_sem = sems[:NSL]
    id_sem = sems[NSL:2 * NSL]
    gsem = sems[2 * NSL:3 * NSL]
    ssem = sems[3 * NSL:]
    cid = lax.axis_index("c")
    sid = lax.axis_index("s")
    wid = sid * NC + cid
    base = wid * (NCHB * CH) + jnp.minimum(wid, XTRA) * CH

    def issue_src(c, j):
        pltpu.async_copy(src_hbm.at[pl.ds(base + c * CH, CH)], sring.at[j],
                         is_sem[j])

    def issue_dst(c, j):
        pltpu.async_copy(dst_hbm.at[pl.ds(base + c * CH, CH)], dring.at[j],
                         id_sem[j])

    def wait_src(j):
        pltpu.make_async_copy(src_hbm.at[pl.ds(0, CH)], sring.at[j],
                              is_sem[j]).wait()

    def wait_dst(j):
        pltpu.make_async_copy(dst_hbm.at[pl.ds(0, CH)], dring.at[j],
                              id_sem[j]).wait()

    def issue_gather(j):
        pltpu.async_copy(h_hbm.at[sring.at[j]], rows_v.at[j], gsem[j])

    def wait_gather(j):
        pltpu.make_async_copy(h_hbm.at[sring.at[0]], rows_v.at[j],
                              gsem[j]).wait()

    def issue_scatter(j):
        pltpu.async_copy(rows_v.at[j], acc_sh.at[dring.at[j]], ssem[j],
                         add=True)

    def wait_scatter(j):
        pltpu.make_async_copy(rows_v.at[j], acc_sh.at[dring.at[j]],
                              ssem[j]).wait()

    for j in range(NSL):
        issue_src(j, j)
    for j in (0, 1):
        issue_dst(j, j)

    zeros16 = jnp.zeros((16,), jnp.float32)

    @pl.loop(0, CH)
    def _zero_rows(rr):
        @pl.loop(0, D // 16)
        def _zero_cols(cc):
            rows_v[0, rr, pl.ds(cc * 16, 16)] = zeros16

    @pl.loop(0, ZCH)
    def _zero_acc(z):
        pltpu.sync_copy(rows_v.at[0], acc_sh.at[pl.ds(sid * ZPT + z * CH, CH)])

    plsc.subcore_barrier()

    for j in (0, 1):
        wait_src(j)
        issue_gather(j)

    for j in (0, 1):
        wait_gather(j)
        issue_src(4 + j, j)
        wait_dst(j)
        issue_scatter(j)
    for j in (2, 3):
        issue_dst(j, j)
        wait_src(j)
        issue_gather(j)
    for j in (2, 3):
        wait_gather(j)
        issue_src(4 + j, j)
        wait_dst(j)
        issue_scatter(j)
    for j in (0, 1):
        wait_scatter(j)
        issue_dst(4 + j, j)
        wait_src(j)
        issue_gather(j)

    @pl.loop(1, NPAIR - 1)
    def _pairs(p):
        c0 = p * NSL
        for j in (0, 1):
            wait_gather(j)
            issue_src(c0 + 4 + j, j)
            wait_dst(j)
            issue_scatter(j)
        for j in (2, 3):
            wait_scatter(j)
            issue_dst(c0 + j, j)
            wait_src(j)
            issue_gather(j)
        for j in (2, 3):
            wait_gather(j)
            issue_src(c0 + 4 + j, j)
            wait_dst(j)
            issue_scatter(j)
        for j in (0, 1):
            wait_scatter(j)
            issue_dst(c0 + 4 + j, j)
            wait_src(j)
            issue_gather(j)

    c0 = NCHB - NSL
    for j in (0, 1):
        wait_gather(j)
        wait_dst(j)
        issue_scatter(j)
    for j in (2, 3):
        wait_scatter(j)
        issue_dst(c0 + j, j)
        wait_src(j)
        issue_gather(j)
    for j in (2, 3):
        wait_gather(j)
        wait_dst(j)
        issue_scatter(j)
    for j in range(NSL):
        wait_scatter(j)

    @pl.when(wid < XTRA)
    def _extra():
        issue_src(NCHB, 0)
        issue_dst(NCHB, 0)
        wait_src(0)
        issue_gather(0)
        wait_gather(0)
        wait_dst(0)
        issue_scatter(0)
        wait_scatter(0)

    plsc.subcore_barrier()

    pltpu.sync_copy(acc_sh.at[pl.ds(sid * ZPT, ZPT)],
                    out_hbm.at[cid, pl.ds(sid * ZPT, ZPT)])


BN = 2000
NB = N // BN


def _layer_body(h_ref, p0_ref, p1_ref, w_ref, b_ref, o_ref):
    s = h_ref[...] + p0_ref[0] + p1_ref[0]
    y = jnp.dot(s, w_ref[...], preferred_element_type=jnp.float32) + b_ref[...]
    o_ref[...] = jnp.maximum(y, 0.0)


def _layer_tc(h, p, W, b2d):
    return pl.pallas_call(
        _layer_body,
        grid=(NB,),
        in_specs=[
            pl.BlockSpec((BN, D), lambda i: (i, 0)),
            pl.BlockSpec((1, BN, D), lambda i: (0, i, 0)),
            pl.BlockSpec((1, BN, D), lambda i: (1, i, 0)),
            pl.BlockSpec((D, D), lambda i: (0, 0)),
            pl.BlockSpec((1, D), lambda i: (0, 0)),
        ],
        out_specs=pl.BlockSpec((BN, D), lambda i: (i, 0)),
        out_shape=jax.ShapeDtypeStruct((N, D), jnp.float32),
    )(h, p, p, W, b2d)


def _final_body(h_ref, p0_ref, p1_ref, w2_ref, b2_ref, batch_ref, wg_ref,
                bg_ref, o_ref, sums, counts):
    i = pl.program_id(0)

    @pl.when(i == 0)
    def _():
        sums[...] = jnp.zeros_like(sums)
        counts[...] = jnp.zeros_like(counts)

    s = h_ref[...] + p0_ref[0] + p1_ref[0]
    h2 = jnp.maximum(
        jnp.dot(s, w2_ref[...], preferred_element_type=jnp.float32)
        + b2_ref[...], 0.0)

    bt = batch_ref[...].reshape(1, BN)
    gidx = lax.broadcasted_iota(jnp.int32, (G, BN), 0)
    P = (bt == gidx).astype(jnp.float32)
    sums[...] += jnp.dot(P, h2, preferred_element_type=jnp.float32)
    counts[...] += jnp.broadcast_to(jnp.sum(P, axis=1, keepdims=True), (G, D))

    @pl.when(i == NB - 1)
    def _():
        hg = sums[...] / jnp.maximum(counts[...], 1.0)
        o_ref[...] = (jnp.dot(hg, wg_ref[...], preferred_element_type=jnp.float32)
                      + bg_ref[...])


def _final_tc(h1, q, W2, b2d, batch3d, Wg, bg2d):
    return pl.pallas_call(
        _final_body,
        grid=(NB,),
        in_specs=[
            pl.BlockSpec((BN, D), lambda i: (i, 0)),
            pl.BlockSpec((1, BN, D), lambda i: (0, i, 0)),
            pl.BlockSpec((1, BN, D), lambda i: (1, i, 0)),
            pl.BlockSpec((D, D), lambda i: (0, 0)),
            pl.BlockSpec((1, D), lambda i: (0, 0)),
            pl.BlockSpec((1, 1, BN), lambda i: (i, 0, 0)),
            pl.BlockSpec((D, D), lambda i: (0, 0)),
            pl.BlockSpec((1, D), lambda i: (0, 0)),
        ],
        out_specs=pl.BlockSpec((G, D), lambda i: (0, 0)),
        out_shape=jax.ShapeDtypeStruct((G, D), jnp.float32),
        scratch_shapes=[
            pltpu.VMEM((G, D), jnp.float32),
            pltpu.VMEM((G, D), jnp.float32),
        ],
    )(h1, q, q, W2, b2d, batch3d, Wg, bg2d)


def kernel(x, edge_index, batch, W1, b1, W2, b2, Wg, bg):
    src = edge_index[0].astype(jnp.int32)
    dst = edge_index[1].astype(jnp.int32)
    batch3d = batch.astype(jnp.int32).reshape(NB, 1, BN)

    p = _edge_agg(x, src, dst)
    h1 = _layer_tc(x, p, W1, b1.reshape(1, D))
    q = _edge_agg(h1, src, dst)
    return _final_tc(h1, q, W2, b2.reshape(1, D),
                     batch3d, Wg, bg.reshape(1, D))

# --- scband reference (transcript-rebuilt; emitter-appended) ---
"""Pipeline reference for scband-gnn-21139829031608 (READ-ONLY COPY).

The authoritative reference and input builder live on the scoring server;
editing this copy changes nothing except your own understanding.
"""

import jax, jax.numpy as jnp
import numpy as np

N = 10000
E = 320000
D = 128
H = 128
OUT = 128
G = 128


def setup_inputs(seed: int = 0) -> dict:
    key = jax.random.key(seed)
    ks = jax.random.split(key, 10)
    x = jax.random.normal(ks[0], (N, D), dtype=jnp.float32)
    edge_index = jax.random.randint(ks[1], (2, E), 0, N, dtype=jnp.int64)
    batch = jnp.sort(jax.random.randint(ks[2], (N,), 0, G, dtype=jnp.int64))
    W1 = jax.random.normal(ks[3], (D, H), dtype=jnp.float32) * 0.05
    b1 = jnp.zeros((H,), dtype=jnp.float32)
    W2 = jax.random.normal(ks[4], (H, H), dtype=jnp.float32) * 0.05
    b2 = jnp.zeros((H,), dtype=jnp.float32)
    Wg = jax.random.normal(ks[5], (H, OUT), dtype=jnp.float32) * 0.05
    bg = jnp.zeros((OUT,), dtype=jnp.float32)
    return {"x": x, "edge_index": edge_index, "batch": batch,
            "W1": W1, "b1": b1, "W2": W2, "b2": b2, "Wg": Wg, "bg": bg}


def reference(x, edge_index, batch, W1, b1, W2, b2, Wg, bg):
    # GNN_node: two message-passing layers (gather from src, scatter-add to dst,
    # residual self term, linear + ReLU) -- SparseCore-mappable gather/scatter.
    src = edge_index[0]
    dst = edge_index[1]
    h = x
    for W, b in ((W1, b1), (W2, b2)):
        msgs = jnp.take(h, src, axis=0)                     # gather [E, d]
        agg = jax.ops.segment_sum(msgs, dst, num_segments=N)  # scatter-add [N, d]
        h = jax.nn.relu((h + agg) @ W + b)
    # global_mean_pool over batch indicator
    ones = jnp.ones((N, 1), dtype=h.dtype)
    counts = jax.ops.segment_sum(ones, batch, num_segments=G)
    sums = jax.ops.segment_sum(h, batch, num_segments=G)
    h_graph = sums / jnp.maximum(counts, 1.0)
    # graph_pred_linear
    return h_graph @ Wg + bg

if __name__ == "__main__":
    import jax
    _d = setup_inputs()
    print(jax.jit(kernel)(*tuple(_d.values())))

</pallas_src>

<mosaic_0001>
#map = affine_map<(d0, d1) -> (0, 0)>
#map1 = affine_map<(d0, d1) -> (0)>
#map2 = affine_map<(d0, d1) -> (0, 0, 0)>
module attributes {stable_mosaic.version = 14 : i64} {
  func.func @_edge_agg(%arg0: i32, %arg1: i32, %arg2: memref<10000x128xf32, #tpu.memory_space<hbm>>, %arg3: memref<320000xi32, #tpu.memory_space<hbm>>, %arg4: memref<320000xi32, #tpu.memory_space<hbm>>, %arg5: memref<2x10240x128xf32, #tpu.memory_space<hbm>>, %arg6: memref<4x64xi32, #tpu.memory_space<vmem>>, %arg7: memref<4x64xi32, #tpu.memory_space<vmem>>, %arg8: memref<4x64x128xf32, #tpu.memory_space<vmem>>, %arg9: memref<10240x128xf32, #tpu.memory_space<vmem_shared>>, %arg10: memref<!tpu.dma_semaphore, #tpu.memory_space<semaphore_mem>>, %arg11: memref<!tpu.dma_semaphore, #tpu.memory_space<semaphore_mem>>, %arg12: memref<!tpu.dma_semaphore, #tpu.memory_space<semaphore_mem>>, %arg13: memref<!tpu.dma_semaphore, #tpu.memory_space<semaphore_mem>>, %arg14: memref<!tpu.dma_semaphore, #tpu.memory_space<semaphore_mem>>, %arg15: memref<!tpu.dma_semaphore, #tpu.memory_space<semaphore_mem>>, %arg16: memref<!tpu.dma_semaphore, #tpu.memory_space<semaphore_mem>>, %arg17: memref<!tpu.dma_semaphore, #tpu.memory_space<semaphore_mem>>, %arg18: memref<!tpu.dma_semaphore, #tpu.memory_space<semaphore_mem>>, %arg19: memref<!tpu.dma_semaphore, #tpu.memory_space<semaphore_mem>>, %arg20: memref<!tpu.dma_semaphore, #tpu.memory_space<semaphore_mem>>, %arg21: memref<!tpu.dma_semaphore, #tpu.memory_space<semaphore_mem>>, %arg22: memref<!tpu.dma_semaphore, #tpu.memory_space<semaphore_mem>>, %arg23: memref<!tpu.dma_semaphore, #tpu.memory_space<semaphore_mem>>, %arg24: memref<!tpu.dma_semaphore, #tpu.memory_space<semaphore_mem>>, %arg25: memref<!tpu.dma_semaphore, #tpu.memory_space<semaphore_mem>>) attributes {dimension_semantics = [#tpu.dimension_semantics<core_parallel>, #tpu.dimension_semantics<subcore_parallel>], iteration_bounds = array<i64: 2, 16>, scalar_prefetch = 0 : i64, scratch_operands = 20 : i64, tpu.core_type = #tpu.core_type<sc_vector_subcore>, window_params = [{transform_indices = #map}, {transform_indices = #map1}, {transform_indices = #map1}, {transform_indices = #map2}]} {
    %mul3A = arith.constant 2 : i32
    %mul3A_0 = arith.muli %arg1, %mul3A : i32
    %add3A = arith.addi %mul3A_0, %arg0 : i32
    %mul3A_1 = arith.constant 9984 : i32
    %mul3A_2 = arith.muli %add3A, %mul3A_1 : i32
    %min3A = arith.constant 8 : i32
    %min3A_3 = arith.minsi %add3A, %min3A : i32
    %mul3A_4 = arith.constant 64 : i32
    %mul3A_5 = arith.muli %min3A_3, %mul3A_4 : i32
    %add3A_6 = arith.addi %mul3A_2, %mul3A_5 : i32
    %add3A_7 = arith.constant 0 : i32
    %add3A_8 = arith.addi %add3A_6, %add3A_7 : i32
    %dma_start3A = arith.constant 0 : i32
    %dma_start3A_9 = arith.constant 0 : i32
    %dma_start3A_10 = tpu.memref_slice %arg6[%dma_start3A, %dma_start3A_9] : memref<4x64xi32, #tpu.memory_space<vmem>> -> memref<1x64xi32, #tpu.memory_space<vmem>>
    %dma_start3A_11 = tpu.memref_squeeze %dma_start3A_10 : memref<1x64xi32, #tpu.memory_space<vmem>> -> memref<64xi32, #tpu.memory_space<vmem>>
    %dma_start3A_12 = tpu.memref_slice %arg3[%add3A_8] : memref<320000xi32, #tpu.memory_space<hbm>> -> memref<64xi32, #tpu.memory_space<hbm>>
    %dma_start3A_13 = arith.constant 0 : i32
    %dma_start3A_14 = tpu.memref_slice %arg6[%dma_start3A, %dma_start3A_13] : memref<4x64xi32, #tpu.memory_space<vmem>> -> memref<1x64xi32, #tpu.memory_space<vmem>>
    %dma_start3A_15 = tpu.memref_squeeze %dma_start3A_14 : memref<1x64xi32, #tpu.memory_space<vmem>> -> memref<64xi32, #tpu.memory_space<vmem>>
    %dma_start3A_16 = tpu.memref_slice %arg3[%add3A_8] : memref<320000xi32, #tpu.memory_space<hbm>> -> memref<64xi32, #tpu.memory_space<hbm>>
    tpu.enqueue_dma source(%dma_start3A_16 : memref<64xi32, #tpu.memory_space<hbm>>) target(%dma_start3A_15 : memref<64xi32, #tpu.memory_space<vmem>>) target_semaphore(%arg10 : memref<!tpu.dma_semaphore, #tpu.memory_space<semaphore_mem>>)
    %add3A_17 = arith.constant 64 : i32
    %add3A_18 = arith.addi %add3A_6, %add3A_17 : i32
    %dma_start3A_19 = arith.constant 1 : i32
    %dma_start3A_20 = arith.constant 0 : i32
    %dma_start3A_21 = tpu.memref_slice %arg6[%dma_start3A_19, %dma_start3A_20] : memref<4x64xi32, #tpu.memory_space<vmem>> -> memref<1x64xi32, #tpu.memory_space<vmem>>
    %dma_start3A_22 = tpu.memref_squeeze %dma_start3A_21 : memref<1x64xi32, #tpu.memory_space<vmem>> -> memref<64xi32, #tpu.memory_space<vmem>>
    %dma_start3A_23 = tpu.memref_slice %arg3[%add3A_18] : memref<320000xi32, #tpu.memory_space<hbm>> -> memref<64xi32, #tpu.memory_space<hbm>>
    %dma_start3A_24 = arith.constant 0 : i32
    %dma_start3A_25 = tpu.memref_slice %arg6[%dma_start3A_19, %dma_start3A_24] : memref<4x64xi32, #tpu.memory_space<vmem>> -> memref<1x64xi32, #tpu.memory_space<vmem>>
    %dma_start3A_26 = tpu.memref_squeeze %dma_start3A_25 : memref<1x64xi32, #tpu.memory_space<vmem>> -> memref<64xi32, #tpu.memory_space<vmem>>
    %dma_start3A_27 = tpu.memref_slice %arg3[%add3A_18] : memref<320000xi32, #tpu.memory_space<hbm>> -> memref<64xi32, #tpu.memory_space<hbm>>
    tpu.enqueue_dma source(%dma_start3A_27 : memref<64xi32, #tpu.memory_space<hbm>>) target(%dma_start3A_26 : memref<64xi32, #tpu.memory_space<vmem>>) target_semaphore(%arg11 : memref<!tpu.dma_semaphore, #tpu.memory_space<semaphore_mem>>)
    %add3A_28 = arith.constant 128 : i32
    %add3A_29 = arith.addi %add3A_6, %add3A_28 : i32
    %dma_start3A_30 = arith.constant 2 : i32
    %dma_start3A_31 = arith.constant 0 : i32
    %dma_start3A_32 = tpu.memref_slice %arg6[%dma_start3A_30, %dma_start3A_31] : memref<4x64xi32, #tpu.memory_space<vmem>> -> memref<1x64xi32, #tpu.memory_space<vmem>>
    %dma_start3A_33 = tpu.memref_squeeze %dma_start3A_32 : memref<1x64xi32, #tpu.memory_space<vmem>> -> memref<64xi32, #tpu.memory_space<vmem>>
    %dma_start3A_34 = tpu.memref_slice %arg3[%add3A_29] : memref<320000xi32, #tpu.memory_space<hbm>> -> memref<64xi32, #tpu.memory_space<hbm>>
    %dma_start3A_35 = arith.constant 0 : i32
    %dma_start3A_36 = tpu.memref_slice %arg6[%dma_start3A_30, %dma_start3A_35] : memref<4x64xi32, #tpu.memory_space<vmem>> -> memref<1x64xi32, #tpu.memory_space<vmem>>
    %dma_start3A_37 = tpu.memref_squeeze %dma_start3A_36 : memref<1x64xi32, #tpu.memory_space<vmem>> -> memref<64xi32, #tpu.memory_space<vmem>>
    %dma_start3A_38 = tpu.memref_slice %arg3[%add3A_29] : memref<320000xi32, #tpu.memory_space<hbm>> -> memref<64xi32, #tpu.memory_space<hbm>>
    tpu.enqueue_dma source(%dma_start3A_38 : memref<64xi32, #tpu.memory_space<hbm>>) target(%dma_start3A_37 : memref<64xi32, #tpu.memory_space<vmem>>) target_semaphore(%arg12 : memref<!tpu.dma_semaphore, #tpu.memory_space<semaphore_mem>>)
    %add3A_39 = arith.constant 192 : i32
    %add3A_40 = arith.addi %add3A_6, %add3A_39 : i32
    %dma_start3A_41 = arith.constant 3 : i32
    %dma_start3A_42 = arith.constant 0 : i32
    %dma_start3A_43 = tpu.memref_slice %arg6[%dma_start3A_41, %dma_start3A_42] : memref<4x64xi32, #tpu.memory_space<vmem>> -> memref<1x64xi32, #tpu.memory_space<vmem>>
    %dma_start3A_44 = tpu.memref_squeeze %dma_start3A_43 : memref<1x64xi32, #tpu.memory_space<vmem>> -> memref<64xi32, #tpu.memory_space<vmem>>
    %dma_start3A_45 = tpu.memref_slice %arg3[%add3A_40] : memref<320000xi32, #tpu.memory_space<hbm>> -> memref<64xi32, #tpu.memory_space<hbm>>
    %dma_start3A_46 = arith.constant 0 : i32
    %dma_start3A_47 = tpu.memref_slice %arg6[%dma_start3A_41, %dma_start3A_46] : memref<4x64xi32, #tpu.memory_space<vmem>> -> memref<1x64xi32, #tpu.memory_space<vmem>>
    %dma_start3A_48 = tpu.memref_squeeze %dma_start3A_47 : memref<1x64xi32, #tpu.memory_space<vmem>> -> memref<64xi32, #tpu.memory_space<vmem>>
    %dma_start3A_49 = tpu.memref_slice %arg3[%add3A_40] : memref<320000xi32, #tpu.memory_space<hbm>> -> memref<64xi32, #tpu.memory_space<hbm>>
    tpu.enqueue_dma source(%dma_start3A_49 : memref<64xi32, #tpu.memory_space<hbm>>) target(%dma_start3A_48 : memref<64xi32, #tpu.memory_space<vmem>>) target_semaphore(%arg13 : memref<!tpu.dma_semaphore, #tpu.memory_space<semaphore_mem>>)
    %add3A_50 = arith.constant 0 : i32
    %add3A_51 = arith.addi %add3A_6, %add3A_50 : i32
    %dma_start3A_52 = arith.constant 0 : i32
    %dma_start3A_53 = arith.constant 0 : i32
    %dma_start3A_54 = tpu.memref_slice %arg7[%dma_start3A_52, %dma_start3A_53] : memref<4x64xi32, #tpu.memory_space<vmem>> -> memref<1x64xi32, #tpu.memory_space<vmem>>
    %dma_start3A_55 = tpu.memref_squeeze %dma_start3A_54 : memref<1x64xi32, #tpu.memory_space<vmem>> -> memref<64xi32, #tpu.memory_space<vmem>>
    %dma_start3A_56 = tpu.memref_slice %arg4[%add3A_51] : memref<320000xi32, #tpu.memory_space<hbm>> -> memref<64xi32, #tpu.memory_space<hbm>>
    %dma_start3A_57 = arith.constant 0 : i32
    %dma_start3A_58 = tpu.memref_slice %arg7[%dma_start3A_52, %dma_start3A_57] : memref<4x64xi32, #tpu.memory_space<vmem>> -> memref<1x64xi32, #tpu.memory_space<vmem>>
    %dma_start3A_59 = tpu.memref_squeeze %dma_start3A_58 : memref<1x64xi32, #tpu.memory_space<vmem>> -> memref<64xi32, #tpu.memory_space<vmem>>
    %dma_start3A_60 = tpu.memref_slice %arg4[%add3A_51] : memref<320000xi32, #tpu.memory_space<hbm>> -> memref<64xi32, #tpu.memory_space<hbm>>
    tpu.enqueue_dma source(%dma_start3A_60 : memref<64xi32, #tpu.memory_space<hbm>>) target(%dma_start3A_59 : memref<64xi32, #tpu.memory_space<vmem>>) target_semaphore(%arg14 : memref<!tpu.dma_semaphore, #tpu.memory_space<semaphore_mem>>)
    %add3A_61 = arith.constant 64 : i32
    %add3A_62 = arith.addi %add3A_6, %add3A_61 : i32
    %dma_start3A_63 = arith.constant 1 : i32
    %dma_start3A_64 = arith.constant 0 : i32
    %dma_start3A_65 = tpu.memref_slice %arg7[%dma_start3A_63, %dma_start3A_64] : memref<4x64xi32, #tpu.memory_space<vmem>> -> memref<1x64xi32, #tpu.memory_space<vmem>>
    %dma_start3A_66 = tpu.memref_squeeze %dma_start3A_65 : memref<1x64xi32, #tpu.memory_space<vmem>> -> memref<64xi32, #tpu.memory_space<vmem>>
    %dma_start3A_67 = tpu.memref_slice %arg4[%add3A_62] : memref<320000xi32, #tpu.memory_space<hbm>> -> memref<64xi32, #tpu.memory_space<hbm>>
    %dma_start3A_68 = arith.constant 0 : i32
    %dma_start3A_69 = tpu.memref_slice %arg7[%dma_start3A_63, %dma_start3A_68] : memref<4x64xi32, #tpu.memory_space<vmem>> -> memref<1x64xi32, #tpu.memory_space<vmem>>
    %dma_start3A_70 = tpu.memref_squeeze %dma_start3A_69 : memref<1x64xi32, #tpu.memory_space<vmem>> -> memref<64xi32, #tpu.memory_space<vmem>>
    %dma_start3A_71 = tpu.memref_slice %arg4[%add3A_62] : memref<320000xi32, #tpu.memory_space<hbm>> -> memref<64xi32, #tpu.memory_space<hbm>>
    tpu.enqueue_dma source(%dma_start3A_71 : memref<64xi32, #tpu.memory_space<hbm>>) target(%dma_start3A_70 : memref<64xi32, #tpu.memory_space<vmem>>) target_semaphore(%arg15 : memref<!tpu.dma_semaphore, #tpu.memory_space<semaphore_mem>>)
    %broadcast_in_dim3A = arith.constant 0.000000e+00 : f32
    %broadcast_in_dim3A_72 = vector.broadcast %broadcast_in_dim3A : f32 to vector<16xf32>
    %scan3A = arith.constant 0 : i32
    %scan3A_73 = arith.constant 64 : i32
    %scan3A_74 = arith.addi %scan3A, %scan3A_73 : i32
    %scan3A_75 = arith.constant 1 : i32
    scf.for %scan3A_763 = %scan3A to %scan3A_74 step %scan3A_75  : i32 {
      %mul3A_764 = arith.constant 1 : i32
      %mul3A_765 = arith.muli %scan3A_763, %mul3A_764 : i32
      %add3A_766 = arith.constant 0 : i32
      %add3A_767 = arith.addi %add3A_766, %mul3A_765 : i32
      %scan3A_768 = arith.constant 0 : i32
      %scan3A_769 = arith.constant 8 : i32
      %scan3A_770 = arith.addi %scan3A_768, %scan3A_769 : i32
      %scan3A_771 = arith.constant 1 : i32
      scf.for %scan3A_773 = %scan3A_768 to %scan3A_770 step %scan3A_771  : i32 {
        %mul3A_774 = arith.constant 1 : i32
        %mul3A_775 = arith.muli %scan3A_773, %mul3A_774 : i32
        %add3A_776 = arith.constant 0 : i32
        %add3A_777 = arith.addi %add3A_776, %mul3A_775 : i32
        %mul3A_778 = arith.constant 16 : i32
        %mul3A_779 = arith.muli %add3A_777, %mul3A_778 : i32
        %swap3A = arith.constant 0 : i32
        %swap3A_780 = arith.index_cast %swap3A : i32 to index
        %swap3A_781 = arith.index_cast %add3A_767 : i32 to index
        %swap3A_782 = arith.index_cast %mul3A_779 : i32 to index
        %swap3A_783 = tpu.vector_load %arg8[%swap3A_780, %swap3A_781, %swap3A_782] {strides = array<i32>} : memref<4x64x128xf32, #tpu.memory_space<vmem>>, vector<1x1x16xf32>,
        %swap3A_784 = vector.shape_cast %swap3A_783 : vector<1x1x16xf32> to vector<16xf32>
        %swap3A_785 = vector.shape_cast %broadcast_in_dim3A_72 : vector<16xf32> to vector<1x1x16xf32>
        tpu.vector_store %arg8[%swap3A_780, %swap3A_781, %swap3A_782], %swap3A_785 {strides = array<i32>} : memref<4x64x128xf32, #tpu.memory_space<vmem>>, vector<1x1x16xf32>,
      }
      %scan3A_772 = arith.constant 8 : i32
    }
    %scan3A_76 = arith.constant 64 : i32
    %scan3A_77 = arith.constant 0 : i32
    %scan3A_78 = arith.constant 10 : i32
    %scan3A_79 = arith.addi %scan3A_77, %scan3A_78 : i32
    %scan3A_80 = arith.constant 1 : i32
    scf.for %scan3A_763 = %scan3A_77 to %scan3A_79 step %scan3A_80  : i32 {
      %mul3A_764 = arith.constant 1 : i32
      %mul3A_765 = arith.muli %scan3A_763, %mul3A_764 : i32
      %add3A_766 = arith.constant 0 : i32
      %add3A_767 = arith.addi %add3A_766, %mul3A_765 : i32
      %mul3A_768 = arith.constant 640 : i32
      %mul3A_769 = arith.muli %arg1, %mul3A_768 : i32
      %mul3A_770 = arith.constant 64 : i32
      %mul3A_771 = arith.muli %add3A_767, %mul3A_770 : i32
      %add3A_772 = arith.addi %mul3A_769, %mul3A_771 : i32
      %run_scoped3A = arith.constant 0 : i32
      "tpu.region"() ({
        %run_scoped3A_773 = tpu.sem_alloc : memref<!tpu.dma_semaphore, #tpu.memory_space<semaphore_mem>>
        %dma_start3A_774 = arith.constant 0 : i32
        %dma_start3A_775 = arith.constant 0 : i32
        %dma_start3A_776 = tpu.memref_slice %arg8[%run_scoped3A, %dma_start3A_774, %dma_start3A_775] : memref<4x64x128xf32, #tpu.memory_space<vmem>> -> memref<1x64x128xf32, #tpu.memory_space<vmem>>
        %dma_start3A_777 = tpu.memref_squeeze %dma_start3A_776 : memref<1x64x128xf32, #tpu.memory_space<vmem>> -> memref<64x128xf32, #tpu.memory_space<vmem>>
        %dma_start3A_778 = arith.constant 0 : i32
        %dma_start3A_779 = tpu.memref_slice %arg9[%add3A_772, %dma_start3A_778] : memref<10240x128xf32, #tpu.memory_space<vmem_shared>> -> memref<64x128xf32, #tpu.memory_space<vmem_shared>>
        %dma_start3A_780 = arith.constant 0 : i32
        %dma_start3A_781 = tpu.memref_slice %arg9[%add3A_772, %dma_start3A_780] : memref<10240x128xf32, #tpu.memory_space<vmem_shared>> -> memref<64x128xf32, #tpu.memory_space<vmem_shared>>
        %dma_start3A_782 = arith.constant 0 : i32
        %dma_start3A_783 = arith.constant 0 : i32
        %dma_start3A_784 = tpu.memref_slice %arg8[%run_scoped3A, %dma_start3A_782, %dma_start3A_783] : memref<4x64x128xf32, #tpu.memory_space<vmem>> -> memref<1x64x128xf32, #tpu.memory_space<vmem>>
        %dma_start3A_785 = tpu.memref_squeeze %dma_start3A_784 : memref<1x64x128xf32, #tpu.memory_space<vmem>> -> memref<64x128xf32, #tpu.memory_space<vmem>>
        tpu.enqueue_dma source(%dma_start3A_785 : memref<64x128xf32, #tpu.memory_space<vmem>>) target(%dma_start3A_781 : memref<64x128xf32, #tpu.memory_space<vmem_shared>>) target_semaphore(%run_scoped3A_773 : memref<!tpu.dma_semaphore, #tpu.memory_space<semaphore_mem>>)
        %dma_wait3A_786 = arith.constant 0 : i32
        %dma_wait3A_787 = arith.constant 0 : i32
        %dma_wait3A_788 = tpu.memref_slice %arg8[%run_scoped3A, %dma_wait3A_786, %dma_wait3A_787] : memref<4x64x128xf32, #tpu.memory_space<vmem>> -> memref<1x64x128xf32, #tpu.memory_space<vmem>>
        %dma_wait3A_789 = tpu.memref_squeeze %dma_wait3A_788 : memref<1x64x128xf32, #tpu.memory_space<vmem>> -> memref<64x128xf32, #tpu.memory_space<vmem>>
        %dma_wait3A_790 = arith.constant 0 : i32
        %dma_wait3A_791 = tpu.memref_slice %arg9[%add3A_772, %dma_wait3A_790] : memref<10240x128xf32, #tpu.memory_space<vmem_shared>> -> memref<64x128xf32, #tpu.memory_space<vmem_shared>>
        %dma_wait3A_792 = arith.constant 0 : i32
        %dma_wait3A_793 = tpu.memref_slice %arg9[%add3A_772, %dma_wait3A_792] : memref<10240x128xf32, #tpu.memory_space<vmem_shared>> -> memref<64x128xf32, #tpu.memory_space<vmem_shared>>
        %dma_wait3A_794 = arith.constant 0 : i32
        %dma_wait3A_795 = arith.constant 0 : i32
        %dma_wait3A_796 = tpu.memref_slice %arg8[%run_scoped3A, %dma_wait3A_794, %dma_wait3A_795] : memref<4x64x128xf32, #tpu.memory_space<vmem>> -> memref<1x64x128xf32, #tpu.memory_space<vmem>>
        %dma_wait3A_797 = tpu.memref_squeeze %dma_wait3A_796 : memref<1x64x128xf32, #tpu.memory_space<vmem>> -> memref<64x128xf32, #tpu.memory_space<vmem>>
        tpu.wait_dma2 semaphore(%run_scoped3A_773 : memref<!tpu.dma_semaphore, #tpu.memory_space<semaphore_mem>>) src(%dma_wait3A_797 : memref<64x128xf32, #tpu.memory_space<vmem>>) dst(%dma_wait3A_793 : memref<64x128xf32, #tpu.memory_space<vmem_shared>>)
        tpu.yield
      }) : () -> ()
    }
    %scan3A_81 = arith.constant 10 : i32
    %barrier3A = arith.constant 0 : index
    tpu.barrier barrier_id(%barrier3A)
    %dma_wait3A = arith.constant 0 : i32
    %dma_wait3A_82 = arith.constant 0 : i32
    %dma_wait3A_83 = tpu.memref_slice %arg6[%dma_wait3A, %dma_wait3A_82] : memref<4x64xi32, #tpu.memory_space<vmem>> -> memref<1x64xi32, #tpu.memory_space<vmem>>
    %dma_wait3A_84 = tpu.memref_squeeze %dma_wait3A_83 : memref<1x64xi32, #tpu.memory_space<vmem>> -> memref<64xi32, #tpu.memory_space<vmem>>
    %dma_wait3A_85 = arith.constant 0 : i32
    %dma_wait3A_86 = tpu.memref_slice %arg3[%dma_wait3A_85] : memref<320000xi32, #tpu.memory_space<hbm>> -> memref<64xi32, #tpu.memory_space<hbm>>
    %dma_wait3A_87 = arith.constant 0 : i32
    %dma_wait3A_88 = tpu.memref_slice %arg6[%dma_wait3A, %dma_wait3A_87] : memref<4x64xi32, #tpu.memory_space<vmem>> -> memref<1x64xi32, #tpu.memory_space<vmem>>
    %dma_wait3A_89 = tpu.memref_squeeze %dma_wait3A_88 : memref<1x64xi32, #tpu.memory_space<vmem>> -> memref<64xi32, #tpu.memory_space<vmem>>
    %dma_wait3A_90 = arith.constant 0 : i32
    %dma_wait3A_91 = tpu.memref_slice %arg3[%dma_wait3A_90] : memref<320000xi32, #tpu.memory_space<hbm>> -> memref<64xi32, #tpu.memory_space<hbm>>
    tpu.wait_dma2 semaphore(%arg10 : memref<!tpu.dma_semaphore, #tpu.memory_space<semaphore_mem>>) src(%dma_wait3A_91 : memref<64xi32, #tpu.memory_space<hbm>>) dst(%dma_wait3A_89 : memref<64xi32, #tpu.memory_space<vmem>>)
    %dma_start3A_92 = arith.constant 0 : i32
    %dma_start3A_93 = arith.constant 0 : i32
    %dma_start3A_94 = arith.constant 0 : i32
    %dma_start3A_95 = arith.constant 0 : i32
    %dma_start3A_96 = tpu.memref_slice %arg8[%dma_start3A_93, %dma_start3A_94, %dma_start3A_95] : memref<4x64x128xf32, #tpu.memory_space<vmem>> -> memref<1x64x128xf32, #tpu.memory_space<vmem>>
    %dma_start3A_97 = tpu.memref_squeeze %dma_start3A_96 : memref<1x64x128xf32, #tpu.memory_space<vmem>> -> memref<64x128xf32, #tpu.memory_space<vmem>>
    %dma_start3A_98 = arith.constant 0 : i32
    %dma_start3A_99 = tpu.memref_slice %arg6[%dma_start3A_92, %dma_start3A_98] : memref<4x64xi32, #tpu.memory_space<vmem>> -> memref<1x64xi32, #tpu.memory_space<vmem>>
    %dma_start3A_100 = tpu.memref_squeeze %dma_start3A_99 : memref<1x64xi32, #tpu.memory_space<vmem>> -> memref<64xi32, #tpu.memory_space<vmem>>
    %dma_start3A_101 = arith.constant 0 : i32
    %dma_start3A_102 = arith.constant 0 : i32
    %dma_start3A_103 = tpu.memref_slice %arg2[%dma_start3A_101, %dma_start3A_102] : memref<10000x128xf32, #tpu.memory_space<hbm>> -> memref<10000x128xf32, #tpu.memory_space<hbm>>
    tpu.enqueue_indirect_dma source(%dma_start3A_103 : memref<10000x128xf32, #tpu.memory_space<hbm>>) target(%dma_start3A_97 : memref<64x128xf32, #tpu.memory_space<vmem>>) offsets(%dma_start3A_100 : memref<64xi32, #tpu.memory_space<vmem>>) semaphore(%arg18 : memref<!tpu.dma_semaphore, #tpu.memory_space<semaphore_mem>>)
    %dma_wait3A_104 = arith.constant 1 : i32
    %dma_wait3A_105 = arith.constant 0 : i32
    %dma_wait3A_106 = tpu.memref_slice %arg6[%dma_wait3A_104, %dma_wait3A_105] : memref<4x64xi32, #tpu.memory_space<vmem>> -> memref<1x64xi32, #tpu.memory_space<vmem>>
    %dma_wait3A_107 = tpu.memref_squeeze %dma_wait3A_106 : memref<1x64xi32, #tpu.memory_space<vmem>> -> memref<64xi32, #tpu.memory_space<vmem>>
    %dma_wait3A_108 = arith.constant 0 : i32
    %dma_wait3A_109 = tpu.memref_slice %arg3[%dma_wait3A_108] : memref<320000xi32, #tpu.memory_space<hbm>> -> memref<64xi32, #tpu.memory_space<hbm>>
    %dma_wait3A_110 = arith.constant 0 : i32
    %dma_wait3A_111 = tpu.memref_slice %arg6[%dma_wait3A_104, %dma_wait3A_110] : memref<4x64xi32, #tpu.memory_space<vmem>> -> memref<1x64xi32, #tpu.memory_space<vmem>>
    %dma_wait3A_112 = tpu.memref_squeeze %dma_wait3A_111 : memref<1x64xi32, #tpu.memory_space<vmem>> -> memref<64xi32, #tpu.memory_space<vmem>>
    %dma_wait3A_113 = arith.constant 0 : i32
    %dma_wait3A_114 = tpu.memref_slice %arg3[%dma_wait3A_113] : memref<320000xi32, #tpu.memory_space<hbm>> -> memref<64xi32, #tpu.memory_space<hbm>>
    tpu.wait_dma2 semaphore(%arg11 : memref<!tpu.dma_semaphore, #tpu.memory_space<semaphore_mem>>) src(%dma_wait3A_114 : memref<64xi32, #tpu.memory_space<hbm>>) dst(%dma_wait3A_112 : memref<64xi32, #tpu.memory_space<vmem>>)
    %dma_start3A_115 = arith.constant 1 : i32
    %dma_start3A_116 = arith.constant 1 : i32
    %dma_start3A_117 = arith.constant 0 : i32
    %dma_start3A_118 = arith.constant 0 : i32
    %dma_start3A_119 = tpu.memref_slice %arg8[%dma_start3A_116, %dma_start3A_117, %dma_start3A_118] : memref<4x64x128xf32, #tpu.memory_space<vmem>> -> memref<1x64x128xf32, #tpu.memory_space<vmem>>
    %dma_start3A_120 = tpu.memref_squeeze %dma_start3A_119 : memref<1x64x128xf32, #tpu.memory_space<vmem>> -> memref<64x128xf32, #tpu.memory_space<vmem>>
    %dma_start3A_121 = arith.constant 0 : i32
    %dma_start3A_122 = tpu.memref_slice %arg6[%dma_start3A_115, %dma_start3A_121] : memref<4x64xi32, #tpu.memory_space<vmem>> -> memref<1x64xi32, #tpu.memory_space<vmem>>
    %dma_start3A_123 = tpu.memref_squeeze %dma_start3A_122 : memref<1x64xi32, #tpu.memory_space<vmem>> -> memref<64xi32, #tpu.memory_space<vmem>>
    %dma_start3A_124 = arith.constant 0 : i32
    %dma_start3A_125 = arith.constant 0 : i32
    %dma_start3A_126 = tpu.memref_slice %arg2[%dma_start3A_124, %dma_start3A_125] : memref<10000x128xf32, #tpu.memory_space<hbm>> -> memref<10000x128xf32, #tpu.memory_space<hbm>>
    tpu.enqueue_indirect_dma source(%dma_start3A_126 : memref<10000x128xf32, #tpu.memory_space<hbm>>) target(%dma_start3A_120 : memref<64x128xf32, #tpu.memory_space<vmem>>) offsets(%dma_start3A_123 : memref<64xi32, #tpu.memory_space<vmem>>) semaphore(%arg19 : memref<!tpu.dma_semaphore, #tpu.memory_space<semaphore_mem>>)
    %dma_wait3A_127 = arith.constant 0 : i32
    %dma_wait3A_128 = arith.constant 0 : i32
    %dma_wait3A_129 = arith.constant 0 : i32
    %dma_wait3A_130 = arith.constant 0 : i32
    %dma_wait3A_131 = tpu.memref_slice %arg8[%dma_wait3A_128, %dma_wait3A_129, %dma_wait3A_130] : memref<4x64x128xf32, #tpu.memory_space<vmem>> -> memref<1x64x128xf32, #tpu.memory_space<vmem>>
    %dma_wait3A_132 = tpu.memref_squeeze %dma_wait3A_131 : memref<1x64x128xf32, #tpu.memory_space<vmem>> -> memref<64x128xf32, #tpu.memory_space<vmem>>
    %dma_wait3A_133 = arith.constant 0 : i32
    %dma_wait3A_134 = tpu.memref_slice %arg6[%dma_wait3A_127, %dma_wait3A_133] : memref<4x64xi32, #tpu.memory_space<vmem>> -> memref<1x64xi32, #tpu.memory_space<vmem>>
    %dma_wait3A_135 = tpu.memref_squeeze %dma_wait3A_134 : memref<1x64xi32, #tpu.memory_space<vmem>> -> memref<64xi32, #tpu.memory_space<vmem>>
    %dma_wait3A_136 = arith.constant 0 : i32
    %dma_wait3A_137 = arith.constant 0 : i32
    %dma_wait3A_138 = tpu.memref_slice %arg2[%dma_wait3A_136, %dma_wait3A_137] : memref<10000x128xf32, #tpu.memory_space<hbm>> -> memref<10000x128xf32, #tpu.memory_space<hbm>>
    tpu.wait_indirect_dma semaphore(%arg18 : memref<!tpu.dma_semaphore, #tpu.memory_space<semaphore_mem>>) src(%dma_wait3A_138 : memref<10000x128xf32, #tpu.memory_space<hbm>>) dst(%dma_wait3A_132 : memref<64x128xf32, #tpu.memory_space<vmem>>)
    %add3A_139 = arith.constant 256 : i32
    %add3A_140 = arith.addi %add3A_6, %add3A_139 : i32
    %dma_start3A_141 = arith.constant 0 : i32
    %dma_start3A_142 = arith.constant 0 : i32
    %dma_start3A_143 = tpu.memref_slice %arg6[%dma_start3A_141, %dma_start3A_142] : memref<4x64xi32, #tpu.memory_space<vmem>> -> memref<1x64xi32, #tpu.memory_space<vmem>>
    %dma_start3A_144 = tpu.memref_squeeze %dma_start3A_143 : memref<1x64xi32, #tpu.memory_space<vmem>> -> memref<64xi32, #tpu.memory_space<vmem>>
    %dma_start3A_145 = tpu.memref_slice %arg3[%add3A_140] : memref<320000xi32, #tpu.memory_space<hbm>> -> memref<64xi32, #tpu.memory_space<hbm>>
    %dma_start3A_146 = arith.constant 0 : i32
    %dma_start3A_147 = tpu.memref_slice %arg6[%dma_start3A_141, %dma_start3A_146] : memref<4x64xi32, #tpu.memory_space<vmem>> -> memref<1x64xi32, #tpu.memory_space<vmem>>
    %dma_start3A_148 = tpu.memref_squeeze %dma_start3A_147 : memref<1x64xi32, #tpu.memory_space<vmem>> -> memref<64xi32, #tpu.memory_space<vmem>>
    %dma_start3A_149 = tpu.memref_slice %arg3[%add3A_140] : memref<320000xi32, #tpu.memory_space<hbm>> -> memref<64xi32, #tpu.memory_space<hbm>>
    tpu.enqueue_dma source(%dma_start3A_149 : memref<64xi32, #tpu.memory_space<hbm>>) target(%dma_start3A_148 : memref<64xi32, #tpu.memory_space<vmem>>) target_semaphore(%arg10 : memref<!tpu.dma_semaphore, #tpu.memory_space<semaphore_mem>>)
    %dma_wait3A_150 = arith.constant 0 : i32
    %dma_wait3A_151 = arith.constant 0 : i32
    %dma_wait3A_152 = tpu.memref_slice %arg7[%dma_wait3A_150, %dma_wait3A_151] : memref<4x64xi32, #tpu.memory_space<vmem>> -> memref<1x64xi32, #tpu.memory_space<vmem>>
    %dma_wait3A_153 = tpu.memref_squeeze %dma_wait3A_152 : memref<1x64xi32, #tpu.memory_space<vmem>> -> memref<64xi32, #tpu.memory_space<vmem>>
    %dma_wait3A_154 = arith.constant 0 : i32
    %dma_wait3A_155 = tpu.memref_slice %arg4[%dma_wait3A_154] : memref<320000xi32, #tpu.memory_space<hbm>> -> memref<64xi32, #tpu.memory_space<hbm>>
    %dma_wait3A_156 = arith.constant 0 : i32
    %dma_wait3A_157 = tpu.memref_slice %arg7[%dma_wait3A_150, %dma_wait3A_156] : memref<4x64xi32, #tpu.memory_space<vmem>> -> memref<1x64xi32, #tpu.memory_space<vmem>>
    %dma_wait3A_158 = tpu.memref_squeeze %dma_wait3A_157 : memref<1x64xi32, #tpu.memory_space<vmem>> -> memref<64xi32, #tpu.memory_space<vmem>>
    %dma_wait3A_159 = arith.constant 0 : i32
    %dma_wait3A_160 = tpu.memref_slice %arg4[%dma_wait3A_159] : memref<320000xi32, #tpu.memory_space<hbm>> -> memref<64xi32, #tpu.memory_space<hbm>>
    tpu.wait_dma2 semaphore(%arg14 : memref<!tpu.dma_semaphore, #tpu.memory_space<semaphore_mem>>) src(%dma_wait3A_160 : memref<64xi32, #tpu.memory_space<hbm>>) dst(%dma_wait3A_158 : memref<64xi32, #tpu.memory_space<vmem>>)
    %dma_start3A_161 = arith.constant 0 : i32
    %dma_start3A_162 = arith.constant 0 : i32
    %dma_start3A_163 = arith.constant 0 : i32
    %dma_start3A_164 = arith.constant 0 : i32
    %dma_start3A_165 = tpu.memref_slice %arg8[%dma_start3A_161, %dma_start3A_163, %dma_start3A_164] : memref<4x64x128xf32, #tpu.memory_space<vmem>> -> memref<1x64x128xf32, #tpu.memory_space<vmem>>
    %dma_start3A_166 = tpu.memref_squeeze %dma_start3A_165 : memref<1x64x128xf32, #tpu.memory_space<vmem>> -> memref<64x128xf32, #tpu.memory_space<vmem>>
    %dma_start3A_167 = arith.constant 0 : i32
    %dma_start3A_168 = tpu.memref_slice %arg7[%dma_start3A_162, %dma_start3A_167] : memref<4x64xi32, #tpu.memory_space<vmem>> -> memref<1x64xi32, #tpu.memory_space<vmem>>
    %dma_start3A_169 = tpu.memref_squeeze %dma_start3A_168 : memref<1x64xi32, #tpu.memory_space<vmem>> -> memref<64xi32, #tpu.memory_space<vmem>>
    %dma_start3A_170 = arith.constant 0 : i32
    %dma_start3A_171 = arith.constant 0 : i32
    %dma_start3A_172 = tpu.memref_slice %arg9[%dma_start3A_170, %dma_start3A_171] : memref<10240x128xf32, #tpu.memory_space<vmem_shared>> -> memref<10240x128xf32, #tpu.memory_space<vmem_shared>>
    tpu.enqueue_indirect_dma source(%dma_start3A_166 : memref<64x128xf32, #tpu.memory_space<vmem>>) target(%dma_start3A_172 : memref<10240x128xf32, #tpu.memory_space<vmem_shared>>) offsets(%dma_start3A_169 : memref<64xi32, #tpu.memory_space<vmem>>) semaphore(%arg22 : memref<!tpu.dma_semaphore, #tpu.memory_space<semaphore_mem>>) {add = true}
    %dma_wait3A_173 = arith.constant 0 : i32
    %dma_wait3A_174 = arith.constant 1 : i32
    %dma_wait3A_175 = arith.constant 0 : i32
    %dma_wait3A_176 = arith.constant 0 : i32
    %dma_wait3A_177 = tpu.memref_slice %arg8[%dma_wait3A_174, %dma_wait3A_175, %dma_wait3A_176] : memref<4x64x128xf32, #tpu.memory_space<vmem>> -> memref<1x64x128xf32, #tpu.memory_space<vmem>>
    %dma_wait3A_178 = tpu.memref_squeeze %dma_wait3A_177 : memref<1x64x128xf32, #tpu.memory_space<vmem>> -> memref<64x128xf32, #tpu.memory_space<vmem>>
    %dma_wait3A_179 = arith.constant 0 : i32
    %dma_wait3A_180 = tpu.memref_slice %arg6[%dma_wait3A_173, %dma_wait3A_179] : memref<4x64xi32, #tpu.memory_space<vmem>> -> memref<1x64xi32, #tpu.memory_space<vmem>>
    %dma_wait3A_181 = tpu.memref_squeeze %dma_wait3A_180 : memref<1x64xi32, #tpu.memory_space<vmem>> -> memref<64xi32, #tpu.memory_space<vmem>>
    %dma_wait3A_182 = arith.constant 0 : i32
    %dma_wait3A_183 = arith.constant 0 : i32
    %dma_wait3A_184 = tpu.memref_slice %arg2[%dma_wait3A_182, %dma_wait3A_183] : memref<10000x128xf32, #tpu.memory_space<hbm>> -> memref<10000x128xf32, #tpu.memory_space<hbm>>
    tpu.wait_indirect_dma semaphore(%arg19 : memref<!tpu.dma_semaphore, #tpu.memory_space<semaphore_mem>>) src(%dma_wait3A_184 : memref<10000x128xf32, #tpu.memory_space<hbm>>) dst(%dma_wait3A_178 : memref<64x128xf32, #tpu.memory_space<vmem>>)
    %add3A_185 = arith.constant 320 : i32
    %add3A_186 = arith.addi %add3A_6, %add3A_185 : i32
    %dma_start3A_187 = arith.constant 1 : i32
    %dma_start3A_188 = arith.constant 0 : i32
    %dma_start3A_189 = tpu.memref_slice %arg6[%dma_start3A_187, %dma_start3A_188] : memref<4x64xi32, #tpu.memory_space<vmem>> -> memref<1x64xi32, #tpu.memory_space<vmem>>
    %dma_start3A_190 = tpu.memref_squeeze %dma_start3A_189 : memref<1x64xi32, #tpu.memory_space<vmem>> -> memref<64xi32, #tpu.memory_space<vmem>>
    %dma_start3A_191 = tpu.memref_slice %arg3[%add3A_186] : memref<320000xi32, #tpu.memory_space<hbm>> -> memref<64xi32, #tpu.memory_space<hbm>>
    %dma_start3A_192 = arith.constant 0 : i32
    %dma_start3A_193 = tpu.memref_slice %arg6[%dma_start3A_187, %dma_start3A_192] : memref<4x64xi32, #tpu.memory_space<vmem>> -> memref<1x64xi32, #tpu.memory_space<vmem>>
    %dma_start3A_194 = tpu.memref_squeeze %dma_start3A_193 : memref<1x64xi32, #tpu.memory_space<vmem>> -> memref<64xi32, #tpu.memory_space<vmem>>
    %dma_start3A_195 = tpu.memref_slice %arg3[%add3A_186] : memref<320000xi32, #tpu.memory_space<hbm>> -> memref<64xi32, #tpu.memory_space<hbm>>
    tpu.enqueue_dma source(%dma_start3A_195 : memref<64xi32, #tpu.memory_space<hbm>>) target(%dma_start3A_194 : memref<64xi32, #tpu.memory_space<vmem>>) target_semaphore(%arg11 : memref<!tpu.dma_semaphore, #tpu.memory_space<semaphore_mem>>)
    %dma_wait3A_196 = arith.constant 1 : i32
    %dma_wait3A_197 = arith.constant 0 : i32
    %dma_wait3A_198 = tpu.memref_slice %arg7[%dma_wait3A_196, %dma_wait3A_197] : memref<4x64xi32, #tpu.memory_space<vmem>> -> memref<1x64xi32, #tpu.memory_space<vmem>>
    %dma_wait3A_199 = tpu.memref_squeeze %dma_wait3A_198 : memref<1x64xi32, #tpu.memory_space<vmem>> -> memref<64xi32, #tpu.memory_space<vmem>>
    %dma_wait3A_200 = arith.constant 0 : i32
    %dma_wait3A_201 = tpu.memref_slice %arg4[%dma_wait3A_200] : memref<320000xi32, #tpu.memory_space<hbm>> -> memref<64xi32, #tpu.memory_space<hbm>>
    %dma_wait3A_202 = arith.constant 0 : i32
    %dma_wait3A_203 = tpu.memref_slice %arg7[%dma_wait3A_196, %dma_wait3A_202] : memref<4x64xi32, #tpu.memory_space<vmem>> -> memref<1x64xi32, #tpu.memory_space<vmem>>
    %dma_wait3A_204 = tpu.memref_squeeze %dma_wait3A_203 : memref<1x64xi32, #tpu.memory_space<vmem>> -> memref<64xi32, #tpu.memory_space<vmem>>
    %dma_wait3A_205 = arith.constant 0 : i32
    %dma_wait3A_206 = tpu.memref_slice %arg4[%dma_wait3A_205] : memref<320000xi32, #tpu.memory_space<hbm>> -> memref<64xi32, #tpu.memory_space<hbm>>
    tpu.wait_dma2 semaphore(%arg15 : memref<!tpu.dma_semaphore, #tpu.memory_space<semaphore_mem>>) src(%dma_wait3A_206 : memref<64xi32, #tpu.memory_space<hbm>>) dst(%dma_wait3A_204 : memref<64xi32, #tpu.memory_space<vmem>>)
    %dma_start3A_207 = arith.constant 1 : i32
    %dma_start3A_208 = arith.constant 1 : i32
    %dma_start3A_209 = arith.constant 0 : i32
    %dma_start3A_210 = arith.constant 0 : i32
    %dma_start3A_211 = tpu.memref_slice %arg8[%dma_start3A_207, %dma_start3A_209, %dma_start3A_210] : memref<4x64x128xf32, #tpu.memory_space<vmem>> -> memref<1x64x128xf32, #tpu.memory_space<vmem>>
    %dma_start3A_212 = tpu.memref_squeeze %dma_start3A_211 : memref<1x64x128xf32, #tpu.memory_space<vmem>> -> memref<64x128xf32, #tpu.memory_space<vmem>>
    %dma_start3A_213 = arith.constant 0 : i32
    %dma_start3A_214 = tpu.memref_slice %arg7[%dma_start3A_208, %dma_start3A_213] : memref<4x64xi32, #tpu.memory_space<vmem>> -> memref<1x64xi32, #tpu.memory_space<vmem>>
    %dma_start3A_215 = tpu.memref_squeeze %dma_start3A_214 : memref<1x64xi32, #tpu.memory_space<vmem>> -> memref<64xi32, #tpu.memory_space<vmem>>
    %dma_start3A_216 = arith.constant 0 : i32
    %dma_start3A_217 = arith.constant 0 : i32
    %dma_start3A_218 = tpu.memref_slice %arg9[%dma_start3A_216, %dma_start3A_217] : memref<10240x128xf32, #tpu.memory_space<vmem_shared>> -> memref<10240x128xf32, #tpu.memory_space<vmem_shared>>
    tpu.enqueue_indirect_dma source(%dma_start3A_212 : memref<64x128xf32, #tpu.memory_space<vmem>>) target(%dma_start3A_218 : memref<10240x128xf32, #tpu.memory_space<vmem_shared>>) offsets(%dma_start3A_215 : memref<64xi32, #tpu.memory_space<vmem>>) semaphore(%arg23 : memref<!tpu.dma_semaphore, #tpu.memory_space<semaphore_mem>>) {add = true}
    %add3A_219 = arith.constant 128 : i32
    %add3A_220 = arith.addi %add3A_6, %add3A_219 : i32
    %dma_start3A_221 = arith.constant 2 : i32
    %dma_start3A_222 = arith.constant 0 : i32
    %dma_start3A_223 = tpu.memref_slice %arg7[%dma_start3A_221, %dma_start3A_222] : memref<4x64xi32, #tpu.memory_space<vmem>> -> memref<1x64xi32, #tpu.memory_space<vmem>>
    %dma_start3A_224 = tpu.memref_squeeze %dma_start3A_223 : memref<1x64xi32, #tpu.memory_space<vmem>> -> memref<64xi32, #tpu.memory_space<vmem>>
    %dma_start3A_225 = tpu.memref_slice %arg4[%add3A_220] : memref<320000xi32, #tpu.memory_space<hbm>> -> memref<64xi32, #tpu.memory_space<hbm>>
    %dma_start3A_226 = arith.constant 0 : i32
    %dma_start3A_227 = tpu.memref_slice %arg7[%dma_start3A_221, %dma_start3A_226] : memref<4x64xi32, #tpu.memory_space<vmem>> -> memref<1x64xi32, #tpu.memory_space<vmem>>
    %dma_start3A_228 = tpu.memref_squeeze %dma_start3A_227 : memref<1x64xi32, #tpu.memory_space<vmem>> -> memref<64xi32, #tpu.memory_space<vmem>>
    %dma_start3A_229 = tpu.memref_slice %arg4[%add3A_220] : memref<320000xi32, #tpu.memory_space<hbm>> -> memref<64xi32, #tpu.memory_space<hbm>>
    tpu.enqueue_dma source(%dma_start3A_229 : memref<64xi32, #tpu.memory_space<hbm>>) target(%dma_start3A_228 : memref<64xi32, #tpu.memory_space<vmem>>) target_semaphore(%arg16 : memref<!tpu.dma_semaphore, #tpu.memory_space<semaphore_mem>>)
    %dma_wait3A_230 = arith.constant 2 : i32
    %dma_wait3A_231 = arith.constant 0 : i32
    %dma_wait3A_232 = tpu.memref_slice %arg6[%dma_wait3A_230, %dma_wait3A_231] : memref<4x64xi32, #tpu.memory_space<vmem>> -> memref<1x64xi32, #tpu.memory_space<vmem>>
    %dma_wait3A_233 = tpu.memref_squeeze %dma_wait3A_232 : memref<1x64xi32, #tpu.memory_space<vmem>> -> memref<64xi32, #tpu.memory_space<vmem>>
    %dma_wait3A_234 = arith.constant 0 : i32
    %dma_wait3A_235 = tpu.memref_slice %arg3[%dma_wait3A_234] : memref<320000xi32, #tpu.memory_space<hbm>> -> memref<64xi32, #tpu.memory_space<hbm>>
    %dma_wait3A_236 = arith.constant 0 : i32
    %dma_wait3A_237 = tpu.memref_slice %arg6[%dma_wait3A_230, %dma_wait3A_236] : memref<4x64xi32, #tpu.memory_space<vmem>> -> memref<1x64xi32, #tpu.memory_space<vmem>>
    %dma_wait3A_238 = tpu.memref_squeeze %dma_wait3A_237 : memref<1x64xi32, #tpu.memory_space<vmem>> -> memref<64xi32, #tpu.memory_space<vmem>>
    %dma_wait3A_239 = arith.constant 0 : i32
    %dma_wait3A_240 = tpu.memref_slice %arg3[%dma_wait3A_239] : memref<320000xi32, #tpu.memory_space<hbm>> -> memref<64xi32, #tpu.memory_space<hbm>>
    tpu.wait_dma2 semaphore(%arg12 : memref<!tpu.dma_semaphore, #tpu.memory_space<semaphore_mem>>) src(%dma_wait3A_240 : memref<64xi32, #tpu.memory_space<hbm>>) dst(%dma_wait3A_238 : memref<64xi32, #tpu.memory_space<vmem>>)
    %dma_start3A_241 = arith.constant 2 : i32
    %dma_start3A_242 = arith.constant 2 : i32
    %dma_start3A_243 = arith.constant 0 : i32
    %dma_start3A_244 = arith.constant 0 : i32
    %dma_start3A_245 = tpu.memref_slice %arg8[%dma_start3A_242, %dma_start3A_243, %dma_start3A_244] : memref<4x64x128xf32, #tpu.memory_space<vmem>> -> memref<1x64x128xf32, #tpu.memory_space<vmem>>
    %dma_start3A_246 = tpu.memref_squeeze %dma_start3A_245 : memref<1x64x128xf32, #tpu.memory_space<vmem>> -> memref<64x128xf32, #tpu.memory_space<vmem>>
    %dma_start3A_247 = arith.constant 0 : i32
    %dma_start3A_248 = tpu.memref_slice %arg6[%dma_start3A_241, %dma_start3A_247] : memref<4x64xi32, #tpu.memory_space<vmem>> -> memref<1x64xi32, #tpu.memory_space<vmem>>
    %dma_start3A_249 = tpu.memref_squeeze %dma_start3A_248 : memref<1x64xi32, #tpu.memory_space<vmem>> -> memref<64xi32, #tpu.memory_space<vmem>>
    %dma_start3A_250 = arith.constant 0 : i32
    %dma_start3A_251 = arith.constant 0 : i32
    %dma_start3A_252 = tpu.memref_slice %arg2[%dma_start3A_250, %dma_start3A_251] : memref<10000x128xf32, #tpu.memory_space<hbm>> -> memref<10000x128xf32, #tpu.memory_space<hbm>>
    tpu.enqueue_indirect_dma source(%dma_start3A_252 : memref<10000x128xf32, #tpu.memory_space<hbm>>) target(%dma_start3A_246 : memref<64x128xf32, #tpu.memory_space<vmem>>) offsets(%dma_start3A_249 : memref<64xi32, #tpu.memory_space<vmem>>) semaphore(%arg20 : memref<!tpu.dma_semaphore, #tpu.memory_space<semaphore_mem>>)
    %add3A_253 = arith.constant 192 : i32
    %add3A_254 = arith.addi %add3A_6, %add3A_253 : i32
    %dma_start3A_255 = arith.constant 3 : i32
    %dma_start3A_256 = arith.constant 0 : i32
    %dma_start3A_257 = tpu.memref_slice %arg7[%dma_start3A_255, %dma_start3A_256] : memref<4x64xi32, #tpu.memory_space<vmem>> -> memref<1x64xi32, #tpu.memory_space<vmem>>
    %dma_start3A_258 = tpu.memref_squeeze %dma_start3A_257 : memref<1x64xi32, #tpu.memory_space<vmem>> -> memref<64xi32, #tpu.memory_space<vmem>>
    %dma_start3A_259 = tpu.memref_slice %arg4[%add3A_254] : memref<320000xi32, #tpu.memory_space<hbm>> -> memref<64xi32, #tpu.memory_space<hbm>>
    %dma_start3A_260 = arith.constant 0 : i32
    %dma_start3A_261 = tpu.memref_slice %arg7[%dma_start3A_255, %dma_start3A_260] : memref<4x64xi32, #tpu.memory_space<vmem>> -> memref<1x64xi32, #tpu.memory_space<vmem>>
    %dma_start3A_262 = tpu.memref_squeeze %dma_start3A_261 : memref<1x64xi32, #tpu.memory_space<vmem>> -> memref<64xi32, #tpu.memory_space<vmem>>
    %dma_start3A_263 = tpu.memref_slice %arg4[%add3A_254] : memref<320000xi32, #tpu.memory_space<hbm>> -> memref<64xi32, #tpu.memory_space<hbm>>
    tpu.enqueue_dma source(%dma_start3A_263 : memref<64xi32, #tpu.memory_space<hbm>>) target(%dma_start3A_262 : memref<64xi32, #tpu.memory_space<vmem>>) target_semaphore(%arg17 : memref<!tpu.dma_semaphore, #tpu.memory_space<semaphore_mem>>)
    %dma_wait3A_264 = arith.constant 3 : i32
    %dma_wait3A_265 = arith.constant 0 : i32
    %dma_wait3A_266 = tpu.memref_slice %arg6[%dma_wait3A_264, %dma_wait3A_265] : memref<4x64xi32, #tpu.memory_space<vmem>> -> memref<1x64xi32, #tpu.memory_space<vmem>>
    %dma_wait3A_267 = tpu.memref_squeeze %dma_wait3A_266 : memref<1x64xi32, #tpu.memory_space<vmem>> -> memref<64xi32, #tpu.memory_space<vmem>>
    %dma_wait3A_268 = arith.constant 0 : i32
    %dma_wait3A_269 = tpu.memref_slice %arg3[%dma_wait3A_268] : memref<320000xi32, #tpu.memory_space<hbm>> -> memref<64xi32, #tpu.memory_space<hbm>>
    %dma_wait3A_270 = arith.constant 0 : i32
    %dma_wait3A_271 = tpu.memref_slice %arg6[%dma_wait3A_264, %dma_wait3A_270] : memref<4x64xi32, #tpu.memory_space<vmem>> -> memref<1x64xi32, #tpu.memory_space<vmem>>
    %dma_wait3A_272 = tpu.memref_squeeze %dma_wait3A_271 : memref<1x64xi32, #tpu.memory_space<vmem>> -> memref<64xi32, #tpu.memory_space<vmem>>
    %dma_wait3A_273 = arith.constant 0 : i32
    %dma_wait3A_274 = tpu.memref_slice %arg3[%dma_wait3A_273] : memref<320000xi32, #tpu.memory_space<hbm>> -> memref<64xi32, #tpu.memory_space<hbm>>
    tpu.wait_dma2 semaphore(%arg13 : memref<!tpu.dma_semaphore, #tpu.memory_space<semaphore_mem>>) src(%dma_wait3A_274 : memref<64xi32, #tpu.memory_space<hbm>>) dst(%dma_wait3A_272 : memref<64xi32, #tpu.memory_space<vmem>>)
    %dma_start3A_275 = arith.constant 3 : i32
    %dma_start3A_276 = arith.constant 3 : i32
    %dma_start3A_277 = arith.constant 0 : i32
    %dma_start3A_278 = arith.constant 0 : i32
    %dma_start3A_279 = tpu.memref_slice %arg8[%dma_start3A_276, %dma_start3A_277, %dma_start3A_278] : memref<4x64x128xf32, #tpu.memory_space<vmem>> -> memref<1x64x128xf32, #tpu.memory_space<vmem>>
    %dma_start3A_280 = tpu.memref_squeeze %dma_start3A_279 : memref<1x64x128xf32, #tpu.memory_space<vmem>> -> memref<64x128xf32, #tpu.memory_space<vmem>>
    %dma_start3A_281 = arith.constant 0 : i32
    %dma_start3A_282 = tpu.memref_slice %arg6[%dma_start3A_275, %dma_start3A_281] : memref<4x64xi32, #tpu.memory_space<vmem>> -> memref<1x64xi32, #tpu.memory_space<vmem>>
    %dma_start3A_283 = tpu.memref_squeeze %dma_start3A_282 : memref<1x64xi32, #tpu.memory_space<vmem>> -> memref<64xi32, #tpu.memory_space<vmem>>
    %dma_start3A_284 = arith.constant 0 : i32
    %dma_start3A_285 = arith.constant 0 : i32
    %dma_start3A_286 = tpu.memref_slice %arg2[%dma_start3A_284, %dma_start3A_285] : memref<10000x128xf32, #tpu.memory_space<hbm>> -> memref<10000x128xf32, #tpu.memory_space<hbm>>
    tpu.enqueue_indirect_dma source(%dma_start3A_286 : memref<10000x128xf32, #tpu.memory_space<hbm>>) target(%dma_start3A_280 : memref<64x128xf32, #tpu.memory_space<vmem>>) offsets(%dma_start3A_283 : memref<64xi32, #tpu.memory_space<vmem>>) semaphore(%arg21 : memref<!tpu.dma_semaphore, #tpu.memory_space<semaphore_mem>>)
    %dma_wait3A_287 = arith.constant 0 : i32
    %dma_wait3A_288 = arith.constant 2 : i32
    %dma_wait3A_289 = arith.constant 0 : i32
    %dma_wait3A_290 = arith.constant 0 : i32
    %dma_wait3A_291 = tpu.memref_slice %arg8[%dma_wait3A_288, %dma_wait3A_289, %dma_wait3A_290] : memref<4x64x128xf32, #tpu.memory_space<vmem>> -> memref<1x64x128xf32, #tpu.memory_space<vmem>>
    %dma_wait3A_292 = tpu.memref_squeeze %dma_wait3A_291 : memref<1x64x128xf32, #tpu.memory_space<vmem>> -> memref<64x128xf32, #tpu.memory_space<vmem>>
    %dma_wait3A_293 = arith.constant 0 : i32
    %dma_wait3A_294 = tpu.memref_slice %arg6[%dma_wait3A_287, %dma_wait3A_293] : memref<4x64xi32, #tpu.memory_space<vmem>> -> memref<1x64xi32, #tpu.memory_space<vmem>>
    %dma_wait3A_295 = tpu.memref_squeeze %dma_wait3A_294 : memref<1x64xi32, #tpu.memory_space<vmem>> -> memref<64xi32, #tpu.memory_space<vmem>>
    %dma_wait3A_296 = arith.constant 0 : i32
    %dma_wait3A_297 = arith.constant 0 : i32
    %dma_wait3A_298 = tpu.memref_slice %arg2[%dma_wait3A_296, %dma_wait3A_297] : memref<10000x128xf32, #tpu.memory_space<hbm>> -> memref<10000x128xf32, #tpu.memory_space<hbm>>
    tpu.wait_indirect_dma semaphore(%arg20 : memref<!tpu.dma_semaphore, #tpu.memory_space<semaphore_mem>>) src(%dma_wait3A_298 : memref<10000x128xf32, #tpu.memory_space<hbm>>) dst(%dma_wait3A_292 : memref<64x128xf32, #tpu.memory_space<vmem>>)
    %add3A_299 = arith.constant 384 : i32
    %add3A_300 = arith.addi %add3A_6, %add3A_299 : i32
    %dma_start3A_301 = arith.constant 2 : i32
    %dma_start3A_302 = arith.constant 0 : i32
    %dma_start3A_303 = tpu.memref_slice %arg6[%dma_start3A_301, %dma_start3A_302] : memref<4x64xi32, #tpu.memory_space<vmem>> -> memref<1x64xi32, #tpu.memory_space<vmem>>
    %dma_start3A_304 = tpu.memref_squeeze %dma_start3A_303 : memref<1x64xi32, #tpu.memory_space<vmem>> -> memref<64xi32, #tpu.memory_space<vmem>>
    %dma_start3A_305 = tpu.memref_slice %arg3[%add3A_300] : memref<320000xi32, #tpu.memory_space<hbm>> -> memref<64xi32, #tpu.memory_space<hbm>>
    %dma_start3A_306 = arith.constant 0 : i32
    %dma_start3A_307 = tpu.memref_slice %arg6[%dma_start3A_301, %dma_start3A_306] : memref<4x64xi32, #tpu.memory_space<vmem>> -> memref<1x64xi32, #tpu.memory_space<vmem>>
    %dma_start3A_308 = tpu.memref_squeeze %dma_start3A_307 : memref<1x64xi32, #tpu.memory_space<vmem>> -> memref<64xi32, #tpu.memory_space<vmem>>
    %dma_start3A_309 = tpu.memref_slice %arg3[%add3A_300] : memref<320000xi32, #tpu.memory_space<hbm>> -> memref<64xi32, #tpu.memory_space<hbm>>
    tpu.enqueue_dma source(%dma_start3A_309 : memref<64xi32, #tpu.memory_space<hbm>>) target(%dma_start3A_308 : memref<64xi32, #tpu.memory_space<vmem>>) target_semaphore(%arg12 : memref<!tpu.dma_semaphore, #tpu.memory_space<semaphore_mem>>)
    %dma_wait3A_310 = arith.constant 2 : i32
    %dma_wait3A_311 = arith.constant 0 : i32
    %dma_wait3A_312 = tpu.memref_slice %arg7[%dma_wait3A_310, %dma_wait3A_311] : memref<4x64xi32, #tpu.memory_space<vmem>> -> memref<1x64xi32, #tpu.memory_space<vmem>>
    %dma_wait3A_313 = tpu.memref_squeeze %dma_wait3A_312 : memref<1x64xi32, #tpu.memory_space<vmem>> -> memref<64xi32, #tpu.memory_space<vmem>>
    %dma_wait3A_314 = arith.constant 0 : i32
    %dma_wait3A_315 = tpu.memref_slice %arg4[%dma_wait3A_314] : memref<320000xi32, #tpu.memory_space<hbm>> -> memref<64xi32, #tpu.memory_space<hbm>>
    %dma_wait3A_316 = arith.constant 0 : i32
    %dma_wait3A_317 = tpu.memref_slice %arg7[%dma_wait3A_310, %dma_wait3A_316] : memref<4x64xi32, #tpu.memory_space<vmem>> -> memref<1x64xi32, #tpu.memory_space<vmem>>
    %dma_wait3A_318 = tpu.memref_squeeze %dma_wait3A_317 : memref<1x64xi32, #tpu.memory_space<vmem>> -> memref<64xi32, #tpu.memory_space<vmem>>
    %dma_wait3A_319 = arith.constant 0 : i32
    %dma_wait3A_320 = tpu.memref_slice %arg4[%dma_wait3A_319] : memref<320000xi32, #tpu.memory_space<hbm>> -> memref<64xi32, #tpu.memory_space<hbm>>
    tpu.wait_dma2 semaphore(%arg16 : memref<!tpu.dma_semaphore, #tpu.memory_space<semaphore_mem>>) src(%dma_wait3A_320 : memref<64xi32, #tpu.memory_space<hbm>>) dst(%dma_wait3A_318 : memref<64xi32, #tpu.memory_space<vmem>>)
    %dma_start3A_321 = arith.constant 2 : i32
    %dma_start3A_322 = arith.constant 2 : i32
    %dma_start3A_323 = arith.constant 0 : i32
    %dma_start3A_324 = arith.constant 0 : i32
    %dma_start3A_325 = tpu.memref_slice %arg8[%dma_start3A_321, %dma_start3A_323, %dma_start3A_324] : memref<4x64x128xf32, #tpu.memory_space<vmem>> -> memref<1x64x128xf32, #tpu.memory_space<vmem>>
    %dma_start3A_326 = tpu.memref_squeeze %dma_start3A_325 : memref<1x64x128xf32, #tpu.memory_space<vmem>> -> memref<64x128xf32, #tpu.memory_space<vmem>>
    %dma_start3A_327 = arith.constant 0 : i32
    %dma_start3A_328 = tpu.memref_slice %arg7[%dma_start3A_322, %dma_start3A_327] : memref<4x64xi32, #tpu.memory_space<vmem>> -> memref<1x64xi32, #tpu.memory_space<vmem>>
    %dma_start3A_329 = tpu.memref_squeeze %dma_start3A_328 : memref<1x64xi32, #tpu.memory_space<vmem>> -> memref<64xi32, #tpu.memory_space<vmem>>
    %dma_start3A_330 = arith.constant 0 : i32
    %dma_start3A_331 = arith.constant 0 : i32
    %dma_start3A_332 = tpu.memref_slice %arg9[%dma_start3A_330, %dma_start3A_331] : memref<10240x128xf32, #tpu.memory_space<vmem_shared>> -> memref<10240x128xf32, #tpu.memory_space<vmem_shared>>
    tpu.enqueue_indirect_dma source(%dma_start3A_326 : memref<64x128xf32, #tpu.memory_space<vmem>>) target(%dma_start3A_332 : memref<10240x128xf32, #tpu.memory_space<vmem_shared>>) offsets(%dma_start3A_329 : memref<64xi32, #tpu.memory_space<vmem>>) semaphore(%arg24 : memref<!tpu.dma_semaphore, #tpu.memory_space<semaphore_mem>>) {add = true}
    %dma_wait3A_333 = arith.constant 0 : i32
    %dma_wait3A_334 = arith.constant 3 : i32
    %dma_wait3A_335 = arith.constant 0 : i32
    %dma_wait3A_336 = arith.constant 0 : i32
    %dma_wait3A_337 = tpu.memref_slice %arg8[%dma_wait3A_334, %dma_wait3A_335, %dma_wait3A_336] : memref<4x64x128xf32, #tpu.memory_space<vmem>> -> memref<1x64x128xf32, #tpu.memory_space<vmem>>
    %dma_wait3A_338 = tpu.memref_squeeze %dma_wait3A_337 : memref<1x64x128xf32, #tpu.memory_space<vmem>> -> memref<64x128xf32, #tpu.memory_space<vmem>>
    %dma_wait3A_339 = arith.constant 0 : i32
    %dma_wait3A_340 = tpu.memref_slice %arg6[%dma_wait3A_333, %dma_wait3A_339] : memref<4x64xi32, #tpu.memory_space<vmem>> -> memref<1x64xi32, #tpu.memory_space<vmem>>
    %dma_wait3A_341 = tpu.memref_squeeze %dma_wait3A_340 : memref<1x64xi32, #tpu.memory_space<vmem>> -> memref<64xi32, #tpu.memory_space<vmem>>
    %dma_wait3A_342 = arith.constant 0 : i32
    %dma_wait3A_343 = arith.constant 0 : i32
    %dma_wait3A_344 = tpu.memref_slice %arg2[%dma_wait3A_342, %dma_wait3A_343] : memref<10000x128xf32, #tpu.memory_space<hbm>> -> memref<10000x128xf32, #tpu.memory_space<hbm>>
    tpu.wait_indirect_dma semaphore(%arg21 : memref<!tpu.dma_semaphore, #tpu.memory_space<semaphore_mem>>) src(%dma_wait3A_344 : memref<10000x128xf32, #tpu.memory_space<hbm>>) dst(%dma_wait3A_338 : memref<64x128xf32, #tpu.memory_space<vmem>>)
    %add3A_345 = arith.constant 448 : i32
    %add3A_346 = arith.addi %add3A_6, %add3A_345 : i32
    %dma_start3A_347 = arith.constant 3 : i32
    %dma_start3A_348 = arith.constant 0 : i32
    %dma_start3A_349 = tpu.memref_slice %arg6[%dma_start3A_347, %dma_start3A_348] : memref<4x64xi32, #tpu.memory_space<vmem>> -> memref<1x64xi32, #tpu.memory_space<vmem>>
    %dma_start3A_350 = tpu.memref_squeeze %dma_start3A_349 : memref<1x64xi32, #tpu.memory_space<vmem>> -> memref<64xi32, #tpu.memory_space<vmem>>
    %dma_start3A_351 = tpu.memref_slice %arg3[%add3A_346] : memref<320000xi32, #tpu.memory_space<hbm>> -> memref<64xi32, #tpu.memory_space<hbm>>
    %dma_start3A_352 = arith.constant 0 : i32
    %dma_start3A_353 = tpu.memref_slice %arg6[%dma_start3A_347, %dma_start3A_352] : memref<4x64xi32, #tpu.memory_space<vmem>> -> memref<1x64xi32, #tpu.memory_space<vmem>>
    %dma_start3A_354 = tpu.memref_squeeze %dma_start3A_353 : memref<1x64xi32, #tpu.memory_space<vmem>> -> memref<64xi32, #tpu.memory_space<vmem>>
    %dma_start3A_355 = tpu.memref_slice %arg3[%add3A_346] : memref<320000xi32, #tpu.memory_space<hbm>> -> memref<64xi32, #tpu.memory_space<hbm>>
    tpu.enqueue_dma source(%dma_start3A_355 : memref<64xi32, #tpu.memory_space<hbm>>) target(%dma_start3A_354 : memref<64xi32, #tpu.memory_space<vmem>>) target_semaphore(%arg13 : memref<!tpu.dma_semaphore, #tpu.memory_space<semaphore_mem>>)
    %dma_wait3A_356 = arith.constant 3 : i32
    %dma_wait3A_357 = arith.constant 0 : i32
    %dma_wait3A_358 = tpu.memref_slice %arg7[%dma_wait3A_356, %dma_wait3A_357] : memref<4x64xi32, #tpu.memory_space<vmem>> -> memref<1x64xi32, #tpu.memory_space<vmem>>
    %dma_wait3A_359 = tpu.memref_squeeze %dma_wait3A_358 : memref<1x64xi32, #tpu.memory_space<vmem>> -> memref<64xi32, #tpu.memory_space<vmem>>
    %dma_wait3A_360 = arith.constant 0 : i32
    %dma_wait3A_361 = tpu.memref_slice %arg4[%dma_wait3A_360] : memref<320000xi32, #tpu.memory_space<hbm>> -> memref<64xi32, #tpu.memory_space<hbm>>
    %dma_wait3A_362 = arith.constant 0 : i32
    %dma_wait3A_363 = tpu.memref_slice %arg7[%dma_wait3A_356, %dma_wait3A_362] : memref<4x64xi32, #tpu.memory_space<vmem>> -> memref<1x64xi32, #tpu.memory_space<vmem>>
    %dma_wait3A_364 = tpu.memref_squeeze %dma_wait3A_363 : memref<1x64xi32, #tpu.memory_space<vmem>> -> memref<64xi32, #tpu.memory_space<vmem>>
    %dma_wait3A_365 = arith.constant 0 : i32
    %dma_wait3A_366 = tpu.memref_slice %arg4[%dma_wait3A_365] : memref<320000xi32, #tpu.memory_space<hbm>> -> memref<64xi32, #tpu.memory_space<hbm>>
    tpu.wait_dma2 semaphore(%arg17 : memref<!tpu.dma_semaphore, #tpu.memory_space<semaphore_mem>>) src(%dma_wait3A_366 : memref<64xi32, #tpu.memory_space<hbm>>) dst(%dma_wait3A_364 : memref<64xi32, #tpu.memory_space<vmem>>)
    %dma_start3A_367 = arith.constant 3 : i32
    %dma_start3A_368 = arith.constant 3 : i32
    %dma_start3A_369 = arith.constant 0 : i32
    %dma_start3A_370 = arith.constant 0 : i32
    %dma_start3A_371 = tpu.memref_slice %arg8[%dma_start3A_367, %dma_start3A_369, %dma_start3A_370] : memref<4x64x128xf32, #tpu.memory_space<vmem>> -> memref<1x64x128xf32, #tpu.memory_space<vmem>>
    %dma_start3A_372 = tpu.memref_squeeze %dma_start3A_371 : memref<1x64x128xf32, #tpu.memory_space<vmem>> -> memref<64x128xf32, #tpu.memory_space<vmem>>
    %dma_start3A_373 = arith.constant 0 : i32
    %dma_start3A_374 = tpu.memref_slice %arg7[%dma_start3A_368, %dma_start3A_373] : memref<4x64xi32, #tpu.memory_space<vmem>> -> memref<1x64xi32, #tpu.memory_space<vmem>>
    %dma_start3A_375 = tpu.memref_squeeze %dma_start3A_374 : memref<1x64xi32, #tpu.memory_space<vmem>> -> memref<64xi32, #tpu.memory_space<vmem>>
    %dma_start3A_376 = arith.constant 0 : i32
    %dma_start3A_377 = arith.constant 0 : i32
    %dma_start3A_378 = tpu.memref_slice %arg9[%dma_start3A_376, %dma_start3A_377] : memref<10240x128xf32, #tpu.memory_space<vmem_shared>> -> memref<10240x128xf32, #tpu.memory_space<vmem_shared>>
    tpu.enqueue_indirect_dma source(%dma_start3A_372 : memref<64x128xf32, #tpu.memory_space<vmem>>) target(%dma_start3A_378 : memref<10240x128xf32, #tpu.memory_space<vmem_shared>>) offsets(%dma_start3A_375 : memref<64xi32, #tpu.memory_space<vmem>>) semaphore(%arg25 : memref<!tpu.dma_semaphore, #tpu.memory_space<semaphore_mem>>) {add = true}
    %dma_wait3A_379 = arith.constant 0 : i32
    %dma_wait3A_380 = arith.constant 0 : i32
    %dma_wait3A_381 = arith.constant 0 : i32
    %dma_wait3A_382 = arith.constant 0 : i32
    %dma_wait3A_383 = tpu.memref_slice %arg8[%dma_wait3A_379, %dma_wait3A_381, %dma_wait3A_382] : memref<4x64x128xf32, #tpu.memory_space<vmem>> -> memref<1x64x128xf32, #tpu.memory_space<vmem>>
    %dma_wait3A_384 = tpu.memref_squeeze %dma_wait3A_383 : memref<1x64x128xf32, #tpu.memory_space<vmem>> -> memref<64x128xf32, #tpu.memory_space<vmem>>
    %dma_wait3A_385 = arith.constant 0 : i32
    %dma_wait3A_386 = tpu.memref_slice %arg7[%dma_wait3A_380, %dma_wait3A_385] : memref<4x64xi32, #tpu.memory_space<vmem>> -> memref<1x64xi32, #tpu.memory_space<vmem>>
    %dma_wait3A_387 = tpu.memref_squeeze %dma_wait3A_386 : memref<1x64xi32, #tpu.memory_space<vmem>> -> memref<64xi32, #tpu.memory_space<vmem>>
    %dma_wait3A_388 = arith.constant 0 : i32
    %dma_wait3A_389 = arith.constant 0 : i32
    %dma_wait3A_390 = tpu.memref_slice %arg9[%dma_wait3A_388, %dma_wait3A_389] : memref<10240x128xf32, #tpu.memory_space<vmem_shared>> -> memref<10240x128xf32, #tpu.memory_space<vmem_shared>>
    tpu.wait_indirect_dma semaphore(%arg22 : memref<!tpu.dma_semaphore, #tpu.memory_space<semaphore_mem>>) src(%dma_wait3A_384 : memref<64x128xf32, #tpu.memory_space<vmem>>) dst(%dma_wait3A_390 : memref<10240x128xf32, #tpu.memory_space<vmem_shared>>)
    %add3A_391 = arith.constant 256 : i32
    %add3A_392 = arith.addi %add3A_6, %add3A_391 : i32
    %dma_start3A_393 = arith.constant 0 : i32
    %dma_start3A_394 = arith.constant 0 : i32
    %dma_start3A_395 = tpu.memref_slice %arg7[%dma_start3A_393, %dma_start3A_394] : memref<4x64xi32, #tpu.memory_space<vmem>> -> memref<1x64xi32, #tpu.memory_space<vmem>>
    %dma_start3A_396 = tpu.memref_squeeze %dma_start3A_395 : memref<1x64xi32, #tpu.memory_space<vmem>> -> memref<64xi32, #tpu.memory_space<vmem>>
    %dma_start3A_397 = tpu.memref_slice %arg4[%add3A_392] : memref<320000xi32, #tpu.memory_space<hbm>> -> memref<64xi32, #tpu.memory_space<hbm>>
    %dma_start3A_398 = arith.constant 0 : i32
    %dma_start3A_399 = tpu.memref_slice %arg7[%dma_start3A_393, %dma_start3A_398] : memref<4x64xi32, #tpu.memory_space<vmem>> -> memref<1x64xi32, #tpu.memory_space<vmem>>
    %dma_start3A_400 = tpu.memref_squeeze %dma_start3A_399 : memref<1x64xi32, #tpu.memory_space<vmem>> -> memref<64xi32, #tpu.memory_space<vmem>>
    %dma_start3A_401 = tpu.memref_slice %arg4[%add3A_392] : memref<320000xi32, #tpu.memory_space<hbm>> -> memref<64xi32, #tpu.memory_space<hbm>>
    tpu.enqueue_dma source(%dma_start3A_401 : memref<64xi32, #tpu.memory_space<hbm>>) target(%dma_start3A_400 : memref<64xi32, #tpu.memory_space<vmem>>) target_semaphore(%arg14 : memref<!tpu.dma_semaphore, #tpu.memory_space<semaphore_mem>>)
    %dma_wait3A_402 = arith.constant 0 : i32
    %dma_wait3A_403 = arith.constant 0 : i32
    %dma_wait3A_404 = tpu.memref_slice %arg6[%dma_wait3A_402, %dma_wait3A_403] : memref<4x64xi32, #tpu.memory_space<vmem>> -> memref<1x64xi32, #tpu.memory_space<vmem>>
    %dma_wait3A_405 = tpu.memref_squeeze %dma_wait3A_404 : memref<1x64xi32, #tpu.memory_space<vmem>> -> memref<64xi32, #tpu.memory_space<vmem>>
    %dma_wait3A_406 = arith.constant 0 : i32
    %dma_wait3A_407 = tpu.memref_slice %arg3[%dma_wait3A_406] : memref<320000xi32, #tpu.memory_space<hbm>> -> memref<64xi32, #tpu.memory_space<hbm>>
    %dma_wait3A_408 = arith.constant 0 : i32
    %dma_wait3A_409 = tpu.memref_slice %arg6[%dma_wait3A_402, %dma_wait3A_408] : memref<4x64xi32, #tpu.memory_space<vmem>> -> memref<1x64xi32, #tpu.memory_space<vmem>>
    %dma_wait3A_410 = tpu.memref_squeeze %dma_wait3A_409 : memref<1x64xi32, #tpu.memory_space<vmem>> -> memref<64xi32, #tpu.memory_space<vmem>>
    %dma_wait3A_411 = arith.constant 0 : i32
    %dma_wait3A_412 = tpu.memref_slice %arg3[%dma_wait3A_411] : memref<320000xi32, #tpu.memory_space<hbm>> -> memref<64xi32, #tpu.memory_space<hbm>>
    tpu.wait_dma2 semaphore(%arg10 : memref<!tpu.dma_semaphore, #tpu.memory_space<semaphore_mem>>) src(%dma_wait3A_412 : memref<64xi32, #tpu.memory_space<hbm>>) dst(%dma_wait3A_410 : memref<64xi32, #tpu.memory_space<vmem>>)
    %dma_start3A_413 = arith.constant 0 : i32
    %dma_start3A_414 = arith.constant 0 : i32
    %dma_start3A_415 = arith.constant 0 : i32
    %dma_start3A_416 = arith.constant 0 : i32
    %dma_start3A_417 = tpu.memref_slice %arg8[%dma_start3A_414, %dma_start3A_415, %dma_start3A_416] : memref<4x64x128xf32, #tpu.memory_space<vmem>> -> memref<1x64x128xf32, #tpu.memory_space<vmem>>
    %dma_start3A_418 = tpu.memref_squeeze %dma_start3A_417 : memref<1x64x128xf32, #tpu.memory_space<vmem>> -> memref<64x128xf32, #tpu.memory_space<vmem>>
    %dma_start3A_419 = arith.constant 0 : i32
    %dma_start3A_420 = tpu.memref_slice %arg6[%dma_start3A_413, %dma_start3A_419] : memref<4x64xi32, #tpu.memory_space<vmem>> -> memref<1x64xi32, #tpu.memory_space<vmem>>
    %dma_start3A_421 = tpu.memref_squeeze %dma_start3A_420 : memref<1x64xi32, #tpu.memory_space<vmem>> -> memref<64xi32, #tpu.memory_space<vmem>>
    %dma_start3A_422 = arith.constant 0 : i32
    %dma_start3A_423 = arith.constant 0 : i32
    %dma_start3A_424 = tpu.memref_slice %arg2[%dma_start3A_422, %dma_start3A_423] : memref<10000x128xf32, #tpu.memory_space<hbm>> -> memref<10000x128xf32, #tpu.memory_space<hbm>>
    tpu.enqueue_indirect_dma source(%dma_start3A_424 : memref<10000x128xf32, #tpu.memory_space<hbm>>) target(%dma_start3A_418 : memref<64x128xf32, #tpu.memory_space<vmem>>) offsets(%dma_start3A_421 : memref<64xi32, #tpu.memory_space<vmem>>) semaphore(%arg18 : memref<!tpu.dma_semaphore, #tpu.memory_space<semaphore_mem>>)
    %dma_wait3A_425 = arith.constant 1 : i32
    %dma_wait3A_426 = arith.constant 1 : i32
    %dma_wait3A_427 = arith.constant 0 : i32
    %dma_wait3A_428 = arith.constant 0 : i32
    %dma_wait3A_429 = tpu.memref_slice %arg8[%dma_wait3A_425, %dma_wait3A_427, %dma_wait3A_428] : memref<4x64x128xf32, #tpu.memory_space<vmem>> -> memref<1x64x128xf32, #tpu.memory_space<vmem>>
    %dma_wait3A_430 = tpu.memref_squeeze %dma_wait3A_429 : memref<1x64x128xf32, #tpu.memory_space<vmem>> -> memref<64x128xf32, #tpu.memory_space<vmem>>
    %dma_wait3A_431 = arith.constant 0 : i32
    %dma_wait3A_432 = tpu.memref_slice %arg7[%dma_wait3A_426, %dma_wait3A_431] : memref<4x64xi32, #tpu.memory_space<vmem>> -> memref<1x64xi32, #tpu.memory_space<vmem>>
    %dma_wait3A_433 = tpu.memref_squeeze %dma_wait3A_432 : memref<1x64xi32, #tpu.memory_space<vmem>> -> memref<64xi32, #tpu.memory_space<vmem>>
    %dma_wait3A_434 = arith.constant 0 : i32
    %dma_wait3A_435 = arith.constant 0 : i32
    %dma_wait3A_436 = tpu.memref_slice %arg9[%dma_wait3A_434, %dma_wait3A_435] : memref<10240x128xf32, #tpu.memory_space<vmem_shared>> -> memref<10240x128xf32, #tpu.memory_space<vmem_shared>>
    tpu.wait_indirect_dma semaphore(%arg23 : memref<!tpu.dma_semaphore, #tpu.memory_space<semaphore_mem>>) src(%dma_wait3A_430 : memref<64x128xf32, #tpu.memory_space<vmem>>) dst(%dma_wait3A_436 : memref<10240x128xf32, #tpu.memory_space<vmem_shared>>)
    %add3A_437 = arith.constant 320 : i32
    %add3A_438 = arith.addi %add3A_6, %add3A_437 : i32
    %dma_start3A_439 = arith.constant 1 : i32
    %dma_start3A_440 = arith.constant 0 : i32
    %dma_start3A_441 = tpu.memref_slice %arg7[%dma_start3A_439, %dma_start3A_440] : memref<4x64xi32, #tpu.memory_space<vmem>> -> memref<1x64xi32, #tpu.memory_space<vmem>>
    %dma_start3A_442 = tpu.memref_squeeze %dma_start3A_441 : memref<1x64xi32, #tpu.memory_space<vmem>> -> memref<64xi32, #tpu.memory_space<vmem>>
    %dma_start3A_443 = tpu.memref_slice %arg4[%add3A_438] : memref<320000xi32, #tpu.memory_space<hbm>> -> memref<64xi32, #tpu.memory_space<hbm>>
    %dma_start3A_444 = arith.constant 0 : i32
    %dma_start3A_445 = tpu.memref_slice %arg7[%dma_start3A_439, %dma_start3A_444] : memref<4x64xi32, #tpu.memory_space<vmem>> -> memref<1x64xi32, #tpu.memory_space<vmem>>
    %dma_start3A_446 = tpu.memref_squeeze %dma_start3A_445 : memref<1x64xi32, #tpu.memory_space<vmem>> -> memref<64xi32, #tpu.memory_space<vmem>>
    %dma_start3A_447 = tpu.memref_slice %arg4[%add3A_438] : memref<320000xi32, #tpu.memory_space<hbm>> -> memref<64xi32, #tpu.memory_space<hbm>>
    tpu.enqueue_dma source(%dma_start3A_447 : memref<64xi32, #tpu.memory_space<hbm>>) target(%dma_start3A_446 : memref<64xi32, #tpu.memory_space<vmem>>) target_semaphore(%arg15 : memref<!tpu.dma_semaphore, #tpu.memory_space<semaphore_mem>>)
    %dma_wait3A_448 = arith.constant 1 : i32
    %dma_wait3A_449 = arith.constant 0 : i32
    %dma_wait3A_450 = tpu.memref_slice %arg6[%dma_wait3A_448, %dma_wait3A_449] : memref<4x64xi32, #tpu.memory_space<vmem>> -> memref<1x64xi32, #tpu.memory_space<vmem>>
    %dma_wait3A_451 = tpu.memref_squeeze %dma_wait3A_450 : memref<1x64xi32, #tpu.memory_space<vmem>> -> memref<64xi32, #tpu.memory_space<vmem>>
    %dma_wait3A_452 = arith.constant 0 : i32
    %dma_wait3A_453 = tpu.memref_slice %arg3[%dma_wait3A_452] : memref<320000xi32, #tpu.memory_space<hbm>> -> memref<64xi32, #tpu.memory_space<hbm>>
    %dma_wait3A_454 = arith.constant 0 : i32
    %dma_wait3A_455 = tpu.memref_slice %arg6[%dma_wait3A_448, %dma_wait3A_454] : memref<4x64xi32, #tpu.memory_space<vmem>> -> memref<1x64xi32, #tpu.memory_space<vmem>>
    %dma_wait3A_456 = tpu.memref_squeeze %dma_wait3A_455 : memref<1x64xi32, #tpu.memory_space<vmem>> -> memref<64xi32, #tpu.memory_space<vmem>>
    %dma_wait3A_457 = arith.constant 0 : i32
    %dma_wait3A_458 = tpu.memref_slice %arg3[%dma_wait3A_457] : memref<320000xi32, #tpu.memory_space<hbm>> -> memref<64xi32, #tpu.memory_space<hbm>>
    tpu.wait_dma2 semaphore(%arg11 : memref<!tpu.dma_semaphore, #tpu.memory_space<semaphore_mem>>) src(%dma_wait3A_458 : memref<64xi32, #tpu.memory_space<hbm>>) dst(%dma_wait3A_456 : memref<64xi32, #tpu.memory_space<vmem>>)
    %dma_start3A_459 = arith.constant 1 : i32
    %dma_start3A_460 = arith.constant 1 : i32
    %dma_start3A_461 = arith.constant 0 : i32
    %dma_start3A_462 = arith.constant 0 : i32
    %dma_start3A_463 = tpu.memref_slice %arg8[%dma_start3A_460, %dma_start3A_461, %dma_start3A_462] : memref<4x64x128xf32, #tpu.memory_space<vmem>> -> memref<1x64x128xf32, #tpu.memory_space<vmem>>
    %dma_start3A_464 = tpu.memref_squeeze %dma_start3A_463 : memref<1x64x128xf32, #tpu.memory_space<vmem>> -> memref<64x128xf32, #tpu.memory_space<vmem>>
    %dma_start3A_465 = arith.constant 0 : i32
    %dma_start3A_466 = tpu.memref_slice %arg6[%dma_start3A_459, %dma_start3A_465] : memref<4x64xi32, #tpu.memory_space<vmem>> -> memref<1x64xi32, #tpu.memory_space<vmem>>
    %dma_start3A_467 = tpu.memref_squeeze %dma_start3A_466 : memref<1x64xi32, #tpu.memory_space<vmem>> -> memref<64xi32, #tpu.memory_space<vmem>>
    %dma_start3A_468 = arith.constant 0 : i32
    %dma_start3A_469 = arith.constant 0 : i32
    %dma_start3A_470 = tpu.memref_slice %arg2[%dma_start3A_468, %dma_start3A_469] : memref<10000x128xf32, #tpu.memory_space<hbm>> -> memref<10000x128xf32, #tpu.memory_space<hbm>>
    tpu.enqueue_indirect_dma source(%dma_start3A_470 : memref<10000x128xf32, #tpu.memory_space<hbm>>) target(%dma_start3A_464 : memref<64x128xf32, #tpu.memory_space<vmem>>) offsets(%dma_start3A_467 : memref<64xi32, #tpu.memory_space<vmem>>) semaphore(%arg19 : memref<!tpu.dma_semaphore, #tpu.memory_space<semaphore_mem>>)
    %scan3A_471 = arith.constant 0 : i32
    %scan3A_472 = arith.constant 37 : i32
    %scan3A_473 = arith.addi %scan3A_471, %scan3A_472 : i32
    %scan3A_474 = arith.constant 1 : i32
    scf.for %scan3A_763 = %scan3A_471 to %scan3A_473 step %scan3A_474  : i32 {
      %mul3A_764 = arith.constant 1 : i32
      %mul3A_765 = arith.muli %scan3A_763, %mul3A_764 : i32
      %add3A_766 = arith.constant 1 : i32
      %add3A_767 = arith.addi %add3A_766, %mul3A_765 : i32
      %mul3A_768 = arith.constant 4 : i32
      %mul3A_769 = arith.muli %add3A_767, %mul3A_768 : i32
      %dma_wait3A_770 = arith.constant 0 : i32
      %dma_wait3A_771 = arith.constant 0 : i32
      %dma_wait3A_772 = arith.constant 0 : i32
      %dma_wait3A_773 = arith.constant 0 : i32
      %dma_wait3A_774 = tpu.memref_slice %arg8[%dma_wait3A_771, %dma_wait3A_772, %dma_wait3A_773] : memref<4x64x128xf32, #tpu.memory_space<vmem>> -> memref<1x64x128xf32, #tpu.memory_space<vmem>>
      %dma_wait3A_775 = tpu.memref_squeeze %dma_wait3A_774 : memref<1x64x128xf32, #tpu.memory_space<vmem>> -> memref<64x128xf32, #tpu.memory_space<vmem>>
      %dma_wait3A_776 = arith.constant 0 : i32
      %dma_wait3A_777 = tpu.memref_slice %arg6[%dma_wait3A_770, %dma_wait3A_776] : memref<4x64xi32, #tpu.memory_space<vmem>> -> memref<1x64xi32, #tpu.memory_space<vmem>>
      %dma_wait3A_778 = tpu.memref_squeeze %dma_wait3A_777 : memref<1x64xi32, #tpu.memory_space<vmem>> -> memref<64xi32, #tpu.memory_space<vmem>>
      %dma_wait3A_779 = arith.constant 0 : i32
      %dma_wait3A_780 = arith.constant 0 : i32
      %dma_wait3A_781 = tpu.memref_slice %arg2[%dma_wait3A_779, %dma_wait3A_780] : memref<10000x128xf32, #tpu.memory_space<hbm>> -> memref<10000x128xf32, #tpu.memory_space<hbm>>
      tpu.wait_indirect_dma semaphore(%arg18 : memref<!tpu.dma_semaphore, #tpu.memory_space<semaphore_mem>>) src(%dma_wait3A_781 : memref<10000x128xf32, #tpu.memory_space<hbm>>) dst(%dma_wait3A_775 : memref<64x128xf32, #tpu.memory_space<vmem>>)
      %add3A_782 = arith.constant 4 : i32
      %add3A_783 = arith.addi %mul3A_769, %add3A_782 : i32
      %add3A_784 = arith.constant 0 : i32
      %add3A_785 = arith.addi %add3A_783, %add3A_784 : i32
      %mul3A_786 = arith.constant 64 : i32
      %mul3A_787 = arith.muli %add3A_785, %mul3A_786 : i32
      %add3A_788 = arith.addi %add3A_6, %mul3A_787 : i32
      %dma_start3A_789 = arith.constant 0 : i32
      %dma_start3A_790 = arith.constant 0 : i32
      %dma_start3A_791 = tpu.memref_slice %arg6[%dma_start3A_789, %dma_start3A_790] : memref<4x64xi32, #tpu.memory_space<vmem>> -> memref<1x64xi32, #tpu.memory_space<vmem>>
      %dma_start3A_792 = tpu.memref_squeeze %dma_start3A_791 : memref<1x64xi32, #tpu.memory_space<vmem>> -> memref<64xi32, #tpu.memory_space<vmem>>
      %dma_start3A_793 = tpu.memref_slice %arg3[%add3A_788] : memref<320000xi32, #tpu.memory_space<hbm>> -> memref<64xi32, #tpu.memory_space<hbm>>
      %dma_start3A_794 = arith.constant 0 : i32
      %dma_start3A_795 = tpu.memref_slice %arg6[%dma_start3A_789, %dma_start3A_794] : memref<4x64xi32, #tpu.memory_space<vmem>> -> memref<1x64xi32, #tpu.memory_space<vmem>>
      %dma_start3A_796 = tpu.memref_squeeze %dma_start3A_795 : memref<1x64xi32, #tpu.memory_space<vmem>> -> memref<64xi32, #tpu.memory_space<vmem>>
      %dma_start3A_797 = tpu.memref_slice %arg3[%add3A_788] : memref<320000xi32, #tpu.memory_space<hbm>> -> memref<64xi32, #tpu.memory_space<hbm>>
      tpu.enqueue_dma source(%dma_start3A_797 : memref<64xi32, #tpu.memory_space<hbm>>) target(%dma_start3A_796 : memref<64xi32, #tpu.memory_space<vmem>>) target_semaphore(%arg10 : memref<!tpu.dma_semaphore, #tpu.memory_space<semaphore_mem>>)
      %dma_wait3A_798 = arith.constant 0 : i32
      %dma_wait3A_799 = arith.constant 0 : i32
      %dma_wait3A_800 = tpu.memref_slice %arg7[%dma_wait3A_798, %dma_wait3A_799] : memref<4x64xi32, #tpu.memory_space<vmem>> -> memref<1x64xi32, #tpu.memory_space<vmem>>
      %dma_wait3A_801 = tpu.memref_squeeze %dma_wait3A_800 : memref<1x64xi32, #tpu.memory_space<vmem>> -> memref<64xi32, #tpu.memory_space<vmem>>
      %dma_wait3A_802 = arith.constant 0 : i32
      %dma_wait3A_803 = tpu.memref_slice %arg4[%dma_wait3A_802] : memref<320000xi32, #tpu.memory_space<hbm>> -> memref<64xi32, #tpu.memory_space<hbm>>
      %dma_wait3A_804 = arith.constant 0 : i32
      %dma_wait3A_805 = tpu.memref_slice %arg7[%dma_wait3A_798, %dma_wait3A_804] : memref<4x64xi32, #tpu.memory_space<vmem>> -> memref<1x64xi32, #tpu.memory_space<vmem>>
      %dma_wait3A_806 = tpu.memref_squeeze %dma_wait3A_805 : memref<1x64xi32, #tpu.memory_space<vmem>> -> memref<64xi32, #tpu.memory_space<vmem>>
      %dma_wait3A_807 = arith.constant 0 : i32
      %dma_wait3A_808 = tpu.memref_slice %arg4[%dma_wait3A_807] : memref<320000xi32, #tpu.memory_space<hbm>> -> memref<64xi32, #tpu.memory_space<hbm>>
      tpu.wait_dma2 semaphore(%arg14 : memref<!tpu.dma_semaphore, #tpu.memory_space<semaphore_mem>>) src(%dma_wait3A_808 : memref<64xi32, #tpu.memory_space<hbm>>) dst(%dma_wait3A_806 : memref<64xi32, #tpu.memory_space<vmem>>)
      %dma_start3A_809 = arith.constant 0 : i32
      %dma_start3A_810 = arith.constant 0 : i32
      %dma_start3A_811 = arith.constant 0 : i32
      %dma_start3A_812 = arith.constant 0 : i32
      %dma_start3A_813 = tpu.memref_slice %arg8[%dma_start3A_809, %dma_start3A_811, %dma_start3A_812] : memref<4x64x128xf32, #tpu.memory_space<vmem>> -> memref<1x64x128xf32, #tpu.memory_space<vmem>>
      %dma_start3A_814 = tpu.memref_squeeze %dma_start3A_813 : memref<1x64x128xf32, #tpu.memory_space<vmem>> -> memref<64x128xf32, #tpu.memory_space<vmem>>
      %dma_start3A_815 = arith.constant 0 : i32
      %dma_start3A_816 = tpu.memref_slice %arg7[%dma_start3A_810, %dma_start3A_815] : memref<4x64xi32, #tpu.memory_space<vmem>> -> memref<1x64xi32, #tpu.memory_space<vmem>>
      %dma_start3A_817 = tpu.memref_squeeze %dma_start3A_816 : memref<1x64xi32, #tpu.memory_space<vmem>> -> memref<64xi32, #tpu.memory_space<vmem>>
      %dma_start3A_818 = arith.constant 0 : i32
      %dma_start3A_819 = arith.constant 0 : i32
      %dma_start3A_820 = tpu.memref_slice %arg9[%dma_start3A_818, %dma_start3A_819] : memref<10240x128xf32, #tpu.memory_space<vmem_shared>> -> memref<10240x128xf32, #tpu.memory_space<vmem_shared>>
      tpu.enqueue_indirect_dma source(%dma_start3A_814 : memref<64x128xf32, #tpu.memory_space<vmem>>) target(%dma_start3A_820 : memref<10240x128xf32, #tpu.memory_space<vmem_shared>>) offsets(%dma_start3A_817 : memref<64xi32, #tpu.memory_space<vmem>>) semaphore(%arg22 : memref<!tpu.dma_semaphore, #tpu.memory_space<semaphore_mem>>) {add = true}
      %dma_wait3A_821 = arith.constant 0 : i32
      %dma_wait3A_822 = arith.constant 1 : i32
      %dma_wait3A_823 = arith.constant 0 : i32
      %dma_wait3A_824 = arith.constant 0 : i32
      %dma_wait3A_825 = tpu.memref_slice %arg8[%dma_wait3A_822, %dma_wait3A_823, %dma_wait3A_824] : memref<4x64x128xf32, #tpu.memory_space<vmem>> -> memref<1x64x128xf32, #tpu.memory_space<vmem>>
      %dma_wait3A_826 = tpu.memref_squeeze %dma_wait3A_825 : memref<1x64x128xf32, #tpu.memory_space<vmem>> -> memref<64x128xf32, #tpu.memory_space<vmem>>
      %dma_wait3A_827 = arith.constant 0 : i32
      %dma_wait3A_828 = tpu.memref_slice %arg6[%dma_wait3A_821, %dma_wait3A_827] : memref<4x64xi32, #tpu.memory_space<vmem>> -> memref<1x64xi32, #tpu.memory_space<vmem>>
      %dma_wait3A_829 = tpu.memref_squeeze %dma_wait3A_828 : memref<1x64xi32, #tpu.memory_space<vmem>> -> memref<64xi32, #tpu.memory_space<vmem>>
      %dma_wait3A_830 = arith.constant 0 : i32
      %dma_wait3A_831 = arith.constant 0 : i32
      %dma_wait3A_832 = tpu.memref_slice %arg2[%dma_wait3A_830, %dma_wait3A_831] : memref<10000x128xf32, #tpu.memory_space<hbm>> -> memref<10000x128xf32, #tpu.memory_space<hbm>>
      tpu.wait_indirect_dma semaphore(%arg19 : memref<!tpu.dma_semaphore, #tpu.memory_space<semaphore_mem>>) src(%dma_wait3A_832 : memref<10000x128xf32, #tpu.memory_space<hbm>>) dst(%dma_wait3A_826 : memref<64x128xf32, #tpu.memory_space<vmem>>)
      %add3A_833 = arith.constant 4 : i32
      %add3A_834 = arith.addi %mul3A_769, %add3A_833 : i32
      %add3A_835 = arith.constant 1 : i32
      %add3A_836 = arith.addi %add3A_834, %add3A_835 : i32
      %mul3A_837 = arith.constant 64 : i32
      %mul3A_838 = arith.muli %add3A_836, %mul3A_837 : i32
      %add3A_839 = arith.addi %add3A_6, %mul3A_838 : i32
      %dma_start3A_840 = arith.constant 1 : i32
      %dma_start3A_841 = arith.constant 0 : i32
      %dma_start3A_842 = tpu.memref_slice %arg6[%dma_start3A_840, %dma_start3A_841] : memref<4x64xi32, #tpu.memory_space<vmem>> -> memref<1x64xi32, #tpu.memory_space<vmem>>
      %dma_start3A_843 = tpu.memref_squeeze %dma_start3A_842 : memref<1x64xi32, #tpu.memory_space<vmem>> -> memref<64xi32, #tpu.memory_space<vmem>>
      %dma_start3A_844 = tpu.memref_slice %arg3[%add3A_839] : memref<320000xi32, #tpu.memory_space<hbm>> -> memref<64xi32, #tpu.memory_space<hbm>>
      %dma_start3A_845 = arith.constant 0 : i32
      %dma_start3A_846 = tpu.memref_slice %arg6[%dma_start3A_840, %dma_start3A_845] : memref<4x64xi32, #tpu.memory_space<vmem>> -> memref<1x64xi32, #tpu.memory_space<vmem>>
      %dma_start3A_847 = tpu.memref_squeeze %dma_start3A_846 : memref<1x64xi32, #tpu.memory_space<vmem>> -> memref<64xi32, #tpu.memory_space<vmem>>
      %dma_start3A_848 = tpu.memref_slice %arg3[%add3A_839] : memref<320000xi32, #tpu.memory_space<hbm>> -> memref<64xi32, #tpu.memory_space<hbm>>
      tpu.enqueue_dma source(%dma_start3A_848 : memref<64xi32, #tpu.memory_space<hbm>>) target(%dma_start3A_847 : memref<64xi32, #tpu.memory_space<vmem>>) target_semaphore(%arg11 : memref<!tpu.dma_semaphore, #tpu.memory_space<semaphore_mem>>)
      %dma_wait3A_849 = arith.constant 1 : i32
      %dma_wait3A_850 = arith.constant 0 : i32
      %dma_wait3A_851 = tpu.memref_slice %arg7[%dma_wait3A_849, %dma_wait3A_850] : memref<4x64xi32, #tpu.memory_space<vmem>> -> memref<1x64xi32, #tpu.memory_space<vmem>>
      %dma_wait3A_852 = tpu.memref_squeeze %dma_wait3A_851 : memref<1x64xi32, #tpu.memory_space<vmem>> -> memref<64xi32, #tpu.memory_space<vmem>>
      %dma_wait3A_853 = arith.constant 0 : i32
      %dma_wait3A_854 = tpu.memref_slice %arg4[%dma_wait3A_853] : memref<320000xi32, #tpu.memory_space<hbm>> -> memref<64xi32, #tpu.memory_space<hbm>>
      %dma_wait3A_855 = arith.constant 0 : i32
      %dma_wait3A_856 = tpu.memref_slice %arg7[%dma_wait3A_849, %dma_wait3A_855] : memref<4x64xi32, #tpu.memory_space<vmem>> -> memref<1x64xi32, #tpu.memory_space<vmem>>
      %dma_wait3A_857 = tpu.memref_squeeze %dma_wait3A_856 : memref<1x64xi32, #tpu.memory_space<vmem>> -> memref<64xi32, #tpu.memory_space<vmem>>
      %dma_wait3A_858 = arith.constant 0 : i32
      %dma_wait3A_859 = tpu.memref_slice %arg4[%dma_wait3A_858] : memref<320000xi32, #tpu.memory_space<hbm>> -> memref<64xi32, #tpu.memory_space<hbm>>
      tpu.wait_dma2 semaphore(%arg15 : memref<!tpu.dma_semaphore, #tpu.memory_space<semaphore_mem>>) src(%dma_wait3A_859 : memref<64xi32, #tpu.memory_space<hbm>>) dst(%dma_wait3A_857 : memref<64xi32, #tpu.memory_space<vmem>>)
      %dma_start3A_860 = arith.constant 1 : i32
      %dma_start3A_861 = arith.constant 1 : i32
      %dma_start3A_862 = arith.constant 0 : i32
      %dma_start3A_863 = arith.constant 0 : i32
      %dma_start3A_864 = tpu.memref_slice %arg8[%dma_start3A_860, %dma_start3A_862, %dma_start3A_863] : memref<4x64x128xf32, #tpu.memory_space<vmem>> -> memref<1x64x128xf32, #tpu.memory_space<vmem>>
      %dma_start3A_865 = tpu.memref_squeeze %dma_start3A_864 : memref<1x64x128xf32, #tpu.memory_space<vmem>> -> memref<64x128xf32, #tpu.memory_space<vmem>>
      %dma_start3A_866 = arith.constant 0 : i32
      %dma_start3A_867 = tpu.memref_slice %arg7[%dma_start3A_861, %dma_start3A_866] : memref<4x64xi32, #tpu.memory_space<vmem>> -> memref<1x64xi32, #tpu.memory_space<vmem>>
      %dma_start3A_868 = tpu.memref_squeeze %dma_start3A_867 : memref<1x64xi32, #tpu.memory_space<vmem>> -> memref<64xi32, #tpu.memory_space<vmem>>
      %dma_start3A_869 = arith.constant 0 : i32
      %dma_start3A_870 = arith.constant 0 : i32
      %dma_start3A_871 = tpu.memref_slice %arg9[%dma_start3A_869, %dma_start3A_870] : memref<10240x128xf32, #tpu.memory_space<vmem_shared>> -> memref<10240x128xf32, #tpu.memory_space<vmem_shared>>
      tpu.enqueue_indirect_dma source(%dma_start3A_865 : memref<64x128xf32, #tpu.memory_space<vmem>>) target(%dma_start3A_871 : memref<10240x128xf32, #tpu.memory_space<vmem_shared>>) offsets(%dma_start3A_868 : memref<64xi32, #tpu.memory_space<vmem>>) semaphore(%arg23 : memref<!tpu.dma_semaphore, #tpu.memory_space<semaphore_mem>>) {add = true}
      %dma_wait3A_872 = arith.constant 2 : i32
      %dma_wait3A_873 = arith.constant 2 : i32
      %dma_wait3A_874 = arith.constant 0 : i32
      %dma_wait3A_875 = arith.constant 0 : i32
      %dma_wait3A_876 = tpu.memref_slice %arg8[%dma_wait3A_872, %dma_wait3A_874, %dma_wait3A_875] : memref<4x64x128xf32, #tpu.memory_space<vmem>> -> memref<1x64x128xf32, #tpu.memory_space<vmem>>
      %dma_wait3A_877 = tpu.memref_squeeze %dma_wait3A_876 : memref<1x64x128xf32, #tpu.memory_space<vmem>> -> memref<64x128xf32, #tpu.memory_space<vmem>>
      %dma_wait3A_878 = arith.constant 0 : i32
      %dma_wait3A_879 = tpu.memref_slice %arg7[%dma_wait3A_873, %dma_wait3A_878] : memref<4x64xi32, #tpu.memory_space<vmem>> -> memref<1x64xi32, #tpu.memory_space<vmem>>
      %dma_wait3A_880 = tpu.memref_squeeze %dma_wait3A_879 : memref<1x64xi32, #tpu.memory_space<vmem>> -> memref<64xi32, #tpu.memory_space<vmem>>
      %dma_wait3A_881 = arith.constant 0 : i32
      %dma_wait3A_882 = arith.constant 0 : i32
      %dma_wait3A_883 = tpu.memref_slice %arg9[%dma_wait3A_881, %dma_wait3A_882] : memref<10240x128xf32, #tpu.memory_space<vmem_shared>> -> memref<10240x128xf32, #tpu.memory_space<vmem_shared>>
      tpu.wait_indirect_dma semaphore(%arg24 : memref<!tpu.dma_semaphore, #tpu.memory_space<semaphore_mem>>) src(%dma_wait3A_877 : memref<64x128xf32, #tpu.memory_space<vmem>>) dst(%dma_wait3A_883 : memref<10240x128xf32, #tpu.memory_space<vmem_shared>>)
      %add3A_884 = arith.constant 2 : i32
      %add3A_885 = arith.addi %mul3A_769, %add3A_884 : i32
      %mul3A_886 = arith.constant 64 : i32
      %mul3A_887 = arith.muli %add3A_885, %mul3A_886 : i32
      %add3A_888 = arith.addi %add3A_6, %mul3A_887 : i32
      %dma_start3A_889 = arith.constant 2 : i32
      %dma_start3A_890 = arith.constant 0 : i32
      %dma_start3A_891 = tpu.memref_slice %arg7[%dma_start3A_889, %dma_start3A_890] : memref<4x64xi32, #tpu.memory_space<vmem>> -> memref<1x64xi32, #tpu.memory_space<vmem>>
      %dma_start3A_892 = tpu.memref_squeeze %dma_start3A_891 : memref<1x64xi32, #tpu.memory_space<vmem>> -> memref<64xi32, #tpu.memory_space<vmem>>
      %dma_start3A_893 = tpu.memref_slice %arg4[%add3A_888] : memref<320000xi32, #tpu.memory_space<hbm>> -> memref<64xi32, #tpu.memory_space<hbm>>
      %dma_start3A_894 = arith.constant 0 : i32
      %dma_start3A_895 = tpu.memref_slice %arg7[%dma_start3A_889, %dma_start3A_894] : memref<4x64xi32, #tpu.memory_space<vmem>> -> memref<1x64xi32, #tpu.memory_space<vmem>>
      %dma_start3A_896 = tpu.memref_squeeze %dma_start3A_895 : memref<1x64xi32, #tpu.memory_space<vmem>> -> memref<64xi32, #tpu.memory_space<vmem>>
      %dma_start3A_897 = tpu.memref_slice %arg4[%add3A_888] : memref<320000xi32, #tpu.memory_space<hbm>> -> memref<64xi32, #tpu.memory_space<hbm>>
      tpu.enqueue_dma source(%dma_start3A_897 : memref<64xi32, #tpu.memory_space<hbm>>) target(%dma_start3A_896 : memref<64xi32, #tpu.memory_space<vmem>>) target_semaphore(%arg16 : memref<!tpu.dma_semaphore, #tpu.memory_space<semaphore_mem>>)
      %dma_wait3A_898 = arith.constant 2 : i32
      %dma_wait3A_899 = arith.constant 0 : i32
      %dma_wait3A_900 = tpu.memref_slice %arg6[%dma_wait3A_898, %dma_wait3A_899] : memref<4x64xi32, #tpu.memory_space<vmem>> -> memref<1x64xi32, #tpu.memory_space<vmem>>
      %dma_wait3A_901 = tpu.memref_squeeze %dma_wait3A_900 : memref<1x64xi32, #tpu.memory_space<vmem>> -> memref<64xi32, #tpu.memory_space<vmem>>
      %dma_wait3A_902 = arith.constant 0 : i32
      %dma_wait3A_903 = tpu.memref_slice %arg3[%dma_wait3A_902] : memref<320000xi32, #tpu.memory_space<hbm>> -> memref<64xi32, #tpu.memory_space<hbm>>
      %dma_wait3A_904 = arith.constant 0 : i32
      %dma_wait3A_905 = tpu.memref_slice %arg6[%dma_wait3A_898, %dma_wait3A_904] : memref<4x64xi32, #tpu.memory_space<vmem>> -> memref<1x64xi32, #tpu.memory_space<vmem>>
      %dma_wait3A_906 = tpu.memref_squeeze %dma_wait3A_905 : memref<1x64xi32, #tpu.memory_space<vmem>> -> memref<64xi32, #tpu.memory_space<vmem>>
      %dma_wait3A_907 = arith.constant 0 : i32
      %dma_wait3A_908 = tpu.memref_slice %arg3[%dma_wait3A_907] : memref<320000xi32, #tpu.memory_space<hbm>> -> memref<64xi32, #tpu.memory_space<hbm>>
      tpu.wait_dma2 semaphore(%arg12 : memref<!tpu.dma_semaphore, #tpu.memory_space<semaphore_mem>>) src(%dma_wait3A_908 : memref<64xi32, #tpu.memory_space<hbm>>) dst(%dma_wait3A_906 : memref<64xi32, #tpu.memory_space<vmem>>)
      %dma_start3A_909 = arith.constant 2 : i32
      %dma_start3A_910 = arith.constant 2 : i32
      %dma_start3A_911 = arith.constant 0 : i32
      %dma_start3A_912 = arith.constant 0 : i32
      %dma_start3A_913 = tpu.memref_slice %arg8[%dma_start3A_910, %dma_start3A_911, %dma_start3A_912] : memref<4x64x128xf32, #tpu.memory_space<vmem>> -> memref<1x64x128xf32, #tpu.memory_space<vmem>>
      %dma_start3A_914 = tpu.memref_squeeze %dma_start3A_913 : memref<1x64x128xf32, #tpu.memory_space<vmem>> -> memref<64x128xf32, #tpu.memory_space<vmem>>
      %dma_start3A_915 = arith.constant 0 : i32
      %dma_start3A_916 = tpu.memref_slice %arg6[%dma_start3A_909, %dma_start3A_915] : memref<4x64xi32, #tpu.memory_space<vmem>> -> memref<1x64xi32, #tpu.memory_space<vmem>>
      %dma_start3A_917 = tpu.memref_squeeze %dma_start3A_916 : memref<1x64xi32, #tpu.memory_space<vmem>> -> memref<64xi32, #tpu.memory_space<vmem>>
      %dma_start3A_918 = arith.constant 0 : i32
      %dma_start3A_919 = arith.constant 0 : i32
      %dma_start3A_920 = tpu.memref_slice %arg2[%dma_start3A_918, %dma_start3A_919] : memref<10000x128xf32, #tpu.memory_space<hbm>> -> memref<10000x128xf32, #tpu.memory_space<hbm>>
      tpu.enqueue_indirect_dma source(%dma_start3A_920 : memref<10000x128xf32, #tpu.memory_space<hbm>>) target(%dma_start3A_914 : memref<64x128xf32, #tpu.memory_space<vmem>>) offsets(%dma_start3A_917 : memref<64xi32, #tpu.memory_space<vmem>>) semaphore(%arg20 : memref<!tpu.dma_semaphore, #tpu.memory_space<semaphore_mem>>)
      %dma_wait3A_921 = arith.constant 3 : i32
      %dma_wait3A_922 = arith.constant 3 : i32
      %dma_wait3A_923 = arith.constant 0 : i32
      %dma_wait3A_924 = arith.constant 0 : i32
      %dma_wait3A_925 = tpu.memref_slice %arg8[%dma_wait3A_921, %dma_wait3A_923, %dma_wait3A_924] : memref<4x64x128xf32, #tpu.memory_space<vmem>> -> memref<1x64x128xf32, #tpu.memory_space<vmem>>
      %dma_wait3A_926 = tpu.memref_squeeze %dma_wait3A_925 : memref<1x64x128xf32, #tpu.memory_space<vmem>> -> memref<64x128xf32, #tpu.memory_space<vmem>>
      %dma_wait3A_927 = arith.constant 0 : i32
      %dma_wait3A_928 = tpu.memref_slice %arg7[%dma_wait3A_922, %dma_wait3A_927] : memref<4x64xi32, #tpu.memory_space<vmem>> -> memref<1x64xi32, #tpu.memory_space<vmem>>
      %dma_wait3A_929 = tpu.memref_squeeze %dma_wait3A_928 : memref<1x64xi32, #tpu.memory_space<vmem>> -> memref<64xi32, #tpu.memory_space<vmem>>
      %dma_wait3A_930 = arith.constant 0 : i32
      %dma_wait3A_931 = arith.constant 0 : i32
      %dma_wait3A_932 = tpu.memref_slice %arg9[%dma_wait3A_930, %dma_wait3A_931] : memref<10240x128xf32, #tpu.memory_space<vmem_shared>> -> memref<10240x128xf32, #tpu.memory_space<vmem_shared>>
      tpu.wait_indirect_dma semaphore(%arg25 : memref<!tpu.dma_semaphore, #tpu.memory_space<semaphore_mem>>) src(%dma_wait3A_926 : memref<64x128xf32, #tpu.memory_space<vmem>>) dst(%dma_wait3A_932 : memref<10240x128xf32, #tpu.memory_space<vmem_shared>>)
      %add3A_933 = arith.constant 3 : i32
      %add3A_934 = arith.addi %mul3A_769, %add3A_933 : i32
      %mul3A_935 = arith.constant 64 : i32
      %mul3A_936 = arith.muli %add3A_934, %mul3A_935 : i32
      %add3A_937 = arith.addi %add3A_6, %mul3A_936 : i32
      %dma_start3A_938 = arith.constant 3 : i32
      %dma_start3A_939 = arith.constant 0 : i32
      %dma_start3A_940 = tpu.memref_slice %arg7[%dma_start3A_938, %dma_start3A_939] : memref<4x64xi32, #tpu.memory_space<vmem>> -> memref<1x64xi32, #tpu.memory_space<vmem>>
      %dma_start3A_941 = tpu.memref_squeeze %dma_start3A_940 : memref<1x64xi32, #tpu.memory_space<vmem>> -> memref<64xi32, #tpu.memory_space<vmem>>
      %dma_start3A_942 = tpu.memref_slice %arg4[%add3A_937] : memref<320000xi32, #tpu.memory_space<hbm>> -> memref<64xi32, #tpu.memory_space<hbm>>
      %dma_start3A_943 = arith.constant 0 : i32
      %dma_start3A_944 = tpu.memref_slice %arg7[%dma_start3A_938, %dma_start3A_943] : memref<4x64xi32, #tpu.memory_space<vmem>> -> memref<1x64xi32, #tpu.memory_space<vmem>>
      %dma_start3A_945 = tpu.memref_squeeze %dma_start3A_944 : memref<1x64xi32, #tpu.memory_space<vmem>> -> memref<64xi32, #tpu.memory_space<vmem>>
      %dma_start3A_946 = tpu.memref_slice %arg4[%add3A_937] : memref<320000xi32, #tpu.memory_space<hbm>> -> memref<64xi32, #tpu.memory_space<hbm>>
      tpu.enqueue_dma source(%dma_start3A_946 : memref<64xi32, #tpu.memory_space<hbm>>) target(%dma_start3A_945 : memref<64xi32, #tpu.memory_space<vmem>>) target_semaphore(%arg17 : memref<!tpu.dma_semaphore, #tpu.memory_space<semaphore_mem>>)
      %dma_wait3A_947 = arith.constant 3 : i32
      %dma_wait3A_948 = arith.constant 0 : i32
      %dma_wait3A_949 = tpu.memref_slice %arg6[%dma_wait3A_947, %dma_wait3A_948] : memref<4x64xi32, #tpu.memory_space<vmem>> -> memref<1x64xi32, #tpu.memory_space<vmem>>
      %dma_wait3A_950 = tpu.memref_squeeze %dma_wait3A_949 : memref<1x64xi32, #tpu.memory_space<vmem>> -> memref<64xi32, #tpu.memory_space<vmem>>
      %dma_wait3A_951 = arith.constant 0 : i32
      %dma_wait3A_952 = tpu.memref_slice %arg3[%dma_wait3A_951] : memref<320000xi32, #tpu.memory_space<hbm>> -> memref<64xi32, #tpu.memory_space<hbm>>
      %dma_wait3A_953 = arith.constant 0 : i32
      %dma_wait3A_954 = tpu.memref_slice %arg6[%dma_wait3A_947, %dma_wait3A_953] : memref<4x64xi32, #tpu.memory_space<vmem>> -> memref<1x64xi32, #tpu.memory_space<vmem>>
      %dma_wait3A_955 = tpu.memref_squeeze %dma_wait3A_954 : memref<1x64xi32, #tpu.memory_space<vmem>> -> memref<64xi32, #tpu.memory_space<vmem>>
      %dma_wait3A_956 = arith.constant 0 : i32
      %dma_wait3A_957 = tpu.memref_slice %arg3[%dma_wait3A_956] : memref<320000xi32, #tpu.memory_space<hbm>> -> memref<64xi32, #tpu.memory_space<hbm>>
      tpu.wait_dma2 semaphore(%arg13 : memref<!tpu.dma_semaphore, #tpu.memory_space<semaphore_mem>>) src(%dma_wait3A_957 : memref<64xi32, #tpu.memory_space<hbm>>) dst(%dma_wait3A_955 : memref<64xi32, #tpu.memory_space<vmem>>)
      %dma_start3A_958 = arith.constant 3 : i32
      %dma_start3A_959 = arith.constant 3 : i32
      %dma_start3A_960 = arith.constant 0 : i32
      %dma_start3A_961 = arith.constant 0 : i32
      %dma_start3A_962 = tpu.memref_slice %arg8[%dma_start3A_959, %dma_start3A_960, %dma_start3A_961] : memref<4x64x128xf32, #tpu.memory_space<vmem>> -> memref<1x64x128xf32, #tpu.memory_space<vmem>>
      %dma_start3A_963 = tpu.memref_squeeze %dma_start3A_962 : memref<1x64x128xf32, #tpu.memory_space<vmem>> -> memref<64x128xf32, #tpu.memory_space<vmem>>
      %dma_start3A_964 = arith.constant 0 : i32
      %dma_start3A_965 = tpu.memref_slice %arg6[%dma_start3A_958, %dma_start3A_964] : memref<4x64xi32, #tpu.memory_space<vmem>> -> memref<1x64xi32, #tpu.memory_space<vmem>>
      %dma_start3A_966 = tpu.memref_squeeze %dma_start3A_965 : memref<1x64xi32, #tpu.memory_space<vmem>> -> memref<64xi32, #tpu.memory_space<vmem>>
      %dma_start3A_967 = arith.constant 0 : i32
      %dma_start3A_968 = arith.constant 0 : i32
      %dma_start3A_969 = tpu.memref_slice %arg2[%dma_start3A_967, %dma_start3A_968] : memref<10000x128xf32, #tpu.memory_space<hbm>> -> memref<10000x128xf32, #tpu.memory_space<hbm>>
      tpu.enqueue_indirect_dma source(%dma_start3A_969 : memref<10000x128xf32, #tpu.memory_space<hbm>>) target(%dma_start3A_963 : memref<64x128xf32, #tpu.memory_space<vmem>>) offsets(%dma_start3A_966 : memref<64xi32, #tpu.memory_space<vmem>>) semaphore(%arg21 : memref<!tpu.dma_semaphore, #tpu.memory_space<semaphore_mem>>)
      %dma_wait3A_970 = arith.constant 0 : i32
      %dma_wait3A_971 = arith.constant 2 : i32
      %dma_wait3A_972 = arith.constant 0 : i32
      %dma_wait3A_973 = arith.constant 0 : i32
      %dma_wait3A_974 = tpu.memref_slice %arg8[%dma_wait3A_971, %dma_wait3A_972, %dma_wait3A_973] : memref<4x64x128xf32, #tpu.memory_space<vmem>> -> memref<1x64x128xf32, #tpu.memory_space<vmem>>
      %dma_wait3A_975 = tpu.memref_squeeze %dma_wait3A_974 : memref<1x64x128xf32, #tpu.memory_space<vmem>> -> memref<64x128xf32, #tpu.memory_space<vmem>>
      %dma_wait3A_976 = arith.constant 0 : i32
      %dma_wait3A_977 = tpu.memref_slice %arg6[%dma_wait3A_970, %dma_wait3A_976] : memref<4x64xi32, #tpu.memory_space<vmem>> -> memref<1x64xi32, #tpu.memory_space<vmem>>
      %dma_wait3A_978 = tpu.memref_squeeze %dma_wait3A_977 : memref<1x64xi32, #tpu.memory_space<vmem>> -> memref<64xi32, #tpu.memory_space<vmem>>
      %dma_wait3A_979 = arith.constant 0 : i32
      %dma_wait3A_980 = arith.constant 0 : i32
      %dma_wait3A_981 = tpu.memref_slice %arg2[%dma_wait3A_979, %dma_wait3A_980] : memref<10000x128xf32, #tpu.memory_space<hbm>> -> memref<10000x128xf32, #tpu.memory_space<hbm>>
      tpu.wait_indirect_dma semaphore(%arg20 : memref<!tpu.dma_semaphore, #tpu.memory_space<semaphore_mem>>) src(%dma_wait3A_981 : memref<10000x128xf32, #tpu.memory_space<hbm>>) dst(%dma_wait3A_975 : memref<64x128xf32, #tpu.memory_space<vmem>>)
      %add3A_982 = arith.constant 4 : i32
      %add3A_983 = arith.addi %mul3A_769, %add3A_982 : i32
      %add3A_984 = arith.constant 2 : i32
      %add3A_985 = arith.addi %add3A_983, %add3A_984 : i32
      %mul3A_986 = arith.constant 64 : i32
      %mul3A_987 = arith.muli %add3A_985, %mul3A_986 : i32
      %add3A_988 = arith.addi %add3A_6, %mul3A_987 : i32
      %dma_start3A_989 = arith.constant 2 : i32
      %dma_start3A_990 = arith.constant 0 : i32
      %dma_start3A_991 = tpu.memref_slice %arg6[%dma_start3A_989, %dma_start3A_990] : memref<4x64xi32, #tpu.memory_space<vmem>> -> memref<1x64xi32, #tpu.memory_space<vmem>>
      %dma_start3A_992 = tpu.memref_squeeze %dma_start3A_991 : memref<1x64xi32, #tpu.memory_space<vmem>> -> memref<64xi32, #tpu.memory_space<vmem>>
      %dma_start3A_993 = tpu.memref_slice %arg3[%add3A_988] : memref<320000xi32, #tpu.memory_space<hbm>> -> memref<64xi32, #tpu.memory_space<hbm>>
      %dma_start3A_994 = arith.constant 0 : i32
      %dma_start3A_995 = tpu.memref_slice %arg6[%dma_start3A_989, %dma_start3A_994] : memref<4x64xi32, #tpu.memory_space<vmem>> -> memref<1x64xi32, #tpu.memory_space<vmem>>
      %dma_start3A_996 = tpu.memref_squeeze %dma_start3A_995 : memref<1x64xi32, #tpu.memory_space<vmem>> -> memref<64xi32, #tpu.memory_space<vmem>>
      %dma_start3A_997 = tpu.memref_slice %arg3[%add3A_988] : memref<320000xi32, #tpu.memory_space<hbm>> -> memref<64xi32, #tpu.memory_space<hbm>>
      tpu.enqueue_dma source(%dma_start3A_997 : memref<64xi32, #tpu.memory_space<hbm>>) target(%dma_start3A_996 : memref<64xi32, #tpu.memory_space<vmem>>) target_semaphore(%arg12 : memref<!tpu.dma_semaphore, #tpu.memory_space<semaphore_mem>>)
      %dma_wait3A_998 = arith.constant 2 : i32
      %dma_wait3A_999 = arith.constant 0 : i32
      %dma_wait3A_1000 = tpu.memref_slice %arg7[%dma_wait3A_998, %dma_wait3A_999] : memref<4x64xi32, #tpu.memory_space<vmem>> -> memref<1x64xi32, #tpu.memory_space<vmem>>
      %dma_wait3A_1001 = tpu.memref_squeeze %dma_wait3A_1000 : memref<1x64xi32, #tpu.memory_space<vmem>> -> memref<64xi32, #tpu.memory_space<vmem>>
      %dma_wait3A_1002 = arith.constant 0 : i32
      %dma_wait3A_1003 = tpu.memref_slice %arg4[%dma_wait3A_1002] : memref<320000xi32, #tpu.memory_space<hbm>> -> memref<64xi32, #tpu.memory_space<hbm>>
      %dma_wait3A_1004 = arith.constant 0 : i32
      %dma_wait3A_1005 = tpu.memref_slice %arg7[%dma_wait3A_998, %dma_wait3A_1004] : memref<4x64xi32, #tpu.memory_space<vmem>> -> memref<1x64xi32, #tpu.memory_space<vmem>>
      %dma_wait3A_1006 = tpu.memref_squeeze %dma_wait3A_1005 : memref<1x64xi32, #tpu.memory_space<vmem>> -> memref<64xi32, #tpu.memory_space<vmem>>
      %dma_wait3A_1007 = arith.constant 0 : i32
      %dma_wait3A_1008 = tpu.memref_slice %arg4[%dma_wait3A_1007] : memref<320000xi32, #tpu.memory_space<hbm>> -> memref<64xi32, #tpu.memory_space<hbm>>
      tpu.wait_dma2 semaphore(%arg16 : memref<!tpu.dma_semaphore, #tpu.memory_space<semaphore_mem>>) src(%dma_wait3A_1008 : memref<64xi32, #tpu.memory_space<hbm>>) dst(%dma_wait3A_1006 : memref<64xi32, #tpu.memory_space<vmem>>)
      %dma_start3A_1009 = arith.constant 2 : i32
      %dma_start3A_1010 = arith.constant 2 : i32
      %dma_start3A_1011 = arith.constant 0 : i32
      %dma_start3A_1012 = arith.constant 0 : i32
      %dma_start3A_1013 = tpu.memref_slice %arg8[%dma_start3A_1009, %dma_start3A_1011, %dma_start3A_1012] : memref<4x64x128xf32, #tpu.memory_space<vmem>> -> memref<1x64x128xf32, #tpu.memory_space<vmem>>
      %dma_start3A_1014 = tpu.memref_squeeze %dma_start3A_1013 : memref<1x64x128xf32, #tpu.memory_space<vmem>> -> memref<64x128xf32, #tpu.memory_space<vmem>>
      %dma_start3A_1015 = arith.constant 0 : i32
      %dma_start3A_1016 = tpu.memref_slice %arg7[%dma_start3A_1010, %dma_start3A_1015] : memref<4x64xi32, #tpu.memory_space<vmem>> -> memref<1x64xi32, #tpu.memory_space<vmem>>
      %dma_start3A_1017 = tpu.memref_squeeze %dma_start3A_1016 : memref<1x64xi32, #tpu.memory_space<vmem>> -> memref<64xi32, #tpu.memory_space<vmem>>
      %dma_start3A_1018 = arith.constant 0 : i32
      %dma_start3A_1019 = arith.constant 0 : i32
      %dma_start3A_1020 = tpu.memref_slice %arg9[%dma_start3A_1018, %dma_start3A_1019] : memref<10240x128xf32, #tpu.memory_space<vmem_shared>> -> memref<10240x128xf32, #tpu.memory_space<vmem_shared>>
      tpu.enqueue_indirect_dma source(%dma_start3A_1014 : memref<64x128xf32, #tpu.memory_space<vmem>>) target(%dma_start3A_1020 : memref<10240x128xf32, #tpu.memory_space<vmem_shared>>) offsets(%dma_start3A_1017 : memref<64xi32, #tpu.memory_space<vmem>>) semaphore(%arg24 : memref<!tpu.dma_semaphore, #tpu.memory_space<semaphore_mem>>) {add = true}
      %dma_wait3A_1021 = arith.constant 0 : i32
      %dma_wait3A_1022 = arith.constant 3 : i32
      %dma_wait3A_1023 = arith.constant 0 : i32
      %dma_wait3A_1024 = arith.constant 0 : i32
      %dma_wait3A_1025 = tpu.memref_slice %arg8[%dma_wait3A_1022, %dma_wait3A_1023, %dma_wait3A_1024] : memref<4x64x128xf32, #tpu.memory_space<vmem>> -> memref<1x64x128xf32, #tpu.memory_space<vmem>>
      %dma_wait3A_1026 = tpu.memref_squeeze %dma_wait3A_1025 : memref<1x64x128xf32, #tpu.memory_space<vmem>> -> memref<64x128xf32, #tpu.memory_space<vmem>>
      %dma_wait3A_1027 = arith.constant 0 : i32
      %dma_wait3A_1028 = tpu.memref_slice %arg6[%dma_wait3A_1021, %dma_wait3A_1027] : memref<4x64xi32, #tpu.memory_space<vmem>> -> memref<1x64xi32, #tpu.memory_space<vmem>>
      %dma_wait3A_1029 = tpu.memref_squeeze %dma_wait3A_1028 : memref<1x64xi32, #tpu.memory_space<vmem>> -> memref<64xi32, #tpu.memory_space<vmem>>
      %dma_wait3A_1030 = arith.constant 0 : i32
      %dma_wait3A_1031 = arith.constant 0 : i32
      %dma_wait3A_1032 = tpu.memref_slice %arg2[%dma_wait3A_1030, %dma_wait3A_1031] : memref<10000x128xf32, #tpu.memory_space<hbm>> -> memref<10000x128xf32, #tpu.memory_space<hbm>>
      tpu.wait_indirect_dma semaphore(%arg21 : memref<!tpu.dma_semaphore, #tpu.memory_space<semaphore_mem>>) src(%dma_wait3A_1032 : memref<10000x128xf32, #tpu.memory_space<hbm>>) dst(%dma_wait3A_1026 : memref<64x128xf32, #tpu.memory_space<vmem>>)
      %add3A_1033 = arith.constant 4 : i32
      %add3A_1034 = arith.addi %mul3A_769, %add3A_1033 : i32
      %add3A_1035 = arith.constant 3 : i32
      %add3A_1036 = arith.addi %add3A_1034, %add3A_1035 : i32
      %mul3A_1037 = arith.constant 64 : i32
      %mul3A_1038 = arith.muli %add3A_1036, %mul3A_1037 : i32
      %add3A_1039 = arith.addi %add3A_6, %mul3A_1038 : i32
      %dma_start3A_1040 = arith.constant 3 : i32
      %dma_start3A_1041 = arith.constant 0 : i32
      %dma_start3A_1042 = tpu.memref_slice %arg6[%dma_start3A_1040, %dma_start3A_1041] : memref<4x64xi32, #tpu.memory_space<vmem>> -> memref<1x64xi32, #tpu.memory_space<vmem>>
      %dma_start3A_1043 = tpu.memref_squeeze %dma_start3A_1042 : memref<1x64xi32, #tpu.memory_space<vmem>> -> memref<64xi32, #tpu.memory_space<vmem>>
      %dma_start3A_1044 = tpu.memref_slice %arg3[%add3A_1039] : memref<320000xi32, #tpu.memory_space<hbm>> -> memref<64xi32, #tpu.memory_space<hbm>>
      %dma_start3A_1045 = arith.constant 0 : i32
      %dma_start3A_1046 = tpu.memref_slice %arg6[%dma_start3A_1040, %dma_start3A_1045] : memref<4x64xi32, #tpu.memory_space<vmem>> -> memref<1x64xi32, #tpu.memory_space<vmem>>
      %dma_start3A_1047 = tpu.memref_squeeze %dma_start3A_1046 : memref<1x64xi32, #tpu.memory_space<vmem>> -> memref<64xi32, #tpu.memory_space<vmem>>
      %dma_start3A_1048 = tpu.memref_slice %arg3[%add3A_1039] : memref<320000xi32, #tpu.memory_space<hbm>> -> memref<64xi32, #tpu.memory_space<hbm>>
      tpu.enqueue_dma source(%dma_start3A_1048 : memref<64xi32, #tpu.memory_space<hbm>>) target(%dma_start3A_1047 : memref<64xi32, #tpu.memory_space<vmem>>) target_semaphore(%arg13 : memref<!tpu.dma_semaphore, #tpu.memory_space<semaphore_mem>>)
      %dma_wait3A_1049 = arith.constant 3 : i32
      %dma_wait3A_1050 = arith.constant 0 : i32
      %dma_wait3A_1051 = tpu.memref_slice %arg7[%dma_wait3A_1049, %dma_wait3A_1050] : memref<4x64xi32, #tpu.memory_space<vmem>> -> memref<1x64xi32, #tpu.memory_space<vmem>>
      %dma_wait3A_1052 = tpu.memref_squeeze %dma_wait3A_1051 : memref<1x64xi32, #tpu.memory_space<vmem>> -> memref<64xi32, #tpu.memory_space<vmem>>
      %dma_wait3A_1053 = arith.constant 0 : i32
      %dma_wait3A_1054 = tpu.memref_slice %arg4[%dma_wait3A_1053] : memref<320000xi32, #tpu.memory_space<hbm>> -> memref<64xi32, #tpu.memory_space<hbm>>
      %dma_wait3A_1055 = arith.constant 0 : i32
      %dma_wait3A_1056 = tpu.memref_slice %arg7[%dma_wait3A_1049, %dma_wait3A_1055] : memref<4x64xi32, #tpu.memory_space<vmem>> -> memref<1x64xi32, #tpu.memory_space<vmem>>
      %dma_wait3A_1057 = tpu.memref_squeeze %dma_wait3A_1056 : memref<1x64xi32, #tpu.memory_space<vmem>> -> memref<64xi32, #tpu.memory_space<vmem>>
      %dma_wait3A_1058 = arith.constant 0 : i32
      %dma_wait3A_1059 = tpu.memref_slice %arg4[%dma_wait3A_1058] : memref<320000xi32, #tpu.memory_space<hbm>> -> memref<64xi32, #tpu.memory_space<hbm>>
      tpu.wait_dma2 semaphore(%arg17 : memref<!tpu.dma_semaphore, #tpu.memory_space<semaphore_mem>>) src(%dma_wait3A_1059 : memref<64xi32, #tpu.memory_space<hbm>>) dst(%dma_wait3A_1057 : memref<64xi32, #tpu.memory_space<vmem>>)
      %dma_start3A_1060 = arith.constant 3 : i32
      %dma_start3A_1061 = arith.constant 3 : i32
      %dma_start3A_1062 = arith.constant 0 : i32
      %dma_start3A_1063 = arith.constant 0 : i32
      %dma_start3A_1064 = tpu.memref_slice %arg8[%dma_start3A_1060, %dma_start3A_1062, %dma_start3A_1063] : memref<4x64x128xf32, #tpu.memory_space<vmem>> -> memref<1x64x128xf32, #tpu.memory_space<vmem>>
      %dma_start3A_1065 = tpu.memref_squeeze %dma_start3A_1064 : memref<1x64x128xf32, #tpu.memory_space<vmem>> -> memref<64x128xf32, #tpu.memory_space<vmem>>
      %dma_start3A_1066 = arith.constant 0 : i32
      %dma_start3A_1067 = tpu.memref_slice %arg7[%dma_start3A_1061, %dma_start3A_1066] : memref<4x64xi32, #tpu.memory_space<vmem>> -> memref<1x64xi32, #tpu.memory_space<vmem>>
      %dma_start3A_1068 = tpu.memref_squeeze %dma_start3A_1067 : memref<1x64xi32, #tpu.memory_space<vmem>> -> memref<64xi32, #tpu.memory_space<vmem>>
      %dma_start3A_1069 = arith.constant 0 : i32
      %dma_start3A_1070 = arith.constant 0 : i32
      %dma_start3A_1071 = tpu.memref_slice %arg9[%dma_start3A_1069, %dma_start3A_1070] : memref<10240x128xf32, #tpu.memory_space<vmem_shared>> -> memref<10240x128xf32, #tpu.memory_space<vmem_shared>>
      tpu.enqueue_indirect_dma source(%dma_start3A_1065 : memref<64x128xf32, #tpu.memory_space<vmem>>) target(%dma_start3A_1071 : memref<10240x128xf32, #tpu.memory_space<vmem_shared>>) offsets(%dma_start3A_1068 : memref<64xi32, #tpu.memory_space<vmem>>) semaphore(%arg25 : memref<!tpu.dma_semaphore, #tpu.memory_space<semaphore_mem>>) {add = true}
      %dma_wait3A_1072 = arith.constant 0 : i32
      %dma_wait3A_1073 = arith.constant 0 : i32
      %dma_wait3A_1074 = arith.constant 0 : i32
      %dma_wait3A_1075 = arith.constant 0 : i32
      %dma_wait3A_1076 = tpu.memref_slice %arg8[%dma_wait3A_1072, %dma_wait3A_1074, %dma_wait3A_1075] : memref<4x64x128xf32, #tpu.memory_space<vmem>> -> memref<1x64x128xf32, #tpu.memory_space<vmem>>
      %dma_wait3A_1077 = tpu.memref_squeeze %dma_wait3A_1076 : memref<1x64x128xf32, #tpu.memory_space<vmem>> -> memref<64x128xf32, #tpu.memory_space<vmem>>
      %dma_wait3A_1078 = arith.constant 0 : i32
      %dma_wait3A_1079 = tpu.memref_slice %arg7[%dma_wait3A_1073, %dma_wait3A_1078] : memref<4x64xi32, #tpu.memory_space<vmem>> -> memref<1x64xi32, #tpu.memory_space<vmem>>
      %dma_wait3A_1080 = tpu.memref_squeeze %dma_wait3A_1079 : memref<1x64xi32, #tpu.memory_space<vmem>> -> memref<64xi32, #tpu.memory_space<vmem>>
      %dma_wait3A_1081 = arith.constant 0 : i32
      %dma_wait3A_1082 = arith.constant 0 : i32
      %dma_wait3A_1083 = tpu.memref_slice %arg9[%dma_wait3A_1081, %dma_wait3A_1082] : memref<10240x128xf32, #tpu.memory_space<vmem_shared>> -> memref<10240x128xf32, #tpu.memory_space<vmem_shared>>
      tpu.wait_indirect_dma semaphore(%arg22 : memref<!tpu.dma_semaphore, #tpu.memory_space<semaphore_mem>>) src(%dma_wait3A_1077 : memref<64x128xf32, #tpu.memory_space<vmem>>) dst(%dma_wait3A_1083 : memref<10240x128xf32, #tpu.memory_space<vmem_shared>>)
      %add3A_1084 = arith.constant 4 : i32
      %add3A_1085 = arith.addi %mul3A_769, %add3A_1084 : i32
      %add3A_1086 = arith.constant 0 : i32
      %add3A_1087 = arith.addi %add3A_1085, %add3A_1086 : i32
      %mul3A_1088 = arith.constant 64 : i32
      %mul3A_1089 = arith.muli %add3A_1087, %mul3A_1088 : i32
      %add3A_1090 = arith.addi %add3A_6, %mul3A_1089 : i32
      %dma_start3A_1091 = arith.constant 0 : i32
      %dma_start3A_1092 = arith.constant 0 : i32
      %dma_start3A_1093 = tpu.memref_slice %arg7[%dma_start3A_1091, %dma_start3A_1092] : memref<4x64xi32, #tpu.memory_space<vmem>> -> memref<1x64xi32, #tpu.memory_space<vmem>>
      %dma_start3A_1094 = tpu.memref_squeeze %dma_start3A_1093 : memref<1x64xi32, #tpu.memory_space<vmem>> -> memref<64xi32, #tpu.memory_space<vmem>>
      %dma_start3A_1095 = tpu.memref_slice %arg4[%add3A_1090] : memref<320000xi32, #tpu.memory_space<hbm>> -> memref<64xi32, #tpu.memory_space<hbm>>
      %dma_start3A_1096 = arith.constant 0 : i32
      %dma_start3A_1097 = tpu.memref_slice %arg7[%dma_start3A_1091, %dma_start3A_1096] : memref<4x64xi32, #tpu.memory_space<vmem>> -> memref<1x64xi32, #tpu.memory_space<vmem>>
      %dma_start3A_1098 = tpu.memref_squeeze %dma_start3A_1097 : memref<1x64xi32, #tpu.memory_space<vmem>> -> memref<64xi32, #tpu.memory_space<vmem>>
      %dma_start3A_1099 = tpu.memref_slice %arg4[%add3A_1090] : memref<320000xi32, #tpu.memory_space<hbm>> -> memref<64xi32, #tpu.memory_space<hbm>>
      tpu.enqueue_dma source(%dma_start3A_1099 : memref<64xi32, #tpu.memory_space<hbm>>) target(%dma_start3A_1098 : memref<64xi32, #tpu.memory_space<vmem>>) target_semaphore(%arg14 : memref<!tpu.dma_semaphore, #tpu.memory_space<semaphore_mem>>)
      %dma_wait3A_1100 = arith.constant 0 : i32
      %dma_wait3A_1101 = arith.constant 0 : i32
      %dma_wait3A_1102 = tpu.memref_slice %arg6[%dma_wait3A_1100, %dma_wait3A_1101] : memref<4x64xi32, #tpu.memory_space<vmem>> -> memref<1x64xi32, #tpu.memory_space<vmem>>
      %dma_wait3A_1103 = tpu.memref_squeeze %dma_wait3A_1102 : memref<1x64xi32, #tpu.memory_space<vmem>> -> memref<64xi32, #tpu.memory_space<vmem>>
      %dma_wait3A_1104 = arith.constant 0 : i32
      %dma_wait3A_1105 = tpu.memref_slice %arg3[%dma_wait3A_1104] : memref<320000xi32, #tpu.memory_space<hbm>> -> memref<64xi32, #tpu.memory_space<hbm>>
      %dma_wait3A_1106 = arith.constant 0 : i32
      %dma_wait3A_1107 = tpu.memref_slice %arg6[%dma_wait3A_1100, %dma_wait3A_1106] : memref<4x64xi32, #tpu.memory_space<vmem>> -> memref<1x64xi32, #tpu.memory_space<vmem>>
      %dma_wait3A_1108 = tpu.memref_squeeze %dma_wait3A_1107 : memref<1x64xi32, #tpu.memory_space<vmem>> -> memref<64xi32, #tpu.memory_space<vmem>>
      %dma_wait3A_1109 = arith.constant 0 : i32
      %dma_wait3A_1110 = tpu.memref_slice %arg3[%dma_wait3A_1109] : memref<320000xi32, #tpu.memory_space<hbm>> -> memref<64xi32, #tpu.memory_space<hbm>>
      tpu.wait_dma2 semaphore(%arg10 : memref<!tpu.dma_semaphore, #tpu.memory_space<semaphore_mem>>) src(%dma_wait3A_1110 : memref<64xi32, #tpu.memory_space<hbm>>) dst(%dma_wait3A_1108 : memref<64xi32, #tpu.memory_space<vmem>>)
      %dma_start3A_1111 = arith.constant 0 : i32
      %dma_start3A_1112 = arith.constant 0 : i32
      %dma_start3A_1113 = arith.constant 0 : i32
      %dma_start3A_1114 = arith.constant 0 : i32
      %dma_start3A_1115 = tpu.memref_slice %arg8[%dma_start3A_1112, %dma_start3A_1113, %dma_start3A_1114] : memref<4x64x128xf32, #tpu.memory_space<vmem>> -> memref<1x64x128xf32, #tpu.memory_space<vmem>>
      %dma_start3A_1116 = tpu.memref_squeeze %dma_start3A_1115 : memref<1x64x128xf32, #tpu.memory_space<vmem>> -> memref<64x128xf32, #tpu.memory_space<vmem>>
      %dma_start3A_1117 = arith.constant 0 : i32
      %dma_start3A_1118 = tpu.memref_slice %arg6[%dma_start3A_1111, %dma_start3A_1117] : memref<4x64xi32, #tpu.memory_space<vmem>> -> memref<1x64xi32, #tpu.memory_space<vmem>>
      %dma_start3A_1119 = tpu.memref_squeeze %dma_start3A_1118 : memref<1x64xi32, #tpu.memory_space<vmem>> -> memref<64xi32, #tpu.memory_space<vmem>>
      %dma_start3A_1120 = arith.constant 0 : i32
      %dma_start3A_1121 = arith.constant 0 : i32
      %dma_start3A_1122 = tpu.memref_slice %arg2[%dma_start3A_1120, %dma_start3A_1121] : memref<10000x128xf32, #tpu.memory_space<hbm>> -> memref<10000x128xf32, #tpu.memory_space<hbm>>
      tpu.enqueue_indirect_dma source(%dma_start3A_1122 : memref<10000x128xf32, #tpu.memory_space<hbm>>) target(%dma_start3A_1116 : memref<64x128xf32, #tpu.memory_space<vmem>>) offsets(%dma_start3A_1119 : memref<64xi32, #tpu.memory_space<vmem>>) semaphore(%arg18 : memref<!tpu.dma_semaphore, #tpu.memory_space<semaphore_mem>>)
      %dma_wait3A_1123 = arith.constant 1 : i32
      %dma_wait3A_1124 = arith.constant 1 : i32
      %dma_wait3A_1125 = arith.constant 0 : i32
      %dma_wait3A_1126 = arith.constant 0 : i32
      %dma_wait3A_1127 = tpu.memref_slice %arg8[%dma_wait3A_1123, %dma_wait3A_1125, %dma_wait3A_1126] : memref<4x64x128xf32, #tpu.memory_space<vmem>> -> memref<1x64x128xf32, #tpu.memory_space<vmem>>
      %dma_wait3A_1128 = tpu.memref_squeeze %dma_wait3A_1127 : memref<1x64x128xf32, #tpu.memory_space<vmem>> -> memref<64x128xf32, #tpu.memory_space<vmem>>
      %dma_wait3A_1129 = arith.constant 0 : i32
      %dma_wait3A_1130 = tpu.memref_slice %arg7[%dma_wait3A_1124, %dma_wait3A_1129] : memref<4x64xi32, #tpu.memory_space<vmem>> -> memref<1x64xi32, #tpu.memory_space<vmem>>
      %dma_wait3A_1131 = tpu.memref_squeeze %dma_wait3A_1130 : memref<1x64xi32, #tpu.memory_space<vmem>> -> memref<64xi32, #tpu.memory_space<vmem>>
      %dma_wait3A_1132 = arith.constant 0 : i32
      %dma_wait3A_1133 = arith.constant 0 : i32
      %dma_wait3A_1134 = tpu.memref_slice %arg9[%dma_wait3A_1132, %dma_wait3A_1133] : memref<10240x128xf32, #tpu.memory_space<vmem_shared>> -> memref<10240x128xf32, #tpu.memory_space<vmem_shared>>
      tpu.wait_indirect_dma semaphore(%arg23 : memref<!tpu.dma_semaphore, #tpu.memory_space<semaphore_mem>>) src(%dma_wait3A_1128 : memref<64x128xf32, #tpu.memory_space<vmem>>) dst(%dma_wait3A_1134 : memref<10240x128xf32, #tpu.memory_space<vmem_shared>>)
      %add3A_1135 = arith.constant 4 : i32
      %add3A_1136 = arith.addi %mul3A_769, %add3A_1135 : i32
      %add3A_1137 = arith.constant 1 : i32
      %add3A_1138 = arith.addi %add3A_1136, %add3A_1137 : i32
      %mul3A_1139 = arith.constant 64 : i32
      %mul3A_1140 = arith.muli %add3A_1138, %mul3A_1139 : i32
      %add3A_1141 = arith.addi %add3A_6, %mul3A_1140 : i32
      %dma_start3A_1142 = arith.constant 1 : i32
      %dma_start3A_1143 = arith.constant 0 : i32
      %dma_start3A_1144 = tpu.memref_slice %arg7[%dma_start3A_1142, %dma_start3A_1143] : memref<4x64xi32, #tpu.memory_space<vmem>> -> memref<1x64xi32, #tpu.memory_space<vmem>>
      %dma_start3A_1145 = tpu.memref_squeeze %dma_start3A_1144 : memref<1x64xi32, #tpu.memory_space<vmem>> -> memref<64xi32, #tpu.memory_space<vmem>>
      %dma_start3A_1146 = tpu.memref_slice %arg4[%add3A_1141] : memref<320000xi32, #tpu.memory_space<hbm>> -> memref<64xi32, #tpu.memory_space<hbm>>
      %dma_start3A_1147 = arith.constant 0 : i32
      %dma_start3A_1148 = tpu.memref_slice %arg7[%dma_start3A_1142, %dma_start3A_1147] : memref<4x64xi32, #tpu.memory_space<vmem>> -> memref<1x64xi32, #tpu.memory_space<vmem>>
      %dma_start3A_1149 = tpu.memref_squeeze %dma_start3A_1148 : memref<1x64xi32, #tpu.memory_space<vmem>> -> memref<64xi32, #tpu.memory_space<vmem>>
      %dma_start3A_1150 = tpu.memref_slice %arg4[%add3A_1141] : memref<320000xi32, #tpu.memory_space<hbm>> -> memref<64xi32, #tpu.memory_space<hbm>>
      tpu.enqueue_dma source(%dma_start3A_1150 : memref<64xi32, #tpu.memory_space<hbm>>) target(%dma_start3A_1149 : memref<64xi32, #tpu.memory_space<vmem>>) target_semaphore(%arg15 : memref<!tpu.dma_semaphore, #tpu.memory_space<semaphore_mem>>)
      %dma_wait3A_1151 = arith.constant 1 : i32
      %dma_wait3A_1152 = arith.constant 0 : i32
      %dma_wait3A_1153 = tpu.memref_slice %arg6[%dma_wait3A_1151, %dma_wait3A_1152] : memref<4x64xi32, #tpu.memory_space<vmem>> -> memref<1x64xi32, #tpu.memory_space<vmem>>
      %dma_wait3A_1154 = tpu.memref_squeeze %dma_wait3A_1153 : memref<1x64xi32, #tpu.memory_space<vmem>> -> memref<64xi32, #tpu.memory_space<vmem>>
      %dma_wait3A_1155 = arith.constant 0 : i32
      %dma_wait3A_1156 = tpu.memref_slice %arg3[%dma_wait3A_1155] : memref<320000xi32, #tpu.memory_space<hbm>> -> memref<64xi32, #tpu.memory_space<hbm>>
      %dma_wait3A_1157 = arith.constant 0 : i32
      %dma_wait3A_1158 = tpu.memref_slice %arg6[%dma_wait3A_1151, %dma_wait3A_1157] : memref<4x64xi32, #tpu.memory_space<vmem>> -> memref<1x64xi32, #tpu.memory_space<vmem>>
      %dma_wait3A_1159 = tpu.memref_squeeze %dma_wait3A_1158 : memref<1x64xi32, #tpu.memory_space<vmem>> -> memref<64xi32, #tpu.memory_space<vmem>>
      %dma_wait3A_1160 = arith.constant 0 : i32
      %dma_wait3A_1161 = tpu.memref_slice %arg3[%dma_wait3A_1160] : memref<320000xi32, #tpu.memory_space<hbm>> -> memref<64xi32, #tpu.memory_space<hbm>>
      tpu.wait_dma2 semaphore(%arg11 : memref<!tpu.dma_semaphore, #tpu.memory_space<semaphore_mem>>) src(%dma_wait3A_1161 : memref<64xi32, #tpu.memory_space<hbm>>) dst(%dma_wait3A_1159 : memref<64xi32, #tpu.memory_space<vmem>>)
      %dma_start3A_1162 = arith.constant 1 : i32
      %dma_start3A_1163 = arith.constant 1 : i32
      %dma_start3A_1164 = arith.constant 0 : i32
      %dma_start3A_1165 = arith.constant 0 : i32
      %dma_start3A_1166 = tpu.memref_slice %arg8[%dma_start3A_1163, %dma_start3A_1164, %dma_start3A_1165] : memref<4x64x128xf32, #tpu.memory_space<vmem>> -> memref<1x64x128xf32, #tpu.memory_space<vmem>>
      %dma_start3A_1167 = tpu.memref_squeeze %dma_start3A_1166 : memref<1x64x128xf32, #tpu.memory_space<vmem>> -> memref<64x128xf32, #tpu.memory_space<vmem>>
      %dma_start3A_1168 = arith.constant 0 : i32
      %dma_start3A_1169 = tpu.memref_slice %arg6[%dma_start3A_1162, %dma_start3A_1168] : memref<4x64xi32, #tpu.memory_space<vmem>> -> memref<1x64xi32, #tpu.memory_space<vmem>>
      %dma_start3A_1170 = tpu.memref_squeeze %dma_start3A_1169 : memref<1x64xi32, #tpu.memory_space<vmem>> -> memref<64xi32, #tpu.memory_space<vmem>>
      %dma_start3A_1171 = arith.constant 0 : i32
      %dma_start3A_1172 = arith.constant 0 : i32
      %dma_start3A_1173 = tpu.memref_slice %arg2[%dma_start3A_1171, %dma_start3A_1172] : memref<10000x128xf32, #tpu.memory_space<hbm>> -> memref<10000x128xf32, #tpu.memory_space<hbm>>
      tpu.enqueue_indirect_dma source(%dma_start3A_1173 : memref<10000x128xf32, #tpu.memory_space<hbm>>) target(%dma_start3A_1167 : memref<64x128xf32, #tpu.memory_space<vmem>>) offsets(%dma_start3A_1170 : memref<64xi32, #tpu.memory_space<vmem>>) semaphore(%arg19 : memref<!tpu.dma_semaphore, #tpu.memory_space<semaphore_mem>>)
    }
    %scan3A_475 = arith.constant 37 : i32
    %dma_wait3A_476 = arith.constant 0 : i32
    %dma_wait3A_477 = arith.constant 0 : i32
    %dma_wait3A_478 = arith.constant 0 : i32
    %dma_wait3A_479 = arith.constant 0 : i32
    %dma_wait3A_480 = tpu.memref_slice %arg8[%dma_wait3A_477, %dma_wait3A_478, %dma_wait3A_479] : memref<4x64x128xf32, #tpu.memory_space<vmem>> -> memref<1x64x128xf32, #tpu.memory_space<vmem>>
    %dma_wait3A_481 = tpu.memref_squeeze %dma_wait3A_480 : memref<1x64x128xf32, #tpu.memory_space<vmem>> -> memref<64x128xf32, #tpu.memory_space<vmem>>
    %dma_wait3A_482 = arith.constant 0 : i32
    %dma_wait3A_483 = tpu.memref_slice %arg6[%dma_wait3A_476, %dma_wait3A_482] : memref<4x64xi32, #tpu.memory_space<vmem>> -> memref<1x64xi32, #tpu.memory_space<vmem>>
    %dma_wait3A_484 = tpu.memref_squeeze %dma_wait3A_483 : memref<1x64xi32, #tpu.memory_space<vmem>> -> memref<64xi32, #tpu.memory_space<vmem>>
    %dma_wait3A_485 = arith.constant 0 : i32
    %dma_wait3A_486 = arith.constant 0 : i32
    %dma_wait3A_487 = tpu.memref_slice %arg2[%dma_wait3A_485, %dma_wait3A_486] : memref<10000x128xf32, #tpu.memory_space<hbm>> -> memref<10000x128xf32, #tpu.memory_space<hbm>>
    tpu.wait_indirect_dma semaphore(%arg18 : memref<!tpu.dma_semaphore, #tpu.memory_space<semaphore_mem>>) src(%dma_wait3A_487 : memref<10000x128xf32, #tpu.memory_space<hbm>>) dst(%dma_wait3A_481 : memref<64x128xf32, #tpu.memory_space<vmem>>)
    %dma_wait3A_488 = arith.constant 0 : i32
    %dma_wait3A_489 = arith.constant 0 : i32
    %dma_wait3A_490 = tpu.memref_slice %arg7[%dma_wait3A_488, %dma_wait3A_489] : memref<4x64xi32, #tpu.memory_space<vmem>> -> memref<1x64xi32, #tpu.memory_space<vmem>>
    %dma_wait3A_491 = tpu.memref_squeeze %dma_wait3A_490 : memref<1x64xi32, #tpu.memory_space<vmem>> -> memref<64xi32, #tpu.memory_space<vmem>>
    %dma_wait3A_492 = arith.constant 0 : i32
    %dma_wait3A_493 = tpu.memref_slice %arg4[%dma_wait3A_492] : memref<320000xi32, #tpu.memory_space<hbm>> -> memref<64xi32, #tpu.memory_space<hbm>>
    %dma_wait3A_494 = arith.constant 0 : i32
    %dma_wait3A_495 = tpu.memref_slice %arg7[%dma_wait3A_488, %dma_wait3A_494] : memref<4x64xi32, #tpu.memory_space<vmem>> -> memref<1x64xi32, #tpu.memory_space<vmem>>
    %dma_wait3A_496 = tpu.memref_squeeze %dma_wait3A_495 : memref<1x64xi32, #tpu.memory_space<vmem>> -> memref<64xi32, #tpu.memory_space<vmem>>
    %dma_wait3A_497 = arith.constant 0 : i32
    %dma_wait3A_498 = tpu.memref_slice %arg4[%dma_wait3A_497] : memref<320000xi32, #tpu.memory_space<hbm>> -> memref<64xi32, #tpu.memory_space<hbm>>
    tpu.wait_dma2 semaphore(%arg14 : memref<!tpu.dma_semaphore, #tpu.memory_space<semaphore_mem>>) src(%dma_wait3A_498 : memref<64xi32, #tpu.memory_space<hbm>>) dst(%dma_wait3A_496 : memref<64xi32, #tpu.memory_space<vmem>>)
    %dma_start3A_499 = arith.constant 0 : i32
    %dma_start3A_500 = arith.constant 0 : i32
    %dma_start3A_501 = arith.constant 0 : i32
    %dma_start3A_502 = arith.constant 0 : i32
    %dma_start3A_503 = tpu.memref_slice %arg8[%dma_start3A_499, %dma_start3A_501, %dma_start3A_502] : memref<4x64x128xf32, #tpu.memory_space<vmem>> -> memref<1x64x128xf32, #tpu.memory_space<vmem>>
    %dma_start3A_504 = tpu.memref_squeeze %dma_start3A_503 : memref<1x64x128xf32, #tpu.memory_space<vmem>> -> memref<64x128xf32, #tpu.memory_space<vmem>>
    %dma_start3A_505 = arith.constant 0 : i32
    %dma_start3A_506 = tpu.memref_slice %arg7[%dma_start3A_500, %dma_start3A_505] : memref<4x64xi32, #tpu.memory_space<vmem>> -> memref<1x64xi32, #tpu.memory_space<vmem>>
    %dma_start3A_507 = tpu.memref_squeeze %dma_start3A_506 : memref<1x64xi32, #tpu.memory_space<vmem>> -> memref<64xi32, #tpu.memory_space<vmem>>
    %dma_start3A_508 = arith.constant 0 : i32
    %dma_start3A_509 = arith.constant 0 : i32
    %dma_start3A_510 = tpu.memref_slice %arg9[%dma_start3A_508, %dma_start3A_509] : memref<10240x128xf32, #tpu.memory_space<vmem_shared>> -> memref<10240x128xf32, #tpu.memory_space<vmem_shared>>
    tpu.enqueue_indirect_dma source(%dma_start3A_504 : memref<64x128xf32, #tpu.memory_space<vmem>>) target(%dma_start3A_510 : memref<10240x128xf32, #tpu.memory_space<vmem_shared>>) offsets(%dma_start3A_507 : memref<64xi32, #tpu.memory_space<vmem>>) semaphore(%arg22 : memref<!tpu.dma_semaphore, #tpu.memory_space<semaphore_mem>>) {add = true}
    %dma_wait3A_511 = arith.constant 0 : i32
    %dma_wait3A_512 = arith.constant 1 : i32
    %dma_wait3A_513 = arith.constant 0 : i32
    %dma_wait3A_514 = arith.constant 0 : i32
    %dma_wait3A_515 = tpu.memref_slice %arg8[%dma_wait3A_512, %dma_wait3A_513, %dma_wait3A_514] : memref<4x64x128xf32, #tpu.memory_space<vmem>> -> memref<1x64x128xf32, #tpu.memory_space<vmem>>
    %dma_wait3A_516 = tpu.memref_squeeze %dma_wait3A_515 : memref<1x64x128xf32, #tpu.memory_space<vmem>> -> memref<64x128xf32, #tpu.memory_space<vmem>>
    %dma_wait3A_517 = arith.constant 0 : i32
    %dma_wait3A_518 = tpu.memref_slice %arg6[%dma_wait3A_511, %dma_wait3A_517] : memref<4x64xi32, #tpu.memory_space<vmem>> -> memref<1x64xi32, #tpu.memory_space<vmem>>
    %dma_wait3A_519 = tpu.memref_squeeze %dma_wait3A_518 : memref<1x64xi32, #tpu.memory_space<vmem>> -> memref<64xi32, #tpu.memory_space<vmem>>
    %dma_wait3A_520 = arith.constant 0 : i32
    %dma_wait3A_521 = arith.constant 0 : i32
    %dma_wait3A_522 = tpu.memref_slice %arg2[%dma_wait3A_520, %dma_wait3A_521] : memref<10000x128xf32, #tpu.memory_space<hbm>> -> memref<10000x128xf32, #tpu.memory_space<hbm>>
    tpu.wait_indirect_dma semaphore(%arg19 : memref<!tpu.dma_semaphore, #tpu.memory_space<semaphore_mem>>) src(%dma_wait3A_522 : memref<10000x128xf32, #tpu.memory_space<hbm>>) dst(%dma_wait3A_516 : memref<64x128xf32, #tpu.memory_space<vmem>>)
    %dma_wait3A_523 = arith.constant 1 : i32
    %dma_wait3A_524 = arith.constant 0 : i32
    %dma_wait3A_525 = tpu.memref_slice %arg7[%dma_wait3A_523, %dma_wait3A_524] : memref<4x64xi32, #tpu.memory_space<vmem>> -> memref<1x64xi32, #tpu.memory_space<vmem>>
    %dma_wait3A_526 = tpu.memref_squeeze %dma_wait3A_525 : memref<1x64xi32, #tpu.memory_space<vmem>> -> memref<64xi32, #tpu.memory_space<vmem>>
    %dma_wait3A_527 = arith.constant 0 : i32
    %dma_wait3A_528 = tpu.memref_slice %arg4[%dma_wait3A_527] : memref<320000xi32, #tpu.memory_space<hbm>> -> memref<64xi32, #tpu.memory_space<hbm>>
    %dma_wait3A_529 = arith.constant 0 : i32
    %dma_wait3A_530 = tpu.memref_slice %arg7[%dma_wait3A_523, %dma_wait3A_529] : memref<4x64xi32, #tpu.memory_space<vmem>> -> memref<1x64xi32, #tpu.memory_space<vmem>>
    %dma_wait3A_531 = tpu.memref_squeeze %dma_wait3A_530 : memref<1x64xi32, #tpu.memory_space<vmem>> -> memref<64xi32, #tpu.memory_space<vmem>>
    %dma_wait3A_532 = arith.constant 0 : i32
    %dma_wait3A_533 = tpu.memref_slice %arg4[%dma_wait3A_532] : memref<320000xi32, #tpu.memory_space<hbm>> -> memref<64xi32, #tpu.memory_space<hbm>>
    tpu.wait_dma2 semaphore(%arg15 : memref<!tpu.dma_semaphore, #tpu.memory_space<semaphore_mem>>) src(%dma_wait3A_533 : memref<64xi32, #tpu.memory_space<hbm>>) dst(%dma_wait3A_531 : memref<64xi32, #tpu.memory_space<vmem>>)
    %dma_start3A_534 = arith.constant 1 : i32
    %dma_start3A_535 = arith.constant 1 : i32
    %dma_start3A_536 = arith.constant 0 : i32
    %dma_start3A_537 = arith.constant 0 : i32
    %dma_start3A_538 = tpu.memref_slice %arg8[%dma_start3A_534, %dma_start3A_536, %dma_start3A_537] : memref<4x64x128xf32, #tpu.memory_space<vmem>> -> memref<1x64x128xf32, #tpu.memory_space<vmem>>
    %dma_start3A_539 = tpu.memref_squeeze %dma_start3A_538 : memref<1x64x128xf32, #tpu.memory_space<vmem>> -> memref<64x128xf32, #tpu.memory_space<vmem>>
    %dma_start3A_540 = arith.constant 0 : i32
    %dma_start3A_541 = tpu.memref_slice %arg7[%dma_start3A_535, %dma_start3A_540] : memref<4x64xi32, #tpu.memory_space<vmem>> -> memref<1x64xi32, #tpu.memory_space<vmem>>
    %dma_start3A_542 = tpu.memref_squeeze %dma_start3A_541 : memref<1x64xi32, #tpu.memory_space<vmem>> -> memref<64xi32, #tpu.memory_space<vmem>>
    %dma_start3A_543 = arith.constant 0 : i32
    %dma_start3A_544 = arith.constant 0 : i32
    %dma_start3A_545 = tpu.memref_slice %arg9[%dma_start3A_543, %dma_start3A_544] : memref<10240x128xf32, #tpu.memory_space<vmem_shared>> -> memref<10240x128xf32, #tpu.memory_space<vmem_shared>>
    tpu.enqueue_indirect_dma source(%dma_start3A_539 : memref<64x128xf32, #tpu.memory_space<vmem>>) target(%dma_start3A_545 : memref<10240x128xf32, #tpu.memory_space<vmem_shared>>) offsets(%dma_start3A_542 : memref<64xi32, #tpu.memory_space<vmem>>) semaphore(%arg23 : memref<!tpu.dma_semaphore, #tpu.memory_space<semaphore_mem>>) {add = true}
    %dma_wait3A_546 = arith.constant 2 : i32
    %dma_wait3A_547 = arith.constant 2 : i32
    %dma_wait3A_548 = arith.constant 0 : i32
    %dma_wait3A_549 = arith.constant 0 : i32
    %dma_wait3A_550 = tpu.memref_slice %arg8[%dma_wait3A_546, %dma_wait3A_548, %dma_wait3A_549] : memref<4x64x128xf32, #tpu.memory_space<vmem>> -> memref<1x64x128xf32, #tpu.memory_space<vmem>>
    %dma_wait3A_551 = tpu.memref_squeeze %dma_wait3A_550 : memref<1x64x128xf32, #tpu.memory_space<vmem>> -> memref<64x128xf32, #tpu.memory_space<vmem>>
    %dma_wait3A_552 = arith.constant 0 : i32
    %dma_wait3A_553 = tpu.memref_slice %arg7[%dma_wait3A_547, %dma_wait3A_552] : memref<4x64xi32, #tpu.memory_space<vmem>> -> memref<1x64xi32, #tpu.memory_space<vmem>>
    %dma_wait3A_554 = tpu.memref_squeeze %dma_wait3A_553 : memref<1x64xi32, #tpu.memory_space<vmem>> -> memref<64xi32, #tpu.memory_space<vmem>>
    %dma_wait3A_555 = arith.constant 0 : i32
    %dma_wait3A_556 = arith.constant 0 : i32
    %dma_wait3A_557 = tpu.memref_slice %arg9[%dma_wait3A_555, %dma_wait3A_556] : memref<10240x128xf32, #tpu.memory_space<vmem_shared>> -> memref<10240x128xf32, #tpu.memory_space<vmem_shared>>
    tpu.wait_indirect_dma semaphore(%arg24 : memref<!tpu.dma_semaphore, #tpu.memory_space<semaphore_mem>>) src(%dma_wait3A_551 : memref<64x128xf32, #tpu.memory_space<vmem>>) dst(%dma_wait3A_557 : memref<10240x128xf32, #tpu.memory_space<vmem_shared>>)
    %add3A_558 = arith.constant 9856 : i32
    %add3A_559 = arith.addi %add3A_6, %add3A_558 : i32
    %dma_start3A_560 = arith.constant 2 : i32
    %dma_start3A_561 = arith.constant 0 : i32
    %dma_start3A_562 = tpu.memref_slice %arg7[%dma_start3A_560, %dma_start3A_561] : memref<4x64xi32, #tpu.memory_space<vmem>> -> memref<1x64xi32, #tpu.memory_space<vmem>>
    %dma_start3A_563 = tpu.memref_squeeze %dma_start3A_562 : memref<1x64xi32, #tpu.memory_space<vmem>> -> memref<64xi32, #tpu.memory_space<vmem>>
    %dma_start3A_564 = tpu.memref_slice %arg4[%add3A_559] : memref<320000xi32, #tpu.memory_space<hbm>> -> memref<64xi32, #tpu.memory_space<hbm>>
    %dma_start3A_565 = arith.constant 0 : i32
    %dma_start3A_566 = tpu.memref_slice %arg7[%dma_start3A_560, %dma_start3A_565] : memref<4x64xi32, #tpu.memory_space<vmem>> -> memref<1x64xi32, #tpu.memory_space<vmem>>
    %dma_start3A_567 = tpu.memref_squeeze %dma_start3A_566 : memref<1x64xi32, #tpu.memory_space<vmem>> -> memref<64xi32, #tpu.memory_space<vmem>>
    %dma_start3A_568 = tpu.memref_slice %arg4[%add3A_559] : memref<320000xi32, #tpu.memory_space<hbm>> -> memref<64xi32, #tpu.memory_space<hbm>>
    tpu.enqueue_dma source(%dma_start3A_568 : memref<64xi32, #tpu.memory_space<hbm>>) target(%dma_start3A_567 : memref<64xi32, #tpu.memory_space<vmem>>) target_semaphore(%arg16 : memref<!tpu.dma_semaphore, #tpu.memory_space<semaphore_mem>>)
    %dma_wait3A_569 = arith.constant 2 : i32
    %dma_wait3A_570 = arith.constant 0 : i32
    %dma_wait3A_571 = tpu.memref_slice %arg6[%dma_wait3A_569, %dma_wait3A_570] : memref<4x64xi32, #tpu.memory_space<vmem>> -> memref<1x64xi32, #tpu.memory_space<vmem>>
    %dma_wait3A_572 = tpu.memref_squeeze %dma_wait3A_571 : memref<1x64xi32, #tpu.memory_space<vmem>> -> memref<64xi32, #tpu.memory_space<vmem>>
    %dma_wait3A_573 = arith.constant 0 : i32
    %dma_wait3A_574 = tpu.memref_slice %arg3[%dma_wait3A_573] : memref<320000xi32, #tpu.memory_space<hbm>> -> memref<64xi32, #tpu.memory_space<hbm>>
    %dma_wait3A_575 = arith.constant 0 : i32
    %dma_wait3A_576 = tpu.memref_slice %arg6[%dma_wait3A_569, %dma_wait3A_575] : memref<4x64xi32, #tpu.memory_space<vmem>> -> memref<1x64xi32, #tpu.memory_space<vmem>>
    %dma_wait3A_577 = tpu.memref_squeeze %dma_wait3A_576 : memref<1x64xi32, #tpu.memory_space<vmem>> -> memref<64xi32, #tpu.memory_space<vmem>>
    %dma_wait3A_578 = arith.constant 0 : i32
    %dma_wait3A_579 = tpu.memref_slice %arg3[%dma_wait3A_578] : memref<320000xi32, #tpu.memory_space<hbm>> -> memref<64xi32, #tpu.memory_space<hbm>>
    tpu.wait_dma2 semaphore(%arg12 : memref<!tpu.dma_semaphore, #tpu.memory_space<semaphore_mem>>) src(%dma_wait3A_579 : memref<64xi32, #tpu.memory_space<hbm>>) dst(%dma_wait3A_577 : memref<64xi32, #tpu.memory_space<vmem>>)
    %dma_start3A_580 = arith.constant 2 : i32
    %dma_start3A_581 = arith.constant 2 : i32
    %dma_start3A_582 = arith.constant 0 : i32
    %dma_start3A_583 = arith.constant 0 : i32
    %dma_start3A_584 = tpu.memref_slice %arg8[%dma_start3A_581, %dma_start3A_582, %dma_start3A_583] : memref<4x64x128xf32, #tpu.memory_space<vmem>> -> memref<1x64x128xf32, #tpu.memory_space<vmem>>
    %dma_start3A_585 = tpu.memref_squeeze %dma_start3A_584 : memref<1x64x128xf32, #tpu.memory_space<vmem>> -> memref<64x128xf32, #tpu.memory_space<vmem>>
    %dma_start3A_586 = arith.constant 0 : i32
    %dma_start3A_587 = tpu.memref_slice %arg6[%dma_start3A_580, %dma_start3A_586] : memref<4x64xi32, #tpu.memory_space<vmem>> -> memref<1x64xi32, #tpu.memory_space<vmem>>
    %dma_start3A_588 = tpu.memref_squeeze %dma_start3A_587 : memref<1x64xi32, #tpu.memory_space<vmem>> -> memref<64xi32, #tpu.memory_space<vmem>>
    %dma_start3A_589 = arith.constant 0 : i32
    %dma_start3A_590 = arith.constant 0 : i32
    %dma_start3A_591 = tpu.memref_slice %arg2[%dma_start3A_589, %dma_start3A_590] : memref<10000x128xf32, #tpu.memory_space<hbm>> -> memref<10000x128xf32, #tpu.memory_space<hbm>>
    tpu.enqueue_indirect_dma source(%dma_start3A_591 : memref<10000x128xf32, #tpu.memory_space<hbm>>) target(%dma_start3A_585 : memref<64x128xf32, #tpu.memory_space<vmem>>) offsets(%dma_start3A_588 : memref<64xi32, #tpu.memory_space<vmem>>) semaphore(%arg20 : memref<!tpu.dma_semaphore, #tpu.memory_space<semaphore_mem>>)
    %dma_wait3A_592 = arith.constant 3 : i32
    %dma_wait3A_593 = arith.constant 3 : i32
    %dma_wait3A_594 = arith.constant 0 : i32
    %dma_wait3A_595 = arith.constant 0 : i32
    %dma_wait3A_596 = tpu.memref_slice %arg8[%dma_wait3A_592, %dma_wait3A_594, %dma_wait3A_595] : memref<4x64x128xf32, #tpu.memory_space<vmem>> -> memref<1x64x128xf32, #tpu.memory_space<vmem>>
    %dma_wait3A_597 = tpu.memref_squeeze %dma_wait3A_596 : memref<1x64x128xf32, #tpu.memory_space<vmem>> -> memref<64x128xf32, #tpu.memory_space<vmem>>
    %dma_wait3A_598 = arith.constant 0 : i32
    %dma_wait3A_599 = tpu.memref_slice %arg7[%dma_wait3A_593, %dma_wait3A_598] : memref<4x64xi32, #tpu.memory_space<vmem>> -> memref<1x64xi32, #tpu.memory_space<vmem>>
    %dma_wait3A_600 = tpu.memref_squeeze %dma_wait3A_599 : memref<1x64xi32, #tpu.memory_space<vmem>> -> memref<64xi32, #tpu.memory_space<vmem>>
    %dma_wait3A_601 = arith.constant 0 : i32
    %dma_wait3A_602 = arith.constant 0 : i32
    %dma_wait3A_603 = tpu.memref_slice %arg9[%dma_wait3A_601, %dma_wait3A_602] : memref<10240x128xf32, #tpu.memory_space<vmem_shared>> -> memref<10240x128xf32, #tpu.memory_space<vmem_shared>>
    tpu.wait_indirect_dma semaphore(%arg25 : memref<!tpu.dma_semaphore, #tpu.memory_space<semaphore_mem>>) src(%dma_wait3A_597 : memref<64x128xf32, #tpu.memory_space<vmem>>) dst(%dma_wait3A_603 : memref<10240x128xf32, #tpu.memory_space<vmem_shared>>)
    %add3A_604 = arith.constant 9920 : i32
    %add3A_605 = arith.addi %add3A_6, %add3A_604 : i32
    %dma_start3A_606 = arith.constant 3 : i32
    %dma_start3A_607 = arith.constant 0 : i32
    %dma_start3A_608 = tpu.memref_slice %arg7[%dma_start3A_606, %dma_start3A_607] : memref<4x64xi32, #tpu.memory_space<vmem>> -> memref<1x64xi32, #tpu.memory_space<vmem>>
    %dma_start3A_609 = tpu.memref_squeeze %dma_start3A_608 : memref<1x64xi32, #tpu.memory_space<vmem>> -> memref<64xi32, #tpu.memory_space<vmem>>
    %dma_start3A_610 = tpu.memref_slice %arg4[%add3A_605] : memref<320000xi32, #tpu.memory_space<hbm>> -> memref<64xi32, #tpu.memory_space<hbm>>
    %dma_start3A_611 = arith.constant 0 : i32
    %dma_start3A_612 = tpu.memref_slice %arg7[%dma_start3A_606, %dma_start3A_611] : memref<4x64xi32, #tpu.memory_space<vmem>> -> memref<1x64xi32, #tpu.memory_space<vmem>>
    %dma_start3A_613 = tpu.memref_squeeze %dma_start3A_612 : memref<1x64xi32, #tpu.memory_space<vmem>> -> memref<64xi32, #tpu.memory_space<vmem>>
    %dma_start3A_614 = tpu.memref_slice %arg4[%add3A_605] : memref<320000xi32, #tpu.memory_space<hbm>> -> memref<64xi32, #tpu.memory_space<hbm>>
    tpu.enqueue_dma source(%dma_start3A_614 : memref<64xi32, #tpu.memory_space<hbm>>) target(%dma_start3A_613 : memref<64xi32, #tpu.memory_space<vmem>>) target_semaphore(%arg17 : memref<!tpu.dma_semaphore, #tpu.memory_space<semaphore_mem>>)
    %dma_wait3A_615 = arith.constant 3 : i32
    %dma_wait3A_616 = arith.constant 0 : i32
    %dma_wait3A_617 = tpu.memref_slice %arg6[%dma_wait3A_615, %dma_wait3A_616] : memref<4x64xi32, #tpu.memory_space<vmem>> -> memref<1x64xi32, #tpu.memory_space<vmem>>
    %dma_wait3A_618 = tpu.memref_squeeze %dma_wait3A_617 : memref<1x64xi32, #tpu.memory_space<vmem>> -> memref<64xi32, #tpu.memory_space<vmem>>
    %dma_wait3A_619 = arith.constant 0 : i32
    %dma_wait3A_620 = tpu.memref_slice %arg3[%dma_wait3A_619] : memref<320000xi32, #tpu.memory_space<hbm>> -> memref<64xi32, #tpu.memory_space<hbm>>
    %dma_wait3A_621 = arith.constant 0 : i32
    %dma_wait3A_622 = tpu.memref_slice %arg6[%dma_wait3A_615, %dma_wait3A_621] : memref<4x64xi32, #tpu.memory_space<vmem>> -> memref<1x64xi32, #tpu.memory_space<vmem>>
    %dma_wait3A_623 = tpu.memref_squeeze %dma_wait3A_622 : memref<1x64xi32, #tpu.memory_space<vmem>> -> memref<64xi32, #tpu.memory_space<vmem>>
    %dma_wait3A_624 = arith.constant 0 : i32
    %dma_wait3A_625 = tpu.memref_slice %arg3[%dma_wait3A_624] : memref<320000xi32, #tpu.memory_space<hbm>> -> memref<64xi32, #tpu.memory_space<hbm>>
    tpu.wait_dma2 semaphore(%arg13 : memref<!tpu.dma_semaphore, #tpu.memory_space<semaphore_mem>>) src(%dma_wait3A_625 : memref<64xi32, #tpu.memory_space<hbm>>) dst(%dma_wait3A_623 : memref<64xi32, #tpu.memory_space<vmem>>)
    %dma_start3A_626 = arith.constant 3 : i32
    %dma_start3A_627 = arith.constant 3 : i32
    %dma_start3A_628 = arith.constant 0 : i32
    %dma_start3A_629 = arith.constant 0 : i32
    %dma_start3A_630 = tpu.memref_slice %arg8[%dma_start3A_627, %dma_start3A_628, %dma_start3A_629] : memref<4x64x128xf32, #tpu.memory_space<vmem>> -> memref<1x64x128xf32, #tpu.memory_space<vmem>>
    %dma_start3A_631 = tpu.memref_squeeze %dma_start3A_630 : memref<1x64x128xf32, #tpu.memory_space<vmem>> -> memref<64x128xf32, #tpu.memory_space<vmem>>
    %dma_start3A_632 = arith.constant 0 : i32
    %dma_start3A_633 = tpu.memref_slice %arg6[%dma_start3A_626, %dma_start3A_632] : memref<4x64xi32, #tpu.memory_space<vmem>> -> memref<1x64xi32, #tpu.memory_space<vmem>>
    %dma_start3A_634 = tpu.memref_squeeze %dma_start3A_633 : memref<1x64xi32, #tpu.memory_space<vmem>> -> memref<64xi32, #tpu.memory_space<vmem>>
    %dma_start3A_635 = arith.constant 0 : i32
    %dma_start3A_636 = arith.constant 0 : i32
    %dma_start3A_637 = tpu.memref_slice %arg2[%dma_start3A_635, %dma_start3A_636] : memref<10000x128xf32, #tpu.memory_space<hbm>> -> memref<10000x128xf32, #tpu.memory_space<hbm>>
    tpu.enqueue_indirect_dma source(%dma_start3A_637 : memref<10000x128xf32, #tpu.memory_space<hbm>>) target(%dma_start3A_631 : memref<64x128xf32, #tpu.memory_space<vmem>>) offsets(%dma_start3A_634 : memref<64xi32, #tpu.memory_space<vmem>>) semaphore(%arg21 : memref<!tpu.dma_semaphore, #tpu.memory_space<semaphore_mem>>)
    %dma_wait3A_638 = arith.constant 0 : i32
    %dma_wait3A_639 = arith.constant 2 : i32
    %dma_wait3A_640 = arith.constant 0 : i32
    %dma_wait3A_641 = arith.constant 0 : i32
    %dma_wait3A_642 = tpu.memref_slice %arg8[%dma_wait3A_639, %dma_wait3A_640, %dma_wait3A_641] : memref<4x64x128xf32, #tpu.memory_space<vmem>> -> memref<1x64x128xf32, #tpu.memory_space<vmem>>
    %dma_wait3A_643 = tpu.memref_squeeze %dma_wait3A_642 : memref<1x64x128xf32, #tpu.memory_space<vmem>> -> memref<64x128xf32, #tpu.memory_space<vmem>>
    %dma_wait3A_644 = arith.constant 0 : i32
    %dma_wait3A_645 = tpu.memref_slice %arg6[%dma_wait3A_638, %dma_wait3A_644] : memref<4x64xi32, #tpu.memory_space<vmem>> -> memref<1x64xi32, #tpu.memory_space<vmem>>
    %dma_wait3A_646 = tpu.memref_squeeze %dma_wait3A_645 : memref<1x64xi32, #tpu.memory_space<vmem>> -> memref<64xi32, #tpu.memory_space<vmem>>
    %dma_wait3A_647 = arith.constant 0 : i32
    %dma_wait3A_648 = arith.constant 0 : i32
    %dma_wait3A_649 = tpu.memref_slice %arg2[%dma_wait3A_647, %dma_wait3A_648] : memref<10000x128xf32, #tpu.memory_space<hbm>> -> memref<10000x128xf32, #tpu.memory_space<hbm>>
    tpu.wait_indirect_dma semaphore(%arg20 : memref<!tpu.dma_semaphore, #tpu.memory_space<semaphore_mem>>) src(%dma_wait3A_649 : memref<10000x128xf32, #tpu.memory_space<hbm>>) dst(%dma_wait3A_643 : memref<64x128xf32, #tpu.memory_space<vmem>>)
    %dma_wait3A_650 = arith.constant 2 : i32
    %dma_wait3A_651 = arith.constant 0 : i32
    %dma_wait3A_652 = tpu.memref_slice %arg7[%dma_wait3A_650, %dma_wait3A_651] : memref<4x64xi32, #tpu.memory_space<vmem>> -> memref<1x64xi32, #tpu.memory_space<vmem>>
    %dma_wait3A_653 = tpu.memref_squeeze %dma_wait3A_652 : memref<1x64xi32, #tpu.memory_space<vmem>> -> memref<64xi32, #tpu.memory_space<vmem>>
    %dma_wait3A_654 = arith.constant 0 : i32
    %dma_wait3A_655 = tpu.memref_slice %arg4[%dma_wait3A_654] : memref<320000xi32, #tpu.memory_space<hbm>> -> memref<64xi32, #tpu.memory_space<hbm>>
    %dma_wait3A_656 = arith.constant 0 : i32
    %dma_wait3A_657 = tpu.memref_slice %arg7[%dma_wait3A_650, %dma_wait3A_656] : memref<4x64xi32, #tpu.memory_space<vmem>> -> memref<1x64xi32, #tpu.memory_space<vmem>>
    %dma_wait3A_658 = tpu.memref_squeeze %dma_wait3A_657 : memref<1x64xi32, #tpu.memory_space<vmem>> -> memref<64xi32, #tpu.memory_space<vmem>>
    %dma_wait3A_659 = arith.constant 0 : i32
    %dma_wait3A_660 = tpu.memref_slice %arg4[%dma_wait3A_659] : memref<320000xi32, #tpu.memory_space<hbm>> -> memref<64xi32, #tpu.memory_space<hbm>>
    tpu.wait_dma2 semaphore(%arg16 : memref<!tpu.dma_semaphore, #tpu.memory_space<semaphore_mem>>) src(%dma_wait3A_660 : memref<64xi32, #tpu.memory_space<hbm>>) dst(%dma_wait3A_658 : memref<64xi32, #tpu.memory_space<vmem>>)
    %dma_start3A_661 = arith.constant 2 : i32
    %dma_start3A_662 = arith.constant 2 : i32
    %dma_start3A_663 = arith.constant 0 : i32
    %dma_start3A_664 = arith.constant 0 : i32
    %dma_start3A_665 = tpu.memref_slice %arg8[%dma_start3A_661, %dma_start3A_663, %dma_start3A_664] : memref<4x64x128xf32, #tpu.memory_space<vmem>> -> memref<1x64x128xf32, #tpu.memory_space<vmem>>
    %dma_start3A_666 = tpu.memref_squeeze %dma_start3A_665 : memref<1x64x128xf32, #tpu.memory_space<vmem>> -> memref<64x128xf32, #tpu.memory_space<vmem>>
    %dma_start3A_667 = arith.constant 0 : i32
    %dma_start3A_668 = tpu.memref_slice %arg7[%dma_start3A_662, %dma_start3A_667] : memref<4x64xi32, #tpu.memory_space<vmem>> -> memref<1x64xi32, #tpu.memory_space<vmem>>
    %dma_start3A_669 = tpu.memref_squeeze %dma_start3A_668 : memref<1x64xi32, #tpu.memory_space<vmem>> -> memref<64xi32, #tpu.memory_space<vmem>>
    %dma_start3A_670 = arith.constant 0 : i32
    %dma_start3A_671 = arith.constant 0 : i32
    %dma_start3A_672 = tpu.memref_slice %arg9[%dma_start3A_670, %dma_start3A_671] : memref<10240x128xf32, #tpu.memory_space<vmem_shared>> -> memref<10240x128xf32, #tpu.memory_space<vmem_shared>>
    tpu.enqueue_indirect_dma source(%dma_start3A_666 : memref<64x128xf32, #tpu.memory_space<vmem>>) target(%dma_start3A_672 : memref<10240x128xf32, #tpu.memory_space<vmem_shared>>) offsets(%dma_start3A_669 : memref<64xi32, #tpu.memory_space<vmem>>) semaphore(%arg24 : memref<!tpu.dma_semaphore, #tpu.memory_space<semaphore_mem>>) {add = true}
    %dma_wait3A_673 = arith.constant 0 : i32
    %dma_wait3A_674 = arith.constant 3 : i32
    %dma_wait3A_675 = arith.constant 0 : i32
    %dma_wait3A_676 = arith.constant 0 : i32
    %dma_wait3A_677 = tpu.memref_slice %arg8[%dma_wait3A_674, %dma_wait3A_675, %dma_wait3A_676] : memref<4x64x128xf32, #tpu.memory_space<vmem>> -> memref<1x64x128xf32, #tpu.memory_space<vmem>>
    %dma_wait3A_678 = tpu.memref_squeeze %dma_wait3A_677 : memref<1x64x128xf32, #tpu.memory_space<vmem>> -> memref<64x128xf32, #tpu.memory_space<vmem>>
    %dma_wait3A_679 = arith.constant 0 : i32
    %dma_wait3A_680 = tpu.memref_slice %arg6[%dma_wait3A_673, %dma_wait3A_679] : memref<4x64xi32, #tpu.memory_space<vmem>> -> memref<1x64xi32, #tpu.memory_space<vmem>>
    %dma_wait3A_681 = tpu.memref_squeeze %dma_wait3A_680 : memref<1x64xi32, #tpu.memory_space<vmem>> -> memref<64xi32, #tpu.memory_space<vmem>>
    %dma_wait3A_682 = arith.constant 0 : i32
    %dma_wait3A_683 = arith.constant 0 : i32
    %dma_wait3A_684 = tpu.memref_slice %arg2[%dma_wait3A_682, %dma_wait3A_683] : memref<10000x128xf32, #tpu.memory_space<hbm>> -> memref<10000x128xf32, #tpu.memory_space<hbm>>
    tpu.wait_indirect_dma semaphore(%arg21 : memref<!tpu.dma_semaphore, #tpu.memory_space<semaphore_mem>>) src(%dma_wait3A_684 : memref<10000x128xf32, #tpu.memory_space<hbm>>) dst(%dma_wait3A_678 : memref<64x128xf32, #tpu.memory_space<vmem>>)
    %dma_wait3A_685 = arith.constant 3 : i32
    %dma_wait3A_686 = arith.constant 0 : i32
    %dma_wait3A_687 = tpu.memref_slice %arg7[%dma_wait3A_685, %dma_wait3A_686] : memref<4x64xi32, #tpu.memory_space<vmem>> -> memref<1x64xi32, #tpu.memory_space<vmem>>
    %dma_wait3A_688 = tpu.memref_squeeze %dma_wait3A_687 : memref<1x64xi32, #tpu.memory_space<vmem>> -> memref<64xi32, #tpu.memory_space<vmem>>
    %dma_wait3A_689 = arith.constant 0 : i32
    %dma_wait3A_690 = tpu.memref_slice %arg4[%dma_wait3A_689] : memref<320000xi32, #tpu.memory_space<hbm>> -> memref<64xi32, #tpu.memory_space<hbm>>
    %dma_wait3A_691 = arith.constant 0 : i32
    %dma_wait3A_692 = tpu.memref_slice %arg7[%dma_wait3A_685, %dma_wait3A_691] : memref<4x64xi32, #tpu.memory_space<vmem>> -> memref<1x64xi32, #tpu.memory_space<vmem>>
    %dma_wait3A_693 = tpu.memref_squeeze %dma_wait3A_692 : memref<1x64xi32, #tpu.memory_space<vmem>> -> memref<64xi32, #tpu.memory_space<vmem>>
    %dma_wait3A_694 = arith.constant 0 : i32
    %dma_wait3A_695 = tpu.memref_slice %arg4[%dma_wait3A_694] : memref<320000xi32, #tpu.memory_space<hbm>> -> memref<64xi32, #tpu.memory_space<hbm>>
    tpu.wait_dma2 semaphore(%arg17 : memref<!tpu.dma_semaphore, #tpu.memory_space<semaphore_mem>>) src(%dma_wait3A_695 : memref<64xi32, #tpu.memory_space<hbm>>) dst(%dma_wait3A_693 : memref<64xi32, #tpu.memory_space<vmem>>)
    %dma_start3A_696 = arith.constant 3 : i32
    %dma_start3A_697 = arith.constant 3 : i32
    %dma_start3A_698 = arith.constant 0 : i32
    %dma_start3A_699 = arith.constant 0 : i32
    %dma_start3A_700 = tpu.memref_slice %arg8[%dma_start3A_696, %dma_start3A_698, %dma_start3A_699] : memref<4x64x128xf32, #tpu.memory_space<vmem>> -> memref<1x64x128xf32, #tpu.memory_space<vmem>>
    %dma_start3A_701 = tpu.memref_squeeze %dma_start3A_700 : memref<1x64x128xf32, #tpu.memory_space<vmem>> -> memref<64x128xf32, #tpu.memory_space<vmem>>
    %dma_start3A_702 = arith.constant 0 : i32
    %dma_start3A_703 = tpu.memref_slice %arg7[%dma_start3A_697, %dma_start3A_702] : memref<4x64xi32, #tpu.memory_space<vmem>> -> memref<1x64xi32, #tpu.memory_space<vmem>>
    %dma_start3A_704 = tpu.memref_squeeze %dma_start3A_703 : memref<1x64xi32, #tpu.memory_space<vmem>> -> memref<64xi32, #tpu.memory_space<vmem>>
    %dma_start3A_705 = arith.constant 0 : i32
    %dma_start3A_706 = arith.constant 0 : i32
    %dma_start3A_707 = tpu.memref_slice %arg9[%dma_start3A_705, %dma_start3A_706] : memref<10240x128xf32, #tpu.memory_space<vmem_shared>> -> memref<10240x128xf32, #tpu.memory_space<vmem_shared>>
    tpu.enqueue_indirect_dma source(%dma_start3A_701 : memref<64x128xf32, #tpu.memory_space<vmem>>) target(%dma_start3A_707 : memref<10240x128xf32, #tpu.memory_space<vmem_shared>>) offsets(%dma_start3A_704 : memref<64xi32, #tpu.memory_space<vmem>>) semaphore(%arg25 : memref<!tpu.dma_semaphore, #tpu.memory_space<semaphore_mem>>) {add = true}
    %dma_wait3A_708 = arith.constant 0 : i32
    %dma_wait3A_709 = arith.constant 0 : i32
    %dma_wait3A_710 = arith.constant 0 : i32
    %dma_wait3A_711 = arith.constant 0 : i32
    %dma_wait3A_712 = tpu.memref_slice %arg8[%dma_wait3A_708, %dma_wait3A_710, %dma_wait3A_711] : memref<4x64x128xf32, #tpu.memory_space<vmem>> -> memref<1x64x128xf32, #tpu.memory_space<vmem>>
    %dma_wait3A_713 = tpu.memref_squeeze %dma_wait3A_712 : memref<1x64x128xf32, #tpu.memory_space<vmem>> -> memref<64x128xf32, #tpu.memory_space<vmem>>
    %dma_wait3A_714 = arith.constant 0 : i32
    %dma_wait3A_715 = tpu.memref_slice %arg7[%dma_wait3A_709, %dma_wait3A_714] : memref<4x64xi32, #tpu.memory_space<vmem>> -> memref<1x64xi32, #tpu.memory_space<vmem>>
    %dma_wait3A_716 = tpu.memref_squeeze %dma_wait3A_715 : memref<1x64xi32, #tpu.memory_space<vmem>> -> memref<64xi32, #tpu.memory_space<vmem>>
    %dma_wait3A_717 = arith.constant 0 : i32
    %dma_wait3A_718 = arith.constant 0 : i32
    %dma_wait3A_719 = tpu.memref_slice %arg9[%dma_wait3A_717, %dma_wait3A_718] : memref<10240x128xf32, #tpu.memory_space<vmem_shared>> -> memref<10240x128xf32, #tpu.memory_space<vmem_shared>>
    tpu.wait_indirect_dma semaphore(%arg22 : memref<!tpu.dma_semaphore, #tpu.memory_space<semaphore_mem>>) src(%dma_wait3A_713 : memref<64x128xf32, #tpu.memory_space<vmem>>) dst(%dma_wait3A_719 : memref<10240x128xf32, #tpu.memory_space<vmem_shared>>)
    %dma_wait3A_720 = arith.constant 1 : i32
    %dma_wait3A_721 = arith.constant 1 : i32
    %dma_wait3A_722 = arith.constant 0 : i32
    %dma_wait3A_723 = arith.constant 0 : i32
    %dma_wait3A_724 = tpu.memref_slice %arg8[%dma_wait3A_720, %dma_wait3A_722, %dma_wait3A_723] : memref<4x64x128xf32, #tpu.memory_space<vmem>> -> memref<1x64x128xf32, #tpu.memory_space<vmem>>
    %dma_wait3A_725 = tpu.memref_squeeze %dma_wait3A_724 : memref<1x64x128xf32, #tpu.memory_space<vmem>> -> memref<64x128xf32, #tpu.memory_space<vmem>>
    %dma_wait3A_726 = arith.constant 0 : i32
    %dma_wait3A_727 = tpu.memref_slice %arg7[%dma_wait3A_721, %dma_wait3A_726] : memref<4x64xi32, #tpu.memory_space<vmem>> -> memref<1x64xi32, #tpu.memory_space<vmem>>
    %dma_wait3A_728 = tpu.memref_squeeze %dma_wait3A_727 : memref<1x64xi32, #tpu.memory_space<vmem>> -> memref<64xi32, #tpu.memory_space<vmem>>
    %dma_wait3A_729 = arith.constant 0 : i32
    %dma_wait3A_730 = arith.constant 0 : i32
    %dma_wait3A_731 = tpu.memref_slice %arg9[%dma_wait3A_729, %dma_wait3A_730] : memref<10240x128xf32, #tpu.memory_space<vmem_shared>> -> memref<10240x128xf32, #tpu.memory_space<vmem_shared>>
    tpu.wait_indirect_dma semaphore(%arg23 : memref<!tpu.dma_semaphore, #tpu.memory_space<semaphore_mem>>) src(%dma_wait3A_725 : memref<64x128xf32, #tpu.memory_space<vmem>>) dst(%dma_wait3A_731 : memref<10240x128xf32, #tpu.memory_space<vmem_shared>>)
    %dma_wait3A_732 = arith.constant 2 : i32
    %dma_wait3A_733 = arith.constant 2 : i32
    %dma_wait3A_734 = arith.constant 0 : i32
    %dma_wait3A_735 = arith.constant 0 : i32
    %dma_wait3A_736 = tpu.memref_slice %arg8[%dma_wait3A_732, %dma_wait3A_734, %dma_wait3A_735] : memref<4x64x128xf32, #tpu.memory_space<vmem>> -> memref<1x64x128xf32, #tpu.memory_space<vmem>>
    %dma_wait3A_737 = tpu.memref_squeeze %dma_wait3A_736 : memref<1x64x128xf32, #tpu.memory_space<vmem>> -> memref<64x128xf32, #tpu.memory_space<vmem>>
    %dma_wait3A_738 = arith.constant 0 : i32
    %dma_wait3A_739 = tpu.memref_slice %arg7[%dma_wait3A_733, %dma_wait3A_738] : memref<4x64xi32, #tpu.memory_space<vmem>> -> memref<1x64xi32, #tpu.memory_space<vmem>>
    %dma_wait3A_740 = tpu.memref_squeeze %dma_wait3A_739 : memref<1x64xi32, #tpu.memory_space<vmem>> -> memref<64xi32, #tpu.memory_space<vmem>>
    %dma_wait3A_741 = arith.constant 0 : i32
    %dma_wait3A_742 = arith.constant 0 : i32
    %dma_wait3A_743 = tpu.memref_slice %arg9[%dma_wait3A_741, %dma_wait3A_742] : memref<10240x128xf32, #tpu.memory_space<vmem_shared>> -> memref<10240x128xf32, #tpu.memory_space<vmem_shared>>
    tpu.wait_indirect_dma semaphore(%arg24 : memref<!tpu.dma_semaphore, #tpu.memory_space<semaphore_mem>>) src(%dma_wait3A_737 : memref<64x128xf32, #tpu.memory_space<vmem>>) dst(%dma_wait3A_743 : memref<10240x128xf32, #tpu.memory_space<vmem_shared>>)
    %dma_wait3A_744 = arith.constant 3 : i32
    %dma_wait3A_745 = arith.constant 3 : i32
    %dma_wait3A_746 = arith.constant 0 : i32
    %dma_wait3A_747 = arith.constant 0 : i32
    %dma_wait3A_748 = tpu.memref_slice %arg8[%dma_wait3A_744, %dma_wait3A_746, %dma_wait3A_747] : memref<4x64x128xf32, #tpu.memory_space<vmem>> -> memref<1x64x128xf32, #tpu.memory_space<vmem>>
    %dma_wait3A_749 = tpu.memref_squeeze %dma_wait3A_748 : memref<1x64x128xf32, #tpu.memory_space<vmem>> -> memref<64x128xf32, #tpu.memory_space<vmem>>
    %dma_wait3A_750 = arith.constant 0 : i32
    %dma_wait3A_751 = tpu.memref_slice %arg7[%dma_wait3A_745, %dma_wait3A_750] : memref<4x64xi32, #tpu.memory_space<vmem>> -> memref<1x64xi32, #tpu.memory_space<vmem>>
    %dma_wait3A_752 = tpu.memref_squeeze %dma_wait3A_751 : memref<1x64xi32, #tpu.memory_space<vmem>> -> memref<64xi32, #tpu.memory_space<vmem>>
    %dma_wait3A_753 = arith.constant 0 : i32
    %dma_wait3A_754 = arith.constant 0 : i32
    %dma_wait3A_755 = tpu.memref_slice %arg9[%dma_wait3A_753, %dma_wait3A_754] : memref<10240x128xf32, #tpu.memory_space<vmem_shared>> -> memref<10240x128xf32, #tpu.memory_space<vmem_shared>>
    tpu.wait_indirect_dma semaphore(%arg25 : memref<!tpu.dma_semaphore, #tpu.memory_space<semaphore_mem>>) src(%dma_wait3A_749 : memref<64x128xf32, #tpu.memory_space<vmem>>) dst(%dma_wait3A_755 : memref<10240x128xf32, #tpu.memory_space<vmem_shared>>)
    %lt3A = arith.constant 8 : i32
    %lt3A_756 = arith.cmpi slt, %add3A, %lt3A : i32
    %convert_element_type3A = arith.extui %lt3A_756 : i1 to i32
    %cond3A = arith.constant 0 : i32
    %cond3A_757 = arith.cmpi ne, %convert_element_type3A, %cond3A : i32
    scf.if %cond3A_757 {
      %add3A_763 = arith.constant 9984 : i32
      %add3A_764 = arith.addi %add3A_6, %add3A_763 : i32
      %dma_start3A_765 = arith.constant 0 : i32
      %dma_start3A_766 = arith.constant 0 : i32
      %dma_start3A_767 = tpu.memref_slice %arg6[%dma_start3A_765, %dma_start3A_766] : memref<4x64xi32, #tpu.memory_space<vmem>> -> memref<1x64xi32, #tpu.memory_space<vmem>>
      %dma_start3A_768 = tpu.memref_squeeze %dma_start3A_767 : memref<1x64xi32, #tpu.memory_space<vmem>> -> memref<64xi32, #tpu.memory_space<vmem>>
      %dma_start3A_769 = tpu.memref_slice %arg3[%add3A_764] : memref<320000xi32, #tpu.memory_space<hbm>> -> memref<64xi32, #tpu.memory_space<hbm>>
      %dma_start3A_770 = arith.constant 0 : i32
      %dma_start3A_771 = tpu.memref_slice %arg6[%dma_start3A_765, %dma_start3A_770] : memref<4x64xi32, #tpu.memory_space<vmem>> -> memref<1x64xi32, #tpu.memory_space<vmem>>
      %dma_start3A_772 = tpu.memref_squeeze %dma_start3A_771 : memref<1x64xi32, #tpu.memory_space<vmem>> -> memref<64xi32, #tpu.memory_space<vmem>>
      %dma_start3A_773 = tpu.memref_slice %arg3[%add3A_764] : memref<320000xi32, #tpu.memory_space<hbm>> -> memref<64xi32, #tpu.memory_space<hbm>>
      tpu.enqueue_dma source(%dma_start3A_773 : memref<64xi32, #tpu.memory_space<hbm>>) target(%dma_start3A_772 : memref<64xi32, #tpu.memory_space<vmem>>) target_semaphore(%arg10 : memref<!tpu.dma_semaphore, #tpu.memory_space<semaphore_mem>>)
      %add3A_774 = arith.constant 9984 : i32
      %add3A_775 = arith.addi %add3A_6, %add3A_774 : i32
      %dma_start3A_776 = arith.constant 0 : i32
      %dma_start3A_777 = arith.constant 0 : i32
      %dma_start3A_778 = tpu.memref_slice %arg7[%dma_start3A_776, %dma_start3A_777] : memref<4x64xi32, #tpu.memory_space<vmem>> -> memref<1x64xi32, #tpu.memory_space<vmem>>
      %dma_start3A_779 = tpu.memref_squeeze %dma_start3A_778 : memref<1x64xi32, #tpu.memory_space<vmem>> -> memref<64xi32, #tpu.memory_space<vmem>>
      %dma_start3A_780 = tpu.memref_slice %arg4[%add3A_775] : memref<320000xi32, #tpu.memory_space<hbm>> -> memref<64xi32, #tpu.memory_space<hbm>>
      %dma_start3A_781 = arith.constant 0 : i32
      %dma_start3A_782 = tpu.memref_slice %arg7[%dma_start3A_776, %dma_start3A_781] : memref<4x64xi32, #tpu.memory_space<vmem>> -> memref<1x64xi32, #tpu.memory_space<vmem>>
      %dma_start3A_783 = tpu.memref_squeeze %dma_start3A_782 : memref<1x64xi32, #tpu.memory_space<vmem>> -> memref<64xi32, #tpu.memory_space<vmem>>
      %dma_start3A_784 = tpu.memref_slice %arg4[%add3A_775] : memref<320000xi32, #tpu.memory_space<hbm>> -> memref<64xi32, #tpu.memory_space<hbm>>
      tpu.enqueue_dma source(%dma_start3A_784 : memref<64xi32, #tpu.memory_space<hbm>>) target(%dma_start3A_783 : memref<64xi32, #tpu.memory_space<vmem>>) target_semaphore(%arg14 : memref<!tpu.dma_semaphore, #tpu.memory_space<semaphore_mem>>)
      %dma_wait3A_785 = arith.constant 0 : i32
      %dma_wait3A_786 = arith.constant 0 : i32
      %dma_wait3A_787 = tpu.memref_slice %arg6[%dma_wait3A_785, %dma_wait3A_786] : memref<4x64xi32, #tpu.memory_space<vmem>> -> memref<1x64xi32, #tpu.memory_space<vmem>>
      %dma_wait3A_788 = tpu.memref_squeeze %dma_wait3A_787 : memref<1x64xi32, #tpu.memory_space<vmem>> -> memref<64xi32, #tpu.memory_space<vmem>>
      %dma_wait3A_789 = arith.constant 0 : i32
      %dma_wait3A_790 = tpu.memref_slice %arg3[%dma_wait3A_789] : memref<320000xi32, #tpu.memory_space<hbm>> -> memref<64xi32, #tpu.memory_space<hbm>>
      %dma_wait3A_791 = arith.constant 0 : i32
      %dma_wait3A_792 = tpu.memref_slice %arg6[%dma_wait3A_785, %dma_wait3A_791] : memref<4x64xi32, #tpu.memory_space<vmem>> -> memref<1x64xi32, #tpu.memory_space<vmem>>
      %dma_wait3A_793 = tpu.memref_squeeze %dma_wait3A_792 : memref<1x64xi32, #tpu.memory_space<vmem>> -> memref<64xi32, #tpu.memory_space<vmem>>
      %dma_wait3A_794 = arith.constant 0 : i32
      %dma_wait3A_795 = tpu.memref_slice %arg3[%dma_wait3A_794] : memref<320000xi32, #tpu.memory_space<hbm>> -> memref<64xi32, #tpu.memory_space<hbm>>
      tpu.wait_dma2 semaphore(%arg10 : memref<!tpu.dma_semaphore, #tpu.memory_space<semaphore_mem>>) src(%dma_wait3A_795 : memref<64xi32, #tpu.memory_space<hbm>>) dst(%dma_wait3A_793 : memref<64xi32, #tpu.memory_space<vmem>>)
      %dma_start3A_796 = arith.constant 0 : i32
      %dma_start3A_797 = arith.constant 0 : i32
      %dma_start3A_798 = arith.constant 0 : i32
      %dma_start3A_799 = arith.constant 0 : i32
      %dma_start3A_800 = tpu.memref_slice %arg8[%dma_start3A_797, %dma_start3A_798, %dma_start3A_799] : memref<4x64x128xf32, #tpu.memory_space<vmem>> -> memref<1x64x128xf32, #tpu.memory_space<vmem>>
      %dma_start3A_801 = tpu.memref_squeeze %dma_start3A_800 : memref<1x64x128xf32, #tpu.memory_space<vmem>> -> memref<64x128xf32, #tpu.memory_space<vmem>>
      %dma_start3A_802 = arith.constant 0 : i32
      %dma_start3A_803 = tpu.memref_slice %arg6[%dma_start3A_796, %dma_start3A_802] : memref<4x64xi32, #tpu.memory_space<vmem>> -> memref<1x64xi32, #tpu.memory_space<vmem>>
      %dma_start3A_804 = tpu.memref_squeeze %dma_start3A_803 : memref<1x64xi32, #tpu.memory_space<vmem>> -> memref<64xi32, #tpu.memory_space<vmem>>
      %dma_start3A_805 = arith.constant 0 : i32
      %dma_start3A_806 = arith.constant 0 : i32
      %dma_start3A_807 = tpu.memref_slice %arg2[%dma_start3A_805, %dma_start3A_806] : memref<10000x128xf32, #tpu.memory_space<hbm>> -> memref<10000x128xf32, #tpu.memory_space<hbm>>
      tpu.enqueue_indirect_dma source(%dma_start3A_807 : memref<10000x128xf32, #tpu.memory_space<hbm>>) target(%dma_start3A_801 : memref<64x128xf32, #tpu.memory_space<vmem>>) offsets(%dma_start3A_804 : memref<64xi32, #tpu.memory_space<vmem>>) semaphore(%arg18 : memref<!tpu.dma_semaphore, #tpu.memory_space<semaphore_mem>>)
      %dma_wait3A_808 = arith.constant 0 : i32
      %dma_wait3A_809 = arith.constant 0 : i32
      %dma_wait3A_810 = arith.constant 0 : i32
      %dma_wait3A_811 = arith.constant 0 : i32
      %dma_wait3A_812 = tpu.memref_slice %arg8[%dma_wait3A_809, %dma_wait3A_810, %dma_wait3A_811] : memref<4x64x128xf32, #tpu.memory_space<vmem>> -> memref<1x64x128xf32, #tpu.memory_space<vmem>>
      %dma_wait3A_813 = tpu.memref_squeeze %dma_wait3A_812 : memref<1x64x128xf32, #tpu.memory_space<vmem>> -> memref<64x128xf32, #tpu.memory_space<vmem>>
      %dma_wait3A_814 = arith.constant 0 : i32
      %dma_wait3A_815 = tpu.memref_slice %arg6[%dma_wait3A_808, %dma_wait3A_814] : memref<4x64xi32, #tpu.memory_space<vmem>> -> memref<1x64xi32, #tpu.memory_space<vmem>>
      %dma_wait3A_816 = tpu.memref_squeeze %dma_wait3A_815 : memref<1x64xi32, #tpu.memory_space<vmem>> -> memref<64xi32, #tpu.memory_space<vmem>>
      %dma_wait3A_817 = arith.constant 0 : i32
      %dma_wait3A_818 = arith.constant 0 : i32
      %dma_wait3A_819 = tpu.memref_slice %arg2[%dma_wait3A_817, %dma_wait3A_818] : memref<10000x128xf32, #tpu.memory_space<hbm>> -> memref<10000x128xf32, #tpu.memory_space<hbm>>
      tpu.wait_indirect_dma semaphore(%arg18 : memref<!tpu.dma_semaphore, #tpu.memory_space<semaphore_mem>>) src(%dma_wait3A_819 : memref<10000x128xf32, #tpu.memory_space<hbm>>) dst(%dma_wait3A_813 : memref<64x128xf32, #tpu.memory_space<vmem>>)
      %dma_wait3A_820 = arith.constant 0 : i32
      %dma_wait3A_821 = arith.constant 0 : i32
      %dma_wait3A_822 = tpu.memref_slice %arg7[%dma_wait3A_820, %dma_wait3A_821] : memref<4x64xi32, #tpu.memory_space<vmem>> -> memref<1x64xi32, #tpu.memory_space<vmem>>
      %dma_wait3A_823 = tpu.memref_squeeze %dma_wait3A_822 : memref<1x64xi32, #tpu.memory_space<vmem>> -> memref<64xi32, #tpu.memory_space<vmem>>
      %dma_wait3A_824 = arith.constant 0 : i32
      %dma_wait3A_825 = tpu.memref_slice %arg4[%dma_wait3A_824] : memref<320000xi32, #tpu.memory_space<hbm>> -> memref<64xi32, #tpu.memory_space<hbm>>
      %dma_wait3A_826 = arith.constant 0 : i32
      %dma_wait3A_827 = tpu.memref_slice %arg7[%dma_wait3A_820, %dma_wait3A_826] : memref<4x64xi32, #tpu.memory_space<vmem>> -> memref<1x64xi32, #tpu.memory_space<vmem>>
      %dma_wait3A_828 = tpu.memref_squeeze %dma_wait3A_827 : memref<1x64xi32, #tpu.memory_space<vmem>> -> memref<64xi32, #tpu.memory_space<vmem>>
      %dma_wait3A_829 = arith.constant 0 : i32
      %dma_wait3A_830 = tpu.memref_slice %arg4[%dma_wait3A_829] : memref<320000xi32, #tpu.memory_space<hbm>> -> memref<64xi32, #tpu.memory_space<hbm>>
      tpu.wait_dma2 semaphore(%arg14 : memref<!tpu.dma_semaphore, #tpu.memory_space<semaphore_mem>>) src(%dma_wait3A_830 : memref<64xi32, #tpu.memory_space<hbm>>) dst(%dma_wait3A_828 : memref<64xi32, #tpu.memory_space<vmem>>)
      %dma_start3A_831 = arith.constant 0 : i32
      %dma_start3A_832 = arith.constant 0 : i32
      %dma_start3A_833 = arith.constant 0 : i32
      %dma_start3A_834 = arith.constant 0 : i32
      %dma_start3A_835 = tpu.memref_slice %arg8[%dma_start3A_831, %dma_start3A_833, %dma_start3A_834] : memref<4x64x128xf32, #tpu.memory_space<vmem>> -> memref<1x64x128xf32, #tpu.memory_space<vmem>>
      %dma_start3A_836 = tpu.memref_squeeze %dma_start3A_835 : memref<1x64x128xf32, #tpu.memory_space<vmem>> -> memref<64x128xf32, #tpu.memory_space<vmem>>
      %dma_start3A_837 = arith.constant 0 : i32
      %dma_start3A_838 = tpu.memref_slice %arg7[%dma_start3A_832, %dma_start3A_837] : memref<4x64xi32, #tpu.memory_space<vmem>> -> memref<1x64xi32, #tpu.memory_space<vmem>>
      %dma_start3A_839 = tpu.memref_squeeze %dma_start3A_838 : memref<1x64xi32, #tpu.memory_space<vmem>> -> memref<64xi32, #tpu.memory_space<vmem>>
      %dma_start3A_840 = arith.constant 0 : i32
      %dma_start3A_841 = arith.constant 0 : i32
      %dma_start3A_842 = tpu.memref_slice %arg9[%dma_start3A_840, %dma_start3A_841] : memref<10240x128xf32, #tpu.memory_space<vmem_shared>> -> memref<10240x128xf32, #tpu.memory_space<vmem_shared>>
      tpu.enqueue_indirect_dma source(%dma_start3A_836 : memref<64x128xf32, #tpu.memory_space<vmem>>) target(%dma_start3A_842 : memref<10240x128xf32, #tpu.memory_space<vmem_shared>>) offsets(%dma_start3A_839 : memref<64xi32, #tpu.memory_space<vmem>>) semaphore(%arg22 : memref<!tpu.dma_semaphore, #tpu.memory_space<semaphore_mem>>) {add = true}
      %dma_wait3A_843 = arith.constant 0 : i32
      %dma_wait3A_844 = arith.constant 0 : i32
      %dma_wait3A_845 = arith.constant 0 : i32
      %dma_wait3A_846 = arith.constant 0 : i32
      %dma_wait3A_847 = tpu.memref_slice %arg8[%dma_wait3A_843, %dma_wait3A_845, %dma_wait3A_846] : memref<4x64x128xf32, #tpu.memory_space<vmem>> -> memref<1x64x128xf32, #tpu.memory_space<vmem>>
      %dma_wait3A_848 = tpu.memref_squeeze %dma_wait3A_847 : memref<1x64x128xf32, #tpu.memory_space<vmem>> -> memref<64x128xf32, #tpu.memory_space<vmem>>
      %dma_wait3A_849 = arith.constant 0 : i32
      %dma_wait3A_850 = tpu.memref_slice %arg7[%dma_wait3A_844, %dma_wait3A_849] : memref<4x64xi32, #tpu.memory_space<vmem>> -> memref<1x64xi32, #tpu.memory_space<vmem>>
      %dma_wait3A_851 = tpu.memref_squeeze %dma_wait3A_850 : memref<1x64xi32, #tpu.memory_space<vmem>> -> memref<64xi32, #tpu.memory_space<vmem>>
      %dma_wait3A_852 = arith.constant 0 : i32
      %dma_wait3A_853 = arith.constant 0 : i32
      %dma_wait3A_854 = tpu.memref_slice %arg9[%dma_wait3A_852, %dma_wait3A_853] : memref<10240x128xf32, #tpu.memory_space<vmem_shared>> -> memref<10240x128xf32, #tpu.memory_space<vmem_shared>>
      tpu.wait_indirect_dma semaphore(%arg22 : memref<!tpu.dma_semaphore, #tpu.memory_space<semaphore_mem>>) src(%dma_wait3A_848 : memref<64x128xf32, #tpu.memory_space<vmem>>) dst(%dma_wait3A_854 : memref<10240x128xf32, #tpu.memory_space<vmem_shared>>)
    } else {
    }
    %barrier3A_758 = arith.constant 0 : index
    tpu.barrier barrier_id(%barrier3A_758)
    %mul3A_759 = arith.constant 640 : i32
    %mul3A_760 = arith.muli %arg1, %mul3A_759 : i32
    %mul3A_761 = arith.constant 640 : i32
    %mul3A_762 = arith.muli %arg1, %mul3A_761 : i32
    "tpu.region"() ({
      %run_scoped3A = tpu.sem_alloc : memref<!tpu.dma_semaphore, #tpu.memory_space<semaphore_mem>>
      %dma_start3A_763 = arith.constant 0 : i32
      %dma_start3A_764 = tpu.memref_slice %arg5[%arg0, %mul3A_762, %dma_start3A_763] : memref<2x10240x128xf32, #tpu.memory_space<hbm>> -> memref<1x640x128xf32, #tpu.memory_space<hbm>>
      %dma_start3A_765 = tpu.memref_squeeze %dma_start3A_764 : memref<1x640x128xf32, #tpu.memory_space<hbm>> -> memref<640x128xf32, #tpu.memory_space<hbm>>
      %dma_start3A_766 = arith.constant 0 : i32
      %dma_start3A_767 = tpu.memref_slice %arg9[%mul3A_760, %dma_start3A_766] : memref<10240x128xf32, #tpu.memory_space<vmem_shared>> -> memref<640x128xf32, #tpu.memory_space<vmem_shared>>
      tpu.enqueue_dma source(%dma_start3A_767 : memref<640x128xf32, #tpu.memory_space<vmem_shared>>) target(%dma_start3A_765 : memref<640x128xf32, #tpu.memory_space<hbm>>) target_semaphore(%run_scoped3A : memref<!tpu.dma_semaphore, #tpu.memory_space<semaphore_mem>>)
      %dma_wait3A_768 = arith.constant 0 : i32
      %dma_wait3A_769 = tpu.memref_slice %arg5[%arg0, %mul3A_762, %dma_wait3A_768] : memref<2x10240x128xf32, #tpu.memory_space<hbm>> -> memref<1x640x128xf32, #tpu.memory_space<hbm>>
      %dma_wait3A_770 = tpu.memref_squeeze %dma_wait3A_769 : memref<1x640x128xf32, #tpu.memory_space<hbm>> -> memref<640x128xf32, #tpu.memory_space<hbm>>
      %dma_wait3A_771 = arith.constant 0 : i32
      %dma_wait3A_772 = tpu.memref_slice %arg9[%mul3A_760, %dma_wait3A_771] : memref<10240x128xf32, #tpu.memory_space<vmem_shared>> -> memref<640x128xf32, #tpu.memory_space<vmem_shared>>
      tpu.wait_dma2 semaphore(%run_scoped3A : memref<!tpu.dma_semaphore, #tpu.memory_space<semaphore_mem>>) src(%dma_wait3A_772 : memref<640x128xf32, #tpu.memory_space<vmem_shared>>) dst(%dma_wait3A_770 : memref<640x128xf32, #tpu.memory_space<hbm>>)
      tpu.yield
    }) : () -> ()
    return
  }
}

#map = affine_map<(d0, d1) -> (0, 0)>
#map1 = affine_map<(d0, d1) -> (0)>
#map2 = affine_map<(d0, d1) -> (0, 0, 0)>
module attributes {stable_mosaic.version = 14 : i64} {
  func.func @_edge_agg(%arg0: i32, %arg1: i32, %arg2: memref<10000x128xf32, #tpu.memory_space<hbm>>, %arg3: memref<320000xi32, #tpu.memory_space<hbm>>, %arg4: memref<320000xi32, #tpu.memory_space<hbm>>, %arg5: memref<2x10240x128xf32, #tpu.memory_space<hbm>>, %arg6: memref<4x64xi32, #tpu.memory_space<vmem>>, %arg7: memref<4x64xi32, #tpu.memory_space<vmem>>, %arg8: memref<4x64x128xf32, #tpu.memory_space<vmem>>, %arg9: memref<10240x128xf32, #tpu.memory_space<vmem_shared>>, %arg10: memref<!tpu.dma_semaphore, #tpu.memory_space<semaphore_mem>>, %arg11: memref<!tpu.dma_semaphore, #tpu.memory_space<semaphore_mem>>, %arg12: memref<!tpu.dma_semaphore, #tpu.memory_space<semaphore_mem>>, %arg13: memref<!tpu.dma_semaphore, #tpu.memory_space<semaphore_mem>>, %arg14: memref<!tpu.dma_semaphore, #tpu.memory_space<semaphore_mem>>, %arg15: memref<!tpu.dma_semaphore, #tpu.memory_space<semaphore_mem>>, %arg16: memref<!tpu.dma_semaphore, #tpu.memory_space<semaphore_mem>>, %arg17: memref<!tpu.dma_semaphore, #tpu.memory_space<semaphore_mem>>, %arg18: memref<!tpu.dma_semaphore, #tpu.memory_space<semaphore_mem>>, %arg19: memref<!tpu.dma_semaphore, #tpu.memory_space<semaphore_mem>>, %arg20: memref<!tpu.dma_semaphore, #tpu.memory_space<semaphore_mem>>, %arg21: memref<!tpu.dma_semaphore, #tpu.memory_space<semaphore_mem>>, %arg22: memref<!tpu.dma_semaphore, #tpu.memory_space<semaphore_mem>>, %arg23: memref<!tpu.dma_semaphore, #tpu.memory_space<semaphore_mem>>, %arg24: memref<!tpu.dma_semaphore, #tpu.memory_space<semaphore_mem>>, %arg25: memref<!tpu.dma_semaphore, #tpu.memory_space<semaphore_mem>>) attributes {dimension_semantics = [#tpu.dimension_semantics<core_parallel>, #tpu.dimension_semantics<subcore_parallel>], iteration_bounds = array<i64: 2, 16>, scalar_prefetch = 0 : i64, scratch_operands = 20 : i64, tpu.core_type = #tpu.core_type<sc_vector_subcore>, window_params = [{transform_indices = #map}, {transform_indices = #map1}, {transform_indices = #map1}, {transform_indices = #map2}]} {
    %mul3A = arith.constant 2 : i32
    %mul3A_0 = arith.muli %arg1, %mul3A : i32
    %add3A = arith.addi %mul3A_0, %arg0 : i32
    %mul3A_1 = arith.constant 9984 : i32
    %mul3A_2 = arith.muli %add3A, %mul3A_1 : i32
    %min3A = arith.constant 8 : i32
    %min3A_3 = arith.minsi %add3A, %min3A : i32
    %mul3A_4 = arith.constant 64 : i32
    %mul3A_5 = arith.muli %min3A_3, %mul3A_4 : i32
    %add3A_6 = arith.addi %mul3A_2, %mul3A_5 : i32
    %add3A_7 = arith.constant 0 : i32
    %add3A_8 = arith.addi %add3A_6, %add3A_7 : i32
    %dma_start3A = arith.constant 0 : i32
    %dma_start3A_9 = arith.constant 0 : i32
    %dma_start3A_10 = tpu.memref_slice %arg6[%dma_start3A, %dma_start3A_9] : memref<4x64xi32, #tpu.memory_space<vmem>> -> memref<1x64xi32, #tpu.memory_space<vmem>>
    %dma_start3A_11 = tpu.memref_squeeze %dma_start3A_10 : memref<1x64xi32, #tpu.memory_space<vmem>> -> memref<64xi32, #tpu.memory_space<vmem>>
    %dma_start3A_12 = tpu.memref_slice %arg3[%add3A_8] : memref<320000xi32, #tpu.memory_space<hbm>> -> memref<64xi32, #tpu.memory_space<hbm>>
    %dma_start3A_13 = arith.constant 0 : i32
    %dma_start3A_14 = tpu.memref_slice %arg6[%dma_start3A, %dma_start3A_13] : memref<4x64xi32, #tpu.memory_space<vmem>> -> memref<1x64xi32, #tpu.memory_space<vmem>>
    %dma_start3A_15 = tpu.memref_squeeze %dma_start3A_14 : memref<1x64xi32, #tpu.memory_space<vmem>> -> memref<64xi32, #tpu.memory_space<vmem>>
    %dma_start3A_16 = tpu.memref_slice %arg3[%add3A_8] : memref<320000xi32, #tpu.memory_space<hbm>> -> memref<64xi32, #tpu.memory_space<hbm>>
    tpu.enqueue_dma source(%dma_start3A_16 : memref<64xi32, #tpu.memory_space<hbm>>) target(%dma_start3A_15 : memref<64xi32, #tpu.memory_space<vmem>>) target_semaphore(%arg10 : memref<!tpu.dma_semaphore, #tpu.memory_space<semaphore_mem>>)
    %add3A_17 = arith.constant 64 : i32
    %add3A_18 = arith.addi %add3A_6, %add3A_17 : i32
    %dma_start3A_19 = arith.constant 1 : i32
    %dma_start3A_20 = arith.constant 0 : i32
    %dma_start3A_21 = tpu.memref_slice %arg6[%dma_start3A_19, %dma_start3A_20] : memref<4x64xi32, #tpu.memory_space<vmem>> -> memref<1x64xi32, #tpu.memory_space<vmem>>
    %dma_start3A_22 = tpu.memref_squeeze %dma_start3A_21 : memref<1x64xi32, #tpu.memory_space<vmem>> -> memref<64xi32, #tpu.memory_space<vmem>>
    %dma_start3A_23 = tpu.memref_slice %arg3[%add3A_18] : memref<320000xi32, #tpu.memory_space<hbm>> -> memref<64xi32, #tpu.memory_space<hbm>>
    %dma_start3A_24 = arith.constant 0 : i32
    %dma_start3A_25 = tpu.memref_slice %arg6[%dma_start3A_19, %dma_start3A_24] : memref<4x64xi32, #tpu.memory_space<vmem>> -> memref<1x64xi32, #tpu.memory_space<vmem>>
    %dma_start3A_26 = tpu.memref_squeeze %dma_start3A_25 : memref<1x64xi32, #tpu.memory_space<vmem>> -> memref<64xi32, #tpu.memory_space<vmem>>
    %dma_start3A_27 = tpu.memref_slice %arg3[%add3A_18] : memref<320000xi32, #tpu.memory_space<hbm>> -> memref<64xi32, #tpu.memory_space<hbm>>
    tpu.enqueue_dma source(%dma_start3A_27 : memref<64xi32, #tpu.memory_space<hbm>>) target(%dma_start3A_26 : memref<64xi32, #tpu.memory_space<vmem>>) target_semaphore(%arg11 : memref<!tpu.dma_semaphore, #tpu.memory_space<semaphore_mem>>)
    %add3A_28 = arith.constant 128 : i32
    %add3A_29 = arith.addi %add3A_6, %add3A_28 : i32
    %dma_start3A_30 = arith.constant 2 : i32
    %dma_start3A_31 = arith.constant 0 : i32
    %dma_start3A_32 = tpu.memref_slice %arg6[%dma_start3A_30, %dma_start3A_31] : memref<4x64xi32, #tpu.memory_space<vmem>> -> memref<1x64xi32, #tpu.memory_space<vmem>>
    %dma_start3A_33 = tpu.memref_squeeze %dma_start3A_32 : memref<1x64xi32, #tpu.memory_space<vmem>> -> memref<64xi32, #tpu.memory_space<vmem>>
    %dma_start3A_34 = tpu.memref_slice %arg3[%add3A_29] : memref<320000xi32, #tpu.memory_space<hbm>> -> memref<64xi32, #tpu.memory_space<hbm>>
    %dma_start3A_35 = arith.constant 0 : i32
    %dma_start3A_36 = tpu.memref_slice %arg6[%dma_start3A_30, %dma_start3A_35] : memref<4x64xi32, #tpu.memory_space<vmem>> -> memref<1x64xi32, #tpu.memory_space<vmem>>
    %dma_start3A_37 = tpu.memref_squeeze %dma_start3A_36 : memref<1x64xi32, #tpu.memory_space<vmem>> -> memref<64xi32, #tpu.memory_space<vmem>>
    %dma_start3A_38 = tpu.memref_slice %arg3[%add3A_29] : memref<320000xi32, #tpu.memory_space<hbm>> -> memref<64xi32, #tpu.memory_space<hbm>>
    tpu.enqueue_dma source(%dma_start3A_38 : memref<64xi32, #tpu.memory_space<hbm>>) target(%dma_start3A_37 : memref<64xi32, #tpu.memory_space<vmem>>) target_semaphore(%arg12 : memref<!tpu.dma_semaphore, #tpu.memory_space<semaphore_mem>>)
    %add3A_39 = arith.constant 192 : i32
    %add3A_40 = arith.addi %add3A_6, %add3A_39 : i32
    %dma_start3A_41 = arith.constant 3 : i32
    %dma_start3A_42 = arith.constant 0 : i32
    %dma_start3A_43 = tpu.memref_slice %arg6[%dma_start3A_41, %dma_start3A_42] : memref<4x64xi32, #tpu.memory_space<vmem>> -> memref<1x64xi32, #tpu.memory_space<vmem>>
    %dma_start3A_44 = tpu.memref_squeeze %dma_start3A_43 : memref<1x64xi32, #tpu.memory_space<vmem>> -> memref<64xi32, #tpu.memory_space<vmem>>
    %dma_start3A_45 = tpu.memref_slice %arg3[%add3A_40] : memref<320000xi32, #tpu.memory_space<hbm>> -> memref<64xi32, #tpu.memory_space<hbm>>
    %dma_start3A_46 = arith.constant 0 : i32
    %dma_start3A_47 = tpu.memref_slice %arg6[%dma_start3A_41, %dma_start3A_46] : memref<4x64xi32, #tpu.memory_space<vmem>> -> memref<1x64xi32, #tpu.memory_space<vmem>>
    %dma_start3A_48 = tpu.memref_squeeze %dma_start3A_47 : memref<1x64xi32, #tpu.memory_space<vmem>> -> memref<64xi32, #tpu.memory_space<vmem>>
    %dma_start3A_49 = tpu.memref_slice %arg3[%add3A_40] : memref<320000xi32, #tpu.memory_space<hbm>> -> memref<64xi32, #tpu.memory_space<hbm>>
    tpu.enqueue_dma source(%dma_start3A_49 : memref<64xi32, #tpu.memory_space<hbm>>) target(%dma_start3A_48 : memref<64xi32, #tpu.memory_space<vmem>>) target_semaphore(%arg13 : memref<!tpu.dma_semaphore, #tpu.memory_space<semaphore_mem>>)
    %add3A_50 = arith.constant 0 : i32
    %add3A_51 = arith.addi %add3A_6, %add3A_50 : i32
    %dma_start3A_52 = arith.constant 0 : i32
    %dma_start3A_53 = arith.constant 0 : i32
    %dma_start3A_54 = tpu.memref_slice %arg7[%dma_start3A_52, %dma_start3A_53] : memref<4x64xi32, #tpu.memory_space<vmem>> -> memref<1x64xi32, #tpu.memory_space<vmem>>
    %dma_start3A_55 = tpu.memref_squeeze %dma_start3A_54 : memref<1x64xi32, #tpu.memory_space<vmem>> -> memref<64xi32, #tpu.memory_space<vmem>>
    %dma_start3A_56 = tpu.memref_slice %arg4[%add3A_51] : memref<320000xi32, #tpu.memory_space<hbm>> -> memref<64xi32, #tpu.memory_space<hbm>>
    %dma_start3A_57 = arith.constant 0 : i32
    %dma_start3A_58 = tpu.memref_slice %arg7[%dma_start3A_52, %dma_start3A_57] : memref<4x64xi32, #tpu.memory_space<vmem>> -> memref<1x64xi32, #tpu.memory_space<vmem>>
    %dma_start3A_59 = tpu.memref_squeeze %dma_start3A_58 : memref<1x64xi32, #tpu.memory_space<vmem>> -> memref<64xi32, #tpu.memory_space<vmem>>
    %dma_start3A_60 = tpu.memref_slice %arg4[%add3A_51] : memref<320000xi32, #tpu.memory_space<hbm>> -> memref<64xi32, #tpu.memory_space<hbm>>
    tpu.enqueue_dma source(%dma_start3A_60 : memref<64xi32, #tpu.memory_space<hbm>>) target(%dma_start3A_59 : memref<64xi32, #tpu.memory_space<vmem>>) target_semaphore(%arg14 : memref<!tpu.dma_semaphore, #tpu.memory_space<semaphore_mem>>)
    %add3A_61 = arith.constant 64 : i32
    %add3A_62 = arith.addi %add3A_6, %add3A_61 : i32
    %dma_start3A_63 = arith.constant 1 : i32
    %dma_start3A_64 = arith.constant 0 : i32
    %dma_start3A_65 = tpu.memref_slice %arg7[%dma_start3A_63, %dma_start3A_64] : memref<4x64xi32, #tpu.memory_space<vmem>> -> memref<1x64xi32, #tpu.memory_space<vmem>>
    %dma_start3A_66 = tpu.memref_squeeze %dma_start3A_65 : memref<1x64xi32, #tpu.memory_space<vmem>> -> memref<64xi32, #tpu.memory_space<vmem>>
    %dma_start3A_67 = tpu.memref_slice %arg4[%add3A_62] : memref<320000xi32, #tpu.memory_space<hbm>> -> memref<64xi32, #tpu.memory_space<hbm>>
    %dma_start3A_68 = arith.constant 0 : i32
    %dma_start3A_69 = tpu.memref_slice %arg7[%dma_start3A_63, %dma_start3A_68] : memref<4x64xi32, #tpu.memory_space<vmem>> -> memref<1x64xi32, #tpu.memory_space<vmem>>
    %dma_start3A_70 = tpu.memref_squeeze %dma_start3A_69 : memref<1x64xi32, #tpu.memory_space<vmem>> -> memref<64xi32, #tpu.memory_space<vmem>>
    %dma_start3A_71 = tpu.memref_slice %arg4[%add3A_62] : memref<320000xi32, #tpu.memory_space<hbm>> -> memref<64xi32, #tpu.memory_space<hbm>>
    tpu.enqueue_dma source(%dma_start3A_71 : memref<64xi32, #tpu.memory_space<hbm>>) target(%dma_start3A_70 : memref<64xi32, #tpu.memory_space<vmem>>) target_semaphore(%arg15 : memref<!tpu.dma_semaphore, #tpu.memory_space<semaphore_mem>>)
    %broadcast_in_dim3A = arith.constant 0.000000e+00 : f32
    %broadcast_in_dim3A_72 = vector.broadcast %broadcast_in_dim3A : f32 to vector<16xf32>
    %scan3A = arith.constant 0 : i32
    %scan3A_73 = arith.constant 64 : i32
    %scan3A_74 = arith.addi %scan3A, %scan3A_73 : i32
    %scan3A_75 = arith.constant 1 : i32
    scf.for %scan3A_763 = %scan3A to %scan3A_74 step %scan3A_75  : i32 {
      %mul3A_764 = arith.constant 1 : i32
      %mul3A_765 = arith.muli %scan3A_763, %mul3A_764 : i32
      %add3A_766 = arith.constant 0 : i32
      %add3A_767 = arith.addi %add3A_766, %mul3A_765 : i32
      %scan3A_768 = arith.constant 0 : i32
      %scan3A_769 = arith.constant 8 : i32
      %scan3A_770 = arith.addi %scan3A_768, %scan3A_769 : i32
      %scan3A_771 = arith.constant 1 : i32
      scf.for %scan3A_773 = %scan3A_768 to %scan3A_770 step %scan3A_771  : i32 {
        %mul3A_774 = arith.constant 1 : i32
        %mul3A_775 = arith.muli %scan3A_773, %mul3A_774 : i32
        %add3A_776 = arith.constant 0 : i32
        %add3A_777 = arith.addi %add3A_776, %mul3A_775 : i32
        %mul3A_778 = arith.constant 16 : i32
        %mul3A_779 = arith.muli %add3A_777, %mul3A_778 : i32
        %swap3A = arith.constant 0 : i32
        %swap3A_780 = arith.index_cast %swap3A : i32 to index
        %swap3A_781 = arith.index_cast %add3A_767 : i32 to index
        %swap3A_782 = arith.index_cast %mul3A_779 : i32 to index
        %swap3A_783 = tpu.vector_load %arg8[%swap3A_780, %swap3A_781, %swap3A_782] {strides = array<i32>} : memref<4x64x128xf32, #tpu.memory_space<vmem>>, vector<1x1x16xf32>,
        %swap3A_784 = vector.shape_cast %swap3A_783 : vector<1x1x16xf32> to vector<16xf32>
        %swap3A_785 = vector.shape_cast %broadcast_in_dim3A_72 : vector<16xf32> to vector<1x1x16xf32>
        tpu.vector_store %arg8[%swap3A_780, %swap3A_781, %swap3A_782], %swap3A_785 {strides = array<i32>} : memref<4x64x128xf32, #tpu.memory_space<vmem>>, vector<1x1x16xf32>,
      }
      %scan3A_772 = arith.constant 8 : i32
    }
    %scan3A_76 = arith.constant 64 : i32
    %scan3A_77 = arith.constant 0 : i32
    %scan3A_78 = arith.constant 10 : i32
    %scan3A_79 = arith.addi %scan3A_77, %scan3A_78 : i32
    %scan3A_80 = arith.constant 1 : i32
    scf.for %scan3A_763 = %scan3A_77 to %scan3A_79 step %scan3A_80  : i32 {
      %mul3A_764 = arith.constant 1 : i32
      %mul3A_765 = arith.muli %scan3A_763, %mul3A_764 : i32
      %add3A_766 = arith.constant 0 : i32
      %add3A_767 = arith.addi %add3A_766, %mul3A_765 : i32
      %mul3A_768 = arith.constant 640 : i32
      %mul3A_769 = arith.muli %arg1, %mul3A_768 : i32
      %mul3A_770 = arith.constant 64 : i32
      %mul3A_771 = arith.muli %add3A_767, %mul3A_770 : i32
      %add3A_772 = arith.addi %mul3A_769, %mul3A_771 : i32
      %run_scoped3A = arith.constant 0 : i32
      "tpu.region"() ({
        %run_scoped3A_773 = tpu.sem_alloc : memref<!tpu.dma_semaphore, #tpu.memory_space<semaphore_mem>>
        %dma_start3A_774 = arith.constant 0 : i32
        %dma_start3A_775 = arith.constant 0 : i32
        %dma_start3A_776 = tpu.memref_slice %arg8[%run_scoped3A, %dma_start3A_774, %dma_start3A_775] : memref<4x64x128xf32, #tpu.memory_space<vmem>> -> memref<1x64x128xf32, #tpu.memory_space<vmem>>
        %dma_start3A_777 = tpu.memref_squeeze %dma_start3A_776 : memref<1x64x128xf32, #tpu.memory_space<vmem>> -> memref<64x128xf32, #tpu.memory_space<vmem>>
        %dma_start3A_778 = arith.constant 0 : i32
        %dma_start3A_779 = tpu.memref_slice %arg9[%add3A_772, %dma_start3A_778] : memref<10240x128xf32, #tpu.memory_space<vmem_shared>> -> memref<64x128xf32, #tpu.memory_space<vmem_shared>>
        %dma_start3A_780 = arith.constant 0 : i32
        %dma_start3A_781 = tpu.memref_slice %arg9[%add3A_772, %dma_start3A_780] : memref<10240x128xf32, #tpu.memory_space<vmem_shared>> -> memref<64x128xf32, #tpu.memory_space<vmem_shared>>
        %dma_start3A_782 = arith.constant 0 : i32
        %dma_start3A_783 = arith.constant 0 : i32
        %dma_start3A_784 = tpu.memref_slice %arg8[%run_scoped3A, %dma_start3A_782, %dma_start3A_783] : memref<4x64x128xf32, #tpu.memory_space<vmem>> -> memref<1x64x128xf32, #tpu.memory_space<vmem>>
        %dma_start3A_785 = tpu.memref_squeeze %dma_start3A_784 : memref<1x64x128xf32, #tpu.memory_space<vmem>> -> memref<64x128xf32, #tpu.memory_space<vmem>>
        tpu.enqueue_dma source(%dma_start3A_785 : memref<64x128xf32, #tpu.memory_space<vmem>>) target(%dma_start3A_781 : memref<64x128xf32, #tpu.memory_space<vmem_shared>>) target_semaphore(%run_scoped3A_773 : memref<!tpu.dma_semaphore, #tpu.memory_space<semaphore_mem>>)
        %dma_wait3A_786 = arith.constant 0 : i32
        %dma_wait3A_787 = arith.constant 0 : i32
        %dma_wait3A_788 = tpu.memref_slice %arg8[%run_scoped3A, %dma_wait3A_786, %dma_wait3A_787] : memref<4x64x128xf32, #tpu.memory_space<vmem>> -> memref<1x64x128xf32, #tpu.memory_space<vmem>>
        %dma_wait3A_789 = tpu.memref_squeeze %dma_wait3A_788 : memref<1x64x128xf32, #tpu.memory_space<vmem>> -> memref<64x128xf32, #tpu.memory_space<vmem>>
        %dma_wait3A_790 = arith.constant 0 : i32
        %dma_wait3A_791 = tpu.memref_slice %arg9[%add3A_772, %dma_wait3A_790] : memref<10240x128xf32, #tpu.memory_space<vmem_shared>> -> memref<64x128xf32, #tpu.memory_space<vmem_shared>>
        %dma_wait3A_792 = arith.constant 0 : i32
        %dma_wait3A_793 = tpu.memref_slice %arg9[%add3A_772, %dma_wait3A_792] : memref<10240x128xf32, #tpu.memory_space<vmem_shared>> -> memref<64x128xf32, #tpu.memory_space<vmem_shared>>
        %dma_wait3A_794 = arith.constant 0 : i32
        %dma_wait3A_795 = arith.constant 0 : i32
        %dma_wait3A_796 = tpu.memref_slice %arg8[%run_scoped3A, %dma_wait3A_794, %dma_wait3A_795] : memref<4x64x128xf32, #tpu.memory_space<vmem>> -> memref<1x64x128xf32, #tpu.memory_space<vmem>>
        %dma_wait3A_797 = tpu.memref_squeeze %dma_wait3A_796 : memref<1x64x128xf32, #tpu.memory_space<vmem>> -> memref<64x128xf32, #tpu.memory_space<vmem>>
        tpu.wait_dma2 semaphore(%run_scoped3A_773 : memref<!tpu.dma_semaphore, #tpu.memory_space<semaphore_mem>>) src(%dma_wait3A_797 : memref<64x128xf32, #tpu.memory_space<vmem>>) dst(%dma_wait3A_793 : memref<64x128xf32, #tpu.memory_space<vmem_shared>>)
        tpu.yield
      }) : () -> ()
    }
    %scan3A_81 = arith.constant 10 : i32
    %barrier3A = arith.constant 0 : index
    tpu.barrier barrier_id(%barrier3A)
    %dma_wait3A = arith.constant 0 : i32
    %dma_wait3A_82 = arith.constant 0 : i32
    %dma_wait3A_83 = tpu.memref_slice %arg6[%dma_wait3A, %dma_wait3A_82] : memref<4x64xi32, #tpu.memory_space<vmem>> -> memref<1x64xi32, #tpu.memory_space<vmem>>
    %dma_wait3A_84 = tpu.memref_squeeze %dma_wait3A_83 : memref<1x64xi32, #tpu.memory_space<vmem>> -> memref<64xi32, #tpu.memory_space<vmem>>
    %dma_wait3A_85 = arith.constant 0 : i32
    %dma_wait3A_86 = tpu.memref_slice %arg3[%dma_wait3A_85] : memref<320000xi32, #tpu.memory_space<hbm>> -> memref<64xi32, #tpu.memory_space<hbm>>
    %dma_wait3A_87 = arith.constant 0 : i32
    %dma_wait3A_88 = tpu.memref_slice %arg6[%dma_wait3A, %dma_wait3A_87] : memref<4x64xi32, #tpu.memory_space<vmem>> -> memref<1x64xi32, #tpu.memory_space<vmem>>
    %dma_wait3A_89 = tpu.memref_squeeze %dma_wait3A_88 : memref<1x64xi32, #tpu.memory_space<vmem>> -> memref<64xi32, #tpu.memory_space<vmem>>
    %dma_wait3A_90 = arith.constant 0 : i32
    %dma_wait3A_91 = tpu.memref_slice %arg3[%dma_wait3A_90] : memref<320000xi32, #tpu.memory_space<hbm>> -> memref<64xi32, #tpu.memory_space<hbm>>
    tpu.wait_dma2 semaphore(%arg10 : memref<!tpu.dma_semaphore, #tpu.memory_space<semaphore_mem>>) src(%dma_wait3A_91 : memref<64xi32, #tpu.memory_space<hbm>>) dst(%dma_wait3A_89 : memref<64xi32, #tpu.memory_space<vmem>>)
    %dma_start3A_92 = arith.constant 0 : i32
    %dma_start3A_93 = arith.constant 0 : i32
    %dma_start3A_94 = arith.constant 0 : i32
    %dma_start3A_95 = arith.constant 0 : i32
    %dma_start3A_96 = tpu.memref_slice %arg8[%dma_start3A_93, %dma_start3A_94, %dma_start3A_95] : memref<4x64x128xf32, #tpu.memory_space<vmem>> -> memref<1x64x128xf32, #tpu.memory_space<vmem>>
    %dma_start3A_97 = tpu.memref_squeeze %dma_start3A_96 : memref<1x64x128xf32, #tpu.memory_space<vmem>> -> memref<64x128xf32, #tpu.memory_space<vmem>>
    %dma_start3A_98 = arith.constant 0 : i32
    %dma_start3A_99 = tpu.memref_slice %arg6[%dma_start3A_92, %dma_start3A_98] : memref<4x64xi32, #tpu.memory_space<vmem>> -> memref<1x64xi32, #tpu.memory_space<vmem>>
    %dma_start3A_100 = tpu.memref_squeeze %dma_start3A_99 : memref<1x64xi32, #tpu.memory_space<vmem>> -> memref<64xi32, #tpu.memory_space<vmem>>
    %dma_start3A_101 = arith.constant 0 : i32
    %dma_start3A_102 = arith.constant 0 : i32
    %dma_start3A_103 = tpu.memref_slice %arg2[%dma_start3A_101, %dma_start3A_102] : memref<10000x128xf32, #tpu.memory_space<hbm>> -> memref<10000x128xf32, #tpu.memory_space<hbm>>
    tpu.enqueue_indirect_dma source(%dma_start3A_103 : memref<10000x128xf32, #tpu.memory_space<hbm>>) target(%dma_start3A_97 : memref<64x128xf32, #tpu.memory_space<vmem>>) offsets(%dma_start3A_100 : memref<64xi32, #tpu.memory_space<vmem>>) semaphore(%arg18 : memref<!tpu.dma_semaphore, #tpu.memory_space<semaphore_mem>>)
    %dma_wait3A_104 = arith.constant 1 : i32
    %dma_wait3A_105 = arith.constant 0 : i32
    %dma_wait3A_106 = tpu.memref_slice %arg6[%dma_wait3A_104, %dma_wait3A_105] : memref<4x64xi32, #tpu.memory_space<vmem>> -> memref<1x64xi32, #tpu.memory_space<vmem>>
    %dma_wait3A_107 = tpu.memref_squeeze %dma_wait3A_106 : memref<1x64xi32, #tpu.memory_space<vmem>> -> memref<64xi32, #tpu.memory_space<vmem>>
    %dma_wait3A_108 = arith.constant 0 : i32
    %dma_wait3A_109 = tpu.memref_slice %arg3[%dma_wait3A_108] : memref<320000xi32, #tpu.memory_space<hbm>> -> memref<64xi32, #tpu.memory_space<hbm>>
    %dma_wait3A_110 = arith.constant 0 : i32
    %dma_wait3A_111 = tpu.memref_slice %arg6[%dma_wait3A_104, %dma_wait3A_110] : memref<4x64xi32, #tpu.memory_space<vmem>> -> memref<1x64xi32, #tpu.memory_space<vmem>>
    %dma_wait3A_112 = tpu.memref_squeeze %dma_wait3A_111 : memref<1x64xi32, #tpu.memory_space<vmem>> -> memref<64xi32, #tpu.memory_space<vmem>>
    %dma_wait3A_113 = arith.constant 0 : i32
    %dma_wait3A_114 = tpu.memref_slice %arg3[%dma_wait3A_113] : memref<320000xi32, #tpu.memory_space<hbm>> -> memref<64xi32, #tpu.memory_space<hbm>>
    tpu.wait_dma2 semaphore(%arg11 : memref<!tpu.dma_semaphore, #tpu.memory_space<semaphore_mem>>) src(%dma_wait3A_114 : memref<64xi32, #tpu.memory_space<hbm>>) dst(%dma_wait3A_112 : memref<64xi32, #tpu.memory_space<vmem>>)
    %dma_start3A_115 = arith.constant 1 : i32
    %dma_start3A_116 = arith.constant 1 : i32
    %dma_start3A_117 = arith.constant 0 : i32
    %dma_start3A_118 = arith.constant 0 : i32
    %dma_start3A_119 = tpu.memref_slice %arg8[%dma_start3A_116, %dma_start3A_117, %dma_start3A_118] : memref<4x64x128xf32, #tpu.memory_space<vmem>> -> memref<1x64x128xf32, #tpu.memory_space<vmem>>
    %dma_start3A_120 = tpu.memref_squeeze %dma_start3A_119 : memref<1x64x128xf32, #tpu.memory_space<vmem>> -> memref<64x128xf32, #tpu.memory_space<vmem>>
    %dma_start3A_121 = arith.constant 0 : i32
    %dma_start3A_122 = tpu.memref_slice %arg6[%dma_start3A_115, %dma_start3A_121] : memref<4x64xi32, #tpu.memory_space<vmem>> -> memref<1x64xi32, #tpu.memory_space<vmem>>
    %dma_start3A_123 = tpu.memref_squeeze %dma_start3A_122 : memref<1x64xi32, #tpu.memory_space<vmem>> -> memref<64xi32, #tpu.memory_space<vmem>>
    %dma_start3A_124 = arith.constant 0 : i32
    %dma_start3A_125 = arith.constant 0 : i32
    %dma_start3A_126 = tpu.memref_slice %arg2[%dma_start3A_124, %dma_start3A_125] : memref<10000x128xf32, #tpu.memory_space<hbm>> -> memref<10000x128xf32, #tpu.memory_space<hbm>>
    tpu.enqueue_indirect_dma source(%dma_start3A_126 : memref<10000x128xf32, #tpu.memory_space<hbm>>) target(%dma_start3A_120 : memref<64x128xf32, #tpu.memory_space<vmem>>) offsets(%dma_start3A_123 : memref<64xi32, #tpu.memory_space<vmem>>) semaphore(%arg19 : memref<!tpu.dma_semaphore, #tpu.memory_space<semaphore_mem>>)
    %dma_wait3A_127 = arith.constant 0 : i32
    %dma_wait3A_128 = arith.constant 0 : i32
    %dma_wait3A_129 = arith.constant 0 : i32
    %dma_wait3A_130 = arith.constant 0 : i32
    %dma_wait3A_131 = tpu.memref_slice %arg8[%dma_wait3A_128, %dma_wait3A_129, %dma_wait3A_130] : memref<4x64x128xf32, #tpu.memory_space<vmem>> -> memref<1x64x128xf32, #tpu.memory_space<vmem>>
    %dma_wait3A_132 = tpu.memref_squeeze %dma_wait3A_131 : memref<1x64x128xf32, #tpu.memory_space<vmem>> -> memref<64x128xf32, #tpu.memory_space<vmem>>
    %dma_wait3A_133 = arith.constant 0 : i32
    %dma_wait3A_134 = tpu.memref_slice %arg6[%dma_wait3A_127, %dma_wait3A_133] : memref<4x64xi32, #tpu.memory_space<vmem>> -> memref<1x64xi32, #tpu.memory_space<vmem>>
    %dma_wait3A_135 = tpu.memref_squeeze %dma_wait3A_134 : memref<1x64xi32, #tpu.memory_space<vmem>> -> memref<64xi32, #tpu.memory_space<vmem>>
    %dma_wait3A_136 = arith.constant 0 : i32
    %dma_wait3A_137 = arith.constant 0 : i32
    %dma_wait3A_138 = tpu.memref_slice %arg2[%dma_wait3A_136, %dma_wait3A_137] : memref<10000x128xf32, #tpu.memory_space<hbm>> -> memref<10000x128xf32, #tpu.memory_space<hbm>>
    tpu.wait_indirect_dma semaphore(%arg18 : memref<!tpu.dma_semaphore, #tpu.memory_space<semaphore_mem>>) src(%dma_wait3A_138 : memref<10000x128xf32, #tpu.memory_space<hbm>>) dst(%dma_wait3A_132 : memref<64x128xf32, #tpu.memory_space<vmem>>)
    %add3A_139 = arith.constant 256 : i32
    %add3A_140 = arith.addi %add3A_6, %add3A_139 : i32
    %dma_start3A_141 = arith.constant 0 : i32
    %dma_start3A_142 = arith.constant 0 : i32
    %dma_start3A_143 = tpu.memref_slice %arg6[%dma_start3A_141, %dma_start3A_142] : memref<4x64xi32, #tpu.memory_space<vmem>> -> memref<1x64xi32, #tpu.memory_space<vmem>>
    %dma_start3A_144 = tpu.memref_squeeze %dma_start3A_143 : memref<1x64xi32, #tpu.memory_space<vmem>> -> memref<64xi32, #tpu.memory_space<vmem>>
    %dma_start3A_145 = tpu.memref_slice %arg3[%add3A_140] : memref<320000xi32, #tpu.memory_space<hbm>> -> memref<64xi32, #tpu.memory_space<hbm>>
    %dma_start3A_146 = arith.constant 0 : i32
    %dma_start3A_147 = tpu.memref_slice %arg6[%dma_start3A_141, %dma_start3A_146] : memref<4x64xi32, #tpu.memory_space<vmem>> -> memref<1x64xi32, #tpu.memory_space<vmem>>
    %dma_start3A_148 = tpu.memref_squeeze %dma_start3A_147 : memref<1x64xi32, #tpu.memory_space<vmem>> -> memref<64xi32, #tpu.memory_space<vmem>>
    %dma_start3A_149 = tpu.memref_slice %arg3[%add3A_140] : memref<320000xi32, #tpu.memory_space<hbm>> -> memref<64xi32, #tpu.memory_space<hbm>>
    tpu.enqueue_dma source(%dma_start3A_149 : memref<64xi32, #tpu.memory_space<hbm>>) target(%dma_start3A_148 : memref<64xi32, #tpu.memory_space<vmem>>) target_semaphore(%arg10 : memref<!tpu.dma_semaphore, #tpu.memory_space<semaphore_mem>>)
    %dma_wait3A_150 = arith.constant 0 : i32
    %dma_wait3A_151 = arith.constant 0 : i32
    %dma_wait3A_152 = tpu.memref_slice %arg7[%dma_wait3A_150, %dma_wait3A_151] : memref<4x64xi32, #tpu.memory_space<vmem>> -> memref<1x64xi32, #tpu.memory_space<vmem>>
    %dma_wait3A_153 = tpu.memref_squeeze %dma_wait3A_152 : memref<1x64xi32, #tpu.memory_space<vmem>> -> memref<64xi32, #tpu.memory_space<vmem>>
    %dma_wait3A_154 = arith.constant 0 : i32
    %dma_wait3A_155 = tpu.memref_slice %arg4[%dma_wait3A_154] : memref<320000xi32, #tpu.memory_space<hbm>> -> memref<64xi32, #tpu.memory_space<hbm>>
    %dma_wait3A_156 = arith.constant 0 : i32
    %dma_wait3A_157 = tpu.memref_slice %arg7[%dma_wait3A_150, %dma_wait3A_156] : memref<4x64xi32, #tpu.memory_space<vmem>> -> memref<1x64xi32, #tpu.memory_space<vmem>>
    %dma_wait3A_158 = tpu.memref_squeeze %dma_wait3A_157 : memref<1x64xi32, #tpu.memory_space<vmem>> -> memref<64xi32, #tpu.memory_space<vmem>>
    %dma_wait3A_159 = arith.constant 0 : i32
    %dma_wait3A_160 = tpu.memref_slice %arg4[%dma_wait3A_159] : memref<320000xi32, #tpu.memory_space<hbm>> -> memref<64xi32, #tpu.memory_space<hbm>>
    tpu.wait_dma2 semaphore(%arg14 : memref<!tpu.dma_semaphore, #tpu.memory_space<semaphore_mem>>) src(%dma_wait3A_160 : memref<64xi32, #tpu.memory_space<hbm>>) dst(%dma_wait3A_158 : memref<64xi32, #tpu.memory_space<vmem>>)
    %dma_start3A_161 = arith.constant 0 : i32
    %dma_start3A_162 = arith.constant 0 : i32
    %dma_start3A_163 = arith.constant 0 : i32
    %dma_start3A_164 = arith.constant 0 : i32
    %dma_start3A_165 = tpu.memref_slice %arg8[%dma_start3A_161, %dma_start3A_163, %dma_start3A_164] : memref<4x64x128xf32, #tpu.memory_space<vmem>> -> memref<1x64x128xf32, #tpu.memory_space<vmem>>
    %dma_start3A_166 = tpu.memref_squeeze %dma_start3A_165 : memref<1x64x128xf32, #tpu.memory_space<vmem>> -> memref<64x128xf32, #tpu.memory_space<vmem>>
    %dma_start3A_167 = arith.constant 0 : i32
    %dma_start3A_168 = tpu.memref_slice %arg7[%dma_start3A_162, %dma_start3A_167] : memref<4x64xi32, #tpu.memory_space<vmem>> -> memref<1x64xi32, #tpu.memory_space<vmem>>
    %dma_start3A_169 = tpu.memref_squeeze %dma_start3A_168 : memref<1x64xi32, #tpu.memory_space<vmem>> -> memref<64xi32, #tpu.memory_space<vmem>>
    %dma_start3A_170 = arith.constant 0 : i32
    %dma_start3A_171 = arith.constant 0 : i32
    %dma_start3A_172 = tpu.memref_slice %arg9[%dma_start3A_170, %dma_start3A_171] : memref<10240x128xf32, #tpu.memory_space<vmem_shared>> -> memref<10240x128xf32, #tpu.memory_space<vmem_shared>>
    tpu.enqueue_indirect_dma source(%dma_start3A_166 : memref<64x128xf32, #tpu.memory_space<vmem>>) target(%dma_start3A_172 : memref<10240x128xf32, #tpu.memory_space<vmem_shared>>) offsets(%dma_start3A_169 : memref<64xi32, #tpu.memory_space<vmem>>) semaphore(%arg22 : memref<!tpu.dma_semaphore, #tpu.memory_space<semaphore_mem>>) {add = true}
    %dma_wait3A_173 = arith.constant 0 : i32
    %dma_wait3A_174 = arith.constant 1 : i32
    %dma_wait3A_175 = arith.constant 0 : i32
    %dma_wait3A_176 = arith.constant 0 : i32
    %dma_wait3A_177 = tpu.memref_slice %arg8[%dma_wait3A_174, %dma_wait3A_175, %dma_wait3A_176] : memref<4x64x128xf32, #tpu.memory_space<vmem>> -> memref<1x64x128xf32, #tpu.memory_space<vmem>>
    %dma_wait3A_178 = tpu.memref_squeeze %dma_wait3A_177 : memref<1x64x128xf32, #tpu.memory_space<vmem>> -> memref<64x128xf32, #tpu.memory_space<vmem>>
    %dma_wait3A_179 = arith.constant 0 : i32
    %dma_wait3A_180 = tpu.memref_slice %arg6[%dma_wait3A_173, %dma_wait3A_179] : memref<4x64xi32, #tpu.memory_space<vmem>> -> memref<1x64xi32, #tpu.memory_space<vmem>>
    %dma_wait3A_181 = tpu.memref_squeeze %dma_wait3A_180 : memref<1x64xi32, #tpu.memory_space<vmem>> -> memref<64xi32, #tpu.memory_space<vmem>>
    %dma_wait3A_182 = arith.constant 0 : i32
    %dma_wait3A_183 = arith.constant 0 : i32
    %dma_wait3A_184 = tpu.memref_slice %arg2[%dma_wait3A_182, %dma_wait3A_183] : memref<10000x128xf32, #tpu.memory_space<hbm>> -> memref<10000x128xf32, #tpu.memory_space<hbm>>
    tpu.wait_indirect_dma semaphore(%arg19 : memref<!tpu.dma_semaphore, #tpu.memory_space<semaphore_mem>>) src(%dma_wait3A_184 : memref<10000x128xf32, #tpu.memory_space<hbm>>) dst(%dma_wait3A_178 : memref<64x128xf32, #tpu.memory_space<vmem>>)
    %add3A_185 = arith.constant 320 : i32
    %add3A_186 = arith.addi %add3A_6, %add3A_185 : i32
    %dma_start3A_187 = arith.constant 1 : i32
    %dma_start3A_188 = arith.constant 0 : i32
    %dma_start3A_189 = tpu.memref_slice %arg6[%dma_start3A_187, %dma_start3A_188] : memref<4x64xi32, #tpu.memory_space<vmem>> -> memref<1x64xi32, #tpu.memory_space<vmem>>
    %dma_start3A_190 = tpu.memref_squeeze %dma_start3A_189 : memref<1x64xi32, #tpu.memory_space<vmem>> -> memref<64xi32, #tpu.memory_space<vmem>>
    %dma_start3A_191 = tpu.memref_slice %arg3[%add3A_186] : memref<320000xi32, #tpu.memory_space<hbm>> -> memref<64xi32, #tpu.memory_space<hbm>>
    %dma_start3A_192 = arith.constant 0 : i32
    %dma_start3A_193 = tpu.memref_slice %arg6[%dma_start3A_187, %dma_start3A_192] : memref<4x64xi32, #tpu.memory_space<vmem>> -> memref<1x64xi32, #tpu.memory_space<vmem>>
    %dma_start3A_194 = tpu.memref_squeeze %dma_start3A_193 : memref<1x64xi32, #tpu.memory_space<vmem>> -> memref<64xi32, #tpu.memory_space<vmem>>
    %dma_start3A_195 = tpu.memref_slice %arg3[%add3A_186] : memref<320000xi32, #tpu.memory_space<hbm>> -> memref<64xi32, #tpu.memory_space<hbm>>
    tpu.enqueue_dma source(%dma_start3A_195 : memref<64xi32, #tpu.memory_space<hbm>>) target(%dma_start3A_194 : memref<64xi32, #tpu.memory_space<vmem>>) target_semaphore(%arg11 : memref<!tpu.dma_semaphore, #tpu.memory_space<semaphore_mem>>)
    %dma_wait3A_196 = arith.constant 1 : i32
    %dma_wait3A_197 = arith.constant 0 : i32
    %dma_wait3A_198 = tpu.memref_slice %arg7[%dma_wait3A_196, %dma_wait3A_197] : memref<4x64xi32, #tpu.memory_space<vmem>> -> memref<1x64xi32, #tpu.memory_space<vmem>>
    %dma_wait3A_199 = tpu.memref_squeeze %dma_wait3A_198 : memref<1x64xi32, #tpu.memory_space<vmem>> -> memref<64xi32, #tpu.memory_space<vmem>>
    %dma_wait3A_200 = arith.constant 0 : i32
    %dma_wait3A_201 = tpu.memref_slice %arg4[%dma_wait3A_200] : memref<320000xi32, #tpu.memory_space<hbm>> -> memref<64xi32, #tpu.memory_space<hbm>>
    %dma_wait3A_202 = arith.constant 0 : i32
    %dma_wait3A_203 = tpu.memref_slice %arg7[%dma_wait3A_196, %dma_wait3A_202] : memref<4x64xi32, #tpu.memory_space<vmem>> -> memref<1x64xi32, #tpu.memory_space<vmem>>
    %dma_wait3A_204 = tpu.memref_squeeze %dma_wait3A_203 : memref<1x64xi32, #tpu.memory_space<vmem>> -> memref<64xi32, #tpu.memory_space<vmem>>
    %dma_wait3A_205 = arith.constant 0 : i32
    %dma_wait3A_206 = tpu.memref_slice %arg4[%dma_wait3A_205] : memref<320000xi32, #tpu.memory_space<hbm>> -> memref<64xi32, #tpu.memory_space<hbm>>
    tpu.wait_dma2 semaphore(%arg15 : memref<!tpu.dma_semaphore, #tpu.memory_space<semaphore_mem>>) src(%dma_wait3A_206 : memref<64xi32, #tpu.memory_space<hbm>>) dst(%dma_wait3A_204 : memref<64xi32, #tpu.memory_space<vmem>>)
    %dma_start3A_207 = arith.constant 1 : i32
    %dma_start3A_208 = arith.constant 1 : i32
    %dma_start3A_209 = arith.constant 0 : i32
    %dma_start3A_210 = arith.constant 0 : i32
    %dma_start3A_211 = tpu.memref_slice %arg8[%dma_start3A_207, %dma_start3A_209, %dma_start3A_210] : memref<4x64x128xf32, #tpu.memory_space<vmem>> -> memref<1x64x128xf32, #tpu.memory_space<vmem>>
    %dma_start3A_212 = tpu.memref_squeeze %dma_start3A_211 : memref<1x64x128xf32, #tpu.memory_space<vmem>> -> memref<64x128xf32, #tpu.memory_space<vmem>>
    %dma_start3A_213 = arith.constant 0 : i32
    %dma_start3A_214 = tpu.memref_slice %arg7[%dma_start3A_208, %dma_start3A_213] : memref<4x64xi32, #tpu.memory_space<vmem>> -> memref<1x64xi32, #tpu.memory_space<vmem>>
    %dma_start3A_215 = tpu.memref_squeeze %dma_start3A_214 : memref<1x64xi32, #tpu.memory_space<vmem>> -> memref<64xi32, #tpu.memory_space<vmem>>
    %dma_start3A_216 = arith.constant 0 : i32
    %dma_start3A_217 = arith.constant 0 : i32
    %dma_start3A_218 = tpu.memref_slice %arg9[%dma_start3A_216, %dma_start3A_217] : memref<10240x128xf32, #tpu.memory_space<vmem_shared>> -> memref<10240x128xf32, #tpu.memory_space<vmem_shared>>
    tpu.enqueue_indirect_dma source(%dma_start3A_212 : memref<64x128xf32, #tpu.memory_space<vmem>>) target(%dma_start3A_218 : memref<10240x128xf32, #tpu.memory_space<vmem_shared>>) offsets(%dma_start3A_215 : memref<64xi32, #tpu.memory_space<vmem>>) semaphore(%arg23 : memref<!tpu.dma_semaphore, #tpu.memory_space<semaphore_mem>>) {add = true}
    %add3A_219 = arith.constant 128 : i32
    %add3A_220 = arith.addi %add3A_6, %add3A_219 : i32
    %dma_start3A_221 = arith.constant 2 : i32
    %dma_start3A_222 = arith.constant 0 : i32
    %dma_start3A_223 = tpu.memref_slice %arg7[%dma_start3A_221, %dma_start3A_222] : memref<4x64xi32, #tpu.memory_space<vmem>> -> memref<1x64xi32, #tpu.memory_space<vmem>>
    %dma_start3A_224 = tpu.memref_squeeze %dma_start3A_223 : memref<1x64xi32, #tpu.memory_space<vmem>> -> memref<64xi32, #tpu.memory_space<vmem>>
    %dma_start3A_225 = tpu.memref_slice %arg4[%add3A_220] : memref<320000xi32, #tpu.memory_space<hbm>> -> memref<64xi32, #tpu.memory_space<hbm>>
    %dma_start3A_226 = arith.constant 0 : i32
    %dma_start3A_227 = tpu.memref_slice %arg7[%dma_start3A_221, %dma_start3A_226] : memref<4x64xi32, #tpu.memory_space<vmem>> -> memref<1x64xi32, #tpu.memory_space<vmem>>
    %dma_start3A_228 = tpu.memref_squeeze %dma_start3A_227 : memref<1x64xi32, #tpu.memory_space<vmem>> -> memref<64xi32, #tpu.memory_space<vmem>>
    %dma_start3A_229 = tpu.memref_slice %arg4[%add3A_220] : memref<320000xi32, #tpu.memory_space<hbm>> -> memref<64xi32, #tpu.memory_space<hbm>>
    tpu.enqueue_dma source(%dma_start3A_229 : memref<64xi32, #tpu.memory_space<hbm>>) target(%dma_start3A_228 : memref<64xi32, #tpu.memory_space<vmem>>) target_semaphore(%arg16 : memref<!tpu.dma_semaphore, #tpu.memory_space<semaphore_mem>>)
    %dma_wait3A_230 = arith.constant 2 : i32
    %dma_wait3A_231 = arith.constant 0 : i32
    %dma_wait3A_232 = tpu.memref_slice %arg6[%dma_wait3A_230, %dma_wait3A_231] : memref<4x64xi32, #tpu.memory_space<vmem>> -> memref<1x64xi32, #tpu.memory_space<vmem>>
    %dma_wait3A_233 = tpu.memref_squeeze %dma_wait3A_232 : memref<1x64xi32, #tpu.memory_space<vmem>> -> memref<64xi32, #tpu.memory_space<vmem>>
    %dma_wait3A_234 = arith.constant 0 : i32
    %dma_wait3A_235 = tpu.memref_slice %arg3[%dma_wait3A_234] : memref<320000xi32, #tpu.memory_space<hbm>> -> memref<64xi32, #tpu.memory_space<hbm>>
    %dma_wait3A_236 = arith.constant 0 : i32
    %dma_wait3A_237 = tpu.memref_slice %arg6[%dma_wait3A_230, %dma_wait3A_236] : memref<4x64xi32, #tpu.memory_space<vmem>> -> memref<1x64xi32, #tpu.memory_space<vmem>>
    %dma_wait3A_238 = tpu.memref_squeeze %dma_wait3A_237 : memref<1x64xi32, #tpu.memory_space<vmem>> -> memref<64xi32, #tpu.memory_space<vmem>>
    %dma_wait3A_239 = arith.constant 0 : i32
    %dma_wait3A_240 = tpu.memref_slice %arg3[%dma_wait3A_239] : memref<320000xi32, #tpu.memory_space<hbm>> -> memref<64xi32, #tpu.memory_space<hbm>>
    tpu.wait_dma2 semaphore(%arg12 : memref<!tpu.dma_semaphore, #tpu.memory_space<semaphore_mem>>) src(%dma_wait3A_240 : memref<64xi32, #tpu.memory_space<hbm>>) dst(%dma_wait3A_238 : memref<64xi32, #tpu.memory_space<vmem>>)
    %dma_start3A_241 = arith.constant 2 : i32
    %dma_start3A_242 = arith.constant 2 : i32
    %dma_start3A_243 = arith.constant 0 : i32
    %dma_start3A_244 = arith.constant 0 : i32
    %dma_start3A_245 = tpu.memref_slice %arg8[%dma_start3A_242, %dma_start3A_243, %dma_start3A_244] : memref<4x64x128xf32, #tpu.memory_space<vmem>> -> memref<1x64x128xf32, #tpu.memory_space<vmem>>
    %dma_start3A_246 = tpu.memref_squeeze %dma_start3A_245 : memref<1x64x128xf32, #tpu.memory_space<vmem>> -> memref<64x128xf32, #tpu.memory_space<vmem>>
    %dma_start3A_247 = arith.constant 0 : i32
    %dma_start3A_248 = tpu.memref_slice %arg6[%dma_start3A_241, %dma_start3A_247] : memref<4x64xi32, #tpu.memory_space<vmem>> -> memref<1x64xi32, #tpu.memory_space<vmem>>
    %dma_start3A_249 = tpu.memref_squeeze %dma_start3A_248 : memref<1x64xi32, #tpu.memory_space<vmem>> -> memref<64xi32, #tpu.memory_space<vmem>>
    %dma_start3A_250 = arith.constant 0 : i32
    %dma_start3A_251 = arith.constant 0 : i32
    %dma_start3A_252 = tpu.memref_slice %arg2[%dma_start3A_250, %dma_start3A_251] : memref<10000x128xf32, #tpu.memory_space<hbm>> -> memref<10000x128xf32, #tpu.memory_space<hbm>>
    tpu.enqueue_indirect_dma source(%dma_start3A_252 : memref<10000x128xf32, #tpu.memory_space<hbm>>) target(%dma_start3A_246 : memref<64x128xf32, #tpu.memory_space<vmem>>) offsets(%dma_start3A_249 : memref<64xi32, #tpu.memory_space<vmem>>) semaphore(%arg20 : memref<!tpu.dma_semaphore, #tpu.memory_space<semaphore_mem>>)
    %add3A_253 = arith.constant 192 : i32
    %add3A_254 = arith.addi %add3A_6, %add3A_253 : i32
    %dma_start3A_255 = arith.constant 3 : i32
    %dma_start3A_256 = arith.constant 0 : i32
    %dma_start3A_257 = tpu.memref_slice %arg7[%dma_start3A_255, %dma_start3A_256] : memref<4x64xi32, #tpu.memory_space<vmem>> -> memref<1x64xi32, #tpu.memory_space<vmem>>
    %dma_start3A_258 = tpu.memref_squeeze %dma_start3A_257 : memref<1x64xi32, #tpu.memory_space<vmem>> -> memref<64xi32, #tpu.memory_space<vmem>>
    %dma_start3A_259 = tpu.memref_slice %arg4[%add3A_254] : memref<320000xi32, #tpu.memory_space<hbm>> -> memref<64xi32, #tpu.memory_space<hbm>>
    %dma_start3A_260 = arith.constant 0 : i32
    %dma_start3A_261 = tpu.memref_slice %arg7[%dma_start3A_255, %dma_start3A_260] : memref<4x64xi32, #tpu.memory_space<vmem>> -> memref<1x64xi32, #tpu.memory_space<vmem>>
    %dma_start3A_262 = tpu.memref_squeeze %dma_start3A_261 : memref<1x64xi32, #tpu.memory_space<vmem>> -> memref<64xi32, #tpu.memory_space<vmem>>
    %dma_start3A_263 = tpu.memref_slice %arg4[%add3A_254] : memref<320000xi32, #tpu.memory_space<hbm>> -> memref<64xi32, #tpu.memory_space<hbm>>
    tpu.enqueue_dma source(%dma_start3A_263 : memref<64xi32, #tpu.memory_space<hbm>>) target(%dma_start3A_262 : memref<64xi32, #tpu.memory_space<vmem>>) target_semaphore(%arg17 : memref<!tpu.dma_semaphore, #tpu.memory_space<semaphore_mem>>)
    %dma_wait3A_264 = arith.constant 3 : i32
    %dma_wait3A_265 = arith.constant 0 : i32
    %dma_wait3A_266 = tpu.memref_slice %arg6[%dma_wait3A_264, %dma_wait3A_265] : memref<4x64xi32, #tpu.memory_space<vmem>> -> memref<1x64xi32, #tpu.memory_space<vmem>>
    %dma_wait3A_267 = tpu.memref_squeeze %dma_wait3A_266 : memref<1x64xi32, #tpu.memory_space<vmem>> -> memref<64xi32, #tpu.memory_space<vmem>>
    %dma_wait3A_268 = arith.constant 0 : i32
    %dma_wait3A_269 = tpu.memref_slice %arg3[%dma_wait3A_268] : memref<320000xi32, #tpu.memory_space<hbm>> -> memref<64xi32, #tpu.memory_space<hbm>>
    %dma_wait3A_270 = arith.constant 0 : i32
    %dma_wait3A_271 = tpu.memref_slice %arg6[%dma_wait3A_264, %dma_wait3A_270] : memref<4x64xi32, #tpu.memory_space<vmem>> -> memref<1x64xi32, #tpu.memory_space<vmem>>
    %dma_wait3A_272 = tpu.memref_squeeze %dma_wait3A_271 : memref<1x64xi32, #tpu.memory_space<vmem>> -> memref<64xi32, #tpu.memory_space<vmem>>
    %dma_wait3A_273 = arith.constant 0 : i32
    %dma_wait3A_274 = tpu.memref_slice %arg3[%dma_wait3A_273] : memref<320000xi32, #tpu.memory_space<hbm>> -> memref<64xi32, #tpu.memory_space<hbm>>
    tpu.wait_dma2 semaphore(%arg13 : memref<!tpu.dma_semaphore, #tpu.memory_space<semaphore_mem>>) src(%dma_wait3A_274 : memref<64xi32, #tpu.memory_space<hbm>>) dst(%dma_wait3A_272 : memref<64xi32, #tpu.memory_space<vmem>>)
    %dma_start3A_275 = arith.constant 3 : i32
    %dma_start3A_276 = arith.constant 3 : i32
    %dma_start3A_277 = arith.constant 0 : i32
    %dma_start3A_278 = arith.constant 0 : i32
    %dma_start3A_279 = tpu.memref_slice %arg8[%dma_start3A_276, %dma_start3A_277, %dma_start3A_278] : memref<4x64x128xf32, #tpu.memory_space<vmem>> -> memref<1x64x128xf32, #tpu.memory_space<vmem>>
    %dma_start3A_280 = tpu.memref_squeeze %dma_start3A_279 : memref<1x64x128xf32, #tpu.memory_space<vmem>> -> memref<64x128xf32, #tpu.memory_space<vmem>>
    %dma_start3A_281 = arith.constant 0 : i32
    %dma_start3A_282 = tpu.memref_slice %arg6[%dma_start3A_275, %dma_start3A_281] : memref<4x64xi32, #tpu.memory_space<vmem>> -> memref<1x64xi32, #tpu.memory_space<vmem>>
    %dma_start3A_283 = tpu.memref_squeeze %dma_start3A_282 : memref<1x64xi32, #tpu.memory_space<vmem>> -> memref<64xi32, #tpu.memory_space<vmem>>
    %dma_start3A_284 = arith.constant 0 : i32
    %dma_start3A_285 = arith.constant 0 : i32
    %dma_start3A_286 = tpu.memref_slice %arg2[%dma_start3A_284, %dma_start3A_285] : memref<10000x128xf32, #tpu.memory_space<hbm>> -> memref<10000x128xf32, #tpu.memory_space<hbm>>
    tpu.enqueue_indirect_dma source(%dma_start3A_286 : memref<10000x128xf32, #tpu.memory_space<hbm>>) target(%dma_start3A_280 : memref<64x128xf32, #tpu.memory_space<vmem>>) offsets(%dma_start3A_283 : memref<64xi32, #tpu.memory_space<vmem>>) semaphore(%arg21 : memref<!tpu.dma_semaphore, #tpu.memory_space<semaphore_mem>>)
    %dma_wait3A_287 = arith.constant 0 : i32
    %dma_wait3A_288 = arith.constant 2 : i32
    %dma_wait3A_289 = arith.constant 0 : i32
    %dma_wait3A_290 = arith.constant 0 : i32
    %dma_wait3A_291 = tpu.memref_slice %arg8[%dma_wait3A_288, %dma_wait3A_289, %dma_wait3A_290] : memref<4x64x128xf32, #tpu.memory_space<vmem>> -> memref<1x64x128xf32, #tpu.memory_space<vmem>>
    %dma_wait3A_292 = tpu.memref_squeeze %dma_wait3A_291 : memref<1x64x128xf32, #tpu.memory_space<vmem>> -> memref<64x128xf32, #tpu.memory_space<vmem>>
    %dma_wait3A_293 = arith.constant 0 : i32
    %dma_wait3A_294 = tpu.memref_slice %arg6[%dma_wait3A_287, %dma_wait3A_293] : memref<4x64xi32, #tpu.memory_space<vmem>> -> memref<1x64xi32, #tpu.memory_space<vmem>>
    %dma_wait3A_295 = tpu.memref_squeeze %dma_wait3A_294 : memref<1x64xi32, #tpu.memory_space<vmem>> -> memref<64xi32, #tpu.memory_space<vmem>>
    %dma_wait3A_296 = arith.constant 0 : i32
    %dma_wait3A_297 = arith.constant 0 : i32
    %dma_wait3A_298 = tpu.memref_slice %arg2[%dma_wait3A_296, %dma_wait3A_297] : memref<10000x128xf32, #tpu.memory_space<hbm>> -> memref<10000x128xf32, #tpu.memory_space<hbm>>
    tpu.wait_indirect_dma semaphore(%arg20 : memref<!tpu.dma_semaphore, #tpu.memory_space<semaphore_mem>>) src(%dma_wait3A_298 : memref<10000x128xf32, #tpu.memory_space<hbm>>) dst(%dma_wait3A_292 : memref<64x128xf32, #tpu.memory_space<vmem>>)
    %add3A_299 = arith.constant 384 : i32
    %add3A_300 = arith.addi %add3A_6, %add3A_299 : i32
    %dma_start3A_301 = arith.constant 2 : i32
    %dma_start3A_302 = arith.constant 0 : i32
    %dma_start3A_303 = tpu.memref_slice %arg6[%dma_start3A_301, %dma_start3A_302] : memref<4x64xi32, #tpu.memory_space<vmem>> -> memref<1x64xi32, #tpu.memory_space<vmem>>
    %dma_start3A_304 = tpu.memref_squeeze %dma_start3A_303 : memref<1x64xi32, #tpu.memory_space<vmem>> -> memref<64xi32, #tpu.memory_space<vmem>>
    %dma_start3A_305 = tpu.memref_slice %arg3[%add3A_300] : memref<320000xi32, #tpu.memory_space<hbm>> -> memref<64xi32, #tpu.memory_space<hbm>>
    %dma_start3A_306 = arith.constant 0 : i32
    %dma_start3A_307 = tpu.memref_slice %arg6[%dma_start3A_301, %dma_start3A_306] : memref<4x64xi32, #tpu.memory_space<vmem>> -> memref<1x64xi32, #tpu.memory_space<vmem>>
    %dma_start3A_308 = tpu.memref_squeeze %dma_start3A_307 : memref<1x64xi32, #tpu.memory_space<vmem>> -> memref<64xi32, #tpu.memory_space<vmem>>
    %dma_start3A_309 = tpu.memref_slice %arg3[%add3A_300] : memref<320000xi32, #tpu.memory_space<hbm>> -> memref<64xi32, #tpu.memory_space<hbm>>
    tpu.enqueue_dma source(%dma_start3A_309 : memref<64xi32, #tpu.memory_space<hbm>>) target(%dma_start3A_308 : memref<64xi32, #tpu.memory_space<vmem>>) target_semaphore(%arg12 : memref<!tpu.dma_semaphore, #tpu.memory_space<semaphore_mem>>)
    %dma_wait3A_310 = arith.constant 2 : i32
    %dma_wait3A_311 = arith.constant 0 : i32
    %dma_wait3A_312 = tpu.memref_slice %arg7[%dma_wait3A_310, %dma_wait3A_311] : memref<4x64xi32, #tpu.memory_space<vmem>> -> memref<1x64xi32, #tpu.memory_space<vmem>>
    %dma_wait3A_313 = tpu.memref_squeeze %dma_wait3A_312 : memref<1x64xi32, #tpu.memory_space<vmem>> -> memref<64xi32, #tpu.memory_space<vmem>>
    %dma_wait3A_314 = arith.constant 0 : i32
    %dma_wait3A_315 = tpu.memref_slice %arg4[%dma_wait3A_314] : memref<320000xi32, #tpu.memory_space<hbm>> -> memref<64xi32, #tpu.memory_space<hbm>>
    %dma_wait3A_316 = arith.constant 0 : i32
    %dma_wait3A_317 = tpu.memref_slice %arg7[%dma_wait3A_310, %dma_wait3A_316] : memref<4x64xi32, #tpu.memory_space<vmem>> -> memref<1x64xi32, #tpu.memory_space<vmem>>
    %dma_wait3A_318 = tpu.memref_squeeze %dma_wait3A_317 : memref<1x64xi32, #tpu.memory_space<vmem>> -> memref<64xi32, #tpu.memory_space<vmem>>
    %dma_wait3A_319 = arith.constant 0 : i32
    %dma_wait3A_320 = tpu.memref_slice %arg4[%dma_wait3A_319] : memref<320000xi32, #tpu.memory_space<hbm>> -> memref<64xi32, #tpu.memory_space<hbm>>
    tpu.wait_dma2 semaphore(%arg16 : memref<!tpu.dma_semaphore, #tpu.memory_space<semaphore_mem>>) src(%dma_wait3A_320 : memref<64xi32, #tpu.memory_space<hbm>>) dst(%dma_wait3A_318 : memref<64xi32, #tpu.memory_space<vmem>>)
    %dma_start3A_321 = arith.constant 2 : i32
    %dma_start3A_322 = arith.constant 2 : i32
    %dma_start3A_323 = arith.constant 0 : i32
    %dma_start3A_324 = arith.constant 0 : i32
    %dma_start3A_325 = tpu.memref_slice %arg8[%dma_start3A_321, %dma_start3A_323, %dma_start3A_324] : memref<4x64x128xf32, #tpu.memory_space<vmem>> -> memref<1x64x128xf32, #tpu.memory_space<vmem>>
    %dma_start3A_326 = tpu.memref_squeeze %dma_start3A_325 : memref<1x64x128xf32, #tpu.memory_space<vmem>> -> memref<64x128xf32, #tpu.memory_space<vmem>>
    %dma_start3A_327 = arith.constant 0 : i32
    %dma_start3A_328 = tpu.memref_slice %arg7[%dma_start3A_322, %dma_start3A_327] : memref<4x64xi32, #tpu.memory_space<vmem>> -> memref<1x64xi32, #tpu.memory_space<vmem>>
    %dma_start3A_329 = tpu.memref_squeeze %dma_start3A_328 : memref<1x64xi32, #tpu.memory_space<vmem>> -> memref<64xi32, #tpu.memory_space<vmem>>
    %dma_start3A_330 = arith.constant 0 : i32
    %dma_start3A_331 = arith.constant 0 : i32
    %dma_start3A_332 = tpu.memref_slice %arg9[%dma_start3A_330, %dma_start3A_331] : memref<10240x128xf32, #tpu.memory_space<vmem_shared>> -> memref<10240x128xf32, #tpu.memory_space<vmem_shared>>
    tpu.enqueue_indirect_dma source(%dma_start3A_326 : memref<64x128xf32, #tpu.memory_space<vmem>>) target(%dma_start3A_332 : memref<10240x128xf32, #tpu.memory_space<vmem_shared>>) offsets(%dma_start3A_329 : memref<64xi32, #tpu.memory_space<vmem>>) semaphore(%arg24 : memref<!tpu.dma_semaphore, #tpu.memory_space<semaphore_mem>>) {add = true}
    %dma_wait3A_333 = arith.constant 0 : i32
    %dma_wait3A_334 = arith.constant 3 : i32
    %dma_wait3A_335 = arith.constant 0 : i32
    %dma_wait3A_336 = arith.constant 0 : i32
    %dma_wait3A_337 = tpu.memref_slice %arg8[%dma_wait3A_334, %dma_wait3A_335, %dma_wait3A_336] : memref<4x64x128xf32, #tpu.memory_space<vmem>> -> memref<1x64x128xf32, #tpu.memory_space<vmem>>
    %dma_wait3A_338 = tpu.memref_squeeze %dma_wait3A_337 : memref<1x64x128xf32, #tpu.memory_space<vmem>> -> memref<64x128xf32, #tpu.memory_space<vmem>>
    %dma_wait3A_339 = arith.constant 0 : i32
    %dma_wait3A_340 = tpu.memref_slice %arg6[%dma_wait3A_333, %dma_wait3A_339] : memref<4x64xi32, #tpu.memory_space<vmem>> -> memref<1x64xi32, #tpu.memory_space<vmem>>
    %dma_wait3A_341 = tpu.memref_squeeze %dma_wait3A_340 : memref<1x64xi32, #tpu.memory_space<vmem>> -> memref<64xi32, #tpu.memory_space<vmem>>
    %dma_wait3A_342 = arith.constant 0 : i32
    %dma_wait3A_343 = arith.constant 0 : i32
    %dma_wait3A_344 = tpu.memref_slice %arg2[%dma_wait3A_342, %dma_wait3A_343] : memref<10000x128xf32, #tpu.memory_space<hbm>> -> memref<10000x128xf32, #tpu.memory_space<hbm>>
    tpu.wait_indirect_dma semaphore(%arg21 : memref<!tpu.dma_semaphore, #tpu.memory_space<semaphore_mem>>) src(%dma_wait3A_344 : memref<10000x128xf32, #tpu.memory_space<hbm>>) dst(%dma_wait3A_338 : memref<64x128xf32, #tpu.memory_space<vmem>>)
    %add3A_345 = arith.constant 448 : i32
    %add3A_346 = arith.addi %add3A_6, %add3A_345 : i32
    %dma_start3A_347 = arith.constant 3 : i32
    %dma_start3A_348 = arith.constant 0 : i32
    %dma_start3A_349 = tpu.memref_slice %arg6[%dma_start3A_347, %dma_start3A_348] : memref<4x64xi32, #tpu.memory_space<vmem>> -> memref<1x64xi32, #tpu.memory_space<vmem>>
    %dma_start3A_350 = tpu.memref_squeeze %dma_start3A_349 : memref<1x64xi32, #tpu.memory_space<vmem>> -> memref<64xi32, #tpu.memory_space<vmem>>
    %dma_start3A_351 = tpu.memref_slice %arg3[%add3A_346] : memref<320000xi32, #tpu.memory_space<hbm>> -> memref<64xi32, #tpu.memory_space<hbm>>
    %dma_start3A_352 = arith.constant 0 : i32
    %dma_start3A_353 = tpu.memref_slice %arg6[%dma_start3A_347, %dma_start3A_352] : memref<4x64xi32, #tpu.memory_space<vmem>> -> memref<1x64xi32, #tpu.memory_space<vmem>>
    %dma_start3A_354 = tpu.memref_squeeze %dma_start3A_353 : memref<1x64xi32, #tpu.memory_space<vmem>> -> memref<64xi32, #tpu.memory_space<vmem>>
    %dma_start3A_355 = tpu.memref_slice %arg3[%add3A_346] : memref<320000xi32, #tpu.memory_space<hbm>> -> memref<64xi32, #tpu.memory_space<hbm>>
    tpu.enqueue_dma source(%dma_start3A_355 : memref<64xi32, #tpu.memory_space<hbm>>) target(%dma_start3A_354 : memref<64xi32, #tpu.memory_space<vmem>>) target_semaphore(%arg13 : memref<!tpu.dma_semaphore, #tpu.memory_space<semaphore_mem>>)
    %dma_wait3A_356 = arith.constant 3 : i32
    %dma_wait3A_357 = arith.constant 0 : i32
    %dma_wait3A_358 = tpu.memref_slice %arg7[%dma_wait3A_356, %dma_wait3A_357] : memref<4x64xi32, #tpu.memory_space<vmem>> -> memref<1x64xi32, #tpu.memory_space<vmem>>
    %dma_wait3A_359 = tpu.memref_squeeze %dma_wait3A_358 : memref<1x64xi32, #tpu.memory_space<vmem>> -> memref<64xi32, #tpu.memory_space<vmem>>
    %dma_wait3A_360 = arith.constant 0 : i32
    %dma_wait3A_361 = tpu.memref_slice %arg4[%dma_wait3A_360] : memref<320000xi32, #tpu.memory_space<hbm>> -> memref<64xi32, #tpu.memory_space<hbm>>
    %dma_wait3A_362 = arith.constant 0 : i32
    %dma_wait3A_363 = tpu.memref_slice %arg7[%dma_wait3A_356, %dma_wait3A_362] : memref<4x64xi32, #tpu.memory_space<vmem>> -> memref<1x64xi32, #tpu.memory_space<vmem>>
    %dma_wait3A_364 = tpu.memref_squeeze %dma_wait3A_363 : memref<1x64xi32, #tpu.memory_space<vmem>> -> memref<64xi32, #tpu.memory_space<vmem>>
    %dma_wait3A_365 = arith.constant 0 : i32
    %dma_wait3A_366 = tpu.memref_slice %arg4[%dma_wait3A_365] : memref<320000xi32, #tpu.memory_space<hbm>> -> memref<64xi32, #tpu.memory_space<hbm>>
    tpu.wait_dma2 semaphore(%arg17 : memref<!tpu.dma_semaphore, #tpu.memory_space<semaphore_mem>>) src(%dma_wait3A_366 : memref<64xi32, #tpu.memory_space<hbm>>) dst(%dma_wait3A_364 : memref<64xi32, #tpu.memory_space<vmem>>)
    %dma_start3A_367 = arith.constant 3 : i32
    %dma_start3A_368 = arith.constant 3 : i32
    %dma_start3A_369 = arith.constant 0 : i32
    %dma_start3A_370 = arith.constant 0 : i32
    %dma_start3A_371 = tpu.memref_slice %arg8[%dma_start3A_367, %dma_start3A_369, %dma_start3A_370] : memref<4x64x128xf32, #tpu.memory_space<vmem>> -> memref<1x64x128xf32, #tpu.memory_space<vmem>>
    %dma_start3A_372 = tpu.memref_squeeze %dma_start3A_371 : memref<1x64x128xf32, #tpu.memory_space<vmem>> -> memref<64x128xf32, #tpu.memory_space<vmem>>
    %dma_start3A_373 = arith.constant 0 : i32
    %dma_start3A_374 = tpu.memref_slice %arg7[%dma_start3A_368, %dma_start3A_373] : memref<4x64xi32, #tpu.memory_space<vmem>> -> memref<1x64xi32, #tpu.memory_space<vmem>>
    %dma_start3A_375 = tpu.memref_squeeze %dma_start3A_374 : memref<1x64xi32, #tpu.memory_space<vmem>> -> memref<64xi32, #tpu.memory_space<vmem>>
    %dma_start3A_376 = arith.constant 0 : i32
    %dma_start3A_377 = arith.constant 0 : i32
    %dma_start3A_378 = tpu.memref_slice %arg9[%dma_start3A_376, %dma_start3A_377] : memref<10240x128xf32, #tpu.memory_space<vmem_shared>> -> memref<10240x128xf32, #tpu.memory_space<vmem_shared>>
    tpu.enqueue_indirect_dma source(%dma_start3A_372 : memref<64x128xf32, #tpu.memory_space<vmem>>) target(%dma_start3A_378 : memref<10240x128xf32, #tpu.memory_space<vmem_shared>>) offsets(%dma_start3A_375 : memref<64xi32, #tpu.memory_space<vmem>>) semaphore(%arg25 : memref<!tpu.dma_semaphore, #tpu.memory_space<semaphore_mem>>) {add = true}
    %dma_wait3A_379 = arith.constant 0 : i32
    %dma_wait3A_380 = arith.constant 0 : i32
    %dma_wait3A_381 = arith.constant 0 : i32
    %dma_wait3A_382 = arith.constant 0 : i32
    %dma_wait3A_383 = tpu.memref_slice %arg8[%dma_wait3A_379, %dma_wait3A_381, %dma_wait3A_382] : memref<4x64x128xf32, #tpu.memory_space<vmem>> -> memref<1x64x128xf32, #tpu.memory_space<vmem>>
    %dma_wait3A_384 = tpu.memref_squeeze %dma_wait3A_383 : memref<1x64x128xf32, #tpu.memory_space<vmem>> -> memref<64x128xf32, #tpu.memory_space<vmem>>
    %dma_wait3A_385 = arith.constant 0 : i32
    %dma_wait3A_386 = tpu.memref_slice %arg7[%dma_wait3A_380, %dma_wait3A_385] : memref<4x64xi32, #tpu.memory_space<vmem>> -> memref<1x64xi32, #tpu.memory_space<vmem>>
    %dma_wait3A_387 = tpu.memref_squeeze %dma_wait3A_386 : memref<1x64xi32, #tpu.memory_space<vmem>> -> memref<64xi32, #tpu.memory_space<vmem>>
    %dma_wait3A_388 = arith.constant 0 : i32
    %dma_wait3A_389 = arith.constant 0 : i32
    %dma_wait3A_390 = tpu.memref_slice %arg9[%dma_wait3A_388, %dma_wait3A_389] : memref<10240x128xf32, #tpu.memory_space<vmem_shared>> -> memref<10240x128xf32, #tpu.memory_space<vmem_shared>>
    tpu.wait_indirect_dma semaphore(%arg22 : memref<!tpu.dma_semaphore, #tpu.memory_space<semaphore_mem>>) src(%dma_wait3A_384 : memref<64x128xf32, #tpu.memory_space<vmem>>) dst(%dma_wait3A_390 : memref<10240x128xf32, #tpu.memory_space<vmem_shared>>)
    %add3A_391 = arith.constant 256 : i32
    %add3A_392 = arith.addi %add3A_6, %add3A_391 : i32
    %dma_start3A_393 = arith.constant 0 : i32
    %dma_start3A_394 = arith.constant 0 : i32
    %dma_start3A_395 = tpu.memref_slice %arg7[%dma_start3A_393, %dma_start3A_394] : memref<4x64xi32, #tpu.memory_space<vmem>> -> memref<1x64xi32, #tpu.memory_space<vmem>>
    %dma_start3A_396 = tpu.memref_squeeze %dma_start3A_395 : memref<1x64xi32, #tpu.memory_space<vmem>> -> memref<64xi32, #tpu.memory_space<vmem>>
    %dma_start3A_397 = tpu.memref_slice %arg4[%add3A_392] : memref<320000xi32, #tpu.memory_space<hbm>> -> memref<64xi32, #tpu.memory_space<hbm>>
    %dma_start3A_398 = arith.constant 0 : i32
    %dma_start3A_399 = tpu.memref_slice %arg7[%dma_start3A_393, %dma_start3A_398] : memref<4x64xi32, #tpu.memory_space<vmem>> -> memref<1x64xi32, #tpu.memory_space<vmem>>
    %dma_start3A_400 = tpu.memref_squeeze %dma_start3A_399 : memref<1x64xi32, #tpu.memory_space<vmem>> -> memref<64xi32, #tpu.memory_space<vmem>>
    %dma_start3A_401 = tpu.memref_slice %arg4[%add3A_392] : memref<320000xi32, #tpu.memory_space<hbm>> -> memref<64xi32, #tpu.memory_space<hbm>>
    tpu.enqueue_dma source(%dma_start3A_401 : memref<64xi32, #tpu.memory_space<hbm>>) target(%dma_start3A_400 : memref<64xi32, #tpu.memory_space<vmem>>) target_semaphore(%arg14 : memref<!tpu.dma_semaphore, #tpu.memory_space<semaphore_mem>>)
    %dma_wait3A_402 = arith.constant 0 : i32
    %dma_wait3A_403 = arith.constant 0 : i32
    %dma_wait3A_404 = tpu.memref_slice %arg6[%dma_wait3A_402, %dma_wait3A_403] : memref<4x64xi32, #tpu.memory_space<vmem>> -> memref<1x64xi32, #tpu.memory_space<vmem>>
    %dma_wait3A_405 = tpu.memref_squeeze %dma_wait3A_404 : memref<1x64xi32, #tpu.memory_space<vmem>> -> memref<64xi32, #tpu.memory_space<vmem>>
    %dma_wait3A_406 = arith.constant 0 : i32
    %dma_wait3A_407 = tpu.memref_slice %arg3[%dma_wait3A_406] : memref<320000xi32, #tpu.memory_space<hbm>> -> memref<64xi32, #tpu.memory_space<hbm>>
    %dma_wait3A_408 = arith.constant 0 : i32
    %dma_wait3A_409 = tpu.memref_slice %arg6[%dma_wait3A_402, %dma_wait3A_408] : memref<4x64xi32, #tpu.memory_space<vmem>> -> memref<1x64xi32, #tpu.memory_space<vmem>>
    %dma_wait3A_410 = tpu.memref_squeeze %dma_wait3A_409 : memref<1x64xi32, #tpu.memory_space<vmem>> -> memref<64xi32, #tpu.memory_space<vmem>>
    %dma_wait3A_411 = arith.constant 0 : i32
    %dma_wait3A_412 = tpu.memref_slice %arg3[%dma_wait3A_411] : memref<320000xi32, #tpu.memory_space<hbm>> -> memref<64xi32, #tpu.memory_space<hbm>>
    tpu.wait_dma2 semaphore(%arg10 : memref<!tpu.dma_semaphore, #tpu.memory_space<semaphore_mem>>) src(%dma_wait3A_412 : memref<64xi32, #tpu.memory_space<hbm>>) dst(%dma_wait3A_410 : memref<64xi32, #tpu.memory_space<vmem>>)
    %dma_start3A_413 = arith.constant 0 : i32
    %dma_start3A_414 = arith.constant 0 : i32
    %dma_start3A_415 = arith.constant 0 : i32
    %dma_start3A_416 = arith.constant 0 : i32
    %dma_start3A_417 = tpu.memref_slice %arg8[%dma_start3A_414, %dma_start3A_415, %dma_start3A_416] : memref<4x64x128xf32, #tpu.memory_space<vmem>> -> memref<1x64x128xf32, #tpu.memory_space<vmem>>
    %dma_start3A_418 = tpu.memref_squeeze %dma_start3A_417 : memref<1x64x128xf32, #tpu.memory_space<vmem>> -> memref<64x128xf32, #tpu.memory_space<vmem>>
    %dma_start3A_419 = arith.constant 0 : i32
    %dma_start3A_420 = tpu.memref_slice %arg6[%dma_start3A_413, %dma_start3A_419] : memref<4x64xi32, #tpu.memory_space<vmem>> -> memref<1x64xi32, #tpu.memory_space<vmem>>
    %dma_start3A_421 = tpu.memref_squeeze %dma_start3A_420 : memref<1x64xi32, #tpu.memory_space<vmem>> -> memref<64xi32, #tpu.memory_space<vmem>>
    %dma_start3A_422 = arith.constant 0 : i32
    %dma_start3A_423 = arith.constant 0 : i32
    %dma_start3A_424 = tpu.memref_slice %arg2[%dma_start3A_422, %dma_start3A_423] : memref<10000x128xf32, #tpu.memory_space<hbm>> -> memref<10000x128xf32, #tpu.memory_space<hbm>>
    tpu.enqueue_indirect_dma source(%dma_start3A_424 : memref<10000x128xf32, #tpu.memory_space<hbm>>) target(%dma_start3A_418 : memref<64x128xf32, #tpu.memory_space<vmem>>) offsets(%dma_start3A_421 : memref<64xi32, #tpu.memory_space<vmem>>) semaphore(%arg18 : memref<!tpu.dma_semaphore, #tpu.memory_space<semaphore_mem>>)
    %dma_wait3A_425 = arith.constant 1 : i32
    %dma_wait3A_426 = arith.constant 1 : i32
    %dma_wait3A_427 = arith.constant 0 : i32
    %dma_wait3A_428 = arith.constant 0 : i32
    %dma_wait3A_429 = tpu.memref_slice %arg8[%dma_wait3A_425, %dma_wait3A_427, %dma_wait3A_428] : memref<4x64x128xf32, #tpu.memory_space<vmem>> -> memref<1x64x128xf32, #tpu.memory_space<vmem>>
    %dma_wait3A_430 = tpu.memref_squeeze %dma_wait3A_429 : memref<1x64x128xf32, #tpu.memory_space<vmem>> -> memref<64x128xf32, #tpu.memory_space<vmem>>
    %dma_wait3A_431 = arith.constant 0 : i32
    %dma_wait3A_432 = tpu.memref_slice %arg7[%dma_wait3A_426, %dma_wait3A_431] : memref<4x64xi32, #tpu.memory_space<vmem>> -> memref<1x64xi32, #tpu.memory_space<vmem>>
    %dma_wait3A_433 = tpu.memref_squeeze %dma_wait3A_432 : memref<1x64xi32, #tpu.memory_space<vmem>> -> memref<64xi32, #tpu.memory_space<vmem>>
    %dma_wait3A_434 = arith.constant 0 : i32
    %dma_wait3A_435 = arith.constant 0 : i32
    %dma_wait3A_436 = tpu.memref_slice %arg9[%dma_wait3A_434, %dma_wait3A_435] : memref<10240x128xf32, #tpu.memory_space<vmem_shared>> -> memref<10240x128xf32, #tpu.memory_space<vmem_shared>>
    tpu.wait_indirect_dma semaphore(%arg23 : memref<!tpu.dma_semaphore, #tpu.memory_space<semaphore_mem>>) src(%dma_wait3A_430 : memref<64x128xf32, #tpu.memory_space<vmem>>) dst(%dma_wait3A_436 : memref<10240x128xf32, #tpu.memory_space<vmem_shared>>)
    %add3A_437 = arith.constant 320 : i32
    %add3A_438 = arith.addi %add3A_6, %add3A_437 : i32
    %dma_start3A_439 = arith.constant 1 : i32
    %dma_start3A_440 = arith.constant 0 : i32
    %dma_start3A_441 = tpu.memref_slice %arg7[%dma_start3A_439, %dma_start3A_440] : memref<4x64xi32, #tpu.memory_space<vmem>> -> memref<1x64xi32, #tpu.memory_space<vmem>>
    %dma_start3A_442 = tpu.memref_squeeze %dma_start3A_441 : memref<1x64xi32, #tpu.memory_space<vmem>> -> memref<64xi32, #tpu.memory_space<vmem>>
    %dma_start3A_443 = tpu.memref_slice %arg4[%add3A_438] : memref<320000xi32, #tpu.memory_space<hbm>> -> memref<64xi32, #tpu.memory_space<hbm>>
    %dma_start3A_444 = arith.constant 0 : i32
    %dma_start3A_445 = tpu.memref_slice %arg7[%dma_start3A_439, %dma_start3A_444] : memref<4x64xi32, #tpu.memory_space<vmem>> -> memref<1x64xi32, #tpu.memory_space<vmem>>
    %dma_start3A_446 = tpu.memref_squeeze %dma_start3A_445 : memref<1x64xi32, #tpu.memory_space<vmem>> -> memref<64xi32, #tpu.memory_space<vmem>>
    %dma_start3A_447 = tpu.memref_slice %arg4[%add3A_438] : memref<320000xi32, #tpu.memory_space<hbm>> -> memref<64xi32, #tpu.memory_space<hbm>>
    tpu.enqueue_dma source(%dma_start3A_447 : memref<64xi32, #tpu.memory_space<hbm>>) target(%dma_start3A_446 : memref<64xi32, #tpu.memory_space<vmem>>) target_semaphore(%arg15 : memref<!tpu.dma_semaphore, #tpu.memory_space<semaphore_mem>>)
    %dma_wait3A_448 = arith.constant 1 : i32
    %dma_wait3A_449 = arith.constant 0 : i32
    %dma_wait3A_450 = tpu.memref_slice %arg6[%dma_wait3A_448, %dma_wait3A_449] : memref<4x64xi32, #tpu.memory_space<vmem>> -> memref<1x64xi32, #tpu.memory_space<vmem>>
    %dma_wait3A_451 = tpu.memref_squeeze %dma_wait3A_450 : memref<1x64xi32, #tpu.memory_space<vmem>> -> memref<64xi32, #tpu.memory_space<vmem>>
    %dma_wait3A_452 = arith.constant 0 : i32
    %dma_wait3A_453 = tpu.memref_slice %arg3[%dma_wait3A_452] : memref<320000xi32, #tpu.memory_space<hbm>> -> memref<64xi32, #tpu.memory_space<hbm>>
    %dma_wait3A_454 = arith.constant 0 : i32
    %dma_wait3A_455 = tpu.memref_slice %arg6[%dma_wait3A_448, %dma_wait3A_454] : memref<4x64xi32, #tpu.memory_space<vmem>> -> memref<1x64xi32, #tpu.memory_space<vmem>>
    %dma_wait3A_456 = tpu.memref_squeeze %dma_wait3A_455 : memref<1x64xi32, #tpu.memory_space<vmem>> -> memref<64xi32, #tpu.memory_space<vmem>>
    %dma_wait3A_457 = arith.constant 0 : i32
    %dma_wait3A_458 = tpu.memref_slice %arg3[%dma_wait3A_457] : memref<320000xi32, #tpu.memory_space<hbm>> -> memref<64xi32, #tpu.memory_space<hbm>>
    tpu.wait_dma2 semaphore(%arg11 : memref<!tpu.dma_semaphore, #tpu.memory_space<semaphore_mem>>) src(%dma_wait3A_458 : memref<64xi32, #tpu.memory_space<hbm>>) dst(%dma_wait3A_456 : memref<64xi32, #tpu.memory_space<vmem>>)
    %dma_start3A_459 = arith.constant 1 : i32
    %dma_start3A_460 = arith.constant 1 : i32
    %dma_start3A_461 = arith.constant 0 : i32
    %dma_start3A_462 = arith.constant 0 : i32
    %dma_start3A_463 = tpu.memref_slice %arg8[%dma_start3A_460, %dma_start3A_461, %dma_start3A_462] : memref<4x64x128xf32, #tpu.memory_space<vmem>> -> memref<1x64x128xf32, #tpu.memory_space<vmem>>
    %dma_start3A_464 = tpu.memref_squeeze %dma_start3A_463 : memref<1x64x128xf32, #tpu.memory_space<vmem>> -> memref<64x128xf32, #tpu.memory_space<vmem>>
    %dma_start3A_465 = arith.constant 0 : i32
    %dma_start3A_466 = tpu.memref_slice %arg6[%dma_start3A_459, %dma_start3A_465] : memref<4x64xi32, #tpu.memory_space<vmem>> -> memref<1x64xi32, #tpu.memory_space<vmem>>
    %dma_start3A_467 = tpu.memref_squeeze %dma_start3A_466 : memref<1x64xi32, #tpu.memory_space<vmem>> -> memref<64xi32, #tpu.memory_space<vmem>>
    %dma_start3A_468 = arith.constant 0 : i32
    %dma_start3A_469 = arith.constant 0 : i32
    %dma_start3A_470 = tpu.memref_slice %arg2[%dma_start3A_468, %dma_start3A_469] : memref<10000x128xf32, #tpu.memory_space<hbm>> -> memref<10000x128xf32, #tpu.memory_space<hbm>>
    tpu.enqueue_indirect_dma source(%dma_start3A_470 : memref<10000x128xf32, #tpu.memory_space<hbm>>) target(%dma_start3A_464 : memref<64x128xf32, #tpu.memory_space<vmem>>) offsets(%dma_start3A_467 : memref<64xi32, #tpu.memory_space<vmem>>) semaphore(%arg19 : memref<!tpu.dma_semaphore, #tpu.memory_space<semaphore_mem>>)
    %scan3A_471 = arith.constant 0 : i32
    %scan3A_472 = arith.constant 37 : i32
    %scan3A_473 = arith.addi %scan3A_471, %scan3A_472 : i32
    %scan3A_474 = arith.constant 1 : i32
    scf.for %scan3A_763 = %scan3A_471 to %scan3A_473 step %scan3A_474  : i32 {
      %mul3A_764 = arith.constant 1 : i32
      %mul3A_765 = arith.muli %scan3A_763, %mul3A_764 : i32
      %add3A_766 = arith.constant 1 : i32
      %add3A_767 = arith.addi %add3A_766, %mul3A_765 : i32
      %mul3A_768 = arith.constant 4 : i32
      %mul3A_769 = arith.muli %add3A_767, %mul3A_768 : i32
      %dma_wait3A_770 = arith.constant 0 : i32
      %dma_wait3A_771 = arith.constant 0 : i32
      %dma_wait3A_772 = arith.constant 0 : i32
      %dma_wait3A_773 = arith.constant 0 : i32
      %dma_wait3A_774 = tpu.memref_slice %arg8[%dma_wait3A_771, %dma_wait3A_772, %dma_wait3A_773] : memref<4x64x128xf32, #tpu.memory_space<vmem>> -> memref<1x64x128xf32, #tpu.memory_space<vmem>>
      %dma_wait3A_775 = tpu.memref_squeeze %dma_wait3A_774 : memref<1x64x128xf32, #tpu.memory_space<vmem>> -> memref<64x128xf32, #tpu.memory_space<vmem>>
      %dma_wait3A_776 = arith.constant 0 : i32
      %dma_wait3A_777 = tpu.memref_slice %arg6[%dma_wait3A_770, %dma_wait3A_776] : memref<4x64xi32, #tpu.memory_space<vmem>> -> memref<1x64xi32, #tpu.memory_space<vmem>>
      %dma_wait3A_778 = tpu.memref_squeeze %dma_wait3A_777 : memref<1x64xi32, #tpu.memory_space<vmem>> -> memref<64xi32, #tpu.memory_space<vmem>>
      %dma_wait3A_779 = arith.constant 0 : i32
      %dma_wait3A_780 = arith.constant 0 : i32
      %dma_wait3A_781 = tpu.memref_slice %arg2[%dma_wait3A_779, %dma_wait3A_780] : memref<10000x128xf32, #tpu.memory_space<hbm>> -> memref<10000x128xf32, #tpu.memory_space<hbm>>
      tpu.wait_indirect_dma semaphore(%arg18 : memref<!tpu.dma_semaphore, #tpu.memory_space<semaphore_mem>>) src(%dma_wait3A_781 : memref<10000x128xf32, #tpu.memory_space<hbm>>) dst(%dma_wait3A_775 : memref<64x128xf32, #tpu.memory_space<vmem>>)
      %add3A_782 = arith.constant 4 : i32
      %add3A_783 = arith.addi %mul3A_769, %add3A_782 : i32
      %add3A_784 = arith.constant 0 : i32
      %add3A_785 = arith.addi %add3A_783, %add3A_784 : i32
      %mul3A_786 = arith.constant 64 : i32
      %mul3A_787 = arith.muli %add3A_785, %mul3A_786 : i32
      %add3A_788 = arith.addi %add3A_6, %mul3A_787 : i32
      %dma_start3A_789 = arith.constant 0 : i32
      %dma_start3A_790 = arith.constant 0 : i32
      %dma_start3A_791 = tpu.memref_slice %arg6[%dma_start3A_789, %dma_start3A_790] : memref<4x64xi32, #tpu.memory_space<vmem>> -> memref<1x64xi32, #tpu.memory_space<vmem>>
      %dma_start3A_792 = tpu.memref_squeeze %dma_start3A_791 : memref<1x64xi32, #tpu.memory_space<vmem>> -> memref<64xi32, #tpu.memory_space<vmem>>
      %dma_start3A_793 = tpu.memref_slice %arg3[%add3A_788] : memref<320000xi32, #tpu.memory_space<hbm>> -> memref<64xi32, #tpu.memory_space<hbm>>
      %dma_start3A_794 = arith.constant 0 : i32
      %dma_start3A_795 = tpu.memref_slice %arg6[%dma_start3A_789, %dma_start3A_794] : memref<4x64xi32, #tpu.memory_space<vmem>> -> memref<1x64xi32, #tpu.memory_space<vmem>>
      %dma_start3A_796 = tpu.memref_squeeze %dma_start3A_795 : memref<1x64xi32, #tpu.memory_space<vmem>> -> memref<64xi32, #tpu.memory_space<vmem>>
      %dma_start3A_797 = tpu.memref_slice %arg3[%add3A_788] : memref<320000xi32, #tpu.memory_space<hbm>> -> memref<64xi32, #tpu.memory_space<hbm>>
      tpu.enqueue_dma source(%dma_start3A_797 : memref<64xi32, #tpu.memory_space<hbm>>) target(%dma_start3A_796 : memref<64xi32, #tpu.memory_space<vmem>>) target_semaphore(%arg10 : memref<!tpu.dma_semaphore, #tpu.memory_space<semaphore_mem>>)
      %dma_wait3A_798 = arith.constant 0 : i32
      %dma_wait3A_799 = arith.constant 0 : i32
      %dma_wait3A_800 = tpu.memref_slice %arg7[%dma_wait3A_798, %dma_wait3A_799] : memref<4x64xi32, #tpu.memory_space<vmem>> -> memref<1x64xi32, #tpu.memory_space<vmem>>
      %dma_wait3A_801 = tpu.memref_squeeze %dma_wait3A_800 : memref<1x64xi32, #tpu.memory_space<vmem>> -> memref<64xi32, #tpu.memory_space<vmem>>
      %dma_wait3A_802 = arith.constant 0 : i32
      %dma_wait3A_803 = tpu.memref_slice %arg4[%dma_wait3A_802] : memref<320000xi32, #tpu.memory_space<hbm>> -> memref<64xi32, #tpu.memory_space<hbm>>
      %dma_wait3A_804 = arith.constant 0 : i32
      %dma_wait3A_805 = tpu.memref_slice %arg7[%dma_wait3A_798, %dma_wait3A_804] : memref<4x64xi32, #tpu.memory_space<vmem>> -> memref<1x64xi32, #tpu.memory_space<vmem>>
      %dma_wait3A_806 = tpu.memref_squeeze %dma_wait3A_805 : memref<1x64xi32, #tpu.memory_space<vmem>> -> memref<64xi32, #tpu.memory_space<vmem>>
      %dma_wait3A_807 = arith.constant 0 : i32
      %dma_wait3A_808 = tpu.memref_slice %arg4[%dma_wait3A_807] : memref<320000xi32, #tpu.memory_space<hbm>> -> memref<64xi32, #tpu.memory_space<hbm>>
      tpu.wait_dma2 semaphore(%arg14 : memref<!tpu.dma_semaphore, #tpu.memory_space<semaphore_mem>>) src(%dma_wait3A_808 : memref<64xi32, #tpu.memory_space<hbm>>) dst(%dma_wait3A_806 : memref<64xi32, #tpu.memory_space<vmem>>)
      %dma_start3A_809 = arith.constant 0 : i32
      %dma_start3A_810 = arith.constant 0 : i32
      %dma_start3A_811 = arith.constant 0 : i32
      %dma_start3A_812 = arith.constant 0 : i32
      %dma_start3A_813 = tpu.memref_slice %arg8[%dma_start3A_809, %dma_start3A_811, %dma_start3A_812] : memref<4x64x128xf32, #tpu.memory_space<vmem>> -> memref<1x64x128xf32, #tpu.memory_space<vmem>>
      %dma_start3A_814 = tpu.memref_squeeze %dma_start3A_813 : memref<1x64x128xf32, #tpu.memory_space<vmem>> -> memref<64x128xf32, #tpu.memory_space<vmem>>
      %dma_start3A_815 = arith.constant 0 : i32
      %dma_start3A_816 = tpu.memref_slice %arg7[%dma_start3A_810, %dma_start3A_815] : memref<4x64xi32, #tpu.memory_space<vmem>> -> memref<1x64xi32, #tpu.memory_space<vmem>>
      %dma_start3A_817 = tpu.memref_squeeze %dma_start3A_816 : memref<1x64xi32, #tpu.memory_space<vmem>> -> memref<64xi32, #tpu.memory_space<vmem>>
      %dma_start3A_818 = arith.constant 0 : i32
      %dma_start3A_819 = arith.constant 0 : i32
      %dma_start3A_820 = tpu.memref_slice %arg9[%dma_start3A_818, %dma_start3A_819] : memref<10240x128xf32, #tpu.memory_space<vmem_shared>> -> memref<10240x128xf32, #tpu.memory_space<vmem_shared>>
      tpu.enqueue_indirect_dma source(%dma_start3A_814 : memref<64x128xf32, #tpu.memory_space<vmem>>) target(%dma_start3A_820 : memref<10240x128xf32, #tpu.memory_space<vmem_shared>>) offsets(%dma_start3A_817 : memref<64xi32, #tpu.memory_space<vmem>>) semaphore(%arg22 : memref<!tpu.dma_semaphore, #tpu.memory_space<semaphore_mem>>) {add = true}
      %dma_wait3A_821 = arith.constant 0 : i32
      %dma_wait3A_822 = arith.constant 1 : i32
      %dma_wait3A_823 = arith.constant 0 : i32
      %dma_wait3A_824 = arith.constant 0 : i32
      %dma_wait3A_825 = tpu.memref_slice %arg8[%dma_wait3A_822, %dma_wait3A_823, %dma_wait3A_824] : memref<4x64x128xf32, #tpu.memory_space<vmem>> -> memref<1x64x128xf32, #tpu.memory_space<vmem>>
      %dma_wait3A_826 = tpu.memref_squeeze %dma_wait3A_825 : memref<1x64x128xf32, #tpu.memory_space<vmem>> -> memref<64x128xf32, #tpu.memory_space<vmem>>
      %dma_wait3A_827 = arith.constant 0 : i32
      %dma_wait3A_828 = tpu.memref_slice %arg6[%dma_wait3A_821, %dma_wait3A_827] : memref<4x64xi32, #tpu.memory_space<vmem>> -> memref<1x64xi32, #tpu.memory_space<vmem>>
      %dma_wait3A_829 = tpu.memref_squeeze %dma_wait3A_828 : memref<1x64xi32, #tpu.memory_space<vmem>> -> memref<64xi32, #tpu.memory_space<vmem>>
      %dma_wait3A_830 = arith.constant 0 : i32
      %dma_wait3A_831 = arith.constant 0 : i32
      %dma_wait3A_832 = tpu.memref_slice %arg2[%dma_wait3A_830, %dma_wait3A_831] : memref<10000x128xf32, #tpu.memory_space<hbm>> -> memref<10000x128xf32, #tpu.memory_space<hbm>>
      tpu.wait_indirect_dma semaphore(%arg19 : memref<!tpu.dma_semaphore, #tpu.memory_space<semaphore_mem>>) src(%dma_wait3A_832 : memref<10000x128xf32, #tpu.memory_space<hbm>>) dst(%dma_wait3A_826 : memref<64x128xf32, #tpu.memory_space<vmem>>)
      %add3A_833 = arith.constant 4 : i32
      %add3A_834 = arith.addi %mul3A_769, %add3A_833 : i32
      %add3A_835 = arith.constant 1 : i32
      %add3A_836 = arith.addi %add3A_834, %add3A_835 : i32
      %mul3A_837 = arith.constant 64 : i32
      %mul3A_838 = arith.muli %add3A_836, %mul3A_837 : i32
      %add3A_839 = arith.addi %add3A_6, %mul3A_838 : i32
      %dma_start3A_840 = arith.constant 1 : i32
      %dma_start3A_841 = arith.constant 0 : i32
      %dma_start3A_842 = tpu.memref_slice %arg6[%dma_start3A_840, %dma_start3A_841] : memref<4x64xi32, #tpu.memory_space<vmem>> -> memref<1x64xi32, #tpu.memory_space<vmem>>
      %dma_start3A_843 = tpu.memref_squeeze %dma_start3A_842 : memref<1x64xi32, #tpu.memory_space<vmem>> -> memref<64xi32, #tpu.memory_space<vmem>>
      %dma_start3A_844 = tpu.memref_slice %arg3[%add3A_839] : memref<320000xi32, #tpu.memory_space<hbm>> -> memref<64xi32, #tpu.memory_space<hbm>>
      %dma_start3A_845 = arith.constant 0 : i32
      %dma_start3A_846 = tpu.memref_slice %arg6[%dma_start3A_840, %dma_start3A_845] : memref<4x64xi32, #tpu.memory_space<vmem>> -> memref<1x64xi32, #tpu.memory_space<vmem>>
      %dma_start3A_847 = tpu.memref_squeeze %dma_start3A_846 : memref<1x64xi32, #tpu.memory_space<vmem>> -> memref<64xi32, #tpu.memory_space<vmem>>
      %dma_start3A_848 = tpu.memref_slice %arg3[%add3A_839] : memref<320000xi32, #tpu.memory_space<hbm>> -> memref<64xi32, #tpu.memory_space<hbm>>
      tpu.enqueue_dma source(%dma_start3A_848 : memref<64xi32, #tpu.memory_space<hbm>>) target(%dma_start3A_847 : memref<64xi32, #tpu.memory_space<vmem>>) target_semaphore(%arg11 : memref<!tpu.dma_semaphore, #tpu.memory_space<semaphore_mem>>)
      %dma_wait3A_849 = arith.constant 1 : i32
      %dma_wait3A_850 = arith.constant 0 : i32
      %dma_wait3A_851 = tpu.memref_slice %arg7[%dma_wait3A_849, %dma_wait3A_850] : memref<4x64xi32, #tpu.memory_space<vmem>> -> memref<1x64xi32, #tpu.memory_space<vmem>>
      %dma_wait3A_852 = tpu.memref_squeeze %dma_wait3A_851 : memref<1x64xi32, #tpu.memory_space<vmem>> -> memref<64xi32, #tpu.memory_space<vmem>>
      %dma_wait3A_853 = arith.constant 0 : i32
      %dma_wait3A_854 = tpu.memref_slice %arg4[%dma_wait3A_853] : memref<320000xi32, #tpu.memory_space<hbm>> -> memref<64xi32, #tpu.memory_space<hbm>>
      %dma_wait3A_855 = arith.constant 0 : i32
      %dma_wait3A_856 = tpu.memref_slice %arg7[%dma_wait3A_849, %dma_wait3A_855] : memref<4x64xi32, #tpu.memory_space<vmem>> -> memref<1x64xi32, #tpu.memory_space<vmem>>
      %dma_wait3A_857 = tpu.memref_squeeze %dma_wait3A_856 : memref<1x64xi32, #tpu.memory_space<vmem>> -> memref<64xi32, #tpu.memory_space<vmem>>
      %dma_wait3A_858 = arith.constant 0 : i32
      %dma_wait3A_859 = tpu.memref_slice %arg4[%dma_wait3A_858] : memref<320000xi32, #tpu.memory_space<hbm>> -> memref<64xi32, #tpu.memory_space<hbm>>
      tpu.wait_dma2 semaphore(%arg15 : memref<!tpu.dma_semaphore, #tpu.memory_space<semaphore_mem>>) src(%dma_wait3A_859 : memref<64xi32, #tpu.memory_space<hbm>>) dst(%dma_wait3A_857 : memref<64xi32, #tpu.memory_space<vmem>>)
      %dma_start3A_860 = arith.constant 1 : i32
      %dma_start3A_861 = arith.constant 1 : i32
      %dma_start3A_862 = arith.constant 0 : i32
      %dma_start3A_863 = arith.constant 0 : i32
      %dma_start3A_864 = tpu.memref_slice %arg8[%dma_start3A_860, %dma_start3A_862, %dma_start3A_863] : memref<4x64x128xf32, #tpu.memory_space<vmem>> -> memref<1x64x128xf32, #tpu.memory_space<vmem>>
      %dma_start3A_865 = tpu.memref_squeeze %dma_start3A_864 : memref<1x64x128xf32, #tpu.memory_space<vmem>> -> memref<64x128xf32, #tpu.memory_space<vmem>>
      %dma_start3A_866 = arith.constant 0 : i32
      %dma_start3A_867 = tpu.memref_slice %arg7[%dma_start3A_861, %dma_start3A_866] : memref<4x64xi32, #tpu.memory_space<vmem>> -> memref<1x64xi32, #tpu.memory_space<vmem>>
      %dma_start3A_868 = tpu.memref_squeeze %dma_start3A_867 : memref<1x64xi32, #tpu.memory_space<vmem>> -> memref<64xi32, #tpu.memory_space<vmem>>
      %dma_start3A_869 = arith.constant 0 : i32
      %dma_start3A_870 = arith.constant 0 : i32
      %dma_start3A_871 = tpu.memref_slice %arg9[%dma_start3A_869, %dma_start3A_870] : memref<10240x128xf32, #tpu.memory_space<vmem_shared>> -> memref<10240x128xf32, #tpu.memory_space<vmem_shared>>
      tpu.enqueue_indirect_dma source(%dma_start3A_865 : memref<64x128xf32, #tpu.memory_space<vmem>>) target(%dma_start3A_871 : memref<10240x128xf32, #tpu.memory_space<vmem_shared>>) offsets(%dma_start3A_868 : memref<64xi32, #tpu.memory_space<vmem>>) semaphore(%arg23 : memref<!tpu.dma_semaphore, #tpu.memory_space<semaphore_mem>>) {add = true}
      %dma_wait3A_872 = arith.constant 2 : i32
      %dma_wait3A_873 = arith.constant 2 : i32
      %dma_wait3A_874 = arith.constant 0 : i32
      %dma_wait3A_875 = arith.constant 0 : i32
      %dma_wait3A_876 = tpu.memref_slice %arg8[%dma_wait3A_872, %dma_wait3A_874, %dma_wait3A_875] : memref<4x64x128xf32, #tpu.memory_space<vmem>> -> memref<1x64x128xf32, #tpu.memory_space<vmem>>
      %dma_wait3A_877 = tpu.memref_squeeze %dma_wait3A_876 : memref<1x64x128xf32, #tpu.memory_space<vmem>> -> memref<64x128xf32, #tpu.memory_space<vmem>>
      %dma_wait3A_878 = arith.constant 0 : i32
      %dma_wait3A_879 = tpu.memref_slice %arg7[%dma_wait3A_873, %dma_wait3A_878] : memref<4x64xi32, #tpu.memory_space<vmem>> -> memref<1x64xi32, #tpu.memory_space<vmem>>
      %dma_wait3A_880 = tpu.memref_squeeze %dma_wait3A_879 : memref<1x64xi32, #tpu.memory_space<vmem>> -> memref<64xi32, #tpu.memory_space<vmem>>
      %dma_wait3A_881 = arith.constant 0 : i32
      %dma_wait3A_882 = arith.constant 0 : i32
      %dma_wait3A_883 = tpu.memref_slice %arg9[%dma_wait3A_881, %dma_wait3A_882] : memref<10240x128xf32, #tpu.memory_space<vmem_shared>> -> memref<10240x128xf32, #tpu.memory_space<vmem_shared>>
      tpu.wait_indirect_dma semaphore(%arg24 : memref<!tpu.dma_semaphore, #tpu.memory_space<semaphore_mem>>) src(%dma_wait3A_877 : memref<64x128xf32, #tpu.memory_space<vmem>>) dst(%dma_wait3A_883 : memref<10240x128xf32, #tpu.memory_space<vmem_shared>>)
      %add3A_884 = arith.constant 2 : i32
      %add3A_885 = arith.addi %mul3A_769, %add3A_884 : i32
      %mul3A_886 = arith.constant 64 : i32
      %mul3A_887 = arith.muli %add3A_885, %mul3A_886 : i32
      %add3A_888 = arith.addi %add3A_6, %mul3A_887 : i32
      %dma_start3A_889 = arith.constant 2 : i32
      %dma_start3A_890 = arith.constant 0 : i32
      %dma_start3A_891 = tpu.memref_slice %arg7[%dma_start3A_889, %dma_start3A_890] : memref<4x64xi32, #tpu.memory_space<vmem>> -> memref<1x64xi32, #tpu.memory_space<vmem>>
      %dma_start3A_892 = tpu.memref_squeeze %dma_start3A_891 : memref<1x64xi32, #tpu.memory_space<vmem>> -> memref<64xi32, #tpu.memory_space<vmem>>
      %dma_start3A_893 = tpu.memref_slice %arg4[%add3A_888] : memref<320000xi32, #tpu.memory_space<hbm>> -> memref<64xi32, #tpu.memory_space<hbm>>
      %dma_start3A_894 = arith.constant 0 : i32
      %dma_start3A_895 = tpu.memref_slice %arg7[%dma_start3A_889, %dma_start3A_894] : memref<4x64xi32, #tpu.memory_space<vmem>> -> memref<1x64xi32, #tpu.memory_space<vmem>>
      %dma_start3A_896 = tpu.memref_squeeze %dma_start3A_895 : memref<1x64xi32, #tpu.memory_space<vmem>> -> memref<64xi32, #tpu.memory_space<vmem>>
      %dma_start3A_897 = tpu.memref_slice %arg4[%add3A_888] : memref<320000xi32, #tpu.memory_space<hbm>> -> memref<64xi32, #tpu.memory_space<hbm>>
      tpu.enqueue_dma source(%dma_start3A_897 : memref<64xi32, #tpu.memory_space<hbm>>) target(%dma_start3A_896 : memref<64xi32, #tpu.memory_space<vmem>>) target_semaphore(%arg16 : memref<!tpu.dma_semaphore, #tpu.memory_space<semaphore_mem>>)
      %dma_wait3A_898 = arith.constant 2 : i32
      %dma_wait3A_899 = arith.constant 0 : i32
      %dma_wait3A_900 = tpu.memref_slice %arg6[%dma_wait3A_898, %dma_wait3A_899] : memref<4x64xi32, #tpu.memory_space<vmem>> -> memref<1x64xi32, #tpu.memory_space<vmem>>
      %dma_wait3A_901 = tpu.memref_squeeze %dma_wait3A_900 : memref<1x64xi32, #tpu.memory_space<vmem>> -> memref<64xi32, #tpu.memory_space<vmem>>
      %dma_wait3A_902 = arith.constant 0 : i32
      %dma_wait3A_903 = tpu.memref_slice %arg3[%dma_wait3A_902] : memref<320000xi32, #tpu.memory_space<hbm>> -> memref<64xi32, #tpu.memory_space<hbm>>
      %dma_wait3A_904 = arith.constant 0 : i32
      %dma_wait3A_905 = tpu.memref_slice %arg6[%dma_wait3A_898, %dma_wait3A_904] : memref<4x64xi32, #tpu.memory_space<vmem>> -> memref<1x64xi32, #tpu.memory_space<vmem>>
      %dma_wait3A_906 = tpu.memref_squeeze %dma_wait3A_905 : memref<1x64xi32, #tpu.memory_space<vmem>> -> memref<64xi32, #tpu.memory_space<vmem>>
      %dma_wait3A_907 = arith.constant 0 : i32
      %dma_wait3A_908 = tpu.memref_slice %arg3[%dma_wait3A_907] : memref<320000xi32, #tpu.memory_space<hbm>> -> memref<64xi32, #tpu.memory_space<hbm>>
      tpu.wait_dma2 semaphore(%arg12 : memref<!tpu.dma_semaphore, #tpu.memory_space<semaphore_mem>>) src(%dma_wait3A_908 : memref<64xi32, #tpu.memory_space<hbm>>) dst(%dma_wait3A_906 : memref<64xi32, #tpu.memory_space<vmem>>)
      %dma_start3A_909 = arith.constant 2 : i32
      %dma_start3A_910 = arith.constant 2 : i32
      %dma_start3A_911 = arith.constant 0 : i32
      %dma_start3A_912 = arith.constant 0 : i32
      %dma_start3A_913 = tpu.memref_slice %arg8[%dma_start3A_910, %dma_start3A_911, %dma_start3A_912] : memref<4x64x128xf32, #tpu.memory_space<vmem>> -> memref<1x64x128xf32, #tpu.memory_space<vmem>>
      %dma_start3A_914 = tpu.memref_squeeze %dma_start3A_913 : memref<1x64x128xf32, #tpu.memory_space<vmem>> -> memref<64x128xf32, #tpu.memory_space<vmem>>
      %dma_start3A_915 = arith.constant 0 : i32
      %dma_start3A_916 = tpu.memref_slice %arg6[%dma_start3A_909, %dma_start3A_915] : memref<4x64xi32, #tpu.memory_space<vmem>> -> memref<1x64xi32, #tpu.memory_space<vmem>>
      %dma_start3A_917 = tpu.memref_squeeze %dma_start3A_916 : memref<1x64xi32, #tpu.memory_space<vmem>> -> memref<64xi32, #tpu.memory_space<vmem>>
      %dma_start3A_918 = arith.constant 0 : i32
      %dma_start3A_919 = arith.constant 0 : i32
      %dma_start3A_920 = tpu.memref_slice %arg2[%dma_start3A_918, %dma_start3A_919] : memref<10000x128xf32, #tpu.memory_space<hbm>> -> memref<10000x128xf32, #tpu.memory_space<hbm>>
      tpu.enqueue_indirect_dma source(%dma_start3A_920 : memref<10000x128xf32, #tpu.memory_space<hbm>>) target(%dma_start3A_914 : memref<64x128xf32, #tpu.memory_space<vmem>>) offsets(%dma_start3A_917 : memref<64xi32, #tpu.memory_space<vmem>>) semaphore(%arg20 : memref<!tpu.dma_semaphore, #tpu.memory_space<semaphore_mem>>)
      %dma_wait3A_921 = arith.constant 3 : i32
      %dma_wait3A_922 = arith.constant 3 : i32
      %dma_wait3A_923 = arith.constant 0 : i32
      %dma_wait3A_924 = arith.constant 0 : i32
      %dma_wait3A_925 = tpu.memref_slice %arg8[%dma_wait3A_921, %dma_wait3A_923, %dma_wait3A_924] : memref<4x64x128xf32, #tpu.memory_space<vmem>> -> memref<1x64x128xf32, #tpu.memory_space<vmem>>
      %dma_wait3A_926 = tpu.memref_squeeze %dma_wait3A_925 : memref<1x64x128xf32, #tpu.memory_space<vmem>> -> memref<64x128xf32, #tpu.memory_space<vmem>>
      %dma_wait3A_927 = arith.constant 0 : i32
      %dma_wait3A_928 = tpu.memref_slice %arg7[%dma_wait3A_922, %dma_wait3A_927] : memref<4x64xi32, #tpu.memory_space<vmem>> -> memref<1x64xi32, #tpu.memory_space<vmem>>
      %dma_wait3A_929 = tpu.memref_squeeze %dma_wait3A_928 : memref<1x64xi32, #tpu.memory_space<vmem>> -> memref<64xi32, #tpu.memory_space<vmem>>
      %dma_wait3A_930 = arith.constant 0 : i32
      %dma_wait3A_931 = arith.constant 0 : i32
      %dma_wait3A_932 = tpu.memref_slice %arg9[%dma_wait3A_930, %dma_wait3A_931] : memref<10240x128xf32, #tpu.memory_space<vmem_shared>> -> memref<10240x128xf32, #tpu.memory_space<vmem_shared>>
      tpu.wait_indirect_dma semaphore(%arg25 : memref<!tpu.dma_semaphore, #tpu.memory_space<semaphore_mem>>) src(%dma_wait3A_926 : memref<64x128xf32, #tpu.memory_space<vmem>>) dst(%dma_wait3A_932 : memref<10240x128xf32, #tpu.memory_space<vmem_shared>>)
      %add3A_933 = arith.constant 3 : i32
      %add3A_934 = arith.addi %mul3A_769, %add3A_933 : i32
      %mul3A_935 = arith.constant 64 : i32
      %mul3A_936 = arith.muli %add3A_934, %mul3A_935 : i32
      %add3A_937 = arith.addi %add3A_6, %mul3A_936 : i32
      %dma_start3A_938 = arith.constant 3 : i32
      %dma_start3A_939 = arith.constant 0 : i32
      %dma_start3A_940 = tpu.memref_slice %arg7[%dma_start3A_938, %dma_start3A_939] : memref<4x64xi32, #tpu.memory_space<vmem>> -> memref<1x64xi32, #tpu.memory_space<vmem>>
      %dma_start3A_941 = tpu.memref_squeeze %dma_start3A_940 : memref<1x64xi32, #tpu.memory_space<vmem>> -> memref<64xi32, #tpu.memory_space<vmem>>
      %dma_start3A_942 = tpu.memref_slice %arg4[%add3A_937] : memref<320000xi32, #tpu.memory_space<hbm>> -> memref<64xi32, #tpu.memory_space<hbm>>
      %dma_start3A_943 = arith.constant 0 : i32
      %dma_start3A_944 = tpu.memref_slice %arg7[%dma_start3A_938, %dma_start3A_943] : memref<4x64xi32, #tpu.memory_space<vmem>> -> memref<1x64xi32, #tpu.memory_space<vmem>>
      %dma_start3A_945 = tpu.memref_squeeze %dma_start3A_944 : memref<1x64xi32, #tpu.memory_space<vmem>> -> memref<64xi32, #tpu.memory_space<vmem>>
      %dma_start3A_946 = tpu.memref_slice %arg4[%add3A_937] : memref<320000xi32, #tpu.memory_space<hbm>> -> memref<64xi32, #tpu.memory_space<hbm>>
      tpu.enqueue_dma source(%dma_start3A_946 : memref<64xi32, #tpu.memory_space<hbm>>) target(%dma_start3A_945 : memref<64xi32, #tpu.memory_space<vmem>>) target_semaphore(%arg17 : memref<!tpu.dma_semaphore, #tpu.memory_space<semaphore_mem>>)
      %dma_wait3A_947 = arith.constant 3 : i32
      %dma_wait3A_948 = arith.constant 0 : i32
      %dma_wait3A_949 = tpu.memref_slice %arg6[%dma_wait3A_947, %dma_wait3A_948] : memref<4x64xi32, #tpu.memory_space<vmem>> -> memref<1x64xi32, #tpu.memory_space<vmem>>
      %dma_wait3A_950 = tpu.memref_squeeze %dma_wait3A_949 : memref<1x64xi32, #tpu.memory_space<vmem>> -> memref<64xi32, #tpu.memory_space<vmem>>
      %dma_wait3A_951 = arith.constant 0 : i32
      %dma_wait3A_952 = tpu.memref_slice %arg3[%dma_wait3A_951] : memref<320000xi32, #tpu.memory_space<hbm>> -> memref<64xi32, #tpu.memory_space<hbm>>
      %dma_wait3A_953 = arith.constant 0 : i32
      %dma_wait3A_954 = tpu.memref_slice %arg6[%dma_wait3A_947, %dma_wait3A_953] : memref<4x64xi32, #tpu.memory_space<vmem>> -> memref<1x64xi32, #tpu.memory_space<vmem>>
      %dma_wait3A_955 = tpu.memref_squeeze %dma_wait3A_954 : memref<1x64xi32, #tpu.memory_space<vmem>> -> memref<64xi32, #tpu.memory_space<vmem>>
      %dma_wait3A_956 = arith.constant 0 : i32
      %dma_wait3A_957 = tpu.memref_slice %arg3[%dma_wait3A_956] : memref<320000xi32, #tpu.memory_space<hbm>> -> memref<64xi32, #tpu.memory_space<hbm>>
      tpu.wait_dma2 semaphore(%arg13 : memref<!tpu.dma_semaphore, #tpu.memory_space<semaphore_mem>>) src(%dma_wait3A_957 : memref<64xi32, #tpu.memory_space<hbm>>) dst(%dma_wait3A_955 : memref<64xi32, #tpu.memory_space<vmem>>)
      %dma_start3A_958 = arith.constant 3 : i32
      %dma_start3A_959 = arith.constant 3 : i32
      %dma_start3A_960 = arith.constant 0 : i32
      %dma_start3A_961 = arith.constant 0 : i32
      %dma_start3A_962 = tpu.memref_slice %arg8[%dma_start3A_959, %dma_start3A_960, %dma_start3A_961] : memref<4x64x128xf32, #tpu.memory_space<vmem>> -> memref<1x64x128xf32, #tpu.memory_space<vmem>>
      %dma_start3A_963 = tpu.memref_squeeze %dma_start3A_962 : memref<1x64x128xf32, #tpu.memory_space<vmem>> -> memref<64x128xf32, #tpu.memory_space<vmem>>
      %dma_start3A_964 = arith.constant 0 : i32
      %dma_start3A_965 = tpu.memref_slice %arg6[%dma_start3A_958, %dma_start3A_964] : memref<4x64xi32, #tpu.memory_space<vmem>> -> memref<1x64xi32, #tpu.memory_space<vmem>>
      %dma_start3A_966 = tpu.memref_squeeze %dma_start3A_965 : memref<1x64xi32, #tpu.memory_space<vmem>> -> memref<64xi32, #tpu.memory_space<vmem>>
      %dma_start3A_967 = arith.constant 0 : i32
      %dma_start3A_968 = arith.constant 0 : i32
      %dma_start3A_969 = tpu.memref_slice %arg2[%dma_start3A_967, %dma_start3A_968] : memref<10000x128xf32, #tpu.memory_space<hbm>> -> memref<10000x128xf32, #tpu.memory_space<hbm>>
      tpu.enqueue_indirect_dma source(%dma_start3A_969 : memref<10000x128xf32, #tpu.memory_space<hbm>>) target(%dma_start3A_963 : memref<64x128xf32, #tpu.memory_space<vmem>>) offsets(%dma_start3A_966 : memref<64xi32, #tpu.memory_space<vmem>>) semaphore(%arg21 : memref<!tpu.dma_semaphore, #tpu.memory_space<semaphore_mem>>)
      %dma_wait3A_970 = arith.constant 0 : i32
      %dma_wait3A_971 = arith.constant 2 : i32
      %dma_wait3A_972 = arith.constant 0 : i32
      %dma_wait3A_973 = arith.constant 0 : i32
      %dma_wait3A_974 = tpu.memref_slice %arg8[%dma_wait3A_971, %dma_wait3A_972, %dma_wait3A_973] : memref<4x64x128xf32, #tpu.memory_space<vmem>> -> memref<1x64x128xf32, #tpu.memory_space<vmem>>
      %dma_wait3A_975 = tpu.memref_squeeze %dma_wait3A_974 : memref<1x64x128xf32, #tpu.memory_space<vmem>> -> memref<64x128xf32, #tpu.memory_space<vmem>>
      %dma_wait3A_976 = arith.constant 0 : i32
      %dma_wait3A_977 = tpu.memref_slice %arg6[%dma_wait3A_970, %dma_wait3A_976] : memref<4x64xi32, #tpu.memory_space<vmem>> -> memref<1x64xi32, #tpu.memory_space<vmem>>
      %dma_wait3A_978 = tpu.memref_squeeze %dma_wait3A_977 : memref<1x64xi32, #tpu.memory_space<vmem>> -> memref<64xi32, #tpu.memory_space<vmem>>
      %dma_wait3A_979 = arith.constant 0 : i32
      %dma_wait3A_980 = arith.constant 0 : i32
      %dma_wait3A_981 = tpu.memref_slice %arg2[%dma_wait3A_979, %dma_wait3A_980] : memref<10000x128xf32, #tpu.memory_space<hbm>> -> memref<10000x128xf32, #tpu.memory_space<hbm>>
      tpu.wait_indirect_dma semaphore(%arg20 : memref<!tpu.dma_semaphore, #tpu.memory_space<semaphore_mem>>) src(%dma_wait3A_981 : memref<10000x128xf32, #tpu.memory_space<hbm>>) dst(%dma_wait3A_975 : memref<64x128xf32, #tpu.memory_space<vmem>>)
      %add3A_982 = arith.constant 4 : i32
      %add3A_983 = arith.addi %mul3A_769, %add3A_982 : i32
      %add3A_984 = arith.constant 2 : i32
      %add3A_985 = arith.addi %add3A_983, %add3A_984 : i32
      %mul3A_986 = arith.constant 64 : i32
      %mul3A_987 = arith.muli %add3A_985, %mul3A_986 : i32
      %add3A_988 = arith.addi %add3A_6, %mul3A_987 : i32
      %dma_start3A_989 = arith.constant 2 : i32
      %dma_start3A_990 = arith.constant 0 : i32
      %dma_start3A_991 = tpu.memref_slice %arg6[%dma_start3A_989, %dma_start3A_990] : memref<4x64xi32, #tpu.memory_space<vmem>> -> memref<1x64xi32, #tpu.memory_space<vmem>>
      %dma_start3A_992 = tpu.memref_squeeze %dma_start3A_991 : memref<1x64xi32, #tpu.memory_space<vmem>> -> memref<64xi32, #tpu.memory_space<vmem>>
      %dma_start3A_993 = tpu.memref_slice %arg3[%add3A_988] : memref<320000xi32, #tpu.memory_space<hbm>> -> memref<64xi32, #tpu.memory_space<hbm>>
      %dma_start3A_994 = arith.constant 0 : i32
      %dma_start3A_995 = tpu.memref_slice %arg6[%dma_start3A_989, %dma_start3A_994] : memref<4x64xi32, #tpu.memory_space<vmem>> -> memref<1x64xi32, #tpu.memory_space<vmem>>
      %dma_start3A_996 = tpu.memref_squeeze %dma_start3A_995 : memref<1x64xi32, #tpu.memory_space<vmem>> -> memref<64xi32, #tpu.memory_space<vmem>>
      %dma_start3A_997 = tpu.memref_slice %arg3[%add3A_988] : memref<320000xi32, #tpu.memory_space<hbm>> -> memref<64xi32, #tpu.memory_space<hbm>>
      tpu.enqueue_dma source(%dma_start3A_997 : memref<64xi32, #tpu.memory_space<hbm>>) target(%dma_start3A_996 : memref<64xi32, #tpu.memory_space<vmem>>) target_semaphore(%arg12 : memref<!tpu.dma_semaphore, #tpu.memory_space<semaphore_mem>>)
      %dma_wait3A_998 = arith.constant 2 : i32
      %dma_wait3A_999 = arith.constant 0 : i32
      %dma_wait3A_1000 = tpu.memref_slice %arg7[%dma_wait3A_998, %dma_wait3A_999] : memref<4x64xi32, #tpu.memory_space<vmem>> -> memref<1x64xi32, #tpu.memory_space<vmem>>
      %dma_wait3A_1001 = tpu.memref_squeeze %dma_wait3A_1000 : memref<1x64xi32, #tpu.memory_space<vmem>> -> memref<64xi32, #tpu.memory_space<vmem>>
      %dma_wait3A_1002 = arith.constant 0 : i32
      %dma_wait3A_1003 = tpu.memref_slice %arg4[%dma_wait3A_1002] : memref<320000xi32, #tpu.memory_space<hbm>> -> memref<64xi32, #tpu.memory_space<hbm>>
      %dma_wait3A_1004 = arith.constant 0 : i32
      %dma_wait3A_1005 = tpu.memref_slice %arg7[%dma_wait3A_998, %dma_wait3A_1004] : memref<4x64xi32, #tpu.memory_space<vmem>> -> memref<1x64xi32, #tpu.memory_space<vmem>>
      %dma_wait3A_1006 = tpu.memref_squeeze %dma_wait3A_1005 : memref<1x64xi32, #tpu.memory_space<vmem>> -> memref<64xi32, #tpu.memory_space<vmem>>
      %dma_wait3A_1007 = arith.constant 0 : i32
      %dma_wait3A_1008 = tpu.memref_slice %arg4[%dma_wait3A_1007] : memref<320000xi32, #tpu.memory_space<hbm>> -> memref<64xi32, #tpu.memory_space<hbm>>
      tpu.wait_dma2 semaphore(%arg16 : memref<!tpu.dma_semaphore, #tpu.memory_space<semaphore_mem>>) src(%dma_wait3A_1008 : memref<64xi32, #tpu.memory_space<hbm>>) dst(%dma_wait3A_1006 : memref<64xi32, #tpu.memory_space<vmem>>)
      %dma_start3A_1009 = arith.constant 2 : i32
      %dma_start3A_1010 = arith.constant 2 : i32
      %dma_start3A_1011 = arith.constant 0 : i32
      %dma_start3A_1012 = arith.constant 0 : i32
      %dma_start3A_1013 = tpu.memref_slice %arg8[%dma_start3A_1009, %dma_start3A_1011, %dma_start3A_1012] : memref<4x64x128xf32, #tpu.memory_space<vmem>> -> memref<1x64x128xf32, #tpu.memory_space<vmem>>
      %dma_start3A_1014 = tpu.memref_squeeze %dma_start3A_1013 : memref<1x64x128xf32, #tpu.memory_space<vmem>> -> memref<64x128xf32, #tpu.memory_space<vmem>>
      %dma_start3A_1015 = arith.constant 0 : i32
      %dma_start3A_1016 = tpu.memref_slice %arg7[%dma_start3A_1010, %dma_start3A_1015] : memref<4x64xi32, #tpu.memory_space<vmem>> -> memref<1x64xi32, #tpu.memory_space<vmem>>
      %dma_start3A_1017 = tpu.memref_squeeze %dma_start3A_1016 : memref<1x64xi32, #tpu.memory_space<vmem>> -> memref<64xi32, #tpu.memory_space<vmem>>
      %dma_start3A_1018 = arith.constant 0 : i32
      %dma_start3A_1019 = arith.constant 0 : i32
      %dma_start3A_1020 = tpu.memref_slice %arg9[%dma_start3A_1018, %dma_start3A_1019] : memref<10240x128xf32, #tpu.memory_space<vmem_shared>> -> memref<10240x128xf32, #tpu.memory_space<vmem_shared>>
      tpu.enqueue_indirect_dma source(%dma_start3A_1014 : memref<64x128xf32, #tpu.memory_space<vmem>>) target(%dma_start3A_1020 : memref<10240x128xf32, #tpu.memory_space<vmem_shared>>) offsets(%dma_start3A_1017 : memref<64xi32, #tpu.memory_space<vmem>>) semaphore(%arg24 : memref<!tpu.dma_semaphore, #tpu.memory_space<semaphore_mem>>) {add = true}
      %dma_wait3A_1021 = arith.constant 0 : i32
      %dma_wait3A_1022 = arith.constant 3 : i32
      %dma_wait3A_1023 = arith.constant 0 : i32
      %dma_wait3A_1024 = arith.constant 0 : i32
      %dma_wait3A_1025 = tpu.memref_slice %arg8[%dma_wait3A_1022, %dma_wait3A_1023, %dma_wait3A_1024] : memref<4x64x128xf32, #tpu.memory_space<vmem>> -> memref<1x64x128xf32, #tpu.memory_space<vmem>>
      %dma_wait3A_1026 = tpu.memref_squeeze %dma_wait3A_1025 : memref<1x64x128xf32, #tpu.memory_space<vmem>> -> memref<64x128xf32, #tpu.memory_space<vmem>>
      %dma_wait3A_1027 = arith.constant 0 : i32
      %dma_wait3A_1028 = tpu.memref_slice %arg6[%dma_wait3A_1021, %dma_wait3A_1027] : memref<4x64xi32, #tpu.memory_space<vmem>> -> memref<1x64xi32, #tpu.memory_space<vmem>>
      %dma_wait3A_1029 = tpu.memref_squeeze %dma_wait3A_1028 : memref<1x64xi32, #tpu.memory_space<vmem>> -> memref<64xi32, #tpu.memory_space<vmem>>
      %dma_wait3A_1030 = arith.constant 0 : i32
      %dma_wait3A_1031 = arith.constant 0 : i32
      %dma_wait3A_1032 = tpu.memref_slice %arg2[%dma_wait3A_1030, %dma_wait3A_1031] : memref<10000x128xf32, #tpu.memory_space<hbm>> -> memref<10000x128xf32, #tpu.memory_space<hbm>>
      tpu.wait_indirect_dma semaphore(%arg21 : memref<!tpu.dma_semaphore, #tpu.memory_space<semaphore_mem>>) src(%dma_wait3A_1032 : memref<10000x128xf32, #tpu.memory_space<hbm>>) dst(%dma_wait3A_1026 : memref<64x128xf32, #tpu.memory_space<vmem>>)
      %add3A_1033 = arith.constant 4 : i32
      %add3A_1034 = arith.addi %mul3A_769, %add3A_1033 : i32
      %add3A_1035 = arith.constant 3 : i32
      %add3A_1036 = arith.addi %add3A_1034, %add3A_1035 : i32
      %mul3A_1037 = arith.constant 64 : i32
      %mul3A_1038 = arith.muli %add3A_1036, %mul3A_1037 : i32
      %add3A_1039 = arith.addi %add3A_6, %mul3A_1038 : i32
      %dma_start3A_1040 = arith.constant 3 : i32
      %dma_start3A_1041 = arith.constant 0 : i32
      %dma_start3A_1042 = tpu.memref_slice %arg6[%dma_start3A_1040, %dma_start3A_1041] : memref<4x64xi32, #tpu.memory_space<vmem>> -> memref<1x64xi32, #tpu.memory_space<vmem>>
      %dma_start3A_1043 = tpu.memref_squeeze %dma_start3A_1042 : memref<1x64xi32, #tpu.memory_space<vmem>> -> memref<64xi32, #tpu.memory_space<vmem>>
      %dma_start3A_1044 = tpu.memref_slice %arg3[%add3A_1039] : memref<320000xi32, #tpu.memory_space<hbm>> -> memref<64xi32, #tpu.memory_space<hbm>>
      %dma_start3A_1045 = arith.constant 0 : i32
      %dma_start3A_1046 = tpu.memref_slice %arg6[%dma_start3A_1040, %dma_start3A_1045] : memref<4x64xi32, #tpu.memory_space<vmem>> -> memref<1x64xi32, #tpu.memory_space<vmem>>
      %dma_start3A_1047 = tpu.memref_squeeze %dma_start3A_1046 : memref<1x64xi32, #tpu.memory_space<vmem>> -> memref<64xi32, #tpu.memory_space<vmem>>
      %dma_start3A_1048 = tpu.memref_slice %arg3[%add3A_1039] : memref<320000xi32, #tpu.memory_space<hbm>> -> memref<64xi32, #tpu.memory_space<hbm>>
      tpu.enqueue_dma source(%dma_start3A_1048 : memref<64xi32, #tpu.memory_space<hbm>>) target(%dma_start3A_1047 : memref<64xi32, #tpu.memory_space<vmem>>) target_semaphore(%arg13 : memref<!tpu.dma_semaphore, #tpu.memory_space<semaphore_mem>>)
      %dma_wait3A_1049 = arith.constant 3 : i32
      %dma_wait3A_1050 = arith.constant 0 : i32
      %dma_wait3A_1051 = tpu.memref_slice %arg7[%dma_wait3A_1049, %dma_wait3A_1050] : memref<4x64xi32, #tpu.memory_space<vmem>> -> memref<1x64xi32, #tpu.memory_space<vmem>>
      %dma_wait3A_1052 = tpu.memref_squeeze %dma_wait3A_1051 : memref<1x64xi32, #tpu.memory_space<vmem>> -> memref<64xi32, #tpu.memory_space<vmem>>
      %dma_wait3A_1053 = arith.constant 0 : i32
      %dma_wait3A_1054 = tpu.memref_slice %arg4[%dma_wait3A_1053] : memref<320000xi32, #tpu.memory_space<hbm>> -> memref<64xi32, #tpu.memory_space<hbm>>
      %dma_wait3A_1055 = arith.constant 0 : i32
      %dma_wait3A_1056 = tpu.memref_slice %arg7[%dma_wait3A_1049, %dma_wait3A_1055] : memref<4x64xi32, #tpu.memory_space<vmem>> -> memref<1x64xi32, #tpu.memory_space<vmem>>
      %dma_wait3A_1057 = tpu.memref_squeeze %dma_wait3A_1056 : memref<1x64xi32, #tpu.memory_space<vmem>> -> memref<64xi32, #tpu.memory_space<vmem>>
      %dma_wait3A_1058 = arith.constant 0 : i32
      %dma_wait3A_1059 = tpu.memref_slice %arg4[%dma_wait3A_1058] : memref<320000xi32, #tpu.memory_space<hbm>> -> memref<64xi32, #tpu.memory_space<hbm>>
      tpu.wait_dma2 semaphore(%arg17 : memref<!tpu.dma_semaphore, #tpu.memory_space<semaphore_mem>>) src(%dma_wait3A_1059 : memref<64xi32, #tpu.memory_space<hbm>>) dst(%dma_wait3A_1057 : memref<64xi32, #tpu.memory_space<vmem>>)
      %dma_start3A_1060 = arith.constant 3 : i32
      %dma_start3A_1061 = arith.constant 3 : i32
      %dma_start3A_1062 = arith.constant 0 : i32
      %dma_start3A_1063 = arith.constant 0 : i32
      %dma_start3A_1064 = tpu.memref_slice %arg8[%dma_start3A_1060, %dma_start3A_1062, %dma_start3A_1063] : memref<4x64x128xf32, #tpu.memory_space<vmem>> -> memref<1x64x128xf32, #tpu.memory_space<vmem>>
      %dma_start3A_1065 = tpu.memref_squeeze %dma_start3A_1064 : memref<1x64x128xf32, #tpu.memory_space<vmem>> -> memref<64x128xf32, #tpu.memory_space<vmem>>
      %dma_start3A_1066 = arith.constant 0 : i32
      %dma_start3A_1067 = tpu.memref_slice %arg7[%dma_start3A_1061, %dma_start3A_1066] : memref<4x64xi32, #tpu.memory_space<vmem>> -> memref<1x64xi32, #tpu.memory_space<vmem>>
      %dma_start3A_1068 = tpu.memref_squeeze %dma_start3A_1067 : memref<1x64xi32, #tpu.memory_space<vmem>> -> memref<64xi32, #tpu.memory_space<vmem>>
      %dma_start3A_1069 = arith.constant 0 : i32
      %dma_start3A_1070 = arith.constant 0 : i32
      %dma_start3A_1071 = tpu.memref_slice %arg9[%dma_start3A_1069, %dma_start3A_1070] : memref<10240x128xf32, #tpu.memory_space<vmem_shared>> -> memref<10240x128xf32, #tpu.memory_space<vmem_shared>>
      tpu.enqueue_indirect_dma source(%dma_start3A_1065 : memref<64x128xf32, #tpu.memory_space<vmem>>) target(%dma_start3A_1071 : memref<10240x128xf32, #tpu.memory_space<vmem_shared>>) offsets(%dma_start3A_1068 : memref<64xi32, #tpu.memory_space<vmem>>) semaphore(%arg25 : memref<!tpu.dma_semaphore, #tpu.memory_space<semaphore_mem>>) {add = true}
      %dma_wait3A_1072 = arith.constant 0 : i32
      %dma_wait3A_1073 = arith.constant 0 : i32
      %dma_wait3A_1074 = arith.constant 0 : i32
      %dma_wait3A_1075 = arith.constant 0 : i32
      %dma_wait3A_1076 = tpu.memref_slice %arg8[%dma_wait3A_1072, %dma_wait3A_1074, %dma_wait3A_1075] : memref<4x64x128xf32, #tpu.memory_space<vmem>> -> memref<1x64x128xf32, #tpu.memory_space<vmem>>
      %dma_wait3A_1077 = tpu.memref_squeeze %dma_wait3A_1076 : memref<1x64x128xf32, #tpu.memory_space<vmem>> -> memref<64x128xf32, #tpu.memory_space<vmem>>
      %dma_wait3A_1078 = arith.constant 0 : i32
      %dma_wait3A_1079 = tpu.memref_slice %arg7[%dma_wait3A_1073, %dma_wait3A_1078] : memref<4x64xi32, #tpu.memory_space<vmem>> -> memref<1x64xi32, #tpu.memory_space<vmem>>
      %dma_wait3A_1080 = tpu.memref_squeeze %dma_wait3A_1079 : memref<1x64xi32, #tpu.memory_space<vmem>> -> memref<64xi32, #tpu.memory_space<vmem>>
      %dma_wait3A_1081 = arith.constant 0 : i32
      %dma_wait3A_1082 = arith.constant 0 : i32
      %dma_wait3A_1083 = tpu.memref_slice %arg9[%dma_wait3A_1081, %dma_wait3A_1082] : memref<10240x128xf32, #tpu.memory_space<vmem_shared>> -> memref<10240x128xf32, #tpu.memory_space<vmem_shared>>
      tpu.wait_indirect_dma semaphore(%arg22 : memref<!tpu.dma_semaphore, #tpu.memory_space<semaphore_mem>>) src(%dma_wait3A_1077 : memref<64x128xf32, #tpu.memory_space<vmem>>) dst(%dma_wait3A_1083 : memref<10240x128xf32, #tpu.memory_space<vmem_shared>>)
      %add3A_1084 = arith.constant 4 : i32
      %add3A_1085 = arith.addi %mul3A_769, %add3A_1084 : i32
      %add3A_1086 = arith.constant 0 : i32
      %add3A_1087 = arith.addi %add3A_1085, %add3A_1086 : i32
      %mul3A_1088 = arith.constant 64 : i32
      %mul3A_1089 = arith.muli %add3A_1087, %mul3A_1088 : i32
      %add3A_1090 = arith.addi %add3A_6, %mul3A_1089 : i32
      %dma_start3A_1091 = arith.constant 0 : i32
      %dma_start3A_1092 = arith.constant 0 : i32
      %dma_start3A_1093 = tpu.memref_slice %arg7[%dma_start3A_1091, %dma_start3A_1092] : memref<4x64xi32, #tpu.memory_space<vmem>> -> memref<1x64xi32, #tpu.memory_space<vmem>>
      %dma_start3A_1094 = tpu.memref_squeeze %dma_start3A_1093 : memref<1x64xi32, #tpu.memory_space<vmem>> -> memref<64xi32, #tpu.memory_space<vmem>>
      %dma_start3A_1095 = tpu.memref_slice %arg4[%add3A_1090] : memref<320000xi32, #tpu.memory_space<hbm>> -> memref<64xi32, #tpu.memory_space<hbm>>
      %dma_start3A_1096 = arith.constant 0 : i32
      %dma_start3A_1097 = tpu.memref_slice %arg7[%dma_start3A_1091, %dma_start3A_1096] : memref<4x64xi32, #tpu.memory_space<vmem>> -> memref<1x64xi32, #tpu.memory_space<vmem>>
      %dma_start3A_1098 = tpu.memref_squeeze %dma_start3A_1097 : memref<1x64xi32, #tpu.memory_space<vmem>> -> memref<64xi32, #tpu.memory_space<vmem>>
      %dma_start3A_1099 = tpu.memref_slice %arg4[%add3A_1090] : memref<320000xi32, #tpu.memory_space<hbm>> -> memref<64xi32, #tpu.memory_space<hbm>>
      tpu.enqueue_dma source(%dma_start3A_1099 : memref<64xi32, #tpu.memory_space<hbm>>) target(%dma_start3A_1098 : memref<64xi32, #tpu.memory_space<vmem>>) target_semaphore(%arg14 : memref<!tpu.dma_semaphore, #tpu.memory_space<semaphore_mem>>)
      %dma_wait3A_1100 = arith.constant 0 : i32
      %dma_wait3A_1101 = arith.constant 0 : i32
      %dma_wait3A_1102 = tpu.memref_slice %arg6[%dma_wait3A_1100, %dma_wait3A_1101] : memref<4x64xi32, #tpu.memory_space<vmem>> -> memref<1x64xi32, #tpu.memory_space<vmem>>
      %dma_wait3A_1103 = tpu.memref_squeeze %dma_wait3A_1102 : memref<1x64xi32, #tpu.memory_space<vmem>> -> memref<64xi32, #tpu.memory_space<vmem>>
      %dma_wait3A_1104 = arith.constant 0 : i32
      %dma_wait3A_1105 = tpu.memref_slice %arg3[%dma_wait3A_1104] : memref<320000xi32, #tpu.memory_space<hbm>> -> memref<64xi32, #tpu.memory_space<hbm>>
      %dma_wait3A_1106 = arith.constant 0 : i32
      %dma_wait3A_1107 = tpu.memref_slice %arg6[%dma_wait3A_1100, %dma_wait3A_1106] : memref<4x64xi32, #tpu.memory_space<vmem>> -> memref<1x64xi32, #tpu.memory_space<vmem>>
      %dma_wait3A_1108 = tpu.memref_squeeze %dma_wait3A_1107 : memref<1x64xi32, #tpu.memory_space<vmem>> -> memref<64xi32, #tpu.memory_space<vmem>>
      %dma_wait3A_1109 = arith.constant 0 : i32
      %dma_wait3A_1110 = tpu.memref_slice %arg3[%dma_wait3A_1109] : memref<320000xi32, #tpu.memory_space<hbm>> -> memref<64xi32, #tpu.memory_space<hbm>>
      tpu.wait_dma2 semaphore(%arg10 : memref<!tpu.dma_semaphore, #tpu.memory_space<semaphore_mem>>) src(%dma_wait3A_1110 : memref<64xi32, #tpu.memory_space<hbm>>) dst(%dma_wait3A_1108 : memref<64xi32, #tpu.memory_space<vmem>>)
      %dma_start3A_1111 = arith.constant 0 : i32
      %dma_start3A_1112 = arith.constant 0 : i32
      %dma_start3A_1113 = arith.constant 0 : i32
      %dma_start3A_1114 = arith.constant 0 : i32
      %dma_start3A_1115 = tpu.memref_slice %arg8[%dma_start3A_1112, %dma_start3A_1113, %dma_start3A_1114] : memref<4x64x128xf32, #tpu.memory_space<vmem>> -> memref<1x64x128xf32, #tpu.memory_space<vmem>>
      %dma_start3A_1116 = tpu.memref_squeeze %dma_start3A_1115 : memref<1x64x128xf32, #tpu.memory_space<vmem>> -> memref<64x128xf32, #tpu.memory_space<vmem>>
      %dma_start3A_1117 = arith.constant 0 : i32
      %dma_start3A_1118 = tpu.memref_slice %arg6[%dma_start3A_1111, %dma_start3A_1117] : memref<4x64xi32, #tpu.memory_space<vmem>> -> memref<1x64xi32, #tpu.memory_space<vmem>>
      %dma_start3A_1119 = tpu.memref_squeeze %dma_start3A_1118 : memref<1x64xi32, #tpu.memory_space<vmem>> -> memref<64xi32, #tpu.memory_space<vmem>>
      %dma_start3A_1120 = arith.constant 0 : i32
      %dma_start3A_1121 = arith.constant 0 : i32
      %dma_start3A_1122 = tpu.memref_slice %arg2[%dma_start3A_1120, %dma_start3A_1121] : memref<10000x128xf32, #tpu.memory_space<hbm>> -> memref<10000x128xf32, #tpu.memory_space<hbm>>
      tpu.enqueue_indirect_dma source(%dma_start3A_1122 : memref<10000x128xf32, #tpu.memory_space<hbm>>) target(%dma_start3A_1116 : memref<64x128xf32, #tpu.memory_space<vmem>>) offsets(%dma_start3A_1119 : memref<64xi32, #tpu.memory_space<vmem>>) semaphore(%arg18 : memref<!tpu.dma_semaphore, #tpu.memory_space<semaphore_mem>>)
      %dma_wait3A_1123 = arith.constant 1 : i32
      %dma_wait3A_1124 = arith.constant 1 : i32
      %dma_wait3A_1125 = arith.constant 0 : i32
      %dma_wait3A_1126 = arith.constant 0 : i32
      %dma_wait3A_1127 = tpu.memref_slice %arg8[%dma_wait3A_1123, %dma_wait3A_1125, %dma_wait3A_1126] : memref<4x64x128xf32, #tpu.memory_space<vmem>> -> memref<1x64x128xf32, #tpu.memory_space<vmem>>
      %dma_wait3A_1128 = tpu.memref_squeeze %dma_wait3A_1127 : memref<1x64x128xf32, #tpu.memory_space<vmem>> -> memref<64x128xf32, #tpu.memory_space<vmem>>
      %dma_wait3A_1129 = arith.constant 0 : i32
      %dma_wait3A_1130 = tpu.memref_slice %arg7[%dma_wait3A_1124, %dma_wait3A_1129] : memref<4x64xi32, #tpu.memory_space<vmem>> -> memref<1x64xi32, #tpu.memory_space<vmem>>
      %dma_wait3A_1131 = tpu.memref_squeeze %dma_wait3A_1130 : memref<1x64xi32, #tpu.memory_space<vmem>> -> memref<64xi32, #tpu.memory_space<vmem>>
      %dma_wait3A_1132 = arith.constant 0 : i32
      %dma_wait3A_1133 = arith.constant 0 : i32
      %dma_wait3A_1134 = tpu.memref_slice %arg9[%dma_wait3A_1132, %dma_wait3A_1133] : memref<10240x128xf32, #tpu.memory_space<vmem_shared>> -> memref<10240x128xf32, #tpu.memory_space<vmem_shared>>
      tpu.wait_indirect_dma semaphore(%arg23 : memref<!tpu.dma_semaphore, #tpu.memory_space<semaphore_mem>>) src(%dma_wait3A_1128 : memref<64x128xf32, #tpu.memory_space<vmem>>) dst(%dma_wait3A_1134 : memref<10240x128xf32, #tpu.memory_space<vmem_shared>>)
      %add3A_1135 = arith.constant 4 : i32
      %add3A_1136 = arith.addi %mul3A_769, %add3A_1135 : i32
      %add3A_1137 = arith.constant 1 : i32
      %add3A_1138 = arith.addi %add3A_1136, %add3A_1137 : i32
      %mul3A_1139 = arith.constant 64 : i32
      %mul3A_1140 = arith.muli %add3A_1138, %mul3A_1139 : i32
      %add3A_1141 = arith.addi %add3A_6, %mul3A_1140 : i32
      %dma_start3A_1142 = arith.constant 1 : i32
      %dma_start3A_1143 = arith.constant 0 : i32
      %dma_start3A_1144 = tpu.memref_slice %arg7[%dma_start3A_1142, %dma_start3A_1143] : memref<4x64xi32, #tpu.memory_space<vmem>> -> memref<1x64xi32, #tpu.memory_space<vmem>>
      %dma_start3A_1145 = tpu.memref_squeeze %dma_start3A_1144 : memref<1x64xi32, #tpu.memory_space<vmem>> -> memref<64xi32, #tpu.memory_space<vmem>>
      %dma_start3A_1146 = tpu.memref_slice %arg4[%add3A_1141] : memref<320000xi32, #tpu.memory_space<hbm>> -> memref<64xi32, #tpu.memory_space<hbm>>
      %dma_start3A_1147 = arith.constant 0 : i32
      %dma_start3A_1148 = tpu.memref_slice %arg7[%dma_start3A_1142, %dma_start3A_1147] : memref<4x64xi32, #tpu.memory_space<vmem>> -> memref<1x64xi32, #tpu.memory_space<vmem>>
      %dma_start3A_1149 = tpu.memref_squeeze %dma_start3A_1148 : memref<1x64xi32, #tpu.memory_space<vmem>> -> memref<64xi32, #tpu.memory_space<vmem>>
      %dma_start3A_1150 = tpu.memref_slice %arg4[%add3A_1141] : memref<320000xi32, #tpu.memory_space<hbm>> -> memref<64xi32, #tpu.memory_space<hbm>>
      tpu.enqueue_dma source(%dma_start3A_1150 : memref<64xi32, #tpu.memory_space<hbm>>) target(%dma_start3A_1149 : memref<64xi32, #tpu.memory_space<vmem>>) target_semaphore(%arg15 : memref<!tpu.dma_semaphore, #tpu.memory_space<semaphore_mem>>)
      %dma_wait3A_1151 = arith.constant 1 : i32
      %dma_wait3A_1152 = arith.constant 0 : i32
      %dma_wait3A_1153 = tpu.memref_slice %arg6[%dma_wait3A_1151, %dma_wait3A_1152] : memref<4x64xi32, #tpu.memory_space<vmem>> -> memref<1x64xi32, #tpu.memory_space<vmem>>
      %dma_wait3A_1154 = tpu.memref_squeeze %dma_wait3A_1153 : memref<1x64xi32, #tpu.memory_space<vmem>> -> memref<64xi32, #tpu.memory_space<vmem>>
      %dma_wait3A_1155 = arith.constant 0 : i32
      %dma_wait3A_1156 = tpu.memref_slice %arg3[%dma_wait3A_1155] : memref<320000xi32, #tpu.memory_space<hbm>> -> memref<64xi32, #tpu.memory_space<hbm>>
      %dma_wait3A_1157 = arith.constant 0 : i32
      %dma_wait3A_1158 = tpu.memref_slice %arg6[%dma_wait3A_1151, %dma_wait3A_1157] : memref<4x64xi32, #tpu.memory_space<vmem>> -> memref<1x64xi32, #tpu.memory_space<vmem>>
      %dma_wait3A_1159 = tpu.memref_squeeze %dma_wait3A_1158 : memref<1x64xi32, #tpu.memory_space<vmem>> -> memref<64xi32, #tpu.memory_space<vmem>>
      %dma_wait3A_1160 = arith.constant 0 : i32
      %dma_wait3A_1161 = tpu.memref_slice %arg3[%dma_wait3A_1160] : memref<320000xi32, #tpu.memory_space<hbm>> -> memref<64xi32, #tpu.memory_space<hbm>>
      tpu.wait_dma2 semaphore(%arg11 : memref<!tpu.dma_semaphore, #tpu.memory_space<semaphore_mem>>) src(%dma_wait3A_1161 : memref<64xi32, #tpu.memory_space<hbm>>) dst(%dma_wait3A_1159 : memref<64xi32, #tpu.memory_space<vmem>>)
      %dma_start3A_1162 = arith.constant 1 : i32
      %dma_start3A_1163 = arith.constant 1 : i32
      %dma_start3A_1164 = arith.constant 0 : i32
      %dma_start3A_1165 = arith.constant 0 : i32
      %dma_start3A_1166 = tpu.memref_slice %arg8[%dma_start3A_1163, %dma_start3A_1164, %dma_start3A_1165] : memref<4x64x128xf32, #tpu.memory_space<vmem>> -> memref<1x64x128xf32, #tpu.memory_space<vmem>>
      %dma_start3A_1167 = tpu.memref_squeeze %dma_start3A_1166 : memref<1x64x128xf32, #tpu.memory_space<vmem>> -> memref<64x128xf32, #tpu.memory_space<vmem>>
      %dma_start3A_1168 = arith.constant 0 : i32
      %dma_start3A_1169 = tpu.memref_slice %arg6[%dma_start3A_1162, %dma_start3A_1168] : memref<4x64xi32, #tpu.memory_space<vmem>> -> memref<1x64xi32, #tpu.memory_space<vmem>>
      %dma_start3A_1170 = tpu.memref_squeeze %dma_start3A_1169 : memref<1x64xi32, #tpu.memory_space<vmem>> -> memref<64xi32, #tpu.memory_space<vmem>>
      %dma_start3A_1171 = arith.constant 0 : i32
      %dma_start3A_1172 = arith.constant 0 : i32
      %dma_start3A_1173 = tpu.memref_slice %arg2[%dma_start3A_1171, %dma_start3A_1172] : memref<10000x128xf32, #tpu.memory_space<hbm>> -> memref<10000x128xf32, #tpu.memory_space<hbm>>
      tpu.enqueue_indirect_dma source(%dma_start3A_1173 : memref<10000x128xf32, #tpu.memory_space<hbm>>) target(%dma_start3A_1167 : memref<64x128xf32, #tpu.memory_space<vmem>>) offsets(%dma_start3A_1170 : memref<64xi32, #tpu.memory_space<vmem>>) semaphore(%arg19 : memref<!tpu.dma_semaphore, #tpu.memory_space<semaphore_mem>>)
    }
    %scan3A_475 = arith.constant 37 : i32
    %dma_wait3A_476 = arith.constant 0 : i32
    %dma_wait3A_477 = arith.constant 0 : i32
    %dma_wait3A_478 = arith.constant 0 : i32
    %dma_wait3A_479 = arith.constant 0 : i32
    %dma_wait3A_480 = tpu.memref_slice %arg8[%dma_wait3A_477, %dma_wait3A_478, %dma_wait3A_479] : memref<4x64x128xf32, #tpu.memory_space<vmem>> -> memref<1x64x128xf32, #tpu.memory_space<vmem>>
    %dma_wait3A_481 = tpu.memref_squeeze %dma_wait3A_480 : memref<1x64x128xf32, #tpu.memory_space<vmem>> -> memref<64x128xf32, #tpu.memory_space<vmem>>
    %dma_wait3A_482 = arith.constant 0 : i32
    %dma_wait3A_483 = tpu.memref_slice %arg6[%dma_wait3A_476, %dma_wait3A_482] : memref<4x64xi32, #tpu.memory_space<vmem>> -> memref<1x64xi32, #tpu.memory_space<vmem>>
    %dma_wait3A_484 = tpu.memref_squeeze %dma_wait3A_483 : memref<1x64xi32, #tpu.memory_space<vmem>> -> memref<64xi32, #tpu.memory_space<vmem>>
    %dma_wait3A_485 = arith.constant 0 : i32
    %dma_wait3A_486 = arith.constant 0 : i32
    %dma_wait3A_487 = tpu.memref_slice %arg2[%dma_wait3A_485, %dma_wait3A_486] : memref<10000x128xf32, #tpu.memory_space<hbm>> -> memref<10000x128xf32, #tpu.memory_space<hbm>>
    tpu.wait_indirect_dma semaphore(%arg18 : memref<!tpu.dma_semaphore, #tpu.memory_space<semaphore_mem>>) src(%dma_wait3A_487 : memref<10000x128xf32, #tpu.memory_space<hbm>>) dst(%dma_wait3A_481 : memref<64x128xf32, #tpu.memory_space<vmem>>)
    %dma_wait3A_488 = arith.constant 0 : i32
    %dma_wait3A_489 = arith.constant 0 : i32
    %dma_wait3A_490 = tpu.memref_slice %arg7[%dma_wait3A_488, %dma_wait3A_489] : memref<4x64xi32, #tpu.memory_space<vmem>> -> memref<1x64xi32, #tpu.memory_space<vmem>>
    %dma_wait3A_491 = tpu.memref_squeeze %dma_wait3A_490 : memref<1x64xi32, #tpu.memory_space<vmem>> -> memref<64xi32, #tpu.memory_space<vmem>>
    %dma_wait3A_492 = arith.constant 0 : i32
    %dma_wait3A_493 = tpu.memref_slice %arg4[%dma_wait3A_492] : memref<320000xi32, #tpu.memory_space<hbm>> -> memref<64xi32, #tpu.memory_space<hbm>>
    %dma_wait3A_494 = arith.constant 0 : i32
    %dma_wait3A_495 = tpu.memref_slice %arg7[%dma_wait3A_488, %dma_wait3A_494] : memref<4x64xi32, #tpu.memory_space<vmem>> -> memref<1x64xi32, #tpu.memory_space<vmem>>
    %dma_wait3A_496 = tpu.memref_squeeze %dma_wait3A_495 : memref<1x64xi32, #tpu.memory_space<vmem>> -> memref<64xi32, #tpu.memory_space<vmem>>
    %dma_wait3A_497 = arith.constant 0 : i32
    %dma_wait3A_498 = tpu.memref_slice %arg4[%dma_wait3A_497] : memref<320000xi32, #tpu.memory_space<hbm>> -> memref<64xi32, #tpu.memory_space<hbm>>
    tpu.wait_dma2 semaphore(%arg14 : memref<!tpu.dma_semaphore, #tpu.memory_space<semaphore_mem>>) src(%dma_wait3A_498 : memref<64xi32, #tpu.memory_space<hbm>>) dst(%dma_wait3A_496 : memref<64xi32, #tpu.memory_space<vmem>>)
    %dma_start3A_499 = arith.constant 0 : i32
    %dma_start3A_500 = arith.constant 0 : i32
    %dma_start3A_501 = arith.constant 0 : i32
    %dma_start3A_502 = arith.constant 0 : i32
    %dma_start3A_503 = tpu.memref_slice %arg8[%dma_start3A_499, %dma_start3A_501, %dma_start3A_502] : memref<4x64x128xf32, #tpu.memory_space<vmem>> -> memref<1x64x128xf32, #tpu.memory_space<vmem>>
    %dma_start3A_504 = tpu.memref_squeeze %dma_start3A_503 : memref<1x64x128xf32, #tpu.memory_space<vmem>> -> memref<64x128xf32, #tpu.memory_space<vmem>>
    %dma_start3A_505 = arith.constant 0 : i32
    %dma_start3A_506 = tpu.memref_slice %arg7[%dma_start3A_500, %dma_start3A_505] : memref<4x64xi32, #tpu.memory_space<vmem>> -> memref<1x64xi32, #tpu.memory_space<vmem>>
    %dma_start3A_507 = tpu.memref_squeeze %dma_start3A_506 : memref<1x64xi32, #tpu.memory_space<vmem>> -> memref<64xi32, #tpu.memory_space<vmem>>
    %dma_start3A_508 = arith.constant 0 : i32
    %dma_start3A_509 = arith.constant 0 : i32
    %dma_start3A_510 = tpu.memref_slice %arg9[%dma_start3A_508, %dma_start3A_509] : memref<10240x128xf32, #tpu.memory_space<vmem_shared>> -> memref<10240x128xf32, #tpu.memory_space<vmem_shared>>
    tpu.enqueue_indirect_dma source(%dma_start3A_504 : memref<64x128xf32, #tpu.memory_space<vmem>>) target(%dma_start3A_510 : memref<10240x128xf32, #tpu.memory_space<vmem_shared>>) offsets(%dma_start3A_507 : memref<64xi32, #tpu.memory_space<vmem>>) semaphore(%arg22 : memref<!tpu.dma_semaphore, #tpu.memory_space<semaphore_mem>>) {add = true}
    %dma_wait3A_511 = arith.constant 0 : i32
    %dma_wait3A_512 = arith.constant 1 : i32
    %dma_wait3A_513 = arith.constant 0 : i32
    %dma_wait3A_514 = arith.constant 0 : i32
    %dma_wait3A_515 = tpu.memref_slice %arg8[%dma_wait3A_512, %dma_wait3A_513, %dma_wait3A_514] : memref<4x64x128xf32, #tpu.memory_space<vmem>> -> memref<1x64x128xf32, #tpu.memory_space<vmem>>
    %dma_wait3A_516 = tpu.memref_squeeze %dma_wait3A_515 : memref<1x64x128xf32, #tpu.memory_space<vmem>> -> memref<64x128xf32, #tpu.memory_space<vmem>>
    %dma_wait3A_517 = arith.constant 0 : i32
    %dma_wait3A_518 = tpu.memref_slice %arg6[%dma_wait3A_511, %dma_wait3A_517] : memref<4x64xi32, #tpu.memory_space<vmem>> -> memref<1x64xi32, #tpu.memory_space<vmem>>
    %dma_wait3A_519 = tpu.memref_squeeze %dma_wait3A_518 : memref<1x64xi32, #tpu.memory_space<vmem>> -> memref<64xi32, #tpu.memory_space<vmem>>
    %dma_wait3A_520 = arith.constant 0 : i32
    %dma_wait3A_521 = arith.constant 0 : i32
    %dma_wait3A_522 = tpu.memref_slice %arg2[%dma_wait3A_520, %dma_wait3A_521] : memref<10000x128xf32, #tpu.memory_space<hbm>> -> memref<10000x128xf32, #tpu.memory_space<hbm>>
    tpu.wait_indirect_dma semaphore(%arg19 : memref<!tpu.dma_semaphore, #tpu.memory_space<semaphore_mem>>) src(%dma_wait3A_522 : memref<10000x128xf32, #tpu.memory_space<hbm>>) dst(%dma_wait3A_516 : memref<64x128xf32, #tpu.memory_space<vmem>>)
    %dma_wait3A_523 = arith.constant 1 : i32
    %dma_wait3A_524 = arith.constant 0 : i32
    %dma_wait3A_525 = tpu.memref_slice %arg7[%dma_wait3A_523, %dma_wait3A_524] : memref<4x64xi32, #tpu.memory_space<vmem>> -> memref<1x64xi32, #tpu.memory_space<vmem>>
    %dma_wait3A_526 = tpu.memref_squeeze %dma_wait3A_525 : memref<1x64xi32, #tpu.memory_space<vmem>> -> memref<64xi32, #tpu.memory_space<vmem>>
    %dma_wait3A_527 = arith.constant 0 : i32
    %dma_wait3A_528 = tpu.memref_slice %arg4[%dma_wait3A_527] : memref<320000xi32, #tpu.memory_space<hbm>> -> memref<64xi32, #tpu.memory_space<hbm>>
    %dma_wait3A_529 = arith.constant 0 : i32
    %dma_wait3A_530 = tpu.memref_slice %arg7[%dma_wait3A_523, %dma_wait3A_529] : memref<4x64xi32, #tpu.memory_space<vmem>> -> memref<1x64xi32, #tpu.memory_space<vmem>>
    %dma_wait3A_531 = tpu.memref_squeeze %dma_wait3A_530 : memref<1x64xi32, #tpu.memory_space<vmem>> -> memref<64xi32, #tpu.memory_space<vmem>>
    %dma_wait3A_532 = arith.constant 0 : i32
    %dma_wait3A_533 = tpu.memref_slice %arg4[%dma_wait3A_532] : memref<320000xi32, #tpu.memory_space<hbm>> -> memref<64xi32, #tpu.memory_space<hbm>>
    tpu.wait_dma2 semaphore(%arg15 : memref<!tpu.dma_semaphore, #tpu.memory_space<semaphore_mem>>) src(%dma_wait3A_533 : memref<64xi32, #tpu.memory_space<hbm>>) dst(%dma_wait3A_531 : memref<64xi32, #tpu.memory_space<vmem>>)
    %dma_start3A_534 = arith.constant 1 : i32
    %dma_start3A_535 = arith.constant 1 : i32
    %dma_start3A_536 = arith.constant 0 : i32
    %dma_start3A_537 = arith.constant 0 : i32
    %dma_start3A_538 = tpu.memref_slice %arg8[%dma_start3A_534, %dma_start3A_536, %dma_start3A_537] : memref<4x64x128xf32, #tpu.memory_space<vmem>> -> memref<1x64x128xf32, #tpu.memory_space<vmem>>
    %dma_start3A_539 = tpu.memref_squeeze %dma_start3A_538 : memref<1x64x128xf32, #tpu.memory_space<vmem>> -> memref<64x128xf32, #tpu.memory_space<vmem>>
    %dma_start3A_540 = arith.constant 0 : i32
    %dma_start3A_541 = tpu.memref_slice %arg7[%dma_start3A_535, %dma_start3A_540] : memref<4x64xi32, #tpu.memory_space<vmem>> -> memref<1x64xi32, #tpu.memory_space<vmem>>
    %dma_start3A_542 = tpu.memref_squeeze %dma_start3A_541 : memref<1x64xi32, #tpu.memory_space<vmem>> -> memref<64xi32, #tpu.memory_space<vmem>>
    %dma_start3A_543 = arith.constant 0 : i32
    %dma_start3A_544 = arith.constant 0 : i32
    %dma_start3A_545 = tpu.memref_slice %arg9[%dma_start3A_543, %dma_start3A_544] : memref<10240x128xf32, #tpu.memory_space<vmem_shared>> -> memref<10240x128xf32, #tpu.memory_space<vmem_shared>>
    tpu.enqueue_indirect_dma source(%dma_start3A_539 : memref<64x128xf32, #tpu.memory_space<vmem>>) target(%dma_start3A_545 : memref<10240x128xf32, #tpu.memory_space<vmem_shared>>) offsets(%dma_start3A_542 : memref<64xi32, #tpu.memory_space<vmem>>) semaphore(%arg23 : memref<!tpu.dma_semaphore, #tpu.memory_space<semaphore_mem>>) {add = true}
    %dma_wait3A_546 = arith.constant 2 : i32
    %dma_wait3A_547 = arith.constant 2 : i32
    %dma_wait3A_548 = arith.constant 0 : i32
    %dma_wait3A_549 = arith.constant 0 : i32
    %dma_wait3A_550 = tpu.memref_slice %arg8[%dma_wait3A_546, %dma_wait3A_548, %dma_wait3A_549] : memref<4x64x128xf32, #tpu.memory_space<vmem>> -> memref<1x64x128xf32, #tpu.memory_space<vmem>>
    %dma_wait3A_551 = tpu.memref_squeeze %dma_wait3A_550 : memref<1x64x128xf32, #tpu.memory_space<vmem>> -> memref<64x128xf32, #tpu.memory_space<vmem>>
    %dma_wait3A_552 = arith.constant 0 : i32
    %dma_wait3A_553 = tpu.memref_slice %arg7[%dma_wait3A_547, %dma_wait3A_552] : memref<4x64xi32, #tpu.memory_space<vmem>> -> memref<1x64xi32, #tpu.memory_space<vmem>>
    %dma_wait3A_554 = tpu.memref_squeeze %dma_wait3A_553 : memref<1x64xi32, #tpu.memory_space<vmem>> -> memref<64xi32, #tpu.memory_space<vmem>>
    %dma_wait3A_555 = arith.constant 0 : i32
    %dma_wait3A_556 = arith.constant 0 : i32
    %dma_wait3A_557 = tpu.memref_slice %arg9[%dma_wait3A_555, %dma_wait3A_556] : memref<10240x128xf32, #tpu.memory_space<vmem_shared>> -> memref<10240x128xf32, #tpu.memory_space<vmem_shared>>
    tpu.wait_indirect_dma semaphore(%arg24 : memref<!tpu.dma_semaphore, #tpu.memory_space<semaphore_mem>>) src(%dma_wait3A_551 : memref<64x128xf32, #tpu.memory_space<vmem>>) dst(%dma_wait3A_557 : memref<10240x128xf32, #tpu.memory_space<vmem_shared>>)
    %add3A_558 = arith.constant 9856 : i32
    %add3A_559 = arith.addi %add3A_6, %add3A_558 : i32
    %dma_start3A_560 = arith.constant 2 : i32
    %dma_start3A_561 = arith.constant 0 : i32
    %dma_start3A_562 = tpu.memref_slice %arg7[%dma_start3A_560, %dma_start3A_561] : memref<4x64xi32, #tpu.memory_space<vmem>> -> memref<1x64xi32, #tpu.memory_space<vmem>>
    %dma_start3A_563 = tpu.memref_squeeze %dma_start3A_562 : memref<1x64xi32, #tpu.memory_space<vmem>> -> memref<64xi32, #tpu.memory_space<vmem>>
    %dma_start3A_564 = tpu.memref_slice %arg4[%add3A_559] : memref<320000xi32, #tpu.memory_space<hbm>> -> memref<64xi32, #tpu.memory_space<hbm>>
    %dma_start3A_565 = arith.constant 0 : i32
    %dma_start3A_566 = tpu.memref_slice %arg7[%dma_start3A_560, %dma_start3A_565] : memref<4x64xi32, #tpu.memory_space<vmem>> -> memref<1x64xi32, #tpu.memory_space<vmem>>
    %dma_start3A_567 = tpu.memref_squeeze %dma_start3A_566 : memref<1x64xi32, #tpu.memory_space<vmem>> -> memref<64xi32, #tpu.memory_space<vmem>>
    %dma_start3A_568 = tpu.memref_slice %arg4[%add3A_559] : memref<320000xi32, #tpu.memory_space<hbm>> -> memref<64xi32, #tpu.memory_space<hbm>>
    tpu.enqueue_dma source(%dma_start3A_568 : memref<64xi32, #tpu.memory_space<hbm>>) target(%dma_start3A_567 : memref<64xi32, #tpu.memory_space<vmem>>) target_semaphore(%arg16 : memref<!tpu.dma_semaphore, #tpu.memory_space<semaphore_mem>>)
    %dma_wait3A_569 = arith.constant 2 : i32
    %dma_wait3A_570 = arith.constant 0 : i32
    %dma_wait3A_571 = tpu.memref_slice %arg6[%dma_wait3A_569, %dma_wait3A_570] : memref<4x64xi32, #tpu.memory_space<vmem>> -> memref<1x64xi32, #tpu.memory_space<vmem>>
    %dma_wait3A_572 = tpu.memref_squeeze %dma_wait3A_571 : memref<1x64xi32, #tpu.memory_space<vmem>> -> memref<64xi32, #tpu.memory_space<vmem>>
    %dma_wait3A_573 = arith.constant 0 : i32
    %dma_wait3A_574 = tpu.memref_slice %arg3[%dma_wait3A_573] : memref<320000xi32, #tpu.memory_space<hbm>> -> memref<64xi32, #tpu.memory_space<hbm>>
    %dma_wait3A_575 = arith.constant 0 : i32
    %dma_wait3A_576 = tpu.memref_slice %arg6[%dma_wait3A_569, %dma_wait3A_575] : memref<4x64xi32, #tpu.memory_space<vmem>> -> memref<1x64xi32, #tpu.memory_space<vmem>>
    %dma_wait3A_577 = tpu.memref_squeeze %dma_wait3A_576 : memref<1x64xi32, #tpu.memory_space<vmem>> -> memref<64xi32, #tpu.memory_space<vmem>>
    %dma_wait3A_578 = arith.constant 0 : i32
    %dma_wait3A_579 = tpu.memref_slice %arg3[%dma_wait3A_578] : memref<320000xi32, #tpu.memory_space<hbm>> -> memref<64xi32, #tpu.memory_space<hbm>>
    tpu.wait_dma2 semaphore(%arg12 : memref<!tpu.dma_semaphore, #tpu.memory_space<semaphore_mem>>) src(%dma_wait3A_579 : memref<64xi32, #tpu.memory_space<hbm>>) dst(%dma_wait3A_577 : memref<64xi32, #tpu.memory_space<vmem>>)
    %dma_start3A_580 = arith.constant 2 : i32
    %dma_start3A_581 = arith.constant 2 : i32
    %dma_start3A_582 = arith.constant 0 : i32
    %dma_start3A_583 = arith.constant 0 : i32
    %dma_start3A_584 = tpu.memref_slice %arg8[%dma_start3A_581, %dma_start3A_582, %dma_start3A_583] : memref<4x64x128xf32, #tpu.memory_space<vmem>> -> memref<1x64x128xf32, #tpu.memory_space<vmem>>
    %dma_start3A_585 = tpu.memref_squeeze %dma_start3A_584 : memref<1x64x128xf32, #tpu.memory_space<vmem>> -> memref<64x128xf32, #tpu.memory_space<vmem>>
    %dma_start3A_586 = arith.constant 0 : i32
    %dma_start3A_587 = tpu.memref_slice %arg6[%dma_start3A_580, %dma_start3A_586] : memref<4x64xi32, #tpu.memory_space<vmem>> -> memref<1x64xi32, #tpu.memory_space<vmem>>
    %dma_start3A_588 = tpu.memref_squeeze %dma_start3A_587 : memref<1x64xi32, #tpu.memory_space<vmem>> -> memref<64xi32, #tpu.memory_space<vmem>>
    %dma_start3A_589 = arith.constant 0 : i32
    %dma_start3A_590 = arith.constant 0 : i32
    %dma_start3A_591 = tpu.memref_slice %arg2[%dma_start3A_589, %dma_start3A_590] : memref<10000x128xf32, #tpu.memory_space<hbm>> -> memref<10000x128xf32, #tpu.memory_space<hbm>>
    tpu.enqueue_indirect_dma source(%dma_start3A_591 : memref<10000x128xf32, #tpu.memory_space<hbm>>) target(%dma_start3A_585 : memref<64x128xf32, #tpu.memory_space<vmem>>) offsets(%dma_start3A_588 : memref<64xi32, #tpu.memory_space<vmem>>) semaphore(%arg20 : memref<!tpu.dma_semaphore, #tpu.memory_space<semaphore_mem>>)
    %dma_wait3A_592 = arith.constant 3 : i32
    %dma_wait3A_593 = arith.constant 3 : i32
    %dma_wait3A_594 = arith.constant 0 : i32
    %dma_wait3A_595 = arith.constant 0 : i32
    %dma_wait3A_596 = tpu.memref_slice %arg8[%dma_wait3A_592, %dma_wait3A_594, %dma_wait3A_595] : memref<4x64x128xf32, #tpu.memory_space<vmem>> -> memref<1x64x128xf32, #tpu.memory_space<vmem>>
    %dma_wait3A_597 = tpu.memref_squeeze %dma_wait3A_596 : memref<1x64x128xf32, #tpu.memory_space<vmem>> -> memref<64x128xf32, #tpu.memory_space<vmem>>
    %dma_wait3A_598 = arith.constant 0 : i32
    %dma_wait3A_599 = tpu.memref_slice %arg7[%dma_wait3A_593, %dma_wait3A_598] : memref<4x64xi32, #tpu.memory_space<vmem>> -> memref<1x64xi32, #tpu.memory_space<vmem>>
    %dma_wait3A_600 = tpu.memref_squeeze %dma_wait3A_599 : memref<1x64xi32, #tpu.memory_space<vmem>> -> memref<64xi32, #tpu.memory_space<vmem>>
    %dma_wait3A_601 = arith.constant 0 : i32
    %dma_wait3A_602 = arith.constant 0 : i32
    %dma_wait3A_603 = tpu.memref_slice %arg9[%dma_wait3A_601, %dma_wait3A_602] : memref<10240x128xf32, #tpu.memory_space<vmem_shared>> -> memref<10240x128xf32, #tpu.memory_space<vmem_shared>>
    tpu.wait_indirect_dma semaphore(%arg25 : memref<!tpu.dma_semaphore, #tpu.memory_space<semaphore_mem>>) src(%dma_wait3A_597 : memref<64x128xf32, #tpu.memory_space<vmem>>) dst(%dma_wait3A_603 : memref<10240x128xf32, #tpu.memory_space<vmem_shared>>)
    %add3A_604 = arith.constant 9920 : i32
    %add3A_605 = arith.addi %add3A_6, %add3A_604 : i32
    %dma_start3A_606 = arith.constant 3 : i32
    %dma_start3A_607 = arith.constant 0 : i32
    %dma_start3A_608 = tpu.memref_slice %arg7[%dma_start3A_606, %dma_start3A_607] : memref<4x64xi32, #tpu.memory_space<vmem>> -> memref<1x64xi32, #tpu.memory_space<vmem>>
    %dma_start3A_609 = tpu.memref_squeeze %dma_start3A_608 : memref<1x64xi32, #tpu.memory_space<vmem>> -> memref<64xi32, #tpu.memory_space<vmem>>
    %dma_start3A_610 = tpu.memref_slice %arg4[%add3A_605] : memref<320000xi32, #tpu.memory_space<hbm>> -> memref<64xi32, #tpu.memory_space<hbm>>
    %dma_start3A_611 = arith.constant 0 : i32
    %dma_start3A_612 = tpu.memref_slice %arg7[%dma_start3A_606, %dma_start3A_611] : memref<4x64xi32, #tpu.memory_space<vmem>> -> memref<1x64xi32, #tpu.memory_space<vmem>>
    %dma_start3A_613 = tpu.memref_squeeze %dma_start3A_612 : memref<1x64xi32, #tpu.memory_space<vmem>> -> memref<64xi32, #tpu.memory_space<vmem>>
    %dma_start3A_614 = tpu.memref_slice %arg4[%add3A_605] : memref<320000xi32, #tpu.memory_space<hbm>> -> memref<64xi32, #tpu.memory_space<hbm>>
    tpu.enqueue_dma source(%dma_start3A_614 : memref<64xi32, #tpu.memory_space<hbm>>) target(%dma_start3A_613 : memref<64xi32, #tpu.memory_space<vmem>>) target_semaphore(%arg17 : memref<!tpu.dma_semaphore, #tpu.memory_space<semaphore_mem>>)
    %dma_wait3A_615 = arith.constant 3 : i32
    %dma_wait3A_616 = arith.constant 0 : i32
    %dma_wait3A_617 = tpu.memref_slice %arg6[%dma_wait3A_615, %dma_wait3A_616] : memref<4x64xi32, #tpu.memory_space<vmem>> -> memref<1x64xi32, #tpu.memory_space<vmem>>
    %dma_wait3A_618 = tpu.memref_squeeze %dma_wait3A_617 : memref<1x64xi32, #tpu.memory_space<vmem>> -> memref<64xi32, #tpu.memory_space<vmem>>
    %dma_wait3A_619 = arith.constant 0 : i32
    %dma_wait3A_620 = tpu.memref_slice %arg3[%dma_wait3A_619] : memref<320000xi32, #tpu.memory_space<hbm>> -> memref<64xi32, #tpu.memory_space<hbm>>
    %dma_wait3A_621 = arith.constant 0 : i32
    %dma_wait3A_622 = tpu.memref_slice %arg6[%dma_wait3A_615, %dma_wait3A_621] : memref<4x64xi32, #tpu.memory_space<vmem>> -> memref<1x64xi32, #tpu.memory_space<vmem>>
    %dma_wait3A_623 = tpu.memref_squeeze %dma_wait3A_622 : memref<1x64xi32, #tpu.memory_space<vmem>> -> memref<64xi32, #tpu.memory_space<vmem>>
    %dma_wait3A_624 = arith.constant 0 : i32
    %dma_wait3A_625 = tpu.memref_slice %arg3[%dma_wait3A_624] : memref<320000xi32, #tpu.memory_space<hbm>> -> memref<64xi32, #tpu.memory_space<hbm>>
    tpu.wait_dma2 semaphore(%arg13 : memref<!tpu.dma_semaphore, #tpu.memory_space<semaphore_mem>>) src(%dma_wait3A_625 : memref<64xi32, #tpu.memory_space<hbm>>) dst(%dma_wait3A_623 : memref<64xi32, #tpu.memory_space<vmem>>)
    %dma_start3A_626 = arith.constant 3 : i32
    %dma_start3A_627 = arith.constant 3 : i32
    %dma_start3A_628 = arith.constant 0 : i32
    %dma_start3A_629 = arith.constant 0 : i32
    %dma_start3A_630 = tpu.memref_slice %arg8[%dma_start3A_627, %dma_start3A_628, %dma_start3A_629] : memref<4x64x128xf32, #tpu.memory_space<vmem>> -> memref<1x64x128xf32, #tpu.memory_space<vmem>>
    %dma_start3A_631 = tpu.memref_squeeze %dma_start3A_630 : memref<1x64x128xf32, #tpu.memory_space<vmem>> -> memref<64x128xf32, #tpu.memory_space<vmem>>
    %dma_start3A_632 = arith.constant 0 : i32
    %dma_start3A_633 = tpu.memref_slice %arg6[%dma_start3A_626, %dma_start3A_632] : memref<4x64xi32, #tpu.memory_space<vmem>> -> memref<1x64xi32, #tpu.memory_space<vmem>>
    %dma_start3A_634 = tpu.memref_squeeze %dma_start3A_633 : memref<1x64xi32, #tpu.memory_space<vmem>> -> memref<64xi32, #tpu.memory_space<vmem>>
    %dma_start3A_635 = arith.constant 0 : i32
    %dma_start3A_636 = arith.constant 0 : i32
    %dma_start3A_637 = tpu.memref_slice %arg2[%dma_start3A_635, %dma_start3A_636] : memref<10000x128xf32, #tpu.memory_space<hbm>> -> memref<10000x128xf32, #tpu.memory_space<hbm>>
    tpu.enqueue_indirect_dma source(%dma_start3A_637 : memref<10000x128xf32, #tpu.memory_space<hbm>>) target(%dma_start3A_631 : memref<64x128xf32, #tpu.memory_space<vmem>>) offsets(%dma_start3A_634 : memref<64xi32, #tpu.memory_space<vmem>>) semaphore(%arg21 : memref<!tpu.dma_semaphore, #tpu.memory_space<semaphore_mem>>)
    %dma_wait3A_638 = arith.constant 0 : i32
    %dma_wait3A_639 = arith.constant 2 : i32
    %dma_wait3A_640 = arith.constant 0 : i32
    %dma_wait3A_641 = arith.constant 0 : i32
    %dma_wait3A_642 = tpu.memref_slice %arg8[%dma_wait3A_639, %dma_wait3A_640, %dma_wait3A_641] : memref<4x64x128xf32, #tpu.memory_space<vmem>> -> memref<1x64x128xf32, #tpu.memory_space<vmem>>
    %dma_wait3A_643 = tpu.memref_squeeze %dma_wait3A_642 : memref<1x64x128xf32, #tpu.memory_space<vmem>> -> memref<64x128xf32, #tpu.memory_space<vmem>>
    %dma_wait3A_644 = arith.constant 0 : i32
    %dma_wait3A_645 = tpu.memref_slice %arg6[%dma_wait3A_638, %dma_wait3A_644] : memref<4x64xi32, #tpu.memory_space<vmem>> -> memref<1x64xi32, #tpu.memory_space<vmem>>
    %dma_wait3A_646 = tpu.memref_squeeze %dma_wait3A_645 : memref<1x64xi32, #tpu.memory_space<vmem>> -> memref<64xi32, #tpu.memory_space<vmem>>
    %dma_wait3A_647 = arith.constant 0 : i32
    %dma_wait3A_648 = arith.constant 0 : i32
    %dma_wait3A_649 = tpu.memref_slice %arg2[%dma_wait3A_647, %dma_wait3A_648] : memref<10000x128xf32, #tpu.memory_space<hbm>> -> memref<10000x128xf32, #tpu.memory_space<hbm>>
    tpu.wait_indirect_dma semaphore(%arg20 : memref<!tpu.dma_semaphore, #tpu.memory_space<semaphore_mem>>) src(%dma_wait3A_649 : memref<10000x128xf32, #tpu.memory_space<hbm>>) dst(%dma_wait3A_643 : memref<64x128xf32, #tpu.memory_space<vmem>>)
    %dma_wait3A_650 = arith.constant 2 : i32
    %dma_wait3A_651 = arith.constant 0 : i32
    %dma_wait3A_652 = tpu.memref_slice %arg7[%dma_wait3A_650, %dma_wait3A_651] : memref<4x64xi32, #tpu.memory_space<vmem>> -> memref<1x64xi32, #tpu.memory_space<vmem>>
    %dma_wait3A_653 = tpu.memref_squeeze %dma_wait3A_652 : memref<1x64xi32, #tpu.memory_space<vmem>> -> memref<64xi32, #tpu.memory_space<vmem>>
    %dma_wait3A_654 = arith.constant 0 : i32
    %dma_wait3A_655 = tpu.memref_slice %arg4[%dma_wait3A_654] : memref<320000xi32, #tpu.memory_space<hbm>> -> memref<64xi32, #tpu.memory_space<hbm>>
    %dma_wait3A_656 = arith.constant 0 : i32
    %dma_wait3A_657 = tpu.memref_slice %arg7[%dma_wait3A_650, %dma_wait3A_656] : memref<4x64xi32, #tpu.memory_space<vmem>> -> memref<1x64xi32, #tpu.memory_space<vmem>>
    %dma_wait3A_658 = tpu.memref_squeeze %dma_wait3A_657 : memref<1x64xi32, #tpu.memory_space<vmem>> -> memref<64xi32, #tpu.memory_space<vmem>>
    %dma_wait3A_659 = arith.constant 0 : i32
    %dma_wait3A_660 = tpu.memref_slice %arg4[%dma_wait3A_659] : memref<320000xi32, #tpu.memory_space<hbm>> -> memref<64xi32, #tpu.memory_space<hbm>>
    tpu.wait_dma2 semaphore(%arg16 : memref<!tpu.dma_semaphore, #tpu.memory_space<semaphore_mem>>) src(%dma_wait3A_660 : memref<64xi32, #tpu.memory_space<hbm>>) dst(%dma_wait3A_658 : memref<64xi32, #tpu.memory_space<vmem>>)
    %dma_start3A_661 = arith.constant 2 : i32
    %dma_start3A_662 = arith.constant 2 : i32
    %dma_start3A_663 = arith.constant 0 : i32
    %dma_start3A_664 = arith.constant 0 : i32
    %dma_start3A_665 = tpu.memref_slice %arg8[%dma_start3A_661, %dma_start3A_663, %dma_start3A_664] : memref<4x64x128xf32, #tpu.memory_space<vmem>> -> memref<1x64x128xf32, #tpu.memory_space<vmem>>
    %dma_start3A_666 = tpu.memref_squeeze %dma_start3A_665 : memref<1x64x128xf32, #tpu.memory_space<vmem>> -> memref<64x128xf32, #tpu.memory_space<vmem>>
    %dma_start3A_667 = arith.constant 0 : i32
    %dma_start3A_668 = tpu.memref_slice %arg7[%dma_start3A_662, %dma_start3A_667] : memref<4x64xi32, #tpu.memory_space<vmem>> -> memref<1x64xi32, #tpu.memory_space<vmem>>
    %dma_start3A_669 = tpu.memref_squeeze %dma_start3A_668 : memref<1x64xi32, #tpu.memory_space<vmem>> -> memref<64xi32, #tpu.memory_space<vmem>>
    %dma_start3A_670 = arith.constant 0 : i32
    %dma_start3A_671 = arith.constant 0 : i32
    %dma_start3A_672 = tpu.memref_slice %arg9[%dma_start3A_670, %dma_start3A_671] : memref<10240x128xf32, #tpu.memory_space<vmem_shared>> -> memref<10240x128xf32, #tpu.memory_space<vmem_shared>>
    tpu.enqueue_indirect_dma source(%dma_start3A_666 : memref<64x128xf32, #tpu.memory_space<vmem>>) target(%dma_start3A_672 : memref<10240x128xf32, #tpu.memory_space<vmem_shared>>) offsets(%dma_start3A_669 : memref<64xi32, #tpu.memory_space<vmem>>) semaphore(%arg24 : memref<!tpu.dma_semaphore, #tpu.memory_space<semaphore_mem>>) {add = true}
    %dma_wait3A_673 = arith.constant 0 : i32
    %dma_wait3A_674 = arith.constant 3 : i32
    %dma_wait3A_675 = arith.constant 0 : i32
    %dma_wait3A_676 = arith.constant 0 : i32
    %dma_wait3A_677 = tpu.memref_slice %arg8[%dma_wait3A_674, %dma_wait3A_675, %dma_wait3A_676] : memref<4x64x128xf32, #tpu.memory_space<vmem>> -> memref<1x64x128xf32, #tpu.memory_space<vmem>>
    %dma_wait3A_678 = tpu.memref_squeeze %dma_wait3A_677 : memref<1x64x128xf32, #tpu.memory_space<vmem>> -> memref<64x128xf32, #tpu.memory_space<vmem>>
    %dma_wait3A_679 = arith.constant 0 : i32
    %dma_wait3A_680 = tpu.memref_slice %arg6[%dma_wait3A_673, %dma_wait3A_679] : memref<4x64xi32, #tpu.memory_space<vmem>> -> memref<1x64xi32, #tpu.memory_space<vmem>>
    %dma_wait3A_681 = tpu.memref_squeeze %dma_wait3A_680 : memref<1x64xi32, #tpu.memory_space<vmem>> -> memref<64xi32, #tpu.memory_space<vmem>>
    %dma_wait3A_682 = arith.constant 0 : i32
    %dma_wait3A_683 = arith.constant 0 : i32
    %dma_wait3A_684 = tpu.memref_slice %arg2[%dma_wait3A_682, %dma_wait3A_683] : memref<10000x128xf32, #tpu.memory_space<hbm>> -> memref<10000x128xf32, #tpu.memory_space<hbm>>
    tpu.wait_indirect_dma semaphore(%arg21 : memref<!tpu.dma_semaphore, #tpu.memory_space<semaphore_mem>>) src(%dma_wait3A_684 : memref<10000x128xf32, #tpu.memory_space<hbm>>) dst(%dma_wait3A_678 : memref<64x128xf32, #tpu.memory_space<vmem>>)
    %dma_wait3A_685 = arith.constant 3 : i32
    %dma_wait3A_686 = arith.constant 0 : i32
    %dma_wait3A_687 = tpu.memref_slice %arg7[%dma_wait3A_685, %dma_wait3A_686] : memref<4x64xi32, #tpu.memory_space<vmem>> -> memref<1x64xi32, #tpu.memory_space<vmem>>
    %dma_wait3A_688 = tpu.memref_squeeze %dma_wait3A_687 : memref<1x64xi32, #tpu.memory_space<vmem>> -> memref<64xi32, #tpu.memory_space<vmem>>
    %dma_wait3A_689 = arith.constant 0 : i32
    %dma_wait3A_690 = tpu.memref_slice %arg4[%dma_wait3A_689] : memref<320000xi32, #tpu.memory_space<hbm>> -> memref<64xi32, #tpu.memory_space<hbm>>
    %dma_wait3A_691 = arith.constant 0 : i32
    %dma_wait3A_692 = tpu.memref_slice %arg7[%dma_wait3A_685, %dma_wait3A_691] : memref<4x64xi32, #tpu.memory_space<vmem>> -> memref<1x64xi32, #tpu.memory_space<vmem>>
    %dma_wait3A_693 = tpu.memref_squeeze %dma_wait3A_692 : memref<1x64xi32, #tpu.memory_space<vmem>> -> memref<64xi32, #tpu.memory_space<vmem>>
    %dma_wait3A_694 = arith.constant 0 : i32
    %dma_wait3A_695 = tpu.memref_slice %arg4[%dma_wait3A_694] : memref<320000xi32, #tpu.memory_space<hbm>> -> memref<64xi32, #tpu.memory_space<hbm>>
    tpu.wait_dma2 semaphore(%arg17 : memref<!tpu.dma_semaphore, #tpu.memory_space<semaphore_mem>>) src(%dma_wait3A_695 : memref<64xi32, #tpu.memory_space<hbm>>) dst(%dma_wait3A_693 : memref<64xi32, #tpu.memory_space<vmem>>)
    %dma_start3A_696 = arith.constant 3 : i32
    %dma_start3A_697 = arith.constant 3 : i32
    %dma_start3A_698 = arith.constant 0 : i32
    %dma_start3A_699 = arith.constant 0 : i32
    %dma_start3A_700 = tpu.memref_slice %arg8[%dma_start3A_696, %dma_start3A_698, %dma_start3A_699] : memref<4x64x128xf32, #tpu.memory_space<vmem>> -> memref<1x64x128xf32, #tpu.memory_space<vmem>>
    %dma_start3A_701 = tpu.memref_squeeze %dma_start3A_700 : memref<1x64x128xf32, #tpu.memory_space<vmem>> -> memref<64x128xf32, #tpu.memory_space<vmem>>
    %dma_start3A_702 = arith.constant 0 : i32
    %dma_start3A_703 = tpu.memref_slice %arg7[%dma_start3A_697, %dma_start3A_702] : memref<4x64xi32, #tpu.memory_space<vmem>> -> memref<1x64xi32, #tpu.memory_space<vmem>>
    %dma_start3A_704 = tpu.memref_squeeze %dma_start3A_703 : memref<1x64xi32, #tpu.memory_space<vmem>> -> memref<64xi32, #tpu.memory_space<vmem>>
    %dma_start3A_705 = arith.constant 0 : i32
    %dma_start3A_706 = arith.constant 0 : i32
    %dma_start3A_707 = tpu.memref_slice %arg9[%dma_start3A_705, %dma_start3A_706] : memref<10240x128xf32, #tpu.memory_space<vmem_shared>> -> memref<10240x128xf32, #tpu.memory_space<vmem_shared>>
    tpu.enqueue_indirect_dma source(%dma_start3A_701 : memref<64x128xf32, #tpu.memory_space<vmem>>) target(%dma_start3A_707 : memref<10240x128xf32, #tpu.memory_space<vmem_shared>>) offsets(%dma_start3A_704 : memref<64xi32, #tpu.memory_space<vmem>>) semaphore(%arg25 : memref<!tpu.dma_semaphore, #tpu.memory_space<semaphore_mem>>) {add = true}
    %dma_wait3A_708 = arith.constant 0 : i32
    %dma_wait3A_709 = arith.constant 0 : i32
    %dma_wait3A_710 = arith.constant 0 : i32
    %dma_wait3A_711 = arith.constant 0 : i32
    %dma_wait3A_712 = tpu.memref_slice %arg8[%dma_wait3A_708, %dma_wait3A_710, %dma_wait3A_711] : memref<4x64x128xf32, #tpu.memory_space<vmem>> -> memref<1x64x128xf32, #tpu.memory_space<vmem>>
    %dma_wait3A_713 = tpu.memref_squeeze %dma_wait3A_712 : memref<1x64x128xf32, #tpu.memory_space<vmem>> -> memref<64x128xf32, #tpu.memory_space<vmem>>
    %dma_wait3A_714 = arith.constant 0 : i32
    %dma_wait3A_715 = tpu.memref_slice %arg7[%dma_wait3A_709, %dma_wait3A_714] : memref<4x64xi32, #tpu.memory_space<vmem>> -> memref<1x64xi32, #tpu.memory_space<vmem>>
    %dma_wait3A_716 = tpu.memref_squeeze %dma_wait3A_715 : memref<1x64xi32, #tpu.memory_space<vmem>> -> memref<64xi32, #tpu.memory_space<vmem>>
    %dma_wait3A_717 = arith.constant 0 : i32
    %dma_wait3A_718 = arith.constant 0 : i32
    %dma_wait3A_719 = tpu.memref_slice %arg9[%dma_wait3A_717, %dma_wait3A_718] : memref<10240x128xf32, #tpu.memory_space<vmem_shared>> -> memref<10240x128xf32, #tpu.memory_space<vmem_shared>>
    tpu.wait_indirect_dma semaphore(%arg22 : memref<!tpu.dma_semaphore, #tpu.memory_space<semaphore_mem>>) src(%dma_wait3A_713 : memref<64x128xf32, #tpu.memory_space<vmem>>) dst(%dma_wait3A_719 : memref<10240x128xf32, #tpu.memory_space<vmem_shared>>)
    %dma_wait3A_720 = arith.constant 1 : i32
    %dma_wait3A_721 = arith.constant 1 : i32
    %dma_wait3A_722 = arith.constant 0 : i32
    %dma_wait3A_723 = arith.constant 0 : i32
    %dma_wait3A_724 = tpu.memref_slice %arg8[%dma_wait3A_720, %dma_wait3A_722, %dma_wait3A_723] : memref<4x64x128xf32, #tpu.memory_space<vmem>> -> memref<1x64x128xf32, #tpu.memory_space<vmem>>
    %dma_wait3A_725 = tpu.memref_squeeze %dma_wait3A_724 : memref<1x64x128xf32, #tpu.memory_space<vmem>> -> memref<64x128xf32, #tpu.memory_space<vmem>>
    %dma_wait3A_726 = arith.constant 0 : i32
    %dma_wait3A_727 = tpu.memref_slice %arg7[%dma_wait3A_721, %dma_wait3A_726] : memref<4x64xi32, #tpu.memory_space<vmem>> -> memref<1x64xi32, #tpu.memory_space<vmem>>
    %dma_wait3A_728 = tpu.memref_squeeze %dma_wait3A_727 : memref<1x64xi32, #tpu.memory_space<vmem>> -> memref<64xi32, #tpu.memory_space<vmem>>
    %dma_wait3A_729 = arith.constant 0 : i32
    %dma_wait3A_730 = arith.constant 0 : i32
    %dma_wait3A_731 = tpu.memref_slice %arg9[%dma_wait3A_729, %dma_wait3A_730] : memref<10240x128xf32, #tpu.memory_space<vmem_shared>> -> memref<10240x128xf32, #tpu.memory_space<vmem_shared>>
    tpu.wait_indirect_dma semaphore(%arg23 : memref<!tpu.dma_semaphore, #tpu.memory_space<semaphore_mem>>) src(%dma_wait3A_725 : memref<64x128xf32, #tpu.memory_space<vmem>>) dst(%dma_wait3A_731 : memref<10240x128xf32, #tpu.memory_space<vmem_shared>>)
    %dma_wait3A_732 = arith.constant 2 : i32
    %dma_wait3A_733 = arith.constant 2 : i32
    %dma_wait3A_734 = arith.constant 0 : i32
    %dma_wait3A_735 = arith.constant 0 : i32
    %dma_wait3A_736 = tpu.memref_slice %arg8[%dma_wait3A_732, %dma_wait3A_734, %dma_wait3A_735] : memref<4x64x128xf32, #tpu.memory_space<vmem>> -> memref<1x64x128xf32, #tpu.memory_space<vmem>>
    %dma_wait3A_737 = tpu.memref_squeeze %dma_wait3A_736 : memref<1x64x128xf32, #tpu.memory_space<vmem>> -> memref<64x128xf32, #tpu.memory_space<vmem>>
    %dma_wait3A_738 = arith.constant 0 : i32
    %dma_wait3A_739 = tpu.memref_slice %arg7[%dma_wait3A_733, %dma_wait3A_738] : memref<4x64xi32, #tpu.memory_space<vmem>> -> memref<1x64xi32, #tpu.memory_space<vmem>>
    %dma_wait3A_740 = tpu.memref_squeeze %dma_wait3A_739 : memref<1x64xi32, #tpu.memory_space<vmem>> -> memref<64xi32, #tpu.memory_space<vmem>>
    %dma_wait3A_741 = arith.constant 0 : i32
    %dma_wait3A_742 = arith.constant 0 : i32
    %dma_wait3A_743 = tpu.memref_slice %arg9[%dma_wait3A_741, %dma_wait3A_742] : memref<10240x128xf32, #tpu.memory_space<vmem_shared>> -> memref<10240x128xf32, #tpu.memory_space<vmem_shared>>
    tpu.wait_indirect_dma semaphore(%arg24 : memref<!tpu.dma_semaphore, #tpu.memory_space<semaphore_mem>>) src(%dma_wait3A_737 : memref<64x128xf32, #tpu.memory_space<vmem>>) dst(%dma_wait3A_743 : memref<10240x128xf32, #tpu.memory_space<vmem_shared>>)
    %dma_wait3A_744 = arith.constant 3 : i32
    %dma_wait3A_745 = arith.constant 3 : i32
    %dma_wait3A_746 = arith.constant 0 : i32
    %dma_wait3A_747 = arith.constant 0 : i32
    %dma_wait3A_748 = tpu.memref_slice %arg8[%dma_wait3A_744, %dma_wait3A_746, %dma_wait3A_747] : memref<4x64x128xf32, #tpu.memory_space<vmem>> -> memref<1x64x128xf32, #tpu.memory_space<vmem>>
    %dma_wait3A_749 = tpu.memref_squeeze %dma_wait3A_748 : memref<1x64x128xf32, #tpu.memory_space<vmem>> -> memref<64x128xf32, #tpu.memory_space<vmem>>
    %dma_wait3A_750 = arith.constant 0 : i32
    %dma_wait3A_751 = tpu.memref_slice %arg7[%dma_wait3A_745, %dma_wait3A_750] : memref<4x64xi32, #tpu.memory_space<vmem>> -> memref<1x64xi32, #tpu.memory_space<vmem>>
    %dma_wait3A_752 = tpu.memref_squeeze %dma_wait3A_751 : memref<1x64xi32, #tpu.memory_space<vmem>> -> memref<64xi32, #tpu.memory_space<vmem>>
    %dma_wait3A_753 = arith.constant 0 : i32
    %dma_wait3A_754 = arith.constant 0 : i32
    %dma_wait3A_755 = tpu.memref_slice %arg9[%dma_wait3A_753, %dma_wait3A_754] : memref<10240x128xf32, #tpu.memory_space<vmem_shared>> -> memref<10240x128xf32, #tpu.memory_space<vmem_shared>>
    tpu.wait_indirect_dma semaphore(%arg25 : memref<!tpu.dma_semaphore, #tpu.memory_space<semaphore_mem>>) src(%dma_wait3A_749 : memref<64x128xf32, #tpu.memory_space<vmem>>) dst(%dma_wait3A_755 : memref<10240x128xf32, #tpu.memory_space<vmem_shared>>)
    %lt3A = arith.constant 8 : i32
    %lt3A_756 = arith.cmpi slt, %add3A, %lt3A : i32
    %convert_element_type3A = arith.extui %lt3A_756 : i1 to i32
    %cond3A = arith.constant 0 : i32
    %cond3A_757 = arith.cmpi ne, %convert_element_type3A, %cond3A : i32
    scf.if %cond3A_757 {
      %add3A_763 = arith.constant 9984 : i32
      %add3A_764 = arith.addi %add3A_6, %add3A_763 : i32
      %dma_start3A_765 = arith.constant 0 : i32
      %dma_start3A_766 = arith.constant 0 : i32
      %dma_start3A_767 = tpu.memref_slice %arg6[%dma_start3A_765, %dma_start3A_766] : memref<4x64xi32, #tpu.memory_space<vmem>> -> memref<1x64xi32, #tpu.memory_space<vmem>>
      %dma_start3A_768 = tpu.memref_squeeze %dma_start3A_767 : memref<1x64xi32, #tpu.memory_space<vmem>> -> memref<64xi32, #tpu.memory_space<vmem>>
      %dma_start3A_769 = tpu.memref_slice %arg3[%add3A_764] : memref<320000xi32, #tpu.memory_space<hbm>> -> memref<64xi32, #tpu.memory_space<hbm>>
      %dma_start3A_770 = arith.constant 0 : i32
      %dma_start3A_771 = tpu.memref_slice %arg6[%dma_start3A_765, %dma_start3A_770] : memref<4x64xi32, #tpu.memory_space<vmem>> -> memref<1x64xi32, #tpu.memory_space<vmem>>
      %dma_start3A_772 = tpu.memref_squeeze %dma_start3A_771 : memref<1x64xi32, #tpu.memory_space<vmem>> -> memref<64xi32, #tpu.memory_space<vmem>>
      %dma_start3A_773 = tpu.memref_slice %arg3[%add3A_764] : memref<320000xi32, #tpu.memory_space<hbm>> -> memref<64xi32, #tpu.memory_space<hbm>>
      tpu.enqueue_dma source(%dma_start3A_773 : memref<64xi32, #tpu.memory_space<hbm>>) target(%dma_start3A_772 : memref<64xi32, #tpu.memory_space<vmem>>) target_semaphore(%arg10 : memref<!tpu.dma_semaphore, #tpu.memory_space<semaphore_mem>>)
      %add3A_774 = arith.constant 9984 : i32
      %add3A_775 = arith.addi %add3A_6, %add3A_774 : i32
      %dma_start3A_776 = arith.constant 0 : i32
      %dma_start3A_777 = arith.constant 0 : i32
      %dma_start3A_778 = tpu.memref_slice %arg7[%dma_start3A_776, %dma_start3A_777] : memref<4x64xi32, #tpu.memory_space<vmem>> -> memref<1x64xi32, #tpu.memory_space<vmem>>
      %dma_start3A_779 = tpu.memref_squeeze %dma_start3A_778 : memref<1x64xi32, #tpu.memory_space<vmem>> -> memref<64xi32, #tpu.memory_space<vmem>>
      %dma_start3A_780 = tpu.memref_slice %arg4[%add3A_775] : memref<320000xi32, #tpu.memory_space<hbm>> -> memref<64xi32, #tpu.memory_space<hbm>>
      %dma_start3A_781 = arith.constant 0 : i32
      %dma_start3A_782 = tpu.memref_slice %arg7[%dma_start3A_776, %dma_start3A_781] : memref<4x64xi32, #tpu.memory_space<vmem>> -> memref<1x64xi32, #tpu.memory_space<vmem>>
      %dma_start3A_783 = tpu.memref_squeeze %dma_start3A_782 : memref<1x64xi32, #tpu.memory_space<vmem>> -> memref<64xi32, #tpu.memory_space<vmem>>
      %dma_start3A_784 = tpu.memref_slice %arg4[%add3A_775] : memref<320000xi32, #tpu.memory_space<hbm>> -> memref<64xi32, #tpu.memory_space<hbm>>
      tpu.enqueue_dma source(%dma_start3A_784 : memref<64xi32, #tpu.memory_space<hbm>>) target(%dma_start3A_783 : memref<64xi32, #tpu.memory_space<vmem>>) target_semaphore(%arg14 : memref<!tpu.dma_semaphore, #tpu.memory_space<semaphore_mem>>)
      %dma_wait3A_785 = arith.constant 0 : i32
      %dma_wait3A_786 = arith.constant 0 : i32
      %dma_wait3A_787 = tpu.memref_slice %arg6[%dma_wait3A_785, %dma_wait3A_786] : memref<4x64xi32, #tpu.memory_space<vmem>> -> memref<1x64xi32, #tpu.memory_space<vmem>>
      %dma_wait3A_788 = tpu.memref_squeeze %dma_wait3A_787 : memref<1x64xi32, #tpu.memory_space<vmem>> -> memref<64xi32, #tpu.memory_space<vmem>>
      %dma_wait3A_789 = arith.constant 0 : i32
      %dma_wait3A_790 = tpu.memref_slice %arg3[%dma_wait3A_789] : memref<320000xi32, #tpu.memory_space<hbm>> -> memref<64xi32, #tpu.memory_space<hbm>>
      %dma_wait3A_791 = arith.constant 0 : i32
      %dma_wait3A_792 = tpu.memref_slice %arg6[%dma_wait3A_785, %dma_wait3A_791] : memref<4x64xi32, #tpu.memory_space<vmem>> -> memref<1x64xi32, #tpu.memory_space<vmem>>
      %dma_wait3A_793 = tpu.memref_squeeze %dma_wait3A_792 : memref<1x64xi32, #tpu.memory_space<vmem>> -> memref<64xi32, #tpu.memory_space<vmem>>
      %dma_wait3A_794 = arith.constant 0 : i32
      %dma_wait3A_795 = tpu.memref_slice %arg3[%dma_wait3A_794] : memref<320000xi32, #tpu.memory_space<hbm>> -> memref<64xi32, #tpu.memory_space<hbm>>
      tpu.wait_dma2 semaphore(%arg10 : memref<!tpu.dma_semaphore, #tpu.memory_space<semaphore_mem>>) src(%dma_wait3A_795 : memref<64xi32, #tpu.memory_space<hbm>>) dst(%dma_wait3A_793 : memref<64xi32, #tpu.memory_space<vmem>>)
      %dma_start3A_796 = arith.constant 0 : i32
      %dma_start3A_797 = arith.constant 0 : i32
      %dma_start3A_798 = arith.constant 0 : i32
      %dma_start3A_799 = arith.constant 0 : i32
      %dma_start3A_800 = tpu.memref_slice %arg8[%dma_start3A_797, %dma_start3A_798, %dma_start3A_799] : memref<4x64x128xf32, #tpu.memory_space<vmem>> -> memref<1x64x128xf32, #tpu.memory_space<vmem>>
      %dma_start3A_801 = tpu.memref_squeeze %dma_start3A_800 : memref<1x64x128xf32, #tpu.memory_space<vmem>> -> memref<64x128xf32, #tpu.memory_space<vmem>>
      %dma_start3A_802 = arith.constant 0 : i32
      %dma_start3A_803 = tpu.memref_slice %arg6[%dma_start3A_796, %dma_start3A_802] : memref<4x64xi32, #tpu.memory_space<vmem>> -> memref<1x64xi32, #tpu.memory_space<vmem>>
      %dma_start3A_804 = tpu.memref_squeeze %dma_start3A_803 : memref<1x64xi32, #tpu.memory_space<vmem>> -> memref<64xi32, #tpu.memory_space<vmem>>
      %dma_start3A_805 = arith.constant 0 : i32
      %dma_start3A_806 = arith.constant 0 : i32
      %dma_start3A_807 = tpu.memref_slice %arg2[%dma_start3A_805, %dma_start3A_806] : memref<10000x128xf32, #tpu.memory_space<hbm>> -> memref<10000x128xf32, #tpu.memory_space<hbm>>
      tpu.enqueue_indirect_dma source(%dma_start3A_807 : memref<10000x128xf32, #tpu.memory_space<hbm>>) target(%dma_start3A_801 : memref<64x128xf32, #tpu.memory_space<vmem>>) offsets(%dma_start3A_804 : memref<64xi32, #tpu.memory_space<vmem>>) semaphore(%arg18 : memref<!tpu.dma_semaphore, #tpu.memory_space<semaphore_mem>>)
      %dma_wait3A_808 = arith.constant 0 : i32
      %dma_wait3A_809 = arith.constant 0 : i32
      %dma_wait3A_810 = arith.constant 0 : i32
      %dma_wait3A_811 = arith.constant 0 : i32
      %dma_wait3A_812 = tpu.memref_slice %arg8[%dma_wait3A_809, %dma_wait3A_810, %dma_wait3A_811] : memref<4x64x128xf32, #tpu.memory_space<vmem>> -> memref<1x64x128xf32, #tpu.memory_space<vmem>>
      %dma_wait3A_813 = tpu.memref_squeeze %dma_wait3A_812 : memref<1x64x128xf32, #tpu.memory_space<vmem>> -> memref<64x128xf32, #tpu.memory_space<vmem>>
      %dma_wait3A_814 = arith.constant 0 : i32
      %dma_wait3A_815 = tpu.memref_slice %arg6[%dma_wait3A_808, %dma_wait3A_814] : memref<4x64xi32, #tpu.memory_space<vmem>> -> memref<1x64xi32, #tpu.memory_space<vmem>>
      %dma_wait3A_816 = tpu.memref_squeeze %dma_wait3A_815 : memref<1x64xi32, #tpu.memory_space<vmem>> -> memref<64xi32, #tpu.memory_space<vmem>>
      %dma_wait3A_817 = arith.constant 0 : i32
      %dma_wait3A_818 = arith.constant 0 : i32
      %dma_wait3A_819 = tpu.memref_slice %arg2[%dma_wait3A_817, %dma_wait3A_818] : memref<10000x128xf32, #tpu.memory_space<hbm>> -> memref<10000x128xf32, #tpu.memory_space<hbm>>
      tpu.wait_indirect_dma semaphore(%arg18 : memref<!tpu.dma_semaphore, #tpu.memory_space<semaphore_mem>>) src(%dma_wait3A_819 : memref<10000x128xf32, #tpu.memory_space<hbm>>) dst(%dma_wait3A_813 : memref<64x128xf32, #tpu.memory_space<vmem>>)
      %dma_wait3A_820 = arith.constant 0 : i32
      %dma_wait3A_821 = arith.constant 0 : i32
      %dma_wait3A_822 = tpu.memref_slice %arg7[%dma_wait3A_820, %dma_wait3A_821] : memref<4x64xi32, #tpu.memory_space<vmem>> -> memref<1x64xi32, #tpu.memory_space<vmem>>
      %dma_wait3A_823 = tpu.memref_squeeze %dma_wait3A_822 : memref<1x64xi32, #tpu.memory_space<vmem>> -> memref<64xi32, #tpu.memory_space<vmem>>
      %dma_wait3A_824 = arith.constant 0 : i32
      %dma_wait3A_825 = tpu.memref_slice %arg4[%dma_wait3A_824] : memref<320000xi32, #tpu.memory_space<hbm>> -> memref<64xi32, #tpu.memory_space<hbm>>
      %dma_wait3A_826 = arith.constant 0 : i32
      %dma_wait3A_827 = tpu.memref_slice %arg7[%dma_wait3A_820, %dma_wait3A_826] : memref<4x64xi32, #tpu.memory_space<vmem>> -> memref<1x64xi32, #tpu.memory_space<vmem>>
      %dma_wait3A_828 = tpu.memref_squeeze %dma_wait3A_827 : memref<1x64xi32, #tpu.memory_space<vmem>> -> memref<64xi32, #tpu.memory_space<vmem>>
      %dma_wait3A_829 = arith.constant 0 : i32
      %dma_wait3A_830 = tpu.memref_slice %arg4[%dma_wait3A_829] : memref<320000xi32, #tpu.memory_space<hbm>> -> memref<64xi32, #tpu.memory_space<hbm>>
      tpu.wait_dma2 semaphore(%arg14 : memref<!tpu.dma_semaphore, #tpu.memory_space<semaphore_mem>>) src(%dma_wait3A_830 : memref<64xi32, #tpu.memory_space<hbm>>) dst(%dma_wait3A_828 : memref<64xi32, #tpu.memory_space<vmem>>)
      %dma_start3A_831 = arith.constant 0 : i32
      %dma_start3A_832 = arith.constant 0 : i32
      %dma_start3A_833 = arith.constant 0 : i32
      %dma_start3A_834 = arith.constant 0 : i32
      %dma_start3A_835 = tpu.memref_slice %arg8[%dma_start3A_831, %dma_start3A_833, %dma_start3A_834] : memref<4x64x128xf32, #tpu.memory_space<vmem>> -> memref<1x64x128xf32, #tpu.memory_space<vmem>>
      %dma_start3A_836 = tpu.memref_squeeze %dma_start3A_835 : memref<1x64x128xf32, #tpu.memory_space<vmem>> -> memref<64x128xf32, #tpu.memory_space<vmem>>
      %dma_start3A_837 = arith.constant 0 : i32
      %dma_start3A_838 = tpu.memref_slice %arg7[%dma_start3A_832, %dma_start3A_837] : memref<4x64xi32, #tpu.memory_space<vmem>> -> memref<1x64xi32, #tpu.memory_space<vmem>>
      %dma_start3A_839 = tpu.memref_squeeze %dma_start3A_838 : memref<1x64xi32, #tpu.memory_space<vmem>> -> memref<64xi32, #tpu.memory_space<vmem>>
      %dma_start3A_840 = arith.constant 0 : i32
      %dma_start3A_841 = arith.constant 0 : i32
      %dma_start3A_842 = tpu.memref_slice %arg9[%dma_start3A_840, %dma_start3A_841] : memref<10240x128xf32, #tpu.memory_space<vmem_shared>> -> memref<10240x128xf32, #tpu.memory_space<vmem_shared>>
      tpu.enqueue_indirect_dma source(%dma_start3A_836 : memref<64x128xf32, #tpu.memory_space<vmem>>) target(%dma_start3A_842 : memref<10240x128xf32, #tpu.memory_space<vmem_shared>>) offsets(%dma_start3A_839 : memref<64xi32, #tpu.memory_space<vmem>>) semaphore(%arg22 : memref<!tpu.dma_semaphore, #tpu.memory_space<semaphore_mem>>) {add = true}
      %dma_wait3A_843 = arith.constant 0 : i32
      %dma_wait3A_844 = arith.constant 0 : i32
      %dma_wait3A_845 = arith.constant 0 : i32
      %dma_wait3A_846 = arith.constant 0 : i32
      %dma_wait3A_847 = tpu.memref_slice %arg8[%dma_wait3A_843, %dma_wait3A_845, %dma_wait3A_846] : memref<4x64x128xf32, #tpu.memory_space<vmem>> -> memref<1x64x128xf32, #tpu.memory_space<vmem>>
      %dma_wait3A_848 = tpu.memref_squeeze %dma_wait3A_847 : memref<1x64x128xf32, #tpu.memory_space<vmem>> -> memref<64x128xf32, #tpu.memory_space<vmem>>
      %dma_wait3A_849 = arith.constant 0 : i32
      %dma_wait3A_850 = tpu.memref_slice %arg7[%dma_wait3A_844, %dma_wait3A_849] : memref<4x64xi32, #tpu.memory_space<vmem>> -> memref<1x64xi32, #tpu.memory_space<vmem>>
      %dma_wait3A_851 = tpu.memref_squeeze %dma_wait3A_850 : memref<1x64xi32, #tpu.memory_space<vmem>> -> memref<64xi32, #tpu.memory_space<vmem>>
      %dma_wait3A_852 = arith.constant 0 : i32
      %dma_wait3A_853 = arith.constant 0 : i32
      %dma_wait3A_854 = tpu.memref_slice %arg9[%dma_wait3A_852, %dma_wait3A_853] : memref<10240x128xf32, #tpu.memory_space<vmem_shared>> -> memref<10240x128xf32, #tpu.memory_space<vmem_shared>>
      tpu.wait_indirect_dma semaphore(%arg22 : memref<!tpu.dma_semaphore, #tpu.memory_space<semaphore_mem>>) src(%dma_wait3A_848 : memref<64x128xf32, #tpu.memory_space<vmem>>) dst(%dma_wait3A_854 : memref<10240x128xf32, #tpu.memory_space<vmem_shared>>)
    } else {
    }
    %barrier3A_758 = arith.constant 0 : index
    tpu.barrier barrier_id(%barrier3A_758)
    %mul3A_759 = arith.constant 640 : i32
    %mul3A_760 = arith.muli %arg1, %mul3A_759 : i32
    %mul3A_761 = arith.constant 640 : i32
    %mul3A_762 = arith.muli %arg1, %mul3A_761 : i32
    "tpu.region"() ({
      %run_scoped3A = tpu.sem_alloc : memref<!tpu.dma_semaphore, #tpu.memory_space<semaphore_mem>>
      %dma_start3A_763 = arith.constant 0 : i32
      %dma_start3A_764 = tpu.memref_slice %arg5[%arg0, %mul3A_762, %dma_start3A_763] : memref<2x10240x128xf32, #tpu.memory_space<hbm>> -> memref<1x640x128xf32, #tpu.memory_space<hbm>>
      %dma_start3A_765 = tpu.memref_squeeze %dma_start3A_764 : memref<1x640x128xf32, #tpu.memory_space<hbm>> -> memref<640x128xf32, #tpu.memory_space<hbm>>
      %dma_start3A_766 = arith.constant 0 : i32
      %dma_start3A_767 = tpu.memref_slice %arg9[%mul3A_760, %dma_start3A_766] : memref<10240x128xf32, #tpu.memory_space<vmem_shared>> -> memref<640x128xf32, #tpu.memory_space<vmem_shared>>
      tpu.enqueue_dma source(%dma_start3A_767 : memref<640x128xf32, #tpu.memory_space<vmem_shared>>) target(%dma_start3A_765 : memref<640x128xf32, #tpu.memory_space<hbm>>) target_semaphore(%run_scoped3A : memref<!tpu.dma_semaphore, #tpu.memory_space<semaphore_mem>>)
      %dma_wait3A_768 = arith.constant 0 : i32
      %dma_wait3A_769 = tpu.memref_slice %arg5[%arg0, %mul3A_762, %dma_wait3A_768] : memref<2x10240x128xf32, #tpu.memory_space<hbm>> -> memref<1x640x128xf32, #tpu.memory_space<hbm>>
      %dma_wait3A_770 = tpu.memref_squeeze %dma_wait3A_769 : memref<1x640x128xf32, #tpu.memory_space<hbm>> -> memref<640x128xf32, #tpu.memory_space<hbm>>
      %dma_wait3A_771 = arith.constant 0 : i32
      %dma_wait3A_772 = tpu.memref_slice %arg9[%mul3A_760, %dma_wait3A_771] : memref<10240x128xf32, #tpu.memory_space<vmem_shared>> -> memref<640x128xf32, #tpu.memory_space<vmem_shared>>
      tpu.wait_dma2 semaphore(%run_scoped3A : memref<!tpu.dma_semaphore, #tpu.memory_space<semaphore_mem>>) src(%dma_wait3A_772 : memref<640x128xf32, #tpu.memory_space<vmem_shared>>) dst(%dma_wait3A_770 : memref<640x128xf32, #tpu.memory_space<hbm>>)
      tpu.yield
    }) : () -> ()
    return
  }
}

module attributes {stable_mosaic.version = 14 : i64} {
  func.func @_final_body(%arg0: i32, %arg1: memref<2000x128xf32, #tpu.memory_space<vmem>>, %arg2: memref<1x2000x128xf32, #tpu.memory_space<vmem>>, %arg3: memref<1x2000x128xf32, #tpu.memory_space<vmem>>, %arg4: memref<128x128xf32, #tpu.memory_space<vmem>>, %arg5: memref<1x128xf32, #tpu.memory_space<vmem>>, %arg6: memref<1x1x2000xi32, #tpu.memory_space<vmem>>, %arg7: memref<128x128xf32, #tpu.memory_space<vmem>>, %arg8: memref<1x128xf32, #tpu.memory_space<vmem>>, %arg9: memref<128x128xf32, #tpu.memory_space<vmem>>, %arg10: memref<128x128xf32, #tpu.memory_space<vmem>>, %arg11: memref<128x128xf32, #tpu.memory_space<vmem>>) attributes {dimension_semantics = [#tpu.dimension_semantics<arbitrary>], iteration_bounds = array<i64: 5>, scalar_prefetch = 0 : i64, scratch_operands = 2 : i64, tpu.core_type = #tpu.core_type<tc>, window_params = [{transform_indices = @transform_0, window_bounds = array<i64: 2000, 128>}, {transform_indices = @transform_1, window_bounds = array<i64: 1, 2000, 128>}, {transform_indices = @transform_2, window_bounds = array<i64: 1, 2000, 128>}, {pipeline_mode = #tpu.pipeline_mode<synchronous>, transform_indices = @transform_3, window_bounds = array<i64: 128, 128>}, {pipeline_mode = #tpu.pipeline_mode<synchronous>, transform_indices = @transform_4, window_bounds = array<i64: 1, 128>}, {transform_indices = @transform_5, window_bounds = array<i64: 1, 1, 2000>}, {pipeline_mode = #tpu.pipeline_mode<synchronous>, transform_indices = @transform_6, window_bounds = array<i64: 128, 128>}, {pipeline_mode = #tpu.pipeline_mode<synchronous>, transform_indices = @transform_7, window_bounds = array<i64: 1, 128>}, {pipeline_mode = #tpu.pipeline_mode<synchronous>, transform_indices = @transform_8, window_bounds = array<i64: 128, 128>}]} {
    %eq3A = arith.constant 0 : i32
    %eq3A_0 = arith.cmpi eq, %arg0, %eq3A : i32
    %convert_element_type3A = arith.extui %eq3A_0 : i1 to i32
    %cond3A = arith.constant 0 : i32
    %cond3A_1 = arith.cmpi ne, %convert_element_type3A, %cond3A : i32
    scf.if %cond3A_1 {
      %broadcast_in_dim3A_57 = arith.constant 0.000000e+00 : f32
      %broadcast_in_dim3A_58 = vector.broadcast %broadcast_in_dim3A_57 : f32 to vector<128x128xf32>
      %swap3A_59 = arith.constant 0 : index
      %swap3A_60 = arith.constant 0 : index
      %swap3A_61 = vector.load %arg10[%swap3A_59, %swap3A_60] : memref<128x128xf32, #tpu.memory_space<vmem>>, vector<128x128xf32>
      tpu.vector_store %arg10[%swap3A_59, %swap3A_60], %broadcast_in_dim3A_58 {strides = array<i32>} : memref<128x128xf32, #tpu.memory_space<vmem>>, vector<128x128xf32>,
      %broadcast_in_dim3A_62 = arith.constant 0.000000e+00 : f32
      %broadcast_in_dim3A_63 = vector.broadcast %broadcast_in_dim3A_62 : f32 to vector<128x128xf32>
      %swap3A_64 = arith.constant 0 : index
      %swap3A_65 = arith.constant 0 : index
      %swap3A_66 = vector.load %arg11[%swap3A_64, %swap3A_65] : memref<128x128xf32, #tpu.memory_space<vmem>>, vector<128x128xf32>
      tpu.vector_store %arg11[%swap3A_64, %swap3A_65], %broadcast_in_dim3A_63 {strides = array<i32>} : memref<128x128xf32, #tpu.memory_space<vmem>>, vector<128x128xf32>,
    } else {
    }
    %get3A = arith.constant 0 : index
    %get3A_2 = arith.constant 0 : index
    %get3A_3 = vector.load %arg1[%get3A, %get3A_2] : memref<2000x128xf32, #tpu.memory_space<vmem>>, vector<2000x128xf32>
    %get3A_4 = arith.constant 0 : index
    %get3A_5 = arith.constant 0 : index
    %get3A_6 = arith.constant 0 : index
    %get3A_7 = vector.load %arg2[%get3A_4, %get3A_5, %get3A_6] : memref<1x2000x128xf32, #tpu.memory_space<vmem>>, vector<1x2000x128xf32>
    %get3A_8 = vector.shape_cast %get3A_7 : vector<1x2000x128xf32> to vector<2000x128xf32>
    %add3A = arith.addf %get3A_3, %get3A_8 : vector<2000x128xf32>
    %get3A_9 = arith.constant 0 : index
    %get3A_10 = arith.constant 0 : index
    %get3A_11 = arith.constant 0 : index
    %get3A_12 = vector.load %arg3[%get3A_9, %get3A_10, %get3A_11] : memref<1x2000x128xf32, #tpu.memory_space<vmem>>, vector<1x2000x128xf32>
    %get3A_13 = vector.shape_cast %get3A_12 : vector<1x2000x128xf32> to vector<2000x128xf32>
    %add3A_14 = arith.addf %add3A, %get3A_13 : vector<2000x128xf32>
    %get3A_15 = arith.constant 0 : index
    %get3A_16 = arith.constant 0 : index
    %get3A_17 = vector.load %arg4[%get3A_15, %get3A_16] : memref<128x128xf32, #tpu.memory_space<vmem>>, vector<128x128xf32>
    %dot_general3A = arith.constant dense<0.000000e+00> : vector<2000x128xf32>
    %dot_general3A_18 = tpu.matmul %add3A_14, %get3A_17, %dot_general3A {dimension_numbers = #tpu.dot_dimension_numbers<[1], [0], [0], [1], [0, 0, 1, 1], [], []>, transpose_lhs_hint = false} : vector<2000x128xf32>, vector<128x128xf32>, vector<2000x128xf32> -> vector<2000x128xf32>
    %get3A_19 = arith.constant 0 : index
    %get3A_20 = arith.constant 0 : index
    %get3A_21 = vector.load %arg5[%get3A_19, %get3A_20] : memref<1x128xf32, #tpu.memory_space<vmem>>, vector<1x128xf32>
    %add3A_22 = vector.broadcast %get3A_21 : vector<1x128xf32> to vector<2000x128xf32>
    %add3A_23 = arith.addf %dot_general3A_18, %add3A_22 : vector<2000x128xf32>
    %max3A = arith.constant 0.000000e+00 : f32
    %max3A_24 = vector.broadcast %max3A : f32 to vector<2000x128xf32>
    %max3A_25 = arith.maximumf %add3A_23, %max3A_24 : vector<2000x128xf32>
    %get3A_26 = arith.constant 0 : index
    %get3A_27 = arith.constant 0 : index
    %get3A_28 = arith.constant 0 : index
    %get3A_29 = vector.load %arg6[%get3A_26, %get3A_27, %get3A_28] : memref<1x1x2000xi32, #tpu.memory_space<vmem>>, vector<1x1x2000xi32>
    %reshape3A = vector.shape_cast %get3A_29 : vector<1x1x2000xi32> to vector<1x2000xi32>
    %iota3A = tpu.iota {dimensions = array<i32: 0>} : vector<128x2000xi32>
    %eq3A_30 = vector.broadcast %reshape3A : vector<1x2000xi32> to vector<128x2000xi32>
    %eq3A_31 = arith.cmpi eq, %eq3A_30, %iota3A : vector<128x2000xi32>
    %convert_element_type3A_32 = arith.extui %eq3A_31 : vector<128x2000xi1> to vector<128x2000xi32>
    %convert_element_type3A_33 = arith.sitofp %convert_element_type3A_32 : vector<128x2000xi32> to vector<128x2000xf32>
    %get3A_34 = arith.constant 0 : index
    %get3A_35 = arith.constant 0 : index
    %get3A_36 = vector.load %arg10[%get3A_34, %get3A_35] : memref<128x128xf32, #tpu.memory_space<vmem>>, vector<128x128xf32>
    %dot_general3A_37 = arith.constant dense<0.000000e+00> : vector<128x128xf32>
    %dot_general3A_38 = tpu.matmul %convert_element_type3A_33, %max3A_25, %dot_general3A_37 {dimension_numbers = #tpu.dot_dimension_numbers<[1], [0], [0], [1], [0, 0, 1, 1], [], []>, transpose_lhs_hint = false} : vector<128x2000xf32>, vector<2000x128xf32>, vector<128x128xf32> -> vector<128x128xf32>
    %add3A_39 = arith.addf %get3A_36, %dot_general3A_38 : vector<128x128xf32>
    %swap3A = arith.constant 0 : index
    %swap3A_40 = arith.constant 0 : index
    %swap3A_41 = vector.load %arg10[%swap3A, %swap3A_40] : memref<128x128xf32, #tpu.memory_space<vmem>>, vector<128x128xf32>
    tpu.vector_store %arg10[%swap3A, %swap3A_40], %add3A_39 {strides = array<i32>} : memref<128x128xf32, #tpu.memory_space<vmem>>, vector<128x128xf32>,
    %get3A_42 = arith.constant 0 : index
    %get3A_43 = arith.constant 0 : index
    %get3A_44 = vector.load %arg11[%get3A_42, %get3A_43] : memref<128x128xf32, #tpu.memory_space<vmem>>, vector<128x128xf32>
    %reduce_sum3A = arith.constant dense<0.000000e+00> : vector<128xf32>
    %reduce_sum3A_45 = vector.multi_reduction <add>, %convert_element_type3A_33, %reduce_sum3A [1] : vector<128x2000xf32> to vector<128xf32>
    %broadcast_in_dim3A = vector.shape_cast %reduce_sum3A_45 : vector<128xf32> to vector<128x1xf32>
    %broadcast_in_dim3A_46 = vector.shape_cast %broadcast_in_dim3A : vector<128x1xf32> to vector<128x1xf32>
    %broadcast_in_dim3A_47 = vector.broadcast %broadcast_in_dim3A_46 : vector<128x1xf32> to vector<128x128xf32>
    %add3A_48 = arith.addf %get3A_44, %broadcast_in_dim3A_47 : vector<128x128xf32>
    %swap3A_49 = arith.constant 0 : index
    %swap3A_50 = arith.constant 0 : index
    %swap3A_51 = vector.load %arg11[%swap3A_49, %swap3A_50] : memref<128x128xf32, #tpu.memory_space<vmem>>, vector<128x128xf32>
    tpu.vector_store %arg11[%swap3A_49, %swap3A_50], %add3A_48 {strides = array<i32>} : memref<128x128xf32, #tpu.memory_space<vmem>>, vector<128x128xf32>,
    %eq3A_52 = arith.constant 4 : i32
    %eq3A_53 = arith.cmpi eq, %arg0, %eq3A_52 : i32
    %convert_element_type3A_54 = arith.extui %eq3A_53 : i1 to i32
    %cond3A_55 = arith.constant 0 : i32
    %cond3A_56 = arith.cmpi ne, %convert_element_type3A_54, %cond3A_55 : i32
    scf.if %cond3A_56 {
      %get3A_57 = arith.constant 0 : index
      %get3A_58 = arith.constant 0 : index
      %get3A_59 = vector.load %arg10[%get3A_57, %get3A_58] : memref<128x128xf32, #tpu.memory_space<vmem>>, vector<128x128xf32>
      %get3A_60 = arith.constant 0 : index
      %get3A_61 = arith.constant 0 : index
      %get3A_62 = vector.load %arg11[%get3A_60, %get3A_61] : memref<128x128xf32, #tpu.memory_space<vmem>>, vector<128x128xf32>
      %max3A_63 = arith.constant 1.000000e+00 : f32
      %max3A_64 = vector.broadcast %max3A_63 : f32 to vector<128x128xf32>
      %max3A_65 = arith.maximumf %get3A_62, %max3A_64 : vector<128x128xf32>
      %div3A = arith.divf %get3A_59, %max3A_65 : vector<128x128xf32>
      %get3A_66 = arith.constant 0 : index
      %get3A_67 = arith.constant 0 : index
      %get3A_68 = vector.load %arg7[%get3A_66, %get3A_67] : memref<128x128xf32, #tpu.memory_space<vmem>>, vector<128x128xf32>
      %dot_general3A_69 = arith.constant dense<0.000000e+00> : vector<128x128xf32>
      %dot_general3A_70 = tpu.matmul %div3A, %get3A_68, %dot_general3A_69 {dimension_numbers = #tpu.dot_dimension_numbers<[1], [0], [0], [1], [0, 0, 1, 1], [], []>, transpose_lhs_hint = false} : vector<128x128xf32>, vector<128x128xf32>, vector<128x128xf32> -> vector<128x128xf32>
      %get3A_71 = arith.constant 0 : index
      %get3A_72 = arith.constant 0 : index
      %get3A_73 = vector.load %arg8[%get3A_71, %get3A_72] : memref<1x128xf32, #tpu.memory_space<vmem>>, vector<1x128xf32>
      %add3A_74 = vector.broadcast %get3A_73 : vector<1x128xf32> to vector<128x128xf32>
      %add3A_75 = arith.addf %dot_general3A_70, %add3A_74 : vector<128x128xf32>
      %swap3A_76 = arith.constant 0 : index
      %swap3A_77 = arith.constant 0 : index
      %swap3A_78 = vector.load %arg9[%swap3A_76, %swap3A_77] : memref<128x128xf32, #tpu.memory_space<vmem>>, vector<128x128xf32>
      tpu.vector_store %arg9[%swap3A_76, %swap3A_77], %add3A_75 {strides = array<i32>} : memref<128x128xf32, #tpu.memory_space<vmem>>, vector<128x128xf32>,
    } else {
    }
    return
  }
  func.func @transform_0(%arg0: i32) -> (i32, i32) {
    %c0_i32 = arith.constant 0 : i32
    %c0_i32_0 = arith.constant 0 : i32
    return %arg0, %c0_i32 : i32, i32
  }
  func.func @transform_1(%arg0: i32) -> (i32, i32, i32) {
    %c0_i32 = arith.constant 0 : i32
    %c0_i32_0 = arith.constant 0 : i32
    %c0_i32_1 = arith.constant 0 : i32
    return %c0_i32, %arg0, %c0_i32_0 : i32, i32, i32
  }
  func.func @transform_2(%arg0: i32) -> (i32, i32, i32) {
    %c1_i32 = arith.constant 1 : i32
    %c0_i32 = arith.constant 0 : i32
    %c0_i32_0 = arith.constant 0 : i32
    return %c1_i32, %arg0, %c0_i32 : i32, i32, i32
  }
  func.func @transform_3(%arg0: i32) -> (i32, i32) {
    %c0_i32 = arith.constant 0 : i32
    %c0_i32_0 = arith.constant 0 : i32
    %c0_i32_1 = arith.constant 0 : i32
    return %c0_i32, %c0_i32_0 : i32, i32
  }
  func.func @transform_4(%arg0: i32) -> (i32, i32) {
    %c0_i32 = arith.constant 0 : i32
    %c0_i32_0 = arith.constant 0 : i32
    %c0_i32_1 = arith.constant 0 : i32
    return %c0_i32, %c0_i32_0 : i32, i32
  }
  func.func @transform_5(%arg0: i32) -> (i32, i32, i32) {
    %c0_i32 = arith.constant 0 : i32
    %c0_i32_0 = arith.constant 0 : i32
    %c0_i32_1 = arith.constant 0 : i32
    return %arg0, %c0_i32, %c0_i32_0 : i32, i32, i32
  }
  func.func @transform_6(%arg0: i32) -> (i32, i32) {
    %c0_i32 = arith.constant 0 : i32
    %c0_i32_0 = arith.constant 0 : i32
    %c0_i32_1 = arith.constant 0 : i32
    return %c0_i32, %c0_i32_0 : i32, i32
  }
  func.func @transform_7(%arg0: i32) -> (i32, i32) {
    %c0_i32 = arith.constant 0 : i32
    %c0_i32_0 = arith.constant 0 : i32
    %c0_i32_1 = arith.constant 0 : i32
    return %c0_i32, %c0_i32_0 : i32, i32
  }
  func.func @transform_8(%arg0: i32) -> (i32, i32) {
    %c0_i32 = arith.constant 0 : i32
    %c0_i32_0 = arith.constant 0 : i32
    %c0_i32_1 = arith.constant 0 : i32
    return %c0_i32, %c0_i32_0 : i32, i32
  }
}

module attributes {stable_mosaic.version = 14 : i64} {
  func.func @_layer_body(%arg0: i32, %arg1: memref<2000x128xf32, #tpu.memory_space<vmem>>, %arg2: memref<1x2000x128xf32, #tpu.memory_space<vmem>>, %arg3: memref<1x2000x128xf32, #tpu.memory_space<vmem>>, %arg4: memref<128x128xf32, #tpu.memory_space<vmem>>, %arg5: memref<1x128xf32, #tpu.memory_space<vmem>>, %arg6: memref<2000x128xf32, #tpu.memory_space<vmem>>) attributes {dimension_semantics = [#tpu.dimension_semantics<arbitrary>], iteration_bounds = array<i64: 5>, scalar_prefetch = 0 : i64, scratch_operands = 0 : i64, tpu.core_type = #tpu.core_type<tc>, window_params = [{transform_indices = @transform_0, window_bounds = array<i64: 2000, 128>}, {transform_indices = @transform_1, window_bounds = array<i64: 1, 2000, 128>}, {transform_indices = @transform_2, window_bounds = array<i64: 1, 2000, 128>}, {pipeline_mode = #tpu.pipeline_mode<synchronous>, transform_indices = @transform_3, window_bounds = array<i64: 128, 128>}, {pipeline_mode = #tpu.pipeline_mode<synchronous>, transform_indices = @transform_4, window_bounds = array<i64: 1, 128>}, {transform_indices = @transform_5, window_bounds = array<i64: 2000, 128>}]} {
    %get3A = arith.constant 0 : index
    %get3A_0 = arith.constant 0 : index
    %get3A_1 = vector.load %arg1[%get3A, %get3A_0] : memref<2000x128xf32, #tpu.memory_space<vmem>>, vector<2000x128xf32>
    %get3A_2 = arith.constant 0 : index
    %get3A_3 = arith.constant 0 : index
    %get3A_4 = arith.constant 0 : index
    %get3A_5 = vector.load %arg2[%get3A_2, %get3A_3, %get3A_4] : memref<1x2000x128xf32, #tpu.memory_space<vmem>>, vector<1x2000x128xf32>
    %get3A_6 = vector.shape_cast %get3A_5 : vector<1x2000x128xf32> to vector<2000x128xf32>
    %add3A = arith.addf %get3A_1, %get3A_6 : vector<2000x128xf32>
    %get3A_7 = arith.constant 0 : index
    %get3A_8 = arith.constant 0 : index
    %get3A_9 = arith.constant 0 : index
    %get3A_10 = vector.load %arg3[%get3A_7, %get3A_8, %get3A_9] : memref<1x2000x128xf32, #tpu.memory_space<vmem>>, vector<1x2000x128xf32>
    %get3A_11 = vector.shape_cast %get3A_10 : vector<1x2000x128xf32> to vector<2000x128xf32>
    %add3A_12 = arith.addf %add3A, %get3A_11 : vector<2000x128xf32>
    %get3A_13 = arith.constant 0 : index
    %get3A_14 = arith.constant 0 : index
    %get3A_15 = vector.load %arg4[%get3A_13, %get3A_14] : memref<128x128xf32, #tpu.memory_space<vmem>>, vector<128x128xf32>
    %dot_general3A = arith.constant dense<0.000000e+00> : vector<2000x128xf32>
    %dot_general3A_16 = tpu.matmul %add3A_12, %get3A_15, %dot_general3A {dimension_numbers = #tpu.dot_dimension_numbers<[1], [0], [0], [1], [0, 0, 1, 1], [], []>, transpose_lhs_hint = false} : vector<2000x128xf32>, vector<128x128xf32>, vector<2000x128xf32> -> vector<2000x128xf32>
    %get3A_17 = arith.constant 0 : index
    %get3A_18 = arith.constant 0 : index
    %get3A_19 = vector.load %arg5[%get3A_17, %get3A_18] : memref<1x128xf32, #tpu.memory_space<vmem>>, vector<1x128xf32>
    %add3A_20 = vector.broadcast %get3A_19 : vector<1x128xf32> to vector<2000x128xf32>
    %add3A_21 = arith.addf %dot_general3A_16, %add3A_20 : vector<2000x128xf32>
    %max3A = arith.constant 0.000000e+00 : f32
    %max3A_22 = vector.broadcast %max3A : f32 to vector<2000x128xf32>
    %max3A_23 = arith.maximumf %add3A_21, %max3A_22 : vector<2000x128xf32>
    %swap3A = arith.constant 0 : index
    %swap3A_24 = arith.constant 0 : index
    %swap3A_25 = vector.load %arg6[%swap3A, %swap3A_24] : memref<2000x128xf32, #tpu.memory_space<vmem>>, vector<2000x128xf32>
    tpu.vector_store %arg6[%swap3A, %swap3A_24], %max3A_23 {strides = array<i32>} : memref<2000x128xf32, #tpu.memory_space<vmem>>, vector<2000x128xf32>,
    return
  }
  func.func @transform_0(%arg0: i32) -> (i32, i32) {
    %c0_i32 = arith.constant 0 : i32
    %c0_i32_0 = arith.constant 0 : i32
    return %arg0, %c0_i32 : i32, i32
  }
  func.func @transform_1(%arg0: i32) -> (i32, i32, i32) {
    %c0_i32 = arith.constant 0 : i32
    %c0_i32_0 = arith.constant 0 : i32
    %c0_i32_1 = arith.constant 0 : i32
    return %c0_i32, %arg0, %c0_i32_0 : i32, i32, i32
  }
  func.func @transform_2(%arg0: i32) -> (i32, i32, i32) {
    %c1_i32 = arith.constant 1 : i32
    %c0_i32 = arith.constant 0 : i32
    %c0_i32_0 = arith.constant 0 : i32
    return %c1_i32, %arg0, %c0_i32 : i32, i32, i32
  }
  func.func @transform_3(%arg0: i32) -> (i32, i32) {
    %c0_i32 = arith.constant 0 : i32
    %c0_i32_0 = arith.constant 0 : i32
    %c0_i32_1 = arith.constant 0 : i32
    return %c0_i32, %c0_i32_0 : i32, i32
  }
  func.func @transform_4(%arg0: i32) -> (i32, i32) {
    %c0_i32 = arith.constant 0 : i32
    %c0_i32_0 = arith.constant 0 : i32
    %c0_i32_1 = arith.constant 0 : i32
    return %c0_i32, %c0_i32_0 : i32, i32
  }
  func.func @transform_5(%arg0: i32) -> (i32, i32) {
    %c0_i32 = arith.constant 0 : i32
    %c0_i32_0 = arith.constant 0 : i32
    return %arg0, %c0_i32 : i32, i32
  }
}

</mosaic_0001>

<sc_bundles>
// kernel: kernel.6.cloned.1.call-start
scs
__scs_entry_jumppad:
0x0: {  	(pc) =	sbr.rel $0x88, $3  }
0x1: {  	(tag) =	ssettag $0x0;
	lr =	simm.s32 $0x1  }
0x2: {  	[smem:$0x3F98] =	sst lr;
	_ =	strace $0xD0000000  }
0x3: {  	_ = 	snop  }
0x4: {  	_ = 	snop  }
0x5: {  	_ = 	snop  }
0x6: {  	_ = 	snop  }
0x7: {  	_ = 	snop  }
__scs_overlays_trampoline_lowered:
0x8: {  	[smem:$0x3FA7] =	sst s0  }
0x9: {  	[smem:$0x3FA8] =	sst s1  }
0xa: {  	[smem:$0x3FA9] =	sst s2  }
0xb: {  	[smem:$0x3FAA] =	sst s3  }
0xc: {  	[smem:$0x3FAB] =	sst s4  }
0xd: {  	[smem:$0x3FAC] =	sst s5  }
0xe: {  	[smem:$0x3FAD] =	sst s6  }
0xf: {  	[smem:$0x3FAE] =	sst s7  }
0x10: {  	[smem:$0x3FAF] =	sst s8  }
0x11: {  	[smem:$0x3FB0] =	sst s9;
	s0 =	simm.s32 @!p0 $0x0  }
0x12: {  	s1 =	sld [smem:$0x3F96];
	s0 =	simm.s32 @p0 $0x1  }
0x13: {  	[smem:$0x3FB1] =	sst s0;
	s0 =	simm.s32 @!p1 $0x0  }
0x14: {  	s2 =	sld [smem:$0x3F95];
	s0 =	simm.s32 @p1 $0x1  }
0x15: {  	[smem:$0x3FB2] =	sst s0;
	s0 =	simm.s32 @!p2 $0x0  }
0x16: {  	s3 =	sld [smem:$0x3FDB];
	s0 =	simm.s32 @p2 $0x1  }
0x17: {  	s4 =	simm.s32 $0x1BF5;
	[smem:$0x3FB4] =	sst s0  }
0x18: {  	s0 =	sld [smem:$0x3F97];
	_ =	swait.ge [sflag:s4], $0x0  }
0x19: {  	s7 =	sld [smem:$0x3F98]  }
0x1a: {  	s8 =	sadd.s32 $0xFFFFE003, lr  }
0x1b: {  	s9 =	sadd.s32 $0xFFFFFEF7, lr;
	s5 =	simm.s32 $0xFFFFFFFF;
	p2 =	slt.u32 s8, $0xFFFFF086  }
0x1c: {  	p1 =	slt.u32 s9, $0xF7A;
	s5 =	simm.s32 @!p2 $0x0  }
0x1d: {  	s5 =	simm.s32 @p1 $0x1;
	p0 =	seq.s32 s7, s2  }
0x1e: {  	s7 =	smul.u32 @!p0 $0xF7A, s2;
	p2 =	seq.s32 @!p0 s5, $0x0  }
0x1f: {  	s9 =	smul.u32 $0xF7A, s1;
	s8 =	simm.s32 @!p0 $0x1BF5;
	p2 =	por !p2, p0  }
0x20: {  	[sflag:s8] =	ssyncset.s32 @!p0 $0xFFFFF086;
	s6 =	sadd.s32 @!p0 s3, s7;
	s7 =	simm.s32 @!p0 $0x108  }
0x21: {  	s3 =	sadd.s32 s3, s9;
	s6 =	sadd.s32 @!p0 $0x88, s6;
	s7 =	simm.s32 @p2 $0x1082  }
0x22: {  	[simem:s7], [sflag:s8] =	dma.local @!p0 [hbm:s6], $0xF7A  }
0x23: {  	s9 =	sor.u32 $0xD0000000, s2;
	s6 =	simm.s32 $0x108;
	_ =	swait.ge @!p0 [sflag:s8], $0x0  }
0x24: {  	s3 =	sadd.s32 $0x88, s3;
	s6 =	simm.s32 @!p1 $0x1082;
	[sflag:s4] =	ssyncset.s32 $0xFFFFF086  }
0x25: {  	[simem:s6], [sflag:s4] =	dma.local [hbm:s3], $0xF7A  }
0x26: {  	[smem:$0x3F98] =	sst s1;
	(tag) =	ssettag s2;
	_ =	strace s9  }
0x27: {  	s1 =	sld [smem:$0x3FA8]  }
0x28: {  	s2 =	sld [smem:$0x3FA9]  }
0x29: {  	s4 =	sld [smem:$0x3FAB]  }
0x2a: {  	p0 =	seq.s32 s5, $0x0;
	s5 =	sld [smem:$0x3FAC]  }
0x2b: {  	s6 =	sld [smem:$0x3FAD]  }
0x2c: {  	s7 =	sld [smem:$0x3FAE]  }
0x2d: {  	s3 =	simm.s32 $0x108;
	s8 =	sld [smem:$0x3FAF]  }
0x2e: {  	s3 =	simm.s32 @!p0 $0x1082;
	s9 =	sld [smem:$0x3FB0]  }
0x2f: {  	lr =	sadd.s32 s0, s3;
	s0 =	sld [smem:$0x3FA7]  }
0x30: {  	s3 =	sld [smem:$0x3FAA]  }
0x31: {  	[smem:$0x3FB3] =	sst s10  }
0x32: {  	s10 =	sld [smem:$0x3FB1];
	_ =	sdelay $0x3  }
0x33: {  	p0 =	seq.s32 s10, $0x1;
	s10 =	sld [smem:$0x3FB3];
	_ =	sdelay $0x3  }
0x34: {  	[smem:$0x3FB3] =	sst s10  }
0x35: {  	s10 =	sld [smem:$0x3FB2];
	_ =	sdelay $0x3  }
0x36: {  	p1 =	seq.s32 s10, $0x1;
	s10 =	sld [smem:$0x3FB3];
	_ =	sdelay $0x3  }
0x37: {  	[smem:$0x3FB3] =	sst s10  }
0x38: {  	s10 =	sld [smem:$0x3FB4]  }
0x39: {  	_ = 	snop;
	(pc) =	sbr.ind lr, $3  }
0x3a: {  	_ = 	snop  }
0x3b: {  	_ = 	snop  }
0x3c: {  	p2 =	seq.s32 s10, $0x1;
	s10 =	sld [smem:$0x3FB3]  }
0x3d: {  	_ =	shalt  }
0x3e: {  	_ =	shalt  }
0x3f: {  	_ =	shalt  }
0x40: {  	_ =	shalt  }
0x41: {  	_ =	shalt  }
0x42: {  	_ =	shalt  }
0x43: {  	_ =	shalt  }
0x44: {  	_ =	shalt  }
0x45: {  	_ =	shalt  }
0x46: {  	_ =	shalt  }
0x47: {  	_ =	shalt  }
0x48: {  	_ =	shalt  }
0x49: {  	_ =	shalt  }
0x4a: {  	_ =	shalt  }
0x4b: {  	_ =	shalt  }
0x4c: {  	_ =	shalt  }
0x4d: {  	_ =	shalt  }
0x4e: {  	_ =	shalt  }
0x4f: {  	_ =	shalt  }
0x50: {  	_ =	shalt  }
0x51: {  	_ =	shalt  }
0x52: {  	_ =	shalt  }
0x53: {  	_ =	shalt  }
0x54: {  	_ =	shalt  }
0x55: {  	_ =	shalt  }
0x56: {  	_ =	shalt  }
0x57: {  	_ =	shalt  }
0x58: {  	_ =	shalt  }
0x59: {  	_ =	shalt  }
0x5a: {  	_ =	shalt  }
0x5b: {  	_ =	shalt  }
0x5c: {  	_ =	shalt  }
0x5d: {  	_ =	shalt  }
0x5e: {  	_ =	shalt  }
0x5f: {  	_ =	shalt  }
0x60: {  	_ =	shalt  }
0x61: {  	_ =	shalt  }
0x62: {  	_ =	shalt  }
0x63: {  	_ =	shalt  }
0x64: {  	_ =	shalt  }
0x65: {  	_ =	shalt  }
0x66: {  	_ =	shalt  }
0x67: {  	_ =	shalt  }
0x68: {  	_ =	shalt  }
0x69: {  	_ =	shalt  }
0x6a: {  	_ =	shalt  }
0x6b: {  	_ =	shalt  }
0x6c: {  	_ =	shalt  }
0x6d: {  	_ =	shalt  }
0x6e: {  	_ =	shalt  }
0x6f: {  	_ =	shalt  }
0x70: {  	_ =	shalt  }
0x71: {  	_ =	shalt  }
0x72: {  	_ =	shalt  }
0x73: {  	_ =	shalt  }
0x74: {  	_ =	shalt  }
0x75: {  	_ =	shalt  }
0x76: {  	_ =	shalt  }
0x77: {  	_ =	shalt  }
0x78: {  	_ =	shalt  }
0x79: {  	_ =	shalt  }
0x7a: {  	_ =	shalt  }
0x7b: {  	_ =	shalt  }
0x7c: {  	_ =	shalt  }
0x7d: {  	_ =	shalt  }
0x7e: {  	_ =	shalt  }
0x7f: {  	_ =	shalt  }
0x80: {  	_ =	shalt  }
0x81: {  	_ =	shalt  }
0x82: {  	_ =	shalt  }
0x83: {  	_ =	shalt  }
0x84: {  	_ =	shalt  }
0x85: {  	_ =	shalt  }
0x86: {  	_ =	shalt  }
0x87: {  	_ =	shalt  }
.Lfunc_end0:
.L_simem_size_0:
called_computation_lowered:
.L_overlay_start_0:
0x88: {  	s2 =	sld [smem:$0x3FD9]  }
0x89: {  	s3 =	sld [smem:$0x3FFE];
	_ =	sdelay $0x1  }
0x8a: {  	s1 =	srdreg.scid  }
0x8b: {  	s0 =	sand.u32 $0x1, s1  }
0x8c: {  	s17 =	sshll.u32 s0, $0xA;
	s2 =	sadd.s32 s3, s2  }
0x8d: {  	s2 =	sadd.s32 s2, s17  }
0x8e: {  	[smem:$0x3FBF] =	sst s2  }
0x8f: {  	_ = 	snop  }
0x90: {  	s2 =	sld [smem:$0x3FC9];
	(tm) =	ssettm $0x1  }
0x91: {  	s18 =	sld [smem:$0x3FFB];
	_ =	sdelay $0x3  }
0x92: {  	_ =	strace s18  }
0x93: {  	s3 =	sld [smem:$0x3FFC];
	_ =	sdelay $0x3  }
0x94: {  	_ =	strace s3  }
0x95: {  	s3 =	sld [smem:$0x3FFD];
	_ =	sdelay $0x3  }
0x96: {  	_ =	strace s3  }
0x97: {  	_ =	strace $0x8FFFFFFF  }
0x98: {  	s19 =	sld [smem:$0x3FDB];
	_ =	sdelay $0x1  }
0x99: {  	s4 =	simm.s32 $_scs_section_size  }
0x9a: {  	s5 =	simm.s32 $_size__tile_overlayer_lowered;
	s6 =	simm.s32 $_tile_overlayer_lowered  }
0x9b: {  	s22 =	simm.s32 $0x1BFF;
	s21 =	sshll.u32 s6, $0x1;
	s3 =	sadd.s32 s4, s19  }
0x9c: {  	s7 =	simm.s32 $0x0;
	s20 =	sshll.u32 s5, $0x1;
	s5 =	sadd.s32 s21, s3  }
0x9d: {  	[timem:s7], [sflag:s22] =	dma.local [hbm:s5], s20  }
0x9e: {  	_ =	swait.ge [sflag:s22], s20  }
0x9f: {  	s4 =	ssub.s32 $0x0, s20;
	[sflag:s22] =	ssyncset.done $0x0  }
0xa0: {  	[sflag:s22] =	ssyncadd.s32 s4;
	_ =	sdelay $0x1  }
0xa1: {  	s23 =	simm.s32 $0x1B8B  }
0xa2: {  	_ =	swait.ge [sflag:s23], $0x1  }
0xa3: {  	[sflag:s23] =	ssyncset.done $0x0  }
0xa4: {  	s25 =	simm.s32 $0x1B8E;
	s24 =	sld [smem:$0x3FFE];
	[sflag:s23] =	ssyncadd.s32 $0xFFFFFFFF  }
0xa5: {  	s26 =	simm.s32 $execute0_lowered;
	[smem:$0x3FD2] =	sst s25  }
0xa6: {  	s5 =	sshll.u32 s26, $0x1;
	_ =	strace $0x80000046;
	[dreg:$0x1] =	wrdreg $0xFFFFFFFF  }
0xa7: {  	s28 =	simm.s32 $_size_execute0_lowered;
	s3 =	sadd.s32 s3, s5;
	[dreg:$0x0] =	wrdreg $0x0  }
0xa8: {  	s5 =	sshll.u32 s28, $0x1;
	[dreg:$0x2] =	wrdreg s3  }
0xa9: {  	[dreg:$0x3] =	wrdreg s5  }
0xaa: {  	[dreg:$0x4] =	wrdreg $0xC0  }
0xab: {  	_ =	task [dreg:s7], $0x5FFFF  }
0xac: {  	[dreg:$0x1] =	wrdreg $0xFFFFFFFF  }
0xad: {  	[dreg:$0x0] =	wrdreg $0x60  }
0xae: {  	[dreg:$0x2] =	wrdreg s2  }
0xaf: {  	[dreg:$0x3] =	wrdreg s24  }
0xb0: {  	[dreg:$0x4] =	wrdreg $0x84000  }
0xb1: {  	[dreg:$0x5] =	wrdreg $0x9  }
0xb2: {  	_ =	task.clear_ibuf [dreg:s7], $0x6FFFF;
	_ =	strace $0x90000046  }
0xb3: {  	s29 =	simm.s32 $0x9;
	_ =	strace $0x80000048  }
0xb4: {  	_ =	swait.ge [sflag:s29], $0x1  }
0xb5: {  	[sflag:s29] =	ssyncadd.s32 $0xFFFFFFFF  }
0xb6: {  	_ =	strace $0x90000048  }
0xb7: {  	_ =	sfence  }
0xb8: {  	s30 =	sld [smem:$0x0];
	_ =	sdelay $0x2  }
0xb9: {  	s31 =	sshll.u32 s1, $0xD;
	s1 =	sshrl.u32 s1, $0x2  }
0xba: {  	s3 =	sand.u32 $0x4000, s31;
	s1 =	sadd.s32 s1, s30  }
0xbb: {  	s0 =	sor.u32 s3, s0;
	s1 =	sshll.u32 s1, $0x11  }
0xbc: {  	s0 =	sor.u32 s1, s0  }
0xbd: {  	s0 =	sadd.s32 $0x8F2B, s0  }
0xbe: {  	[sflag:s0] =	ssyncadd.remote.s32 $0x1  }
0xbf: {  	_ =	sfence.sel $0xFFFF  }
0xc0: {  	[dreg:$0x0] =	wrdreg $0xFFFFFFFF;
	(pc) =	sbr.abs _section_cstart, $3  }
0xc1: {  	[dreg:$0x1] =	wrdreg $0xFFFFFFFF  }
0xc2: {  	_ =	task.clear_ibuf [dreg:s7], $0x2FFFF;
	_ =	strace $0x9FFFFFFF  }
0xc3: {  	(tm) =	ssettm $0x7FFFFFFF  }
tec
execute0_lowered:
.L_overlay_start_1:
0x0: {  	(tag) =	ssettag $0x1  }
0x1: {  	s1 =	rddreg [dreg:$0x0]  }
0x2: {  	s5 =	rddreg [dreg:$0x1]  }
0x3: {  	s3 =	rddreg [dreg:$0x2];
	s15 =	stileid.u32  }
0x4: {  	s0 =	srdreg.scid;
	s4 =	simm.s32 $0x0;
	s8 =	smul.u32 $0x14000, s15  }
0x5: {  	s28 =	simm.s32 $0xB;
	s31 =	simm.s32 $0x7;
	s18 =	smul.u32 $0x4E00, s15  }
0x6: {  	s6 =	sand.u32 $0x1, s0;
	[smem:$0x7FF] =	sst s4;
	s20 =	smul.u32 $0x50000, s15  }
0x7: {  	s29 =	sshll.u32 s15, $0x1;
	s0 =	sadd.s32 $0xBC00, s5;
	s7 =	smul.u32 $0x140000, s6  }
0x8: {  	s2 =	sor.u32 s6, s29;
	s16 =	ssub.s32 $0x2, s6;
	s6 =	smul.u32 $0x2700, s6  }
0x9: {  	_ =	strace $0x80000047;
	s9 =	smul.u32 $0x2700, s2;
	s10 =	smin.u32 s2, $0x8  }
0xa: {  	s2 =	sadd.s32 $0x1E00, s5;
	s17 =	sshrl.u32 s16, $0x1;
	s22 =	sshrl.u32 s20, $0x2  }
0xb: {  	s7 =	sadd.s32 s8, s7;
	s30 =	sshll.u32 s10, $0x6;
	s6 =	sadd.s32 s6, s18  }
0xc: {  	s18 =	sadd.s32 s22, s3;
	s7 =	sshrl.u32 s7, $0x3;
	s9 =	sadd.s32 s9, s30  }
0xd: {  	s6 =	sadd.s32 s30, s6;
	[dreg:$0x12] =	wrdreg s18;
	s9 =	sshrl.u32 s9, $0x3  }
0xe: {  	s5 =	sadd.s32 s7, s5;
	s7 =	ssub.s32 s16, s17;
	s16 =	sadd.s32 s0, s9  }
0xf: {  	s11 =	sadd.s32 $0x8, s9;
	s17 =	sadd.s32 s2, s9;
	[dreg:$0xc] =	wrdreg s16  }
0x10: {  	s12 =	sadd.s32 $0x10, s9;
	s13 =	sadd.s32 s0, s11;
	[dreg:$0x10] =	wrdreg s17  }
0x11: {  	s23 =	sadd.s32 $0x2C0, s6;
	s19 =	sadd.s32 s0, s12;
	[dreg:$0xd] =	wrdreg s13  }
0x12: {  	s10 =	sadd.s32 $0x20, s9;
	s21 =	sadd.s32 s2, s11;
	[dreg:$0xe] =	wrdreg s19  }
0x13: {  	s25 =	sshrl.u32 s23, $0x3;
	s24 =	sadd.s32 s0, s10;
	[dreg:$0x11] =	wrdreg s21  }
0x14: {  	p0 =	sgt.u32 s15, $0x3;
	s8 =	sadd.s32 s25, s0;
	[dreg:$0x13] =	wrdreg s24  }
0x15: {  	s26 =	sadd.s32 $0x280, s6;
	s12 =	sadd.s32 s2, s12;
	[dreg:$0x4] =	wrdreg s8  }
0x16: {  	s11 =	sadd.s32 $0x28, s9;
	s10 =	sadd.s32 s2, s10;
	[dreg:$0x15] =	wrdreg s12  }
0x17: {  	s29 =	sshrl.u32 s26, $0x3;
	s19 =	sadd.s32 s0, s11;
	[dreg:$0x19] =	wrdreg s10  }
0x18: {  	s15 =	simm.s32 $0x10;
	s8 =	sadd.s32 s29, s0;
	[dreg:$0x14] =	wrdreg s19  }
0x19: {  	s30 =	sadd.s32 $0x1C0, s6;
	s29 =	sadd.s32 $0x30, s16;
	[dreg:$0x5] =	wrdreg s8  }
0x1a: {  	s13 =	sadd.s32 $0x18, s9;
	s11 =	sadd.s32 s2, s11;
	[dreg:$0x17] =	wrdreg s29  }
0x1b: {  	s21 =	sadd.s32 $0x240, s6;
	s14 =	sadd.s32 s0, s13;
	[dreg:$0x1a] =	wrdreg s11  }
0x1c: {  	s12 =	sadd.s32 $0x4E0, s9;
	s25 =	sadd.s32 s2, s13;
	[dreg:$0xf] =	wrdreg s14  }
0x1d: {  	s10 =	simm.s32 $0x180;
	s13 =	sadd.s32 s0, s12;
	[dreg:$0x16] =	wrdreg s25  }
0x1e: {  	s22 =	sshrl.u32 s21, $0x3;
	s21 =	sadd.s32 $0x4000, s18;
	[dreg:$0x1c] =	wrdreg s13  }
0x1f: {  	s9 =	simm.s32 $0x1;
	s29 =	sadd.s32 $0x10000, s18;
	[smem:$0x7F6] =	sst s21  }
0x20: {  	s19 =	sadd.s32 $0x180, s6;
	s23 =	sadd.s32 s22, s2;
	[smem:$0x7FC] =	sst s29  }
0x21: {  	s6 =	sadd.s32 $0x200, s6;
	s24 =	sadd.s32 s22, s0;
	[dreg:$0x8] =	wrdreg s23  }
0x22: {  	s14 =	sshrl.u32 s30, $0x3;
	s30 =	sadd.s32 $0x38, s16;
	[dreg:$0x9] =	wrdreg s24  }
0x23: {  	s11 =	simm.s32 $0xF;
	s16 =	sadd.s32 $0x4D8, s17;
	[dreg:$0x18] =	wrdreg s30  }
0x24: {  	s20 =	sshrl.u32 s19, $0x3;
	s19 =	smax.u32 s7, $0x1;
	[dreg:$0x1e] =	wrdreg s16  }
0x25: {  	s6 =	sshrl.u32 s6, $0x3;
	s22 =	sadd.s32 $0x6000, s18;
	[smem:$0x7F4] =	sst s19  }
0x26: {  	s25 =	sadd.s32 $0xC000, s18;
	s13 =	simm.s32 $0x100;
	[smem:$0x7F7] =	sst s22  }
0x27: {  	s21 =	simm.s32 $0xA;
	s14 =	sadd.s32 s14, s2;
	[smem:$0x7FA] =	sst s25  }
0x28: {  	s7 =	simm.s32 $0xE;
	s8 =	sadd.s32 s20, s2;
	[dreg:$0x6] =	wrdreg s14  }
0x29: {  	s26 =	sadd.s32 s6, s2;
	s2 =	sadd.s32 s2, s12;
	[dreg:$0x7] =	wrdreg s8  }
0x2a: {  	s0 =	sadd.s32 s6, s0;
	s20 =	sadd.s32 $0x2000, s18;
	[dreg:$0xa] =	wrdreg s26  }
0x2b: {  	s23 =	sadd.s32 $0x8000, s18;
	s24 =	sadd.s32 $0xA000, s18;
	[dreg:$0x1b] =	wrdreg s2  }
0x2c: {  	s30 =	sadd.s32 $0x12000, s18;
	s12 =	simm.s32 $0x80;
	[dreg:$0xb] =	wrdreg s0  }
0x2d: {  	s16 =	simm.s32 $0x40;
	s19 =	simm.s32 $0x9;
	[smem:$0x7F5] =	sst s20  }
0x2e: {  	s22 =	simm.s32 $0x6;
	s6 =	simm.s32 $0xD;
	[smem:$0x7F8] =	sst s23  }
0x2f: {  	s14 =	sadd.s32 $0x4D0, s17;
	s17 =	sadd.s32 $0x15A00, s5;
	[smem:$0x7F9] =	sst s24  }
0x30: {  	s26 =	sadd.s32 $0xE000, s18;
	[smem:$0x7FD] =	sst s30;
	s5 =	simm.s32 $0x200  }
0x31: {  	s18 =	simm.s32 $0x11;
	s20 =	simm.s32 $0x5;
	[dreg:$0x1d] =	wrdreg s14  }
0x32: {  	s24 =	simm.s32 $0x3;
	s0 =	simm.s32 $0xC;
	[dreg:$0x1f] =	wrdreg s17  }
0x33: {  	s2 =	simm.s32 $0x8;
	s23 =	simm.s32 $0x0;
	[smem:$0x7FB] =	sst s26  }
0x34: {  	v0 =	vimm.f32 $0.0e+00;
	s14 =	simm.s32 $0x280;
	s17 =	simm.s32 $0x2;
	s26 =	simm.s32 $0x4  }
.LBB2_1:
0x35: {  	[smem:$0x7F3] =	sst s23  }
0x36: {  	s8 =	rddreg [dreg:$0xc]  }
0x37: {  	[tilespmem:s4], [sflag:$0x1] =	stream.linear.gather [hbm4b:s8+s4], $0x40, $0x38;
	[tilespmem:$0x1C400] =	vst v63  }
0x38: {  	s30 =	rddreg [dreg:$0xd]  }
0x39: {  	[tilespmem:s12], [sflag:$0x2] =	stream.linear.gather [hbm4b:s30+s4], $0x40, $0x38;
	[tilespmem:$0x1C400] =	vst v63  }
0x3a: {  	s23 =	rddreg [dreg:$0xe]  }
0x3b: {  	[tilespmem:s13], [sflag:$0x3] =	stream.linear.gather [hbm4b:s23+s4], $0x40, $0x38;
	[tilespmem:$0x1C400] =	vst v63  }
0x3c: {  	s25 =	rddreg [dreg:$0xf]  }
0x3d: {  	[tilespmem:s10], [sflag:$0x4] =	stream.linear.gather [hbm4b:s25+s4], $0x40, $0x38;
	[tilespmem:$0x1C400] =	vst v63  }
0x3e: {  	s29 =	rddreg [dreg:$0x10]  }
0x3f: {  	[tilespmem:s5], [sflag:$0x5] =	stream.linear.gather [hbm4b:s29+s4], $0x40, $0x38;
	[tilespmem:$0x1C400] =	vst v63  }
0x40: {  	s8 =	simm.s32 $0x0;
	s30 =	rddreg [dreg:$0x11];
	s10 =	simm.s32 $0x200  }
0x41: {  	[tilespmem:s14], [sflag:$0x6] =	stream.linear.gather [hbm4b:s30+s4], $0x40, $0x38;
	[tilespmem:$0x1C400] =	vst v63  }
.LBB2_2:
0x42: {  	p1 =	sne.s32 s10, $0x7E00;
	[tilespmem:s8+$0x470] =	vst v0  }
0x43: {  	[tilespmem:s8+$0x400] =	vst v0  }
0x44: {  	[tilespmem:s8+$0x410] =	vst v0  }
.Ltmp0:
0x45: {  	[tilespmem:s8+$0x420] =	vst v0;
	(pc) =	sbr.rel @p1 .LBB2_2-.Ltmp0, $4  }
0x46: {  	[tilespmem:s8+$0x430] =	vst v0  }
0x47: {  	[tilespmem:s8+$0x440] =	vst v0  }
0x48: {  	[tilespmem:s8+$0x450] =	vst v0  }
0x49: {  	[tilespmem:s8+$0x460] =	vst v0;
	s8 =	sshra.s32 s10, $0x2;
	s10 =	sadd.s32 $0x200, s10  }
0x4a: {  	[tilespmem:s8+$0x470] =	vst v0  }
0x4b: {  	[tilespmem:s8+$0x400] =	vst v0  }
0x4c: {  	[tilespmem:s8+$0x410] =	vst v0  }
0x4d: {  	[tilespmem:s8+$0x420] =	vst v0  }
0x4e: {  	[tilespmem:s8+$0x430] =	vst v0  }
0x4f: {  	[tilespmem:s8+$0x440] =	vst v0  }
0x50: {  	[tilespmem:s8+$0x450] =	vst v0  }
0x51: {  	[tilespmem:s8+$0x460] =	vst v0;
	s25 =	rddreg [dreg:$0x12];
	s10 =	simm.s32 $0x400  }
0x52: {  	[spmem:s25] =	stream.linear.scatter [tilespmem:s10], [sflag:$0x11], $0x2000, $0x38;
	[tilespmem:$0x1C400] =	vst v63  }
0x53: {  	_ =	swait.ge [sflag:s18], $0x2000  }
0x54: {  	s23 =	sld [smem:$0x7F5]  }
0x55: {  	[sflag:s18] =	ssyncset.done $0x0  }
0x56: {  	[sflag:s18] =	ssyncadd.s32 $0xFFFFE000  }
0x57: {  	[spmem:s23] =	stream.linear.scatter [tilespmem:s10], [sflag:$0x11], $0x2000, $0x38;
	[tilespmem:$0x1C400] =	vst v63  }
0x58: {  	_ =	swait.ge [sflag:s18], $0x2000  }
0x59: {  	s25 =	sld [smem:$0x7F6]  }
0x5a: {  	[sflag:s18] =	ssyncset.done $0x0  }
0x5b: {  	[sflag:s18] =	ssyncadd.s32 $0xFFFFE000  }
0x5c: {  	[spmem:s25] =	stream.linear.scatter [tilespmem:s10], [sflag:$0x11], $0x2000, $0x38;
	[tilespmem:$0x1C400] =	vst v63  }
0x5d: {  	_ =	swait.ge [sflag:s18], $0x2000  }
0x5e: {  	s23 =	sld [smem:$0x7F7]  }
0x5f: {  	[sflag:s18] =	ssyncset.done $0x0  }
0x60: {  	[sflag:s18] =	ssyncadd.s32 $0xFFFFE000  }
0x61: {  	[spmem:s23] =	stream.linear.scatter [tilespmem:s10], [sflag:$0x11], $0x2000, $0x38;
	[tilespmem:$0x1C400] =	vst v63  }
0x62: {  	_ =	swait.ge [sflag:s18], $0x2000  }
0x63: {  	s25 =	sld [smem:$0x7F8]  }
0x64: {  	[sflag:s18] =	ssyncset.done $0x0  }
0x65: {  	[sflag:s18] =	ssyncadd.s32 $0xFFFFE000  }
0x66: {  	[spmem:s25] =	stream.linear.scatter [tilespmem:s10], [sflag:$0x11], $0x2000, $0x38;
	[tilespmem:$0x1C400] =	vst v63  }
0x67: {  	_ =	swait.ge [sflag:s18], $0x2000  }
0x68: {  	s23 =	sld [smem:$0x7F9]  }
0x69: {  	[sflag:s18] =	ssyncset.done $0x0  }
0x6a: {  	[sflag:s18] =	ssyncadd.s32 $0xFFFFE000  }
0x6b: {  	[spmem:s23] =	stream.linear.scatter [tilespmem:s10], [sflag:$0x11], $0x2000, $0x38;
	[tilespmem:$0x1C400] =	vst v63  }
0x6c: {  	_ =	swait.ge [sflag:s18], $0x2000  }
0x6d: {  	s25 =	sld [smem:$0x7FA]  }
0x6e: {  	[sflag:s18] =	ssyncset.done $0x0  }
0x6f: {  	[sflag:s18] =	ssyncadd.s32 $0xFFFFE000  }
0x70: {  	[spmem:s25] =	stream.linear.scatter [tilespmem:s10], [sflag:$0x11], $0x2000, $0x38;
	[tilespmem:$0x1C400] =	vst v63  }
0x71: {  	_ =	swait.ge [sflag:s18], $0x2000  }
0x72: {  	s23 =	sld [smem:$0x7FB]  }
0x73: {  	[sflag:s18] =	ssyncset.done $0x0  }
0x74: {  	[sflag:s18] =	ssyncadd.s32 $0xFFFFE000  }
0x75: {  	[spmem:s23] =	stream.linear.scatter [tilespmem:s10], [sflag:$0x11], $0x2000, $0x38;
	[tilespmem:$0x1C400] =	vst v63  }
0x76: {  	_ =	swait.ge [sflag:s18], $0x2000  }
0x77: {  	s25 =	sld [smem:$0x7FC]  }
0x78: {  	[sflag:s18] =	ssyncset.done $0x0  }
0x79: {  	[sflag:s18] =	ssyncadd.s32 $0xFFFFE000  }
0x7a: {  	[spmem:s25] =	stream.linear.scatter [tilespmem:s10], [sflag:$0x11], $0x2000, $0x38;
	[tilespmem:$0x1C400] =	vst v63  }
0x7b: {  	_ =	swait.ge [sflag:s18], $0x2000  }
0x7c: {  	s23 =	sld [smem:$0x7FD]  }
0x7d: {  	[sflag:s18] =	ssyncset.done $0x0  }
0x7e: {  	[sflag:s18] =	ssyncadd.s32 $0xFFFFE000  }
0x7f: {  	[spmem:s23] =	stream.linear.scatter [tilespmem:s10], [sflag:$0x11], $0x2000, $0x38;
	[tilespmem:$0x1C400] =	vst v63  }
0x80: {  	_ =	swait.ge [sflag:s18], $0x2000  }
0x81: {  	[sflag:s18] =	ssyncset.done $0x0  }
0x82: {  	[sflag:s18] =	ssyncadd.s32 $0xFFFFE000  }
0x83: {  	[bflag:$0x0] =	sbarrier.arrive $0xFFFF  }
0x84: {  	_ =	swait.ge [sflag:s9], $0x40  }
0x85: {  	[sflag:s9] =	ssyncset.done $0x0  }
0x86: {  	s8 =	simm.s32 $0x0;
	s25 =	simm.s32 $0x400;
	[sflag:s9] =	ssyncadd.s32 $0xFFFFFFC0  }
0x87: {  	[tilespmem:s25], [sflag:$0x9] =	stream.indirect.gather [hbm4b:s1+s16], $0x80, s8, s16, $0xb8;
	[tilespmem:$0x1C400] =	vst v63  }
0x88: {  	_ =	swait.ge [sflag:s17], $0x40  }
0x89: {  	[sflag:s17] =	ssyncset.done $0x0  }
0x8a: {  	s9 =	simm.s32 $0x2400;
	[sflag:s17] =	ssyncadd.s32 $0xFFFFFFC0  }
0x8b: {  	[tilespmem:s9], [sflag:$0xA] =	stream.indirect.gather [hbm4b:s1+s16], $0x80, s12, s16, $0xb8;
	[tilespmem:$0x1C400] =	vst v63  }
0x8c: {  	_ =	swait.ge [sflag:s19], $0x2000  }
0x8d: {  	[sflag:s19] =	ssyncset.done $0x0  }
0x8e: {  	[sflag:s19] =	ssyncadd.s32 $0xFFFFE000;
	s19 =	rddreg [dreg:$0x13]  }
0x8f: {  	[tilespmem:s8], [sflag:$0x1] =	stream.linear.gather [hbm4b:s19+s8], $0x40, $0x38;
	[tilespmem:$0x1C400] =	vst v63  }
0x90: {  	_ =	swait.ge [sflag:s20], $0x40  }
0x91: {  	[sflag:s20] =	ssyncset.done $0x0  }
0x92: {  	[sflag:s20] =	ssyncadd.s32 $0xFFFFFFC0  }
0x93: {  	[spmem:s3] =	stream.indirect.scatter.add.f32 [tilespmem:s25], [sflag:$0xD], $0x80, s5, s16, $0xb8;
	[tilespmem:$0x1C400] =	vst v63  }
0x94: {  	_ =	swait.ge [sflag:s21], $0x2000  }
0x95: {  	[sflag:s21] =	ssyncset.done $0x0  }
0x96: {  	[sflag:s21] =	ssyncadd.s32 $0xFFFFE000;
	s21 =	rddreg [dreg:$0x14]  }
0x97: {  	[tilespmem:s12], [sflag:$0x2] =	stream.linear.gather [hbm4b:s21+s8], $0x40, $0x38;
	[tilespmem:$0x1C400] =	vst v63  }
0x98: {  	_ =	swait.ge [sflag:s22], $0x40  }
0x99: {  	[sflag:s22] =	ssyncset.done $0x0  }
0x9a: {  	[sflag:s22] =	ssyncadd.s32 $0xFFFFFFC0  }
0x9b: {  	[spmem:s3] =	stream.indirect.scatter.add.f32 [tilespmem:s9], [sflag:$0xE], $0x80, s14, s16, $0xb8;
	[tilespmem:$0x1C400] =	vst v63  }
0x9c: {  	s30 =	simm.s32 $0x300;
	s22 =	rddreg [dreg:$0x15]  }
0x9d: {  	[tilespmem:s30], [sflag:$0x7] =	stream.linear.gather [hbm4b:s22+s8], $0x40, $0x38;
	[tilespmem:$0x1C400] =	vst v63  }
0x9e: {  	_ =	swait.ge [sflag:s24], $0x40  }
0x9f: {  	[sflag:s24] =	ssyncset.done $0x0  }
0xa0: {  	s29 =	simm.s32 $0x4400;
	[sflag:s24] =	ssyncadd.s32 $0xFFFFFFC0  }
0xa1: {  	[tilespmem:s29], [sflag:$0xB] =	stream.indirect.gather [hbm4b:s1+s16], $0x80, s13, s16, $0xb8;
	[tilespmem:$0x1C400] =	vst v63  }
0xa2: {  	s25 =	simm.s32 $0x380;
	s23 =	rddreg [dreg:$0x16]  }
0xa3: {  	[tilespmem:s25], [sflag:$0x8] =	stream.linear.gather [hbm4b:s23+s8], $0x40, $0x38;
	[tilespmem:$0x1C400] =	vst v63  }
0xa4: {  	_ =	swait.ge [sflag:s26], $0x40  }
0xa5: {  	[sflag:s26] =	ssyncset.done $0x0  }
0xa6: {  	s14 =	simm.s32 $0x180;
	s25 =	simm.s32 $0x6400;
	[sflag:s26] =	ssyncadd.s32 $0xFFFFFFC0  }
0xa7: {  	[tilespmem:s25], [sflag:$0xC] =	stream.indirect.gather [hbm4b:s1+s16], $0x80, s14, s16, $0xb8;
	[tilespmem:$0x1C400] =	vst v63  }
0xa8: {  	_ =	swait.ge [sflag:s28], $0x2000  }
0xa9: {  	[sflag:s28] =	ssyncset.done $0x0  }
0xaa: {  	s10 =	rddreg [dreg:$0x17];
	[sflag:s28] =	ssyncadd.s32 $0xFFFFE000  }
0xab: {  	[tilespmem:s13], [sflag:$0x3] =	stream.linear.gather [hbm4b:s10+s8], $0x40, $0x38;
	[tilespmem:$0x1C400] =	vst v63  }
0xac: {  	_ =	swait.ge [sflag:s31], $0x40  }
0xad: {  	[sflag:s31] =	ssyncset.done $0x0  }
0xae: {  	[sflag:s31] =	ssyncadd.s32 $0xFFFFFFC0  }
0xaf: {  	[spmem:s3] =	stream.indirect.scatter.add.f32 [tilespmem:s29], [sflag:$0xF], $0x80, s30, s16, $0xb8;
	[tilespmem:$0x1C400] =	vst v63  }
0xb0: {  	_ =	swait.ge [sflag:s0], $0x2000  }
0xb1: {  	[sflag:s0] =	ssyncset.done $0x0  }
0xb2: {  	s10 =	rddreg [dreg:$0x18];
	[sflag:s0] =	ssyncadd.s32 $0xFFFFE000  }
0xb3: {  	[tilespmem:s14], [sflag:$0x4] =	stream.linear.gather [hbm4b:s10+s8], $0x40, $0x38;
	[tilespmem:$0x1C400] =	vst v63  }
0xb4: {  	_ =	swait.ge [sflag:s2], $0x40  }
0xb5: {  	[sflag:s2] =	ssyncset.done $0x0  }
0xb6: {  	s5 =	simm.s32 $0x380;
	[sflag:s2] =	ssyncadd.s32 $0xFFFFFFC0  }
0xb7: {  	[spmem:s3] =	stream.indirect.scatter.add.f32 [tilespmem:s25], [sflag:$0x10], $0x80, s5, s16, $0xb8;
	[tilespmem:$0x1C400] =	vst v63  }
0xb8: {  	_ =	swait.ge [sflag:s6], $0x2000  }
0xb9: {  	s18 =	simm.s32 $0x200;
	[sflag:s6] =	ssyncset.done $0x0  }
0xba: {  	s17 =	simm.s32 $0x1;
	s5 =	rddreg [dreg:$0x19];
	[sflag:s6] =	ssyncadd.s32 $0xFFFFE000  }
0xbb: {  	[tilespmem:s18], [sflag:$0x5] =	stream.linear.gather [hbm4b:s5+s8], $0x40, $0x38;
	[tilespmem:$0x1C400] =	vst v63  }
0xbc: {  	_ =	swait.ge [sflag:s17], $0x40  }
0xbd: {  	[sflag:s17] =	ssyncset.done $0x0  }
0xbe: {  	s10 =	simm.s32 $0x400;
	[sflag:s17] =	ssyncadd.s32 $0xFFFFFFC0  }
0xbf: {  	[tilespmem:s10], [sflag:$0x9] =	stream.indirect.gather [hbm4b:s1+s16], $0x80, s8, s16, $0xb8;
	[tilespmem:$0x1C400] =	vst v63  }
0xc0: {  	_ =	swait.ge [sflag:s7], $0x2000  }
0xc1: {  	s19 =	simm.s32 $0x2;
	[sflag:s7] =	ssyncset.done $0x0  }
0xc2: {  	s5 =	simm.s32 $0x280;
	s10 =	rddreg [dreg:$0x1a];
	[sflag:s7] =	ssyncadd.s32 $0xFFFFE000  }
0xc3: {  	[tilespmem:s5], [sflag:$0x6] =	stream.linear.gather [hbm4b:s10+s8], $0x40, $0x38;
	[tilespmem:$0x1C400] =	vst v63  }
0xc4: {  	_ =	swait.ge [sflag:s19], $0x40  }
0xc5: {  	[sflag:s19] =	ssyncset.done $0x0  }
0xc6: {  	s20 =	simm.s32 $0x9;
	[sflag:s19] =	ssyncadd.s32 $0xFFFFFFC0  }
0xc7: {  	[tilespmem:s9], [sflag:$0xA] =	stream.indirect.gather [hbm4b:s1+s16], $0x80, s12, s16, $0xb8;
	[tilespmem:$0x1C400] =	vst v63  }
0xc8: {  	_ =	swait.ge [sflag:s20], $0x2000  }
0xc9: {  	s5 =	rddreg [dreg:$0xb];
	[sflag:s20] =	ssyncset.done $0x0  }
0xca: {  	s21 =	simm.s32 $0x5;
	[sflag:s20] =	ssyncadd.s32 $0xFFFFE000;
	s8 =	sadd.s32 $0x0, s5  }
0xcb: {  	[tilespmem:s4], [sflag:$0x1] =	stream.linear.gather [hbm4b:s8+s4], $0x40, $0x38;
	[tilespmem:$0x1C400] =	vst v63  }
0xcc: {  	_ =	swait.ge [sflag:s21], $0x40  }
0xcd: {  	s22 =	simm.s32 $0xA;
	[sflag:s21] =	ssyncset.done $0x0  }
0xce: {  	s18 =	simm.s32 $0x200;
	s5 =	simm.s32 $0x400;
	[sflag:s21] =	ssyncadd.s32 $0xFFFFFFC0  }
0xcf: {  	[spmem:s3] =	stream.indirect.scatter.add.f32 [tilespmem:s5], [sflag:$0xD], $0x80, s18, s16, $0xb8;
	[tilespmem:$0x1C400] =	vst v63  }
0xd0: {  	_ =	swait.ge [sflag:s22], $0x2000  }
0xd1: {  	s8 =	rddreg [dreg:$0x9];
	[sflag:s22] =	ssyncset.done $0x0  }
0xd2: {  	s23 =	simm.s32 $0x6;
	[sflag:s22] =	ssyncadd.s32 $0xFFFFE000;
	s8 =	sadd.s32 $0x0, s8  }
0xd3: {  	[tilespmem:s12], [sflag:$0x2] =	stream.linear.gather [hbm4b:s8+s4], $0x40, $0x38;
	[tilespmem:$0x1C400] =	vst v63  }
0xd4: {  	_ =	swait.ge [sflag:s23], $0x40  }
0xd5: {  	[sflag:s23] =	ssyncset.done $0x0  }
0xd6: {  	s10 =	simm.s32 $0x280;
	[sflag:s23] =	ssyncadd.s32 $0xFFFFFFC0  }
0xd7: {  	[spmem:s3] =	stream.indirect.scatter.add.f32 [tilespmem:s9], [sflag:$0xE], $0x80, s10, s16, $0xb8;
	[tilespmem:$0x1C400] =	vst v63  }
0xd8: {  	_ =	swait.ge [sflag:s11], $0x2000  }
0xd9: {  	s9 =	rddreg [dreg:$0x7];
	[sflag:s11] =	ssyncset.done $0x0  }
0xda: {  	[sflag:s11] =	ssyncadd.s32 $0xFFFFE000;
	s8 =	sadd.s32 $0x0, s9  }
0xdb: {  	[tilespmem:s30], [sflag:$0x7] =	stream.linear.gather [hbm4b:s8+s4], $0x40, $0x38;
	[tilespmem:$0x1C400] =	vst v63  }
0xdc: {  	_ =	swait.ge [sflag:s24], $0x40  }
0xdd: {  	[sflag:s24] =	ssyncset.done $0x0  }
0xde: {  	[sflag:s24] =	ssyncadd.s32 $0xFFFFFFC0  }
0xdf: {  	[tilespmem:s29], [sflag:$0xB] =	stream.indirect.gather [hbm4b:s1+s16], $0x80, s13, s16, $0xb8;
	[tilespmem:$0x1C400] =	vst v63  }
0xe0: {  	_ =	swait.ge [sflag:s15], $0x2000  }
0xe1: {  	s11 =	rddreg [dreg:$0x6];
	[sflag:s15] =	ssyncset.done $0x0  }
0xe2: {  	[sflag:s15] =	ssyncadd.s32 $0xFFFFE000;
	s8 =	sadd.s32 $0x0, s11;
	s15 =	simm.s32 $0x380  }
0xe3: {  	[tilespmem:s15], [sflag:$0x8] =	stream.linear.gather [hbm4b:s8+s4], $0x40, $0x38;
	[tilespmem:$0x1C400] =	vst v63  }
0xe4: {  	_ =	swait.ge [sflag:s26], $0x40  }
0xe5: {  	[sflag:s26] =	ssyncset.done $0x0  }
0xe6: {  	[sflag:s26] =	ssyncadd.s32 $0xFFFFFFC0  }
0xe7: {  	[tilespmem:s25], [sflag:$0xC] =	stream.indirect.gather [hbm4b:s1+s16], $0x80, s14, s16, $0xb8;
	[tilespmem:$0x1C400] =	vst v63  }
0xe8: {  	_ =	swait.ge [sflag:s28], $0x2000  }
0xe9: {  	s23 =	rddreg [dreg:$0x5];
	[sflag:s28] =	ssyncset.done $0x0  }
0xea: {  	[sflag:s28] =	ssyncadd.s32 $0xFFFFE000;
	s8 =	sadd.s32 $0x0, s23  }
0xeb: {  	[tilespmem:s13], [sflag:$0x3] =	stream.linear.gather [hbm4b:s8+s4], $0x40, $0x38;
	[tilespmem:$0x1C400] =	vst v63  }
0xec: {  	_ =	swait.ge [sflag:s31], $0x40  }
0xed: {  	[sflag:s31] =	ssyncset.done $0x0  }
0xee: {  	[sflag:s31] =	ssyncadd.s32 $0xFFFFFFC0  }
0xef: {  	[spmem:s3] =	stream.indirect.scatter.add.f32 [tilespmem:s29], [sflag:$0xF], $0x80, s30, s16, $0xb8;
	[tilespmem:$0x1C400] =	vst v63  }
0xf0: {  	_ =	swait.ge [sflag:s0], $0x2000  }
0xf1: {  	s24 =	rddreg [dreg:$0x4];
	[sflag:s0] =	ssyncset.done $0x0  }
0xf2: {  	[sflag:s0] =	ssyncadd.s32 $0xFFFFE000;
	s8 =	sadd.s32 $0x0, s24  }
0xf3: {  	[tilespmem:s14], [sflag:$0x4] =	stream.linear.gather [hbm4b:s8+s4], $0x40, $0x38;
	[tilespmem:$0x1C400] =	vst v63  }
0xf4: {  	_ =	swait.ge [sflag:s2], $0x40  }
0xf5: {  	[sflag:s2] =	ssyncset.done $0x0  }
0xf6: {  	[sflag:s2] =	ssyncadd.s32 $0xFFFFFFC0  }
0xf7: {  	[spmem:s3] =	stream.indirect.scatter.add.f32 [tilespmem:s25], [sflag:$0x10], $0x80, s15, s16, $0xb8;
	[tilespmem:$0x1C400] =	vst v63  }
0xf8: {  	_ =	swait.ge [sflag:s6], $0x2000  }
0xf9: {  	s26 =	rddreg [dreg:$0xa];
	[sflag:s6] =	ssyncset.done $0x0  }
0xfa: {  	[sflag:s6] =	ssyncadd.s32 $0xFFFFE000;
	s8 =	sadd.s32 $0x0, s26  }
0xfb: {  	[tilespmem:s18], [sflag:$0x5] =	stream.linear.gather [hbm4b:s8+s4], $0x40, $0x38;
	[tilespmem:$0x1C400] =	vst v63  }
0xfc: {  	_ =	swait.ge [sflag:s17], $0x40  }
0xfd: {  	[sflag:s17] =	ssyncset.done $0x0  }
0xfe: {  	s9 =	simm.s32 $0xB;
	[sflag:s17] =	ssyncadd.s32 $0xFFFFFFC0  }
0xff: {  	[tilespmem:s5], [sflag:$0x9] =	stream.indirect.gather [hbm4b:s1+s16], $0x80, s4, s16, $0xb8;
	[tilespmem:$0x1C400] =	vst v63  }
0x100: {  	s11 =	simm.s32 $0xE;
	s28 =	simm.s32 $0x3;
	_ =	swait.ge [sflag:s7], $0x2000  }
0x101: {  	s30 =	simm.s32 $0x4;
	s31 =	rddreg [dreg:$0x8];
	[sflag:s7] =	ssyncset.done $0x0  }
0x102: {  	s29 =	simm.s32 $0x7;
	[sflag:s7] =	ssyncadd.s32 $0xFFFFE000;
	s8 =	sadd.s32 $0x0, s31  }
0x103: {  	[tilespmem:s10], [sflag:$0x6] =	stream.linear.gather [hbm4b:s8+s4], $0x40, $0x38;
	[tilespmem:$0x1C400] =	vst v63  }
0x104: {  	s14 =	simm.s32 $0x10;
	s2 =	simm.s32 $0xC;
	_ =	swait.ge [sflag:s19], $0x40  }
0x105: {  	s25 =	simm.s32 $0xD;
	s15 =	simm.s32 $0xF;
	[sflag:s19] =	ssyncset.done $0x0  }
0x106: {  	s6 =	simm.s32 $0x8;
	s8 =	simm.s32 $0x20;
	[sflag:s19] =	ssyncadd.s32 $0xFFFFFFC0  }
.LBB2_4:
0x107: {  	s0 =	simm.s32 $0x2400  }
0x108: {  	[tilespmem:s0], [sflag:$0xA] =	stream.indirect.gather [hbm4b:s1+s16], $0x80, s12, s16, $0xb8;
	[tilespmem:$0x1C400] =	vst v63  }
0x109: {  	_ =	swait.ge [sflag:s20], $0x2000  }
0x10a: {  	s10 =	smov.u32 s8;
	s5 =	rddreg [dreg:$0xb];
	[sflag:s20] =	ssyncset.done $0x0  }
0x10b: {  	[sflag:s20] =	ssyncadd.s32 $0xFFFFE000;
	s12 =	sadd.s32 s10, s5  }
0x10c: {  	[tilespmem:s4], [sflag:$0x1] =	stream.linear.gather [hbm4b:s12+s4], $0x40, $0x38;
	[tilespmem:$0x1C400] =	vst v63  }
0x10d: {  	_ =	swait.ge [sflag:s21], $0x40  }
0x10e: {  	[sflag:s21] =	ssyncset.done $0x0  }
0x10f: {  	s24 =	simm.s32 $0x400;
	s23 =	simm.s32 $0x200;
	[sflag:s21] =	ssyncadd.s32 $0xFFFFFFC0  }
0x110: {  	[spmem:s3] =	stream.indirect.scatter.add.f32 [tilespmem:s24], [sflag:$0xD], $0x80, s23, s16, $0xb8;
	[tilespmem:$0x1C400] =	vst v63  }
0x111: {  	_ =	swait.ge [sflag:s22], $0x2000  }
0x112: {  	s13 =	simm.s32 $0x80;
	s7 =	rddreg [dreg:$0x9];
	[sflag:s22] =	ssyncset.done $0x0  }
0x113: {  	s5 =	simm.s32 $0x6;
	[sflag:s22] =	ssyncadd.s32 $0xFFFFE000;
	s12 =	sadd.s32 s10, s7  }
0x114: {  	[tilespmem:s13], [sflag:$0x2] =	stream.linear.gather [hbm4b:s12+s4], $0x40, $0x38;
	[tilespmem:$0x1C400] =	vst v63  }
0x115: {  	_ =	swait.ge [sflag:s5], $0x40  }
0x116: {  	[sflag:s5] =	ssyncset.done $0x0  }
0x117: {  	[sflag:s5] =	ssyncadd.s32 $0xFFFFFFC0;
	s5 =	simm.s32 $0x280  }
0x118: {  	[spmem:s3] =	stream.indirect.scatter.add.f32 [tilespmem:s0], [sflag:$0xE], $0x80, s5, s16, $0xb8;
	[tilespmem:$0x1C400] =	vst v63  }
0x119: {  	_ =	swait.ge [sflag:s15], $0x2000  }
0x11a: {  	s18 =	rddreg [dreg:$0x7];
	[sflag:s15] =	ssyncset.done $0x0  }
0x11b: {  	s31 =	simm.s32 $0x300;
	[sflag:s15] =	ssyncadd.s32 $0xFFFFE000;
	s12 =	sadd.s32 s10, s18  }
0x11c: {  	[tilespmem:s31], [sflag:$0x7] =	stream.linear.gather [hbm4b:s12+s4], $0x40, $0x38;
	[tilespmem:$0x1C400] =	vst v63  }
0x11d: {  	_ =	swait.ge [sflag:s28], $0x40  }
0x11e: {  	[sflag:s28] =	ssyncset.done $0x0  }
0x11f: {  	s13 =	simm.s32 $0x100;
	s0 =	simm.s32 $0x4400;
	[sflag:s28] =	ssyncadd.s32 $0xFFFFFFC0  }
0x120: {  	[tilespmem:s0], [sflag:$0xB] =	stream.indirect.gather [hbm4b:s1+s16], $0x80, s13, s16, $0xb8;
	[tilespmem:$0x1C400] =	vst v63  }
0x121: {  	_ =	swait.ge [sflag:s14], $0x2000  }
0x122: {  	s26 =	rddreg [dreg:$0x6];
	[sflag:s14] =	ssyncset.done $0x0  }
0x123: {  	[sflag:s14] =	ssyncadd.s32 $0xFFFFE000;
	s12 =	sadd.s32 s10, s26;
	s26 =	simm.s32 $0x380  }
0x124: {  	[tilespmem:s26], [sflag:$0x8] =	stream.linear.gather [hbm4b:s12+s4], $0x40, $0x38;
	[tilespmem:$0x1C400] =	vst v63  }
0x125: {  	_ =	swait.ge [sflag:s30], $0x40  }
0x126: {  	[sflag:s30] =	ssyncset.done $0x0  }
0x127: {  	s7 =	simm.s32 $0x6400;
	s18 =	simm.s32 $0x180;
	[sflag:s30] =	ssyncadd.s32 $0xFFFFFFC0  }
0x128: {  	[tilespmem:s7], [sflag:$0xC] =	stream.indirect.gather [hbm4b:s1+s16], $0x80, s18, s16, $0xb8;
	[tilespmem:$0x1C400] =	vst v63  }
0x129: {  	_ =	swait.ge [sflag:s9], $0x2000  }
0x12a: {  	s12 =	rddreg [dreg:$0x5];
	[sflag:s9] =	ssyncset.done $0x0  }
0x12b: {  	[sflag:s9] =	ssyncadd.s32 $0xFFFFE000;
	s12 =	sadd.s32 s10, s12  }
0x12c: {  	[tilespmem:s13], [sflag:$0x3] =	stream.linear.gather [hbm4b:s12+s4], $0x40, $0x38;
	[tilespmem:$0x1C400] =	vst v63  }
0x12d: {  	_ =	swait.ge [sflag:s29], $0x40  }
0x12e: {  	[sflag:s29] =	ssyncset.done $0x0  }
0x12f: {  	[sflag:s29] =	ssyncadd.s32 $0xFFFFFFC0  }
0x130: {  	[spmem:s3] =	stream.indirect.scatter.add.f32 [tilespmem:s0], [sflag:$0xF], $0x80, s31, s16, $0xb8;
	[tilespmem:$0x1C400] =	vst v63  }
0x131: {  	_ =	swait.ge [sflag:s2], $0x2000  }
0x132: {  	s0 =	rddreg [dreg:$0x4];
	[sflag:s2] =	ssyncset.done $0x0  }
0x133: {  	[sflag:s2] =	ssyncadd.s32 $0xFFFFE000;
	s12 =	sadd.s32 s10, s0  }
0x134: {  	[tilespmem:s18], [sflag:$0x4] =	stream.linear.gather [hbm4b:s12+s4], $0x40, $0x38;
	[tilespmem:$0x1C400] =	vst v63  }
0x135: {  	_ =	swait.ge [sflag:s6], $0x40  }
0x136: {  	[sflag:s6] =	ssyncset.done $0x0  }
0x137: {  	[sflag:s6] =	ssyncadd.s32 $0xFFFFFFC0  }
0x138: {  	[spmem:s3] =	stream.indirect.scatter.add.f32 [tilespmem:s7], [sflag:$0x10], $0x80, s26, s16, $0xb8;
	[tilespmem:$0x1C400] =	vst v63  }
0x139: {  	_ =	swait.ge [sflag:s25], $0x2000  }
0x13a: {  	s18 =	rddreg [dreg:$0xa];
	[sflag:s25] =	ssyncset.done $0x0  }
0x13b: {  	[sflag:s25] =	ssyncadd.s32 $0xFFFFE000;
	s12 =	sadd.s32 s10, s18  }
0x13c: {  	[tilespmem:s23], [sflag:$0x5] =	stream.linear.gather [hbm4b:s12+s4], $0x40, $0x38;
	[tilespmem:$0x1C400] =	vst v63  }
0x13d: {  	_ =	swait.ge [sflag:s17], $0x40  }
0x13e: {  	[sflag:s17] =	ssyncset.done $0x0  }
0x13f: {  	[sflag:s17] =	ssyncadd.s32 $0xFFFFFFC0  }
0x140: {  	[tilespmem:s24], [sflag:$0x9] =	stream.indirect.gather [hbm4b:s1+s16], $0x80, s4, s16, $0xb8;
	[tilespmem:$0x1C400] =	vst v63  }
0x141: {  	_ =	swait.ge [sflag:s11], $0x2000  }
0x142: {  	p1 =	sne.s32 s8, $0x480;
	s24 =	rddreg [dreg:$0x8];
	[sflag:s11] =	ssyncset.done $0x0  }
.Ltmp1:
0x143: {  	[sflag:s11] =	ssyncadd.s32 $0xFFFFE000;
	s10 =	sadd.s32 s10, s24;
	(pc) =	sbr.rel @p1 .LBB2_4-.Ltmp1, $4  }
0x144: {  	[tilespmem:s5], [sflag:$0x6] =	stream.linear.gather [hbm4b:s10+s4], $0x40, $0x38;
	[tilespmem:$0x1C400] =	vst v63  }
0x145: {  	s8 =	sadd.s32 $0x20, s8;
	s31 =	simm.s32 $0x180;
	_ =	swait.ge [sflag:s19], $0x40  }
0x146: {  	s26 =	simm.s32 $0x400;
	s7 =	simm.s32 $0x280;
	[sflag:s19] =	ssyncset.done $0x0  }
0x147: {  	s18 =	simm.s32 $0x200;
	s12 =	simm.s32 $0x80;
	[sflag:s19] =	ssyncadd.s32 $0xFFFFFFC0  }
0x148: {  	s0 =	simm.s32 $0x2400  }
0x149: {  	[tilespmem:s0], [sflag:$0xA] =	stream.indirect.gather [hbm4b:s1+s16], $0x80, s12, s16, $0xb8;
	[tilespmem:$0x1C400] =	vst v63  }
0x14a: {  	_ =	swait.ge [sflag:s20], $0x2000  }
0x14b: {  	[sflag:s20] =	ssyncset.done $0x0  }
0x14c: {  	[sflag:s20] =	ssyncadd.s32 $0xFFFFE000  }
0x14d: {  	_ =	swait.ge [sflag:s21], $0x40  }
0x14e: {  	[sflag:s21] =	ssyncset.done $0x0  }
0x14f: {  	[sflag:s21] =	ssyncadd.s32 $0xFFFFFFC0  }
0x150: {  	[spmem:s3] =	stream.indirect.scatter.add.f32 [tilespmem:s26], [sflag:$0xD], $0x80, s18, s16, $0xb8;
	[tilespmem:$0x1C400] =	vst v63  }
0x151: {  	_ =	swait.ge [sflag:s22], $0x2000  }
0x152: {  	[sflag:s22] =	ssyncset.done $0x0  }
0x153: {  	s5 =	simm.s32 $0x6;
	[sflag:s22] =	ssyncadd.s32 $0xFFFFE000  }
0x154: {  	_ =	swait.ge [sflag:s5], $0x40  }
0x155: {  	[sflag:s5] =	ssyncset.done $0x0  }
0x156: {  	[sflag:s5] =	ssyncadd.s32 $0xFFFFFFC0  }
0x157: {  	[spmem:s3] =	stream.indirect.scatter.add.f32 [tilespmem:s0], [sflag:$0xE], $0x80, s7, s16, $0xb8;
	[tilespmem:$0x1C400] =	vst v63  }
0x158: {  	_ =	swait.ge [sflag:s15], $0x2000  }
0x159: {  	[sflag:s15] =	ssyncset.done $0x0  }
0x15a: {  	s10 =	simm.s32 $0x300;
	s8 =	rddreg [dreg:$0x1d];
	[sflag:s15] =	ssyncadd.s32 $0xFFFFE000  }
0x15b: {  	[tilespmem:s10], [sflag:$0x7] =	stream.linear.gather [hbm4b:s8+s4], $0x40, $0x38;
	[tilespmem:$0x1C400] =	vst v63  }
0x15c: {  	_ =	swait.ge [sflag:s28], $0x40  }
0x15d: {  	[sflag:s28] =	ssyncset.done $0x0  }
0x15e: {  	s21 =	simm.s32 $0x4400;
	[sflag:s28] =	ssyncadd.s32 $0xFFFFFFC0  }
0x15f: {  	[tilespmem:s21], [sflag:$0xB] =	stream.indirect.gather [hbm4b:s1+s16], $0x80, s13, s16, $0xb8;
	[tilespmem:$0x1C400] =	vst v63  }
0x160: {  	_ =	swait.ge [sflag:s14], $0x2000  }
0x161: {  	[sflag:s14] =	ssyncset.done $0x0  }
0x162: {  	s23 =	simm.s32 $0x380;
	s22 =	rddreg [dreg:$0x1e];
	[sflag:s14] =	ssyncadd.s32 $0xFFFFE000  }
0x163: {  	[tilespmem:s23], [sflag:$0x8] =	stream.linear.gather [hbm4b:s22+s4], $0x40, $0x38;
	[tilespmem:$0x1C400] =	vst v63  }
0x164: {  	_ =	swait.ge [sflag:s30], $0x40  }
0x165: {  	[sflag:s30] =	ssyncset.done $0x0  }
0x166: {  	s24 =	simm.s32 $0x6400;
	[sflag:s30] =	ssyncadd.s32 $0xFFFFFFC0  }
0x167: {  	[tilespmem:s24], [sflag:$0xC] =	stream.indirect.gather [hbm4b:s1+s16], $0x80, s31, s16, $0xb8;
	[tilespmem:$0x1C400] =	vst v63  }
0x168: {  	_ =	swait.ge [sflag:s9], $0x2000  }
0x169: {  	[sflag:s9] =	ssyncset.done $0x0  }
0x16a: {  	[sflag:s9] =	ssyncadd.s32 $0xFFFFE000  }
0x16b: {  	_ =	swait.ge [sflag:s29], $0x40  }
0x16c: {  	[sflag:s29] =	ssyncset.done $0x0  }
0x16d: {  	[sflag:s29] =	ssyncadd.s32 $0xFFFFFFC0  }
0x16e: {  	[spmem:s3] =	stream.indirect.scatter.add.f32 [tilespmem:s21], [sflag:$0xF], $0x80, s10, s16, $0xb8;
	[tilespmem:$0x1C400] =	vst v63  }
0x16f: {  	_ =	swait.ge [sflag:s2], $0x2000  }
0x170: {  	[sflag:s2] =	ssyncset.done $0x0  }
0x171: {  	[sflag:s2] =	ssyncadd.s32 $0xFFFFE000  }
0x172: {  	_ =	swait.ge [sflag:s6], $0x40  }
0x173: {  	[sflag:s6] =	ssyncset.done $0x0  }
0x174: {  	[sflag:s6] =	ssyncadd.s32 $0xFFFFFFC0  }
0x175: {  	[spmem:s3] =	stream.indirect.scatter.add.f32 [tilespmem:s24], [sflag:$0x10], $0x80, s23, s16, $0xb8;
	[tilespmem:$0x1C400] =	vst v63  }
0x176: {  	_ =	swait.ge [sflag:s25], $0x2000  }
0x177: {  	[sflag:s25] =	ssyncset.done $0x0  }
0x178: {  	[sflag:s25] =	ssyncadd.s32 $0xFFFFE000  }
0x179: {  	_ =	swait.ge [sflag:s11], $0x2000  }
0x17a: {  	[sflag:s11] =	ssyncset.done $0x0  }
0x17b: {  	[sflag:s11] =	ssyncadd.s32 $0xFFFFE000  }
0x17c: {  	_ =	swait.ge [sflag:s15], $0x2000  }
0x17d: {  	[sflag:s15] =	ssyncset.done $0x0  }
0x17e: {  	[sflag:s15] =	ssyncadd.s32 $0xFFFFE000  }
0x17f: {  	_ =	swait.ge [sflag:s14], $0x2000  }
0x180: {  	[sflag:s14] =	ssyncset.done $0x0  }
0x181: {  	s8 =	simm.s32 @!p0 $0x0;
	s10 =	rddreg [dreg:$0x1c];
	[sflag:s14] =	ssyncadd.s32 $0xFFFFE000  }
0x182: {  	[tilespmem:s8], [sflag:$0x1] =	stream.linear.gather @!p0 [hbm4b:s10+s8], $0x40, $0x38;
	[tilespmem:$0x1C400] =	vst v63  }
0x183: {  	s12 =	simm.s32 @!p0 $0x1;
	s0 =	simm.s32 @!p0 $0x200;
	s10 =	rddreg [dreg:$0x1b]  }
0x184: {  	[tilespmem:s0], [sflag:$0x5] =	stream.linear.gather @!p0 [hbm4b:s10+s8], $0x40, $0x38;
	[tilespmem:$0x1C400] =	vst v63  }
0x185: {  	_ =	swait.ge @!p0 [sflag:s12], $0x40  }
0x186: {  	[sflag:s12] =	ssyncset.done @!p0 $0x0  }
0x187: {  	s10 =	simm.s32 @!p0 $0x400;
	[sflag:s12] =	ssyncadd.s32 @!p0 $0xFFFFFFC0;
	s12 =	simm.s32 @!p0 $0x40  }
0x188: {  	[tilespmem:s10], [sflag:$0x9] =	stream.indirect.gather @!p0 [hbm4b:s1+s12], $0x80, s8, s12, $0xb8;
	[tilespmem:$0x1C400] =	vst v63  }
0x189: {  	s8 =	simm.s32 @!p0 $0x9  }
0x18a: {  	_ =	swait.ge @!p0 [sflag:s8], $0x2000  }
0x18b: {  	[sflag:s8] =	ssyncset.done @!p0 $0x0  }
0x18c: {  	[sflag:s8] =	ssyncadd.s32 @!p0 $0xFFFFE000;
	s8 =	simm.s32 @!p0 $0x5  }
0x18d: {  	_ =	swait.ge @!p0 [sflag:s8], $0x40  }
0x18e: {  	[sflag:s8] =	ssyncset.done @!p0 $0x0  }
0x18f: {  	[sflag:s8] =	ssyncadd.s32 @!p0 $0xFFFFFFC0;
	s8 =	simm.s32 @!p0 $0xD  }
0x190: {  	[spmem:s3] =	stream.indirect.scatter.add.f32 @!p0 [tilespmem:s10], [sflag:$0xD], $0x80, s0, s12, $0xb8;
	[tilespmem:$0x1C400] =	vst v63  }
0x191: {  	_ =	swait.ge @!p0 [sflag:s8], $0x2000  }
0x192: {  	[sflag:s8] =	ssyncset.done @!p0 $0x0  }
0x193: {  	[sflag:s8] =	ssyncadd.s32 @!p0 $0xFFFFE000  }
0x194: {  	s25 =	stileid.u32;
	[bflag:$0x0] =	sbarrier.arrive $0xFFFF  }
0x195: {  	s18 =	simm.s32 $0x11;
	s8 =	sshll.u32 s25, $0x6;
	s26 =	rddreg [dreg:$0x12]  }
0x196: {  	s8 =	sor.u32 $0x1C11, s8;
	s29 =	rddreg [dreg:$0x1f];
	s10 =	sshrl.u32 s26, $0x3  }
0x197: {  	[hbm:s29], [sflag:s8] =	dma.local [spmem:s10], $0x2800  }
0x198: {  	_ =	swait.ge [sflag:s18], $0x2800  }
0x199: {  	s23 =	sld [smem:$0x7F3]  }
0x19a: {  	s17 =	simm.s32 $0x2;
	s30 =	sld [smem:$0x7F4]  }
0x19b: {  	s19 =	simm.s32 $0x9;
	s20 =	simm.s32 $0x5;
	s5 =	simm.s32 $0x200  }
0x19c: {  	s7 =	simm.s32 $0xE;
	s28 =	simm.s32 $0xB;
	s23 =	sadd.s32 $0x1, s23  }
0x19d: {  	s22 =	simm.s32 $0x6;
	s31 =	simm.s32 $0x7;
	p1 =	sne.s32 s23, s30  }
.Ltmp2:
0x19e: {  	s9 =	simm.s32 $0x1;
	s21 =	simm.s32 $0xA;
	(pc) =	sbr.rel @p1 .LBB2_1-.Ltmp2, $4  }
0x19f: {  	s2 =	simm.s32 $0x8;
	s6 =	simm.s32 $0xD;
	s24 =	simm.s32 $0x3  }
0x1a0: {  	s11 =	simm.s32 $0xF;
	s15 =	simm.s32 $0x10;
	s14 =	simm.s32 $0x280  }
0x1a1: {  	s12 =	simm.s32 $0x80;
	s0 =	simm.s32 $0xC;
	[sflag:s18] =	ssyncset.done $0x0  }
0x1a2: {  	s26 =	simm.s32 $0x4;
	s10 =	simm.s32 $0x180;
	[sflag:s18] =	ssyncadd.s32 $0xFFFFD800  }
0x1a3: {  	_ =	sfence.sel $0x180000  }
0x1a4: {  	[bflag:$0x0] =	sbarrier.arrive $0xFFFF  }
0x1a5: {  	_ =	strace $0x90000047  }
0x1a6: {  	s0 =	stileid.u32;
	[bflag:$0x2] =	sbarrier.arrive $0xFFFF  }
0x1a7: {  	p0 =	sne.s32 s0, $0x0;
	s0 =	rddreg [dreg:$0x3]  }
0x1a8: {  	s0 =	sadd.s32 @!p0 $0x100000, s0  }
0x1a9: {  	[sflag:s0] =	ssyncadd.tile.s32 @!p0 $0x1;
	_ =	shalt  }
.Lfunc_end2:
_tile_overlayer_lowered:
.L_overlay_start_2:
0x1aa: {  	(tag) =	ssettag $0x2  }
0x1ab: {  	s0 =	rddreg [dreg:$0x0];
	s2 =	stileid.u32  }
0x1ac: {  	s1 =	rddreg [dreg:$0x1];
	p0 =	sne.s32 s2, $0x0  }
0x1ad: {  	s3 =	rddreg [dreg:$0x2];
	[bflag:$0x3] =	sbarrier.arrive $0xFFFF;
	s2 =	simm.s32 @!p0 $0x1C11  }
0x1ae: {  	[timem:s3], [sflag:s2] =	dma.local @!p0 [hbm:s0], s1  }
0x1af: {  	s0 =	simm.s32 @!p0 $0x11  }
0x1b0: {  	_ =	swait.ge @!p0 [sflag:s0], s1  }
0x1b1: {  	s1 =	ssub.s32 @!p0 $0x0, s1;
	[sflag:s0] =	ssyncset.done @!p0 $0x0  }
0x1b2: {  	[sflag:s0] =	ssyncadd.s32 @!p0 s1  }
0x1b3: {  	[bflag:$0x3] =	sbarrier.arrive $0xFFFF  }
0x1b4: {  	_ =	shalt  }

// kernel: kernel.9.cloned.1.call-start
scs
__scs_entry_jumppad:
0x0: {  	(pc) =	sbr.rel $0x88, $3  }
0x1: {  	(tag) =	ssettag $0x0;
	lr =	simm.s32 $0x1  }
0x2: {  	[smem:$0x3F98] =	sst lr;
	_ =	strace $0xD0000000  }
0x3: {  	_ = 	snop  }
0x4: {  	_ = 	snop  }
0x5: {  	_ = 	snop  }
0x6: {  	_ = 	snop  }
0x7: {  	_ = 	snop  }
__scs_overlays_trampoline_lowered:
0x8: {  	[smem:$0x3FA7] =	sst s0  }
0x9: {  	[smem:$0x3FA8] =	sst s1  }
0xa: {  	[smem:$0x3FA9] =	sst s2  }
0xb: {  	[smem:$0x3FAA] =	sst s3  }
0xc: {  	[smem:$0x3FAB] =	sst s4  }
0xd: {  	[smem:$0x3FAC] =	sst s5  }
0xe: {  	[smem:$0x3FAD] =	sst s6  }
0xf: {  	[smem:$0x3FAE] =	sst s7  }
0x10: {  	[smem:$0x3FAF] =	sst s8  }
0x11: {  	[smem:$0x3FB0] =	sst s9;
	s0 =	simm.s32 @!p0 $0x0  }
0x12: {  	s1 =	sld [smem:$0x3F96];
	s0 =	simm.s32 @p0 $0x1  }
0x13: {  	[smem:$0x3FB1] =	sst s0;
	s0 =	simm.s32 @!p1 $0x0  }
0x14: {  	s2 =	sld [smem:$0x3F95];
	s0 =	simm.s32 @p1 $0x1  }
0x15: {  	[smem:$0x3FB2] =	sst s0;
	s0 =	simm.s32 @!p2 $0x0  }
0x16: {  	s3 =	sld [smem:$0x3FDB];
	s0 =	simm.s32 @p2 $0x1  }
0x17: {  	s4 =	simm.s32 $0x1BF5;
	[smem:$0x3FB4] =	sst s0  }
0x18: {  	s0 =	sld [smem:$0x3F97];
	_ =	swait.ge [sflag:s4], $0x0  }
0x19: {  	s7 =	sld [smem:$0x3F98]  }
0x1a: {  	s8 =	sadd.s32 $0xFFFFE003, lr  }
0x1b: {  	s9 =	sadd.s32 $0xFFFFFEF7, lr;
	s5 =	simm.s32 $0xFFFFFFFF;
	p2 =	slt.u32 s8, $0xFFFFF086  }
0x1c: {  	p1 =	slt.u32 s9, $0xF7A;
	s5 =	simm.s32 @!p2 $0x0  }
0x1d: {  	s5 =	simm.s32 @p1 $0x1;
	p0 =	seq.s32 s7, s2  }
0x1e: {  	s7 =	smul.u32 @!p0 $0xF7A, s2;
	p2 =	seq.s32 @!p0 s5, $0x0  }
0x1f: {  	s9 =	smul.u32 $0xF7A, s1;
	s8 =	simm.s32 @!p0 $0x1BF5;
	p2 =	por !p2, p0  }
0x20: {  	[sflag:s8] =	ssyncset.s32 @!p0 $0xFFFFF086;
	s6 =	sadd.s32 @!p0 s3, s7;
	s7 =	simm.s32 @!p0 $0x108  }
0x21: {  	s3 =	sadd.s32 s3, s9;
	s6 =	sadd.s32 @!p0 $0x88, s6;
	s7 =	simm.s32 @p2 $0x1082  }
0x22: {  	[simem:s7], [sflag:s8] =	dma.local @!p0 [hbm:s6], $0xF7A  }
0x23: {  	s9 =	sor.u32 $0xD0000000, s2;
	s6 =	simm.s32 $0x108;
	_ =	swait.ge @!p0 [sflag:s8], $0x0  }
0x24: {  	s3 =	sadd.s32 $0x88, s3;
	s6 =	simm.s32 @!p1 $0x1082;
	[sflag:s4] =	ssyncset.s32 $0xFFFFF086  }
0x25: {  	[simem:s6], [sflag:s4] =	dma.local [hbm:s3], $0xF7A  }
0x26: {  	[smem:$0x3F98] =	sst s1;
	(tag) =	ssettag s2;
	_ =	strace s9  }
0x27: {  	s1 =	sld [smem:$0x3FA8]  }
0x28: {  	s2 =	sld [smem:$0x3FA9]  }
0x29: {  	s4 =	sld [smem:$0x3FAB]  }
0x2a: {  	p0 =	seq.s32 s5, $0x0;
	s5 =	sld [smem:$0x3FAC]  }
0x2b: {  	s6 =	sld [smem:$0x3FAD]  }
0x2c: {  	s7 =	sld [smem:$0x3FAE]  }
0x2d: {  	s3 =	simm.s32 $0x108;
	s8 =	sld [smem:$0x3FAF]  }
0x2e: {  	s3 =	simm.s32 @!p0 $0x1082;
	s9 =	sld [smem:$0x3FB0]  }
0x2f: {  	lr =	sadd.s32 s0, s3;
	s0 =	sld [smem:$0x3FA7]  }
0x30: {  	s3 =	sld [smem:$0x3FAA]  }
0x31: {  	[smem:$0x3FB3] =	sst s10  }
0x32: {  	s10 =	sld [smem:$0x3FB1];
	_ =	sdelay $0x3  }
0x33: {  	p0 =	seq.s32 s10, $0x1;
	s10 =	sld [smem:$0x3FB3];
	_ =	sdelay $0x3  }
0x34: {  	[smem:$0x3FB3] =	sst s10  }
0x35: {  	s10 =	sld [smem:$0x3FB2];
	_ =	sdelay $0x3  }
0x36: {  	p1 =	seq.s32 s10, $0x1;
	s10 =	sld [smem:$0x3FB3];
	_ =	sdelay $0x3  }
0x37: {  	[smem:$0x3FB3] =	sst s10  }
0x38: {  	s10 =	sld [smem:$0x3FB4]  }
0x39: {  	_ = 	snop;
	(pc) =	sbr.ind lr, $3  }
0x3a: {  	_ = 	snop  }
0x3b: {  	_ = 	snop  }
0x3c: {  	p2 =	seq.s32 s10, $0x1;
	s10 =	sld [smem:$0x3FB3]  }
0x3d: {  	_ =	shalt  }
0x3e: {  	_ =	shalt  }
0x3f: {  	_ =	shalt  }
0x40: {  	_ =	shalt  }
0x41: {  	_ =	shalt  }
0x42: {  	_ =	shalt  }
0x43: {  	_ =	shalt  }
0x44: {  	_ =	shalt  }
0x45: {  	_ =	shalt  }
0x46: {  	_ =	shalt  }
0x47: {  	_ =	shalt  }
0x48: {  	_ =	shalt  }
0x49: {  	_ =	shalt  }
0x4a: {  	_ =	shalt  }
0x4b: {  	_ =	shalt  }
0x4c: {  	_ =	shalt  }
0x4d: {  	_ =	shalt  }
0x4e: {  	_ =	shalt  }
0x4f: {  	_ =	shalt  }
0x50: {  	_ =	shalt  }
0x51: {  	_ =	shalt  }
0x52: {  	_ =	shalt  }
0x53: {  	_ =	shalt  }
0x54: {  	_ =	shalt  }
0x55: {  	_ =	shalt  }
0x56: {  	_ =	shalt  }
0x57: {  	_ =	shalt  }
0x58: {  	_ =	shalt  }
0x59: {  	_ =	shalt  }
0x5a: {  	_ =	shalt  }
0x5b: {  	_ =	shalt  }
0x5c: {  	_ =	shalt  }
0x5d: {  	_ =	shalt  }
0x5e: {  	_ =	shalt  }
0x5f: {  	_ =	shalt  }
0x60: {  	_ =	shalt  }
0x61: {  	_ =	shalt  }
0x62: {  	_ =	shalt  }
0x63: {  	_ =	shalt  }
0x64: {  	_ =	shalt  }
0x65: {  	_ =	shalt  }
0x66: {  	_ =	shalt  }
0x67: {  	_ =	shalt  }
0x68: {  	_ =	shalt  }
0x69: {  	_ =	shalt  }
0x6a: {  	_ =	shalt  }
0x6b: {  	_ =	shalt  }
0x6c: {  	_ =	shalt  }
0x6d: {  	_ =	shalt  }
0x6e: {  	_ =	shalt  }
0x6f: {  	_ =	shalt  }
0x70: {  	_ =	shalt  }
0x71: {  	_ =	shalt  }
0x72: {  	_ =	shalt  }
0x73: {  	_ =	shalt  }
0x74: {  	_ =	shalt  }
0x75: {  	_ =	shalt  }
0x76: {  	_ =	shalt  }
0x77: {  	_ =	shalt  }
0x78: {  	_ =	shalt  }
0x79: {  	_ =	shalt  }
0x7a: {  	_ =	shalt  }
0x7b: {  	_ =	shalt  }
0x7c: {  	_ =	shalt  }
0x7d: {  	_ =	shalt  }
0x7e: {  	_ =	shalt  }
0x7f: {  	_ =	shalt  }
0x80: {  	_ =	shalt  }
0x81: {  	_ =	shalt  }
0x82: {  	_ =	shalt  }
0x83: {  	_ =	shalt  }
0x84: {  	_ =	shalt  }
0x85: {  	_ =	shalt  }
0x86: {  	_ =	shalt  }
0x87: {  	_ =	shalt  }
.Lfunc_end0:
.L_simem_size_0:
called_computation.1_lowered:
.L_overlay_start_0:
0x88: {  	s2 =	sld [smem:$0x3FD9]  }
0x89: {  	s3 =	sld [smem:$0x3FFE];
	_ =	sdelay $0x1  }
0x8a: {  	s1 =	srdreg.scid  }
0x8b: {  	s0 =	sand.u32 $0x1, s1  }
0x8c: {  	s16 =	sshll.u32 s0, $0xA;
	s2 =	sadd.s32 s3, s2  }
0x8d: {  	s2 =	sadd.s32 s2, s16  }
0x8e: {  	[smem:$0x3FBF] =	sst s2  }
0x8f: {  	_ = 	snop  }
0x90: {  	(tm) =	ssettm $0x1  }
0x91: {  	s17 =	sld [smem:$0x3FFB];
	_ =	sdelay $0x3  }
0x92: {  	_ =	strace s17  }
0x93: {  	s2 =	sld [smem:$0x3FFC];
	_ =	sdelay $0x3  }
0x94: {  	_ =	strace s2  }
0x95: {  	s2 =	sld [smem:$0x3FFD];
	_ =	sdelay $0x3  }
0x96: {  	_ =	strace s2  }
0x97: {  	_ =	strace $0x8FFFFFFF  }
0x98: {  	s18 =	sld [smem:$0x3FDB];
	_ =	sdelay $0x1  }
0x99: {  	s19 =	simm.s32 $_scs_section_size  }
0x9a: {  	s4 =	simm.s32 $_size__tile_overlayer_lowered;
	s5 =	simm.s32 $_tile_overlayer_lowered  }
0x9b: {  	s22 =	simm.s32 $0x1BFF;
	s21 =	sshll.u32 s5, $0x1;
	s2 =	sadd.s32 s19, s18  }
0x9c: {  	s6 =	simm.s32 $0x0;
	s20 =	sshll.u32 s4, $0x1;
	s4 =	sadd.s32 s21, s2  }
0x9d: {  	[timem:s6], [sflag:s22] =	dma.local [hbm:s4], s20  }
0x9e: {  	_ =	swait.ge [sflag:s22], s20  }
0x9f: {  	s3 =	ssub.s32 $0x0, s20;
	[sflag:s22] =	ssyncset.done $0x0  }
0xa0: {  	[sflag:s22] =	ssyncadd.s32 s3;
	_ =	sdelay $0x1  }
0xa1: {  	s23 =	simm.s32 $0x1B8B  }
0xa2: {  	_ =	swait.ge [sflag:s23], $0x1  }
0xa3: {  	[sflag:s23] =	ssyncset.done $0x0  }
0xa4: {  	s25 =	simm.s32 $0x1B8E;
	s24 =	sld [smem:$0x3FFE];
	[sflag:s23] =	ssyncadd.s32 $0xFFFFFFFF  }
0xa5: {  	s26 =	simm.s32 $execute0_lowered;
	[smem:$0x3FD2] =	sst s25  }
0xa6: {  	s4 =	sshll.u32 s26, $0x1;
	_ =	strace $0x80000049;
	[dreg:$0x1] =	wrdreg $0xFFFFFFFF  }
0xa7: {  	s28 =	simm.s32 $_size_execute0_lowered;
	s2 =	sadd.s32 s2, s4;
	[dreg:$0x0] =	wrdreg $0x0  }
0xa8: {  	s4 =	sshll.u32 s28, $0x1;
	[dreg:$0x2] =	wrdreg s2  }
0xa9: {  	[dreg:$0x3] =	wrdreg s4  }
0xaa: {  	[dreg:$0x4] =	wrdreg $0xC0  }
0xab: {  	_ =	task [dreg:s6], $0x5FFFF  }
0xac: {  	[dreg:$0x1] =	wrdreg $0xFFFFFFFF  }
0xad: {  	[dreg:$0x0] =	wrdreg $0x60  }
0xae: {  	[dreg:$0x2] =	wrdreg s24  }
0xaf: {  	[dreg:$0x3] =	wrdreg $0x84000  }
0xb0: {  	[dreg:$0x4] =	wrdreg $0x9  }
0xb1: {  	_ =	task.clear_ibuf [dreg:s6], $0x5FFFF;
	_ =	strace $0x90000049  }
0xb2: {  	s29 =	simm.s32 $0x9;
	_ =	strace $0x8000004B  }
0xb3: {  	_ =	swait.ge [sflag:s29], $0x1  }
0xb4: {  	[sflag:s29] =	ssyncadd.s32 $0xFFFFFFFF  }
0xb5: {  	_ =	strace $0x9000004B  }
0xb6: {  	_ =	sfence  }
0xb7: {  	s30 =	sld [smem:$0x0];
	_ =	sdelay $0x2  }
0xb8: {  	s31 =	sshll.u32 s1, $0xD;
	s1 =	sshrl.u32 s1, $0x2  }
0xb9: {  	s3 =	sand.u32 $0x4000, s31;
	s1 =	sadd.s32 s1, s30  }
0xba: {  	s0 =	sor.u32 s3, s0;
	s1 =	sshll.u32 s1, $0x11  }
0xbb: {  	s0 =	sor.u32 s1, s0  }
0xbc: {  	s0 =	sadd.s32 $0x8F2B, s0  }
0xbd: {  	[sflag:s0] =	ssyncadd.remote.s32 $0x1  }
0xbe: {  	_ =	sfence.sel $0xFFFF  }
0xbf: {  	[dreg:$0x0] =	wrdreg $0xFFFFFFFF;
	(pc) =	sbr.abs _section_cstart, $3  }
0xc0: {  	[dreg:$0x1] =	wrdreg $0xFFFFFFFF  }
0xc1: {  	_ =	task.clear_ibuf [dreg:s6], $0x2FFFF;
	_ =	strace $0x9FFFFFFF  }
0xc2: {  	(tm) =	ssettm $0x7FFFFFFF  }
0xc3: {  	_ =	shalt  }
tec
execute0_lowered:
.L_overlay_start_1:
0x0: {  	(tag) =	ssettag $0x1  }
0x1: {  	s5 =	rddreg [dreg:$0x0]  }
0x2: {  	s1 =	rddreg [dreg:$0x1];
	s3 =	simm.s32 $0x0;
	s15 =	stileid.u32  }
0x3: {  	s0 =	srdreg.scid;
	s28 =	simm.s32 $0xB;
	s8 =	smul.u32 $0x14000, s15  }
0x4: {  	s31 =	simm.s32 $0x7;
	[smem:$0x7FF] =	sst s3;
	s18 =	smul.u32 $0x4E00, s15  }
0x5: {  	s6 =	sand.u32 $0x1, s0;
	s29 =	sshll.u32 s15, $0x1;
	s20 =	smul.u32 $0x50000, s15  }
0x6: {  	s4 =	sadd.s32 $0x15A00, s5;
	s0 =	sadd.s32 $0xBC00, s5;
	s7 =	smul.u32 $0x140000, s6  }
0x7: {  	s2 =	sor.u32 s6, s29;
	s16 =	ssub.s32 $0x2, s6;
	s6 =	smul.u32 $0x2700, s6  }
0x8: {  	_ =	strace $0x8000004A;
	s9 =	smul.u32 $0x2700, s2;
	s10 =	smin.u32 s2, $0x8  }
0x9: {  	s2 =	sadd.s32 $0x1E00, s5;
	s17 =	sshrl.u32 s16, $0x1;
	s22 =	sshrl.u32 s20, $0x2  }
0xa: {  	s7 =	sadd.s32 s8, s7;
	s30 =	sshll.u32 s10, $0x6;
	s6 =	sadd.s32 s6, s18  }
0xb: {  	s18 =	sadd.s32 s22, s1;
	s7 =	sshrl.u32 s7, $0x3;
	s9 =	sadd.s32 s9, s30  }
0xc: {  	s6 =	sadd.s32 s30, s6;
	[dreg:$0x11] =	wrdreg s18;
	s9 =	sshrl.u32 s9, $0x3  }
0xd: {  	s5 =	sadd.s32 s7, s5;
	s7 =	ssub.s32 s16, s17;
	s16 =	sadd.s32 s0, s9  }
0xe: {  	s11 =	sadd.s32 $0x8, s9;
	s17 =	sadd.s32 s2, s9;
	[dreg:$0xb] =	wrdreg s16  }
0xf: {  	s12 =	sadd.s32 $0x10, s9;
	s13 =	sadd.s32 s0, s11;
	[dreg:$0xf] =	wrdreg s17  }
0x10: {  	s23 =	sadd.s32 $0x2C0, s6;
	s19 =	sadd.s32 s0, s12;
	[dreg:$0xc] =	wrdreg s13  }
0x11: {  	s10 =	sadd.s32 $0x20, s9;
	s21 =	sadd.s32 s2, s11;
	[dreg:$0xd] =	wrdreg s19  }
0x12: {  	s25 =	sshrl.u32 s23, $0x3;
	s24 =	sadd.s32 s0, s10;
	[dreg:$0x10] =	wrdreg s21  }
0x13: {  	p0 =	sgt.u32 s15, $0x3;
	s8 =	sadd.s32 s25, s0;
	[dreg:$0x12] =	wrdreg s24  }
0x14: {  	s26 =	sadd.s32 $0x280, s6;
	s12 =	sadd.s32 s2, s12;
	[dreg:$0x3] =	wrdreg s8  }
0x15: {  	s11 =	sadd.s32 $0x28, s9;
	s10 =	sadd.s32 s2, s10;
	[dreg:$0x14] =	wrdreg s12  }
0x16: {  	s29 =	sshrl.u32 s26, $0x3;
	s19 =	sadd.s32 s0, s11;
	[dreg:$0x18] =	wrdreg s10  }
0x17: {  	s15 =	simm.s32 $0x10;
	s8 =	sadd.s32 s29, s0;
	[dreg:$0x13] =	wrdreg s19  }
0x18: {  	s30 =	sadd.s32 $0x1C0, s6;
	s29 =	sadd.s32 $0x30, s16;
	[dreg:$0x4] =	wrdreg s8  }
0x19: {  	s13 =	sadd.s32 $0x18, s9;
	s11 =	sadd.s32 s2, s11;
	[dreg:$0x16] =	wrdreg s29  }
0x1a: {  	s21 =	sadd.s32 $0x240, s6;
	s14 =	sadd.s32 s0, s13;
	[dreg:$0x19] =	wrdreg s11  }
0x1b: {  	s12 =	sadd.s32 $0x4E0, s9;
	s25 =	sadd.s32 s2, s13;
	[dreg:$0xe] =	wrdreg s14  }
0x1c: {  	s10 =	simm.s32 $0x180;
	s13 =	sadd.s32 s0, s12;
	[dreg:$0x15] =	wrdreg s25  }
0x1d: {  	s22 =	sshrl.u32 s21, $0x3;
	s21 =	sadd.s32 $0x4000, s18;
	[dreg:$0x1b] =	wrdreg s13  }
0x1e: {  	s9 =	simm.s32 $0x1;
	s29 =	sadd.s32 $0x10000, s18;
	[smem:$0x7F6] =	sst s21  }
0x1f: {  	s19 =	sadd.s32 $0x180, s6;
	s23 =	sadd.s32 s22, s2;
	[smem:$0x7FC] =	sst s29  }
0x20: {  	s6 =	sadd.s32 $0x200, s6;
	s24 =	sadd.s32 s22, s0;
	[dreg:$0x7] =	wrdreg s23  }
0x21: {  	s14 =	sshrl.u32 s30, $0x3;
	s30 =	sadd.s32 $0x38, s16;
	[dreg:$0x8] =	wrdreg s24  }
0x22: {  	s11 =	simm.s32 $0xF;
	s16 =	sadd.s32 $0x4D8, s17;
	[dreg:$0x17] =	wrdreg s30  }
0x23: {  	s20 =	sshrl.u32 s19, $0x3;
	s19 =	smax.u32 s7, $0x1;
	[dreg:$0x1d] =	wrdreg s16  }
0x24: {  	s6 =	sshrl.u32 s6, $0x3;
	s22 =	sadd.s32 $0x6000, s18;
	[dreg:$0x1f] =	wrdreg s19  }
0x25: {  	s25 =	sadd.s32 $0xC000, s18;
	s13 =	simm.s32 $0x100;
	[smem:$0x7F7] =	sst s22  }
0x26: {  	s21 =	simm.s32 $0xA;
	s14 =	sadd.s32 s14, s2;
	[smem:$0x7FA] =	sst s25  }
0x27: {  	s7 =	simm.s32 $0xE;
	s8 =	sadd.s32 s20, s2;
	[dreg:$0x5] =	wrdreg s14  }
0x28: {  	s26 =	sadd.s32 s6, s2;
	s2 =	sadd.s32 s2, s12;
	[dreg:$0x6] =	wrdreg s8  }
0x29: {  	s0 =	sadd.s32 s6, s0;
	s20 =	sadd.s32 $0x2000, s18;
	[dreg:$0x9] =	wrdreg s26  }
0x2a: {  	s23 =	sadd.s32 $0x8000, s18;
	s24 =	sadd.s32 $0xA000, s18;
	[dreg:$0x1a] =	wrdreg s2  }
0x2b: {  	s30 =	sadd.s32 $0x12000, s18;
	s12 =	simm.s32 $0x80;
	[dreg:$0xa] =	wrdreg s0  }
0x2c: {  	s16 =	simm.s32 $0x40;
	s19 =	simm.s32 $0x9;
	[smem:$0x7F5] =	sst s20  }
0x2d: {  	s22 =	simm.s32 $0x6;
	s6 =	simm.s32 $0xD;
	[smem:$0x7F8] =	sst s23  }
0x2e: {  	s14 =	sadd.s32 $0x4D0, s17;
	s17 =	sadd.s32 $0x3CC00, s5;
	[smem:$0x7F9] =	sst s24  }
0x2f: {  	s26 =	sadd.s32 $0xE000, s18;
	[smem:$0x7FD] =	sst s30;
	s5 =	simm.s32 $0x200  }
0x30: {  	s18 =	simm.s32 $0x11;
	s20 =	simm.s32 $0x5;
	[dreg:$0x1c] =	wrdreg s14  }
0x31: {  	s24 =	simm.s32 $0x3;
	s0 =	simm.s32 $0xC;
	[dreg:$0x1e] =	wrdreg s17  }
0x32: {  	s2 =	simm.s32 $0x8;
	s23 =	simm.s32 $0x0;
	[smem:$0x7FB] =	sst s26  }
0x33: {  	v0 =	vimm.f32 $0.0e+00;
	s14 =	simm.s32 $0x280;
	s17 =	simm.s32 $0x2;
	s26 =	simm.s32 $0x4  }
.LBB2_1:
0x34: {  	[smem:$0x7F4] =	sst s23  }
0x35: {  	s8 =	rddreg [dreg:$0xb]  }
0x36: {  	[tilespmem:s3], [sflag:$0x1] =	stream.linear.gather [hbm4b:s8+s3], $0x40, $0x38;
	[tilespmem:$0x1C400] =	vst v63  }
0x37: {  	s30 =	rddreg [dreg:$0xc]  }
0x38: {  	[tilespmem:s12], [sflag:$0x2] =	stream.linear.gather [hbm4b:s30+s3], $0x40, $0x38;
	[tilespmem:$0x1C400] =	vst v63  }
0x39: {  	s23 =	rddreg [dreg:$0xd]  }
0x3a: {  	[tilespmem:s13], [sflag:$0x3] =	stream.linear.gather [hbm4b:s23+s3], $0x40, $0x38;
	[tilespmem:$0x1C400] =	vst v63  }
0x3b: {  	s25 =	rddreg [dreg:$0xe]  }
0x3c: {  	[tilespmem:s10], [sflag:$0x4] =	stream.linear.gather [hbm4b:s25+s3], $0x40, $0x38;
	[tilespmem:$0x1C400] =	vst v63  }
0x3d: {  	s29 =	rddreg [dreg:$0xf]  }
0x3e: {  	[tilespmem:s5], [sflag:$0x5] =	stream.linear.gather [hbm4b:s29+s3], $0x40, $0x38;
	[tilespmem:$0x1C400] =	vst v63  }
0x3f: {  	s8 =	simm.s32 $0x0;
	s30 =	rddreg [dreg:$0x10];
	s10 =	simm.s32 $0x200  }
0x40: {  	[tilespmem:s14], [sflag:$0x6] =	stream.linear.gather [hbm4b:s30+s3], $0x40, $0x38;
	[tilespmem:$0x1C400] =	vst v63  }
.LBB2_2:
0x41: {  	p1 =	sne.s32 s10, $0x7E00;
	[tilespmem:s8+$0x470] =	vst v0  }
0x42: {  	[tilespmem:s8+$0x400] =	vst v0  }
0x43: {  	[tilespmem:s8+$0x410] =	vst v0  }
.Ltmp0:
0x44: {  	[tilespmem:s8+$0x420] =	vst v0;
	(pc) =	sbr.rel @p1 .LBB2_2-.Ltmp0, $4  }
0x45: {  	[tilespmem:s8+$0x430] =	vst v0  }
0x46: {  	[tilespmem:s8+$0x440] =	vst v0  }
0x47: {  	[tilespmem:s8+$0x450] =	vst v0  }
0x48: {  	[tilespmem:s8+$0x460] =	vst v0;
	s8 =	sshra.s32 s10, $0x2;
	s10 =	sadd.s32 $0x200, s10  }
0x49: {  	[tilespmem:s8+$0x470] =	vst v0  }
0x4a: {  	[tilespmem:s8+$0x400] =	vst v0  }
0x4b: {  	[tilespmem:s8+$0x410] =	vst v0  }
0x4c: {  	[tilespmem:s8+$0x420] =	vst v0  }
0x4d: {  	[tilespmem:s8+$0x430] =	vst v0  }
0x4e: {  	[tilespmem:s8+$0x440] =	vst v0  }
0x4f: {  	[tilespmem:s8+$0x450] =	vst v0  }
0x50: {  	[tilespmem:s8+$0x460] =	vst v0;
	s25 =	rddreg [dreg:$0x11];
	s10 =	simm.s32 $0x400  }
0x51: {  	[spmem:s25] =	stream.linear.scatter [tilespmem:s10], [sflag:$0x11], $0x2000, $0x38;
	[tilespmem:$0x1C400] =	vst v63  }
0x52: {  	_ =	swait.ge [sflag:s18], $0x2000  }
0x53: {  	s23 =	sld [smem:$0x7F5]  }
0x54: {  	[sflag:s18] =	ssyncset.done $0x0  }
0x55: {  	[sflag:s18] =	ssyncadd.s32 $0xFFFFE000  }
0x56: {  	[spmem:s23] =	stream.linear.scatter [tilespmem:s10], [sflag:$0x11], $0x2000, $0x38;
	[tilespmem:$0x1C400] =	vst v63  }
0x57: {  	_ =	swait.ge [sflag:s18], $0x2000  }
0x58: {  	s25 =	sld [smem:$0x7F6]  }
0x59: {  	[sflag:s18] =	ssyncset.done $0x0  }
0x5a: {  	[sflag:s18] =	ssyncadd.s32 $0xFFFFE000  }
0x5b: {  	[spmem:s25] =	stream.linear.scatter [tilespmem:s10], [sflag:$0x11], $0x2000, $0x38;
	[tilespmem:$0x1C400] =	vst v63  }
0x5c: {  	_ =	swait.ge [sflag:s18], $0x2000  }
0x5d: {  	s23 =	sld [smem:$0x7F7]  }
0x5e: {  	[sflag:s18] =	ssyncset.done $0x0  }
0x5f: {  	[sflag:s18] =	ssyncadd.s32 $0xFFFFE000  }
0x60: {  	[spmem:s23] =	stream.linear.scatter [tilespmem:s10], [sflag:$0x11], $0x2000, $0x38;
	[tilespmem:$0x1C400] =	vst v63  }
0x61: {  	_ =	swait.ge [sflag:s18], $0x2000  }
0x62: {  	s25 =	sld [smem:$0x7F8]  }
0x63: {  	[sflag:s18] =	ssyncset.done $0x0  }
0x64: {  	[sflag:s18] =	ssyncadd.s32 $0xFFFFE000  }
0x65: {  	[spmem:s25] =	stream.linear.scatter [tilespmem:s10], [sflag:$0x11], $0x2000, $0x38;
	[tilespmem:$0x1C400] =	vst v63  }
0x66: {  	_ =	swait.ge [sflag:s18], $0x2000  }
0x67: {  	s23 =	sld [smem:$0x7F9]  }
0x68: {  	[sflag:s18] =	ssyncset.done $0x0  }
0x69: {  	[sflag:s18] =	ssyncadd.s32 $0xFFFFE000  }
0x6a: {  	[spmem:s23] =	stream.linear.scatter [tilespmem:s10], [sflag:$0x11], $0x2000, $0x38;
	[tilespmem:$0x1C400] =	vst v63  }
0x6b: {  	_ =	swait.ge [sflag:s18], $0x2000  }
0x6c: {  	s25 =	sld [smem:$0x7FA]  }
0x6d: {  	[sflag:s18] =	ssyncset.done $0x0  }
0x6e: {  	[sflag:s18] =	ssyncadd.s32 $0xFFFFE000  }
0x6f: {  	[spmem:s25] =	stream.linear.scatter [tilespmem:s10], [sflag:$0x11], $0x2000, $0x38;
	[tilespmem:$0x1C400] =	vst v63  }
0x70: {  	_ =	swait.ge [sflag:s18], $0x2000  }
0x71: {  	s23 =	sld [smem:$0x7FB]  }
0x72: {  	[sflag:s18] =	ssyncset.done $0x0  }
0x73: {  	[sflag:s18] =	ssyncadd.s32 $0xFFFFE000  }
0x74: {  	[spmem:s23] =	stream.linear.scatter [tilespmem:s10], [sflag:$0x11], $0x2000, $0x38;
	[tilespmem:$0x1C400] =	vst v63  }
0x75: {  	_ =	swait.ge [sflag:s18], $0x2000  }
0x76: {  	s25 =	sld [smem:$0x7FC]  }
0x77: {  	[sflag:s18] =	ssyncset.done $0x0  }
0x78: {  	[sflag:s18] =	ssyncadd.s32 $0xFFFFE000  }
0x79: {  	[spmem:s25] =	stream.linear.scatter [tilespmem:s10], [sflag:$0x11], $0x2000, $0x38;
	[tilespmem:$0x1C400] =	vst v63  }
0x7a: {  	_ =	swait.ge [sflag:s18], $0x2000  }
0x7b: {  	s23 =	sld [smem:$0x7FD]  }
0x7c: {  	[sflag:s18] =	ssyncset.done $0x0  }
0x7d: {  	[sflag:s18] =	ssyncadd.s32 $0xFFFFE000  }
0x7e: {  	[spmem:s23] =	stream.linear.scatter [tilespmem:s10], [sflag:$0x11], $0x2000, $0x38;
	[tilespmem:$0x1C400] =	vst v63  }
0x7f: {  	_ =	swait.ge [sflag:s18], $0x2000  }
0x80: {  	[sflag:s18] =	ssyncset.done $0x0  }
0x81: {  	[sflag:s18] =	ssyncadd.s32 $0xFFFFE000  }
0x82: {  	[bflag:$0x0] =	sbarrier.arrive $0xFFFF  }
0x83: {  	_ =	swait.ge [sflag:s9], $0x40  }
0x84: {  	[sflag:s9] =	ssyncset.done $0x0  }
0x85: {  	s8 =	simm.s32 $0x0;
	s25 =	simm.s32 $0x400;
	[sflag:s9] =	ssyncadd.s32 $0xFFFFFFC0  }
0x86: {  	[tilespmem:s25], [sflag:$0x9] =	stream.indirect.gather [hbm4b:s4+s16], $0x80, s8, s16, $0xb8;
	[tilespmem:$0x1C400] =	vst v63  }
0x87: {  	_ =	swait.ge [sflag:s17], $0x40  }
0x88: {  	[sflag:s17] =	ssyncset.done $0x0  }
0x89: {  	s9 =	simm.s32 $0x2400;
	[sflag:s17] =	ssyncadd.s32 $0xFFFFFFC0  }
0x8a: {  	[tilespmem:s9], [sflag:$0xA] =	stream.indirect.gather [hbm4b:s4+s16], $0x80, s12, s16, $0xb8;
	[tilespmem:$0x1C400] =	vst v63  }
0x8b: {  	_ =	swait.ge [sflag:s19], $0x2000  }
0x8c: {  	[sflag:s19] =	ssyncset.done $0x0  }
0x8d: {  	[sflag:s19] =	ssyncadd.s32 $0xFFFFE000;
	s19 =	rddreg [dreg:$0x12]  }
0x8e: {  	[tilespmem:s8], [sflag:$0x1] =	stream.linear.gather [hbm4b:s19+s8], $0x40, $0x38;
	[tilespmem:$0x1C400] =	vst v63  }
0x8f: {  	_ =	swait.ge [sflag:s20], $0x40  }
0x90: {  	[sflag:s20] =	ssyncset.done $0x0  }
0x91: {  	[sflag:s20] =	ssyncadd.s32 $0xFFFFFFC0  }
0x92: {  	[spmem:s1] =	stream.indirect.scatter.add.f32 [tilespmem:s25], [sflag:$0xD], $0x80, s5, s16, $0xb8;
	[tilespmem:$0x1C400] =	vst v63  }
0x93: {  	_ =	swait.ge [sflag:s21], $0x2000  }
0x94: {  	[sflag:s21] =	ssyncset.done $0x0  }
0x95: {  	[sflag:s21] =	ssyncadd.s32 $0xFFFFE000;
	s21 =	rddreg [dreg:$0x13]  }
0x96: {  	[tilespmem:s12], [sflag:$0x2] =	stream.linear.gather [hbm4b:s21+s8], $0x40, $0x38;
	[tilespmem:$0x1C400] =	vst v63  }
0x97: {  	_ =	swait.ge [sflag:s22], $0x40  }
0x98: {  	[sflag:s22] =	ssyncset.done $0x0  }
0x99: {  	[sflag:s22] =	ssyncadd.s32 $0xFFFFFFC0  }
0x9a: {  	[spmem:s1] =	stream.indirect.scatter.add.f32 [tilespmem:s9], [sflag:$0xE], $0x80, s14, s16, $0xb8;
	[tilespmem:$0x1C400] =	vst v63  }
0x9b: {  	s30 =	simm.s32 $0x300;
	s22 =	rddreg [dreg:$0x14]  }
0x9c: {  	[tilespmem:s30], [sflag:$0x7] =	stream.linear.gather [hbm4b:s22+s8], $0x40, $0x38;
	[tilespmem:$0x1C400] =	vst v63  }
0x9d: {  	_ =	swait.ge [sflag:s24], $0x40  }
0x9e: {  	[sflag:s24] =	ssyncset.done $0x0  }
0x9f: {  	s29 =	simm.s32 $0x4400;
	[sflag:s24] =	ssyncadd.s32 $0xFFFFFFC0  }
0xa0: {  	[tilespmem:s29], [sflag:$0xB] =	stream.indirect.gather [hbm4b:s4+s16], $0x80, s13, s16, $0xb8;
	[tilespmem:$0x1C400] =	vst v63  }
0xa1: {  	s25 =	simm.s32 $0x380;
	s23 =	rddreg [dreg:$0x15]  }
0xa2: {  	[tilespmem:s25], [sflag:$0x8] =	stream.linear.gather [hbm4b:s23+s8], $0x40, $0x38;
	[tilespmem:$0x1C400] =	vst v63  }
0xa3: {  	_ =	swait.ge [sflag:s26], $0x40  }
0xa4: {  	[sflag:s26] =	ssyncset.done $0x0  }
0xa5: {  	s14 =	simm.s32 $0x180;
	s25 =	simm.s32 $0x6400;
	[sflag:s26] =	ssyncadd.s32 $0xFFFFFFC0  }
0xa6: {  	[tilespmem:s25], [sflag:$0xC] =	stream.indirect.gather [hbm4b:s4+s16], $0x80, s14, s16, $0xb8;
	[tilespmem:$0x1C400] =	vst v63  }
0xa7: {  	_ =	swait.ge [sflag:s28], $0x2000  }
0xa8: {  	[sflag:s28] =	ssyncset.done $0x0  }
0xa9: {  	s10 =	rddreg [dreg:$0x16];
	[sflag:s28] =	ssyncadd.s32 $0xFFFFE000  }
0xaa: {  	[tilespmem:s13], [sflag:$0x3] =	stream.linear.gather [hbm4b:s10+s8], $0x40, $0x38;
	[tilespmem:$0x1C400] =	vst v63  }
0xab: {  	_ =	swait.ge [sflag:s31], $0x40  }
0xac: {  	[sflag:s31] =	ssyncset.done $0x0  }
0xad: {  	[sflag:s31] =	ssyncadd.s32 $0xFFFFFFC0  }
0xae: {  	[spmem:s1] =	stream.indirect.scatter.add.f32 [tilespmem:s29], [sflag:$0xF], $0x80, s30, s16, $0xb8;
	[tilespmem:$0x1C400] =	vst v63  }
0xaf: {  	_ =	swait.ge [sflag:s0], $0x2000  }
0xb0: {  	[sflag:s0] =	ssyncset.done $0x0  }
0xb1: {  	s10 =	rddreg [dreg:$0x17];
	[sflag:s0] =	ssyncadd.s32 $0xFFFFE000  }
0xb2: {  	[tilespmem:s14], [sflag:$0x4] =	stream.linear.gather [hbm4b:s10+s8], $0x40, $0x38;
	[tilespmem:$0x1C400] =	vst v63  }
0xb3: {  	_ =	swait.ge [sflag:s2], $0x40  }
0xb4: {  	[sflag:s2] =	ssyncset.done $0x0  }
0xb5: {  	s5 =	simm.s32 $0x380;
	[sflag:s2] =	ssyncadd.s32 $0xFFFFFFC0  }
0xb6: {  	[spmem:s1] =	stream.indirect.scatter.add.f32 [tilespmem:s25], [sflag:$0x10], $0x80, s5, s16, $0xb8;
	[tilespmem:$0x1C400] =	vst v63  }
0xb7: {  	_ =	swait.ge [sflag:s6], $0x2000  }
0xb8: {  	s18 =	simm.s32 $0x200;
	[sflag:s6] =	ssyncset.done $0x0  }
0xb9: {  	s17 =	simm.s32 $0x1;
	s5 =	rddreg [dreg:$0x18];
	[sflag:s6] =	ssyncadd.s32 $0xFFFFE000  }
0xba: {  	[tilespmem:s18], [sflag:$0x5] =	stream.linear.gather [hbm4b:s5+s8], $0x40, $0x38;
	[tilespmem:$0x1C400] =	vst v63  }
0xbb: {  	_ =	swait.ge [sflag:s17], $0x40  }
0xbc: {  	[sflag:s17] =	ssyncset.done $0x0  }
0xbd: {  	s10 =	simm.s32 $0x400;
	[sflag:s17] =	ssyncadd.s32 $0xFFFFFFC0  }
0xbe: {  	[tilespmem:s10], [sflag:$0x9] =	stream.indirect.gather [hbm4b:s4+s16], $0x80, s8, s16, $0xb8;
	[tilespmem:$0x1C400] =	vst v63  }
0xbf: {  	_ =	swait.ge [sflag:s7], $0x2000  }
0xc0: {  	s19 =	simm.s32 $0x2;
	[sflag:s7] =	ssyncset.done $0x0  }
0xc1: {  	s5 =	simm.s32 $0x280;
	s10 =	rddreg [dreg:$0x19];
	[sflag:s7] =	ssyncadd.s32 $0xFFFFE000  }
0xc2: {  	[tilespmem:s5], [sflag:$0x6] =	stream.linear.gather [hbm4b:s10+s8], $0x40, $0x38;
	[tilespmem:$0x1C400] =	vst v63  }
0xc3: {  	_ =	swait.ge [sflag:s19], $0x40  }
0xc4: {  	[sflag:s19] =	ssyncset.done $0x0  }
0xc5: {  	s20 =	simm.s32 $0x9;
	[sflag:s19] =	ssyncadd.s32 $0xFFFFFFC0  }
0xc6: {  	[tilespmem:s9], [sflag:$0xA] =	stream.indirect.gather [hbm4b:s4+s16], $0x80, s12, s16, $0xb8;
	[tilespmem:$0x1C400] =	vst v63  }
0xc7: {  	_ =	swait.ge [sflag:s20], $0x2000  }
0xc8: {  	s5 =	rddreg [dreg:$0xa];
	[sflag:s20] =	ssyncset.done $0x0  }
0xc9: {  	s21 =	simm.s32 $0x5;
	[sflag:s20] =	ssyncadd.s32 $0xFFFFE000;
	s8 =	sadd.s32 $0x0, s5  }
0xca: {  	[tilespmem:s3], [sflag:$0x1] =	stream.linear.gather [hbm4b:s8+s3], $0x40, $0x38;
	[tilespmem:$0x1C400] =	vst v63  }
0xcb: {  	_ =	swait.ge [sflag:s21], $0x40  }
0xcc: {  	s22 =	simm.s32 $0xA;
	[sflag:s21] =	ssyncset.done $0x0  }
0xcd: {  	s18 =	simm.s32 $0x200;
	s5 =	simm.s32 $0x400;
	[sflag:s21] =	ssyncadd.s32 $0xFFFFFFC0  }
0xce: {  	[spmem:s1] =	stream.indirect.scatter.add.f32 [tilespmem:s5], [sflag:$0xD], $0x80, s18, s16, $0xb8;
	[tilespmem:$0x1C400] =	vst v63  }
0xcf: {  	_ =	swait.ge [sflag:s22], $0x2000  }
0xd0: {  	s8 =	rddreg [dreg:$0x8];
	[sflag:s22] =	ssyncset.done $0x0  }
0xd1: {  	s23 =	simm.s32 $0x6;
	[sflag:s22] =	ssyncadd.s32 $0xFFFFE000;
	s8 =	sadd.s32 $0x0, s8  }
0xd2: {  	[tilespmem:s12], [sflag:$0x2] =	stream.linear.gather [hbm4b:s8+s3], $0x40, $0x38;
	[tilespmem:$0x1C400] =	vst v63  }
0xd3: {  	_ =	swait.ge [sflag:s23], $0x40  }
0xd4: {  	[sflag:s23] =	ssyncset.done $0x0  }
0xd5: {  	s10 =	simm.s32 $0x280;
	[sflag:s23] =	ssyncadd.s32 $0xFFFFFFC0  }
0xd6: {  	[spmem:s1] =	stream.indirect.scatter.add.f32 [tilespmem:s9], [sflag:$0xE], $0x80, s10, s16, $0xb8;
	[tilespmem:$0x1C400] =	vst v63  }
0xd7: {  	_ =	swait.ge [sflag:s11], $0x2000  }
0xd8: {  	s9 =	rddreg [dreg:$0x6];
	[sflag:s11] =	ssyncset.done $0x0  }
0xd9: {  	[sflag:s11] =	ssyncadd.s32 $0xFFFFE000;
	s8 =	sadd.s32 $0x0, s9  }
0xda: {  	[tilespmem:s30], [sflag:$0x7] =	stream.linear.gather [hbm4b:s8+s3], $0x40, $0x38;
	[tilespmem:$0x1C400] =	vst v63  }
0xdb: {  	_ =	swait.ge [sflag:s24], $0x40  }
0xdc: {  	[sflag:s24] =	ssyncset.done $0x0  }
0xdd: {  	[sflag:s24] =	ssyncadd.s32 $0xFFFFFFC0  }
0xde: {  	[tilespmem:s29], [sflag:$0xB] =	stream.indirect.gather [hbm4b:s4+s16], $0x80, s13, s16, $0xb8;
	[tilespmem:$0x1C400] =	vst v63  }
0xdf: {  	_ =	swait.ge [sflag:s15], $0x2000  }
0xe0: {  	s11 =	rddreg [dreg:$0x5];
	[sflag:s15] =	ssyncset.done $0x0  }
0xe1: {  	[sflag:s15] =	ssyncadd.s32 $0xFFFFE000;
	s8 =	sadd.s32 $0x0, s11;
	s15 =	simm.s32 $0x380  }
0xe2: {  	[tilespmem:s15], [sflag:$0x8] =	stream.linear.gather [hbm4b:s8+s3], $0x40, $0x38;
	[tilespmem:$0x1C400] =	vst v63  }
0xe3: {  	_ =	swait.ge [sflag:s26], $0x40  }
0xe4: {  	[sflag:s26] =	ssyncset.done $0x0  }
0xe5: {  	[sflag:s26] =	ssyncadd.s32 $0xFFFFFFC0  }
0xe6: {  	[tilespmem:s25], [sflag:$0xC] =	stream.indirect.gather [hbm4b:s4+s16], $0x80, s14, s16, $0xb8;
	[tilespmem:$0x1C400] =	vst v63  }
0xe7: {  	_ =	swait.ge [sflag:s28], $0x2000  }
0xe8: {  	s23 =	rddreg [dreg:$0x4];
	[sflag:s28] =	ssyncset.done $0x0  }
0xe9: {  	[sflag:s28] =	ssyncadd.s32 $0xFFFFE000;
	s8 =	sadd.s32 $0x0, s23  }
0xea: {  	[tilespmem:s13], [sflag:$0x3] =	stream.linear.gather [hbm4b:s8+s3], $0x40, $0x38;
	[tilespmem:$0x1C400] =	vst v63  }
0xeb: {  	_ =	swait.ge [sflag:s31], $0x40  }
0xec: {  	[sflag:s31] =	ssyncset.done $0x0  }
0xed: {  	[sflag:s31] =	ssyncadd.s32 $0xFFFFFFC0  }
0xee: {  	[spmem:s1] =	stream.indirect.scatter.add.f32 [tilespmem:s29], [sflag:$0xF], $0x80, s30, s16, $0xb8;
	[tilespmem:$0x1C400] =	vst v63  }
0xef: {  	_ =	swait.ge [sflag:s0], $0x2000  }
0xf0: {  	s24 =	rddreg [dreg:$0x3];
	[sflag:s0] =	ssyncset.done $0x0  }
0xf1: {  	[sflag:s0] =	ssyncadd.s32 $0xFFFFE000;
	s8 =	sadd.s32 $0x0, s24  }
0xf2: {  	[tilespmem:s14], [sflag:$0x4] =	stream.linear.gather [hbm4b:s8+s3], $0x40, $0x38;
	[tilespmem:$0x1C400] =	vst v63  }
0xf3: {  	_ =	swait.ge [sflag:s2], $0x40  }
0xf4: {  	[sflag:s2] =	ssyncset.done $0x0  }
0xf5: {  	[sflag:s2] =	ssyncadd.s32 $0xFFFFFFC0  }
0xf6: {  	[spmem:s1] =	stream.indirect.scatter.add.f32 [tilespmem:s25], [sflag:$0x10], $0x80, s15, s16, $0xb8;
	[tilespmem:$0x1C400] =	vst v63  }
0xf7: {  	_ =	swait.ge [sflag:s6], $0x2000  }
0xf8: {  	s26 =	rddreg [dreg:$0x9];
	[sflag:s6] =	ssyncset.done $0x0  }
0xf9: {  	[sflag:s6] =	ssyncadd.s32 $0xFFFFE000;
	s8 =	sadd.s32 $0x0, s26  }
0xfa: {  	[tilespmem:s18], [sflag:$0x5] =	stream.linear.gather [hbm4b:s8+s3], $0x40, $0x38;
	[tilespmem:$0x1C400] =	vst v63  }
0xfb: {  	_ =	swait.ge [sflag:s17], $0x40  }
0xfc: {  	[sflag:s17] =	ssyncset.done $0x0  }
0xfd: {  	s9 =	simm.s32 $0xB;
	[sflag:s17] =	ssyncadd.s32 $0xFFFFFFC0  }
0xfe: {  	[tilespmem:s5], [sflag:$0x9] =	stream.indirect.gather [hbm4b:s4+s16], $0x80, s3, s16, $0xb8;
	[tilespmem:$0x1C400] =	vst v63  }
0xff: {  	s11 =	simm.s32 $0xE;
	s28 =	simm.s32 $0x3;
	_ =	swait.ge [sflag:s7], $0x2000  }
0x100: {  	s30 =	simm.s32 $0x4;
	s31 =	rddreg [dreg:$0x7];
	[sflag:s7] =	ssyncset.done $0x0  }
0x101: {  	s29 =	simm.s32 $0x7;
	[sflag:s7] =	ssyncadd.s32 $0xFFFFE000;
	s8 =	sadd.s32 $0x0, s31  }
0x102: {  	[tilespmem:s10], [sflag:$0x6] =	stream.linear.gather [hbm4b:s8+s3], $0x40, $0x38;
	[tilespmem:$0x1C400] =	vst v63  }
0x103: {  	s14 =	simm.s32 $0x10;
	s2 =	simm.s32 $0xC;
	_ =	swait.ge [sflag:s19], $0x40  }
0x104: {  	s25 =	simm.s32 $0xD;
	s15 =	simm.s32 $0xF;
	[sflag:s19] =	ssyncset.done $0x0  }
0x105: {  	s6 =	simm.s32 $0x8;
	s8 =	simm.s32 $0x20;
	[sflag:s19] =	ssyncadd.s32 $0xFFFFFFC0  }
.LBB2_4:
0x106: {  	s0 =	simm.s32 $0x2400  }
0x107: {  	[tilespmem:s0], [sflag:$0xA] =	stream.indirect.gather [hbm4b:s4+s16], $0x80, s12, s16, $0xb8;
	[tilespmem:$0x1C400] =	vst v63  }
0x108: {  	_ =	swait.ge [sflag:s20], $0x2000  }
0x109: {  	s10 =	smov.u32 s8;
	s5 =	rddreg [dreg:$0xa];
	[sflag:s20] =	ssyncset.done $0x0  }
0x10a: {  	[sflag:s20] =	ssyncadd.s32 $0xFFFFE000;
	s12 =	sadd.s32 s10, s5  }
0x10b: {  	[tilespmem:s3], [sflag:$0x1] =	stream.linear.gather [hbm4b:s12+s3], $0x40, $0x38;
	[tilespmem:$0x1C400] =	vst v63  }
0x10c: {  	_ =	swait.ge [sflag:s21], $0x40  }
0x10d: {  	[sflag:s21] =	ssyncset.done $0x0  }
0x10e: {  	s24 =	simm.s32 $0x400;
	s23 =	simm.s32 $0x200;
	[sflag:s21] =	ssyncadd.s32 $0xFFFFFFC0  }
0x10f: {  	[spmem:s1] =	stream.indirect.scatter.add.f32 [tilespmem:s24], [sflag:$0xD], $0x80, s23, s16, $0xb8;
	[tilespmem:$0x1C400] =	vst v63  }
0x110: {  	_ =	swait.ge [sflag:s22], $0x2000  }
0x111: {  	s13 =	simm.s32 $0x80;
	s7 =	rddreg [dreg:$0x8];
	[sflag:s22] =	ssyncset.done $0x0  }
0x112: {  	s5 =	simm.s32 $0x6;
	[sflag:s22] =	ssyncadd.s32 $0xFFFFE000;
	s12 =	sadd.s32 s10, s7  }
0x113: {  	[tilespmem:s13], [sflag:$0x2] =	stream.linear.gather [hbm4b:s12+s3], $0x40, $0x38;
	[tilespmem:$0x1C400] =	vst v63  }
0x114: {  	_ =	swait.ge [sflag:s5], $0x40  }
0x115: {  	[sflag:s5] =	ssyncset.done $0x0  }
0x116: {  	[sflag:s5] =	ssyncadd.s32 $0xFFFFFFC0;
	s5 =	simm.s32 $0x280  }
0x117: {  	[spmem:s1] =	stream.indirect.scatter.add.f32 [tilespmem:s0], [sflag:$0xE], $0x80, s5, s16, $0xb8;
	[tilespmem:$0x1C400] =	vst v63  }
0x118: {  	_ =	swait.ge [sflag:s15], $0x2000  }
0x119: {  	s18 =	rddreg [dreg:$0x6];
	[sflag:s15] =	ssyncset.done $0x0  }
0x11a: {  	s31 =	simm.s32 $0x300;
	[sflag:s15] =	ssyncadd.s32 $0xFFFFE000;
	s12 =	sadd.s32 s10, s18  }
0x11b: {  	[tilespmem:s31], [sflag:$0x7] =	stream.linear.gather [hbm4b:s12+s3], $0x40, $0x38;
	[tilespmem:$0x1C400] =	vst v63  }
0x11c: {  	_ =	swait.ge [sflag:s28], $0x40  }
0x11d: {  	[sflag:s28] =	ssyncset.done $0x0  }
0x11e: {  	s13 =	simm.s32 $0x100;
	s0 =	simm.s32 $0x4400;
	[sflag:s28] =	ssyncadd.s32 $0xFFFFFFC0  }
0x11f: {  	[tilespmem:s0], [sflag:$0xB] =	stream.indirect.gather [hbm4b:s4+s16], $0x80, s13, s16, $0xb8;
	[tilespmem:$0x1C400] =	vst v63  }
0x120: {  	_ =	swait.ge [sflag:s14], $0x2000  }
0x121: {  	s26 =	rddreg [dreg:$0x5];
	[sflag:s14] =	ssyncset.done $0x0  }
0x122: {  	[sflag:s14] =	ssyncadd.s32 $0xFFFFE000;
	s12 =	sadd.s32 s10, s26;
	s26 =	simm.s32 $0x380  }
0x123: {  	[tilespmem:s26], [sflag:$0x8] =	stream.linear.gather [hbm4b:s12+s3], $0x40, $0x38;
	[tilespmem:$0x1C400] =	vst v63  }
0x124: {  	_ =	swait.ge [sflag:s30], $0x40  }
0x125: {  	[sflag:s30] =	ssyncset.done $0x0  }
0x126: {  	s7 =	simm.s32 $0x6400;
	s18 =	simm.s32 $0x180;
	[sflag:s30] =	ssyncadd.s32 $0xFFFFFFC0  }
0x127: {  	[tilespmem:s7], [sflag:$0xC] =	stream.indirect.gather [hbm4b:s4+s16], $0x80, s18, s16, $0xb8;
	[tilespmem:$0x1C400] =	vst v63  }
0x128: {  	_ =	swait.ge [sflag:s9], $0x2000  }
0x129: {  	s12 =	rddreg [dreg:$0x4];
	[sflag:s9] =	ssyncset.done $0x0  }
0x12a: {  	[sflag:s9] =	ssyncadd.s32 $0xFFFFE000;
	s12 =	sadd.s32 s10, s12  }
0x12b: {  	[tilespmem:s13], [sflag:$0x3] =	stream.linear.gather [hbm4b:s12+s3], $0x40, $0x38;
	[tilespmem:$0x1C400] =	vst v63  }
0x12c: {  	_ =	swait.ge [sflag:s29], $0x40  }
0x12d: {  	[sflag:s29] =	ssyncset.done $0x0  }
0x12e: {  	[sflag:s29] =	ssyncadd.s32 $0xFFFFFFC0  }
0x12f: {  	[spmem:s1] =	stream.indirect.scatter.add.f32 [tilespmem:s0], [sflag:$0xF], $0x80, s31, s16, $0xb8;
	[tilespmem:$0x1C400] =	vst v63  }
0x130: {  	_ =	swait.ge [sflag:s2], $0x2000  }
0x131: {  	s0 =	rddreg [dreg:$0x3];
	[sflag:s2] =	ssyncset.done $0x0  }
0x132: {  	[sflag:s2] =	ssyncadd.s32 $0xFFFFE000;
	s12 =	sadd.s32 s10, s0  }
0x133: {  	[tilespmem:s18], [sflag:$0x4] =	stream.linear.gather [hbm4b:s12+s3], $0x40, $0x38;
	[tilespmem:$0x1C400] =	vst v63  }
0x134: {  	_ =	swait.ge [sflag:s6], $0x40  }
0x135: {  	[sflag:s6] =	ssyncset.done $0x0  }
0x136: {  	[sflag:s6] =	ssyncadd.s32 $0xFFFFFFC0  }
0x137: {  	[spmem:s1] =	stream.indirect.scatter.add.f32 [tilespmem:s7], [sflag:$0x10], $0x80, s26, s16, $0xb8;
	[tilespmem:$0x1C400] =	vst v63  }
0x138: {  	_ =	swait.ge [sflag:s25], $0x2000  }
0x139: {  	s18 =	rddreg [dreg:$0x9];
	[sflag:s25] =	ssyncset.done $0x0  }
0x13a: {  	[sflag:s25] =	ssyncadd.s32 $0xFFFFE000;
	s12 =	sadd.s32 s10, s18  }
0x13b: {  	[tilespmem:s23], [sflag:$0x5] =	stream.linear.gather [hbm4b:s12+s3], $0x40, $0x38;
	[tilespmem:$0x1C400] =	vst v63  }
0x13c: {  	_ =	swait.ge [sflag:s17], $0x40  }
0x13d: {  	[sflag:s17] =	ssyncset.done $0x0  }
0x13e: {  	[sflag:s17] =	ssyncadd.s32 $0xFFFFFFC0  }
0x13f: {  	[tilespmem:s24], [sflag:$0x9] =	stream.indirect.gather [hbm4b:s4+s16], $0x80, s3, s16, $0xb8;
	[tilespmem:$0x1C400] =	vst v63  }
0x140: {  	_ =	swait.ge [sflag:s11], $0x2000  }
0x141: {  	p1 =	sne.s32 s8, $0x480;
	s24 =	rddreg [dreg:$0x7];
	[sflag:s11] =	ssyncset.done $0x0  }
.Ltmp1:
0x142: {  	[sflag:s11] =	ssyncadd.s32 $0xFFFFE000;
	s10 =	sadd.s32 s10, s24;
	(pc) =	sbr.rel @p1 .LBB2_4-.Ltmp1, $4  }
0x143: {  	[tilespmem:s5], [sflag:$0x6] =	stream.linear.gather [hbm4b:s10+s3], $0x40, $0x38;
	[tilespmem:$0x1C400] =	vst v63  }
0x144: {  	s8 =	sadd.s32 $0x20, s8;
	s31 =	simm.s32 $0x180;
	_ =	swait.ge [sflag:s19], $0x40  }
0x145: {  	s26 =	simm.s32 $0x400;
	s7 =	simm.s32 $0x280;
	[sflag:s19] =	ssyncset.done $0x0  }
0x146: {  	s18 =	simm.s32 $0x200;
	s12 =	simm.s32 $0x80;
	[sflag:s19] =	ssyncadd.s32 $0xFFFFFFC0  }
0x147: {  	s0 =	simm.s32 $0x2400  }
0x148: {  	[tilespmem:s0], [sflag:$0xA] =	stream.indirect.gather [hbm4b:s4+s16], $0x80, s12, s16, $0xb8;
	[tilespmem:$0x1C400] =	vst v63  }
0x149: {  	_ =	swait.ge [sflag:s20], $0x2000  }
0x14a: {  	[sflag:s20] =	ssyncset.done $0x0  }
0x14b: {  	[sflag:s20] =	ssyncadd.s32 $0xFFFFE000  }
0x14c: {  	_ =	swait.ge [sflag:s21], $0x40  }
0x14d: {  	[sflag:s21] =	ssyncset.done $0x0  }
0x14e: {  	[sflag:s21] =	ssyncadd.s32 $0xFFFFFFC0  }
0x14f: {  	[spmem:s1] =	stream.indirect.scatter.add.f32 [tilespmem:s26], [sflag:$0xD], $0x80, s18, s16, $0xb8;
	[tilespmem:$0x1C400] =	vst v63  }
0x150: {  	_ =	swait.ge [sflag:s22], $0x2000  }
0x151: {  	[sflag:s22] =	ssyncset.done $0x0  }
0x152: {  	s5 =	simm.s32 $0x6;
	[sflag:s22] =	ssyncadd.s32 $0xFFFFE000  }
0x153: {  	_ =	swait.ge [sflag:s5], $0x40  }
0x154: {  	[sflag:s5] =	ssyncset.done $0x0  }
0x155: {  	[sflag:s5] =	ssyncadd.s32 $0xFFFFFFC0  }
0x156: {  	[spmem:s1] =	stream.indirect.scatter.add.f32 [tilespmem:s0], [sflag:$0xE], $0x80, s7, s16, $0xb8;
	[tilespmem:$0x1C400] =	vst v63  }
0x157: {  	_ =	swait.ge [sflag:s15], $0x2000  }
0x158: {  	[sflag:s15] =	ssyncset.done $0x0  }
0x159: {  	s10 =	simm.s32 $0x300;
	s8 =	rddreg [dreg:$0x1c];
	[sflag:s15] =	ssyncadd.s32 $0xFFFFE000  }
0x15a: {  	[tilespmem:s10], [sflag:$0x7] =	stream.linear.gather [hbm4b:s8+s3], $0x40, $0x38;
	[tilespmem:$0x1C400] =	vst v63  }
0x15b: {  	_ =	swait.ge [sflag:s28], $0x40  }
0x15c: {  	[sflag:s28] =	ssyncset.done $0x0  }
0x15d: {  	s21 =	simm.s32 $0x4400;
	[sflag:s28] =	ssyncadd.s32 $0xFFFFFFC0  }
0x15e: {  	[tilespmem:s21], [sflag:$0xB] =	stream.indirect.gather [hbm4b:s4+s16], $0x80, s13, s16, $0xb8;
	[tilespmem:$0x1C400] =	vst v63  }
0x15f: {  	_ =	swait.ge [sflag:s14], $0x2000  }
0x160: {  	[sflag:s14] =	ssyncset.done $0x0  }
0x161: {  	s23 =	simm.s32 $0x380;
	s22 =	rddreg [dreg:$0x1d];
	[sflag:s14] =	ssyncadd.s32 $0xFFFFE000  }
0x162: {  	[tilespmem:s23], [sflag:$0x8] =	stream.linear.gather [hbm4b:s22+s3], $0x40, $0x38;
	[tilespmem:$0x1C400] =	vst v63  }
0x163: {  	_ =	swait.ge [sflag:s30], $0x40  }
0x164: {  	[sflag:s30] =	ssyncset.done $0x0  }
0x165: {  	s24 =	simm.s32 $0x6400;
	[sflag:s30] =	ssyncadd.s32 $0xFFFFFFC0  }
0x166: {  	[tilespmem:s24], [sflag:$0xC] =	stream.indirect.gather [hbm4b:s4+s16], $0x80, s31, s16, $0xb8;
	[tilespmem:$0x1C400] =	vst v63  }
0x167: {  	_ =	swait.ge [sflag:s9], $0x2000  }
0x168: {  	[sflag:s9] =	ssyncset.done $0x0  }
0x169: {  	[sflag:s9] =	ssyncadd.s32 $0xFFFFE000  }
0x16a: {  	_ =	swait.ge [sflag:s29], $0x40  }
0x16b: {  	[sflag:s29] =	ssyncset.done $0x0  }
0x16c: {  	[sflag:s29] =	ssyncadd.s32 $0xFFFFFFC0  }
0x16d: {  	[spmem:s1] =	stream.indirect.scatter.add.f32 [tilespmem:s21], [sflag:$0xF], $0x80, s10, s16, $0xb8;
	[tilespmem:$0x1C400] =	vst v63  }
0x16e: {  	_ =	swait.ge [sflag:s2], $0x2000  }
0x16f: {  	[sflag:s2] =	ssyncset.done $0x0  }
0x170: {  	[sflag:s2] =	ssyncadd.s32 $0xFFFFE000  }
0x171: {  	_ =	swait.ge [sflag:s6], $0x40  }
0x172: {  	[sflag:s6] =	ssyncset.done $0x0  }
0x173: {  	[sflag:s6] =	ssyncadd.s32 $0xFFFFFFC0  }
0x174: {  	[spmem:s1] =	stream.indirect.scatter.add.f32 [tilespmem:s24], [sflag:$0x10], $0x80, s23, s16, $0xb8;
	[tilespmem:$0x1C400] =	vst v63  }
0x175: {  	_ =	swait.ge [sflag:s25], $0x2000  }
0x176: {  	[sflag:s25] =	ssyncset.done $0x0  }
0x177: {  	[sflag:s25] =	ssyncadd.s32 $0xFFFFE000  }
0x178: {  	_ =	swait.ge [sflag:s11], $0x2000  }
0x179: {  	[sflag:s11] =	ssyncset.done $0x0  }
0x17a: {  	[sflag:s11] =	ssyncadd.s32 $0xFFFFE000  }
0x17b: {  	_ =	swait.ge [sflag:s15], $0x2000  }
0x17c: {  	[sflag:s15] =	ssyncset.done $0x0  }
0x17d: {  	[sflag:s15] =	ssyncadd.s32 $0xFFFFE000  }
0x17e: {  	_ =	swait.ge [sflag:s14], $0x2000  }
0x17f: {  	[sflag:s14] =	ssyncset.done $0x0  }
0x180: {  	s8 =	simm.s32 @!p0 $0x0;
	s10 =	rddreg [dreg:$0x1b];
	[sflag:s14] =	ssyncadd.s32 $0xFFFFE000  }
0x181: {  	[tilespmem:s8], [sflag:$0x1] =	stream.linear.gather @!p0 [hbm4b:s10+s8], $0x40, $0x38;
	[tilespmem:$0x1C400] =	vst v63  }
0x182: {  	s12 =	simm.s32 @!p0 $0x1;
	s0 =	simm.s32 @!p0 $0x200;
	s10 =	rddreg [dreg:$0x1a]  }
0x183: {  	[tilespmem:s0], [sflag:$0x5] =	stream.linear.gather @!p0 [hbm4b:s10+s8], $0x40, $0x38;
	[tilespmem:$0x1C400] =	vst v63  }
0x184: {  	_ =	swait.ge @!p0 [sflag:s12], $0x40  }
0x185: {  	[sflag:s12] =	ssyncset.done @!p0 $0x0  }
0x186: {  	s10 =	simm.s32 @!p0 $0x400;
	[sflag:s12] =	ssyncadd.s32 @!p0 $0xFFFFFFC0;
	s12 =	simm.s32 @!p0 $0x40  }
0x187: {  	[tilespmem:s10], [sflag:$0x9] =	stream.indirect.gather @!p0 [hbm4b:s4+s12], $0x80, s8, s12, $0xb8;
	[tilespmem:$0x1C400] =	vst v63  }
0x188: {  	s8 =	simm.s32 @!p0 $0x9  }
0x189: {  	_ =	swait.ge @!p0 [sflag:s8], $0x2000  }
0x18a: {  	[sflag:s8] =	ssyncset.done @!p0 $0x0  }
0x18b: {  	[sflag:s8] =	ssyncadd.s32 @!p0 $0xFFFFE000;
	s8 =	simm.s32 @!p0 $0x5  }
0x18c: {  	_ =	swait.ge @!p0 [sflag:s8], $0x40  }
0x18d: {  	[sflag:s8] =	ssyncset.done @!p0 $0x0  }
0x18e: {  	[sflag:s8] =	ssyncadd.s32 @!p0 $0xFFFFFFC0;
	s8 =	simm.s32 @!p0 $0xD  }
0x18f: {  	[spmem:s1] =	stream.indirect.scatter.add.f32 @!p0 [tilespmem:s10], [sflag:$0xD], $0x80, s0, s12, $0xb8;
	[tilespmem:$0x1C400] =	vst v63  }
0x190: {  	_ =	swait.ge @!p0 [sflag:s8], $0x2000  }
0x191: {  	[sflag:s8] =	ssyncset.done @!p0 $0x0  }
0x192: {  	[sflag:s8] =	ssyncadd.s32 @!p0 $0xFFFFE000  }
0x193: {  	s25 =	stileid.u32;
	[bflag:$0x0] =	sbarrier.arrive $0xFFFF  }
0x194: {  	s18 =	simm.s32 $0x11;
	s8 =	sshll.u32 s25, $0x6;
	s26 =	rddreg [dreg:$0x11]  }
0x195: {  	s8 =	sor.u32 $0x1C11, s8;
	s29 =	rddreg [dreg:$0x1e];
	s10 =	sshrl.u32 s26, $0x3  }
0x196: {  	[hbm:s29], [sflag:s8] =	dma.local [spmem:s10], $0x2800  }
0x197: {  	_ =	swait.ge [sflag:s18], $0x2800  }
0x198: {  	s23 =	sld [smem:$0x7F4]  }
0x199: {  	s17 =	simm.s32 $0x2;
	s19 =	simm.s32 $0x9  }
0x19a: {  	s20 =	simm.s32 $0x5;
	s5 =	simm.s32 $0x200;
	s7 =	simm.s32 $0xE  }
0x19b: {  	s28 =	simm.s32 $0xB;
	s30 =	rddreg [dreg:$0x1f];
	s23 =	sadd.s32 $0x1, s23  }
0x19c: {  	s22 =	simm.s32 $0x6;
	s31 =	simm.s32 $0x7;
	p1 =	sne.s32 s23, s30  }
.Ltmp2:
0x19d: {  	s9 =	simm.s32 $0x1;
	s21 =	simm.s32 $0xA;
	(pc) =	sbr.rel @p1 .LBB2_1-.Ltmp2, $4  }
0x19e: {  	s2 =	simm.s32 $0x8;
	s6 =	simm.s32 $0xD;
	s24 =	simm.s32 $0x3  }
0x19f: {  	s11 =	simm.s32 $0xF;
	s15 =	simm.s32 $0x10;
	s14 =	simm.s32 $0x280  }
0x1a0: {  	s12 =	simm.s32 $0x80;
	s0 =	simm.s32 $0xC;
	[sflag:s18] =	ssyncset.done $0x0  }
0x1a1: {  	s26 =	simm.s32 $0x4;
	s10 =	simm.s32 $0x180;
	[sflag:s18] =	ssyncadd.s32 $0xFFFFD800  }
0x1a2: {  	_ =	sfence.sel $0x180000  }
0x1a3: {  	[bflag:$0x0] =	sbarrier.arrive $0xFFFF  }
0x1a4: {  	_ =	strace $0x9000004A  }
0x1a5: {  	s0 =	stileid.u32;
	[bflag:$0x2] =	sbarrier.arrive $0xFFFF  }
0x1a6: {  	p0 =	sne.s32 s0, $0x0;
	s0 =	rddreg [dreg:$0x2]  }
0x1a7: {  	s0 =	sadd.s32 @!p0 $0x100000, s0  }
0x1a8: {  	[sflag:s0] =	ssyncadd.tile.s32 @!p0 $0x1;
	_ =	shalt  }
.Lfunc_end2:
_tile_overlayer_lowered:
.L_overlay_start_2:
0x1a9: {  	(tag) =	ssettag $0x2  }
0x1aa: {  	s0 =	rddreg [dreg:$0x0];
	s2 =	stileid.u32  }
0x1ab: {  	s1 =	rddreg [dreg:$0x1];
	p0 =	sne.s32 s2, $0x0  }
0x1ac: {  	s3 =	rddreg [dreg:$0x2];
	[bflag:$0x3] =	sbarrier.arrive $0xFFFF;
	s2 =	simm.s32 @!p0 $0x1C11  }
0x1ad: {  	[timem:s3], [sflag:s2] =	dma.local @!p0 [hbm:s0], s1  }
0x1ae: {  	s0 =	simm.s32 @!p0 $0x11  }
0x1af: {  	_ =	swait.ge @!p0 [sflag:s0], s1  }
0x1b0: {  	s1 =	ssub.s32 @!p0 $0x0, s1;
	[sflag:s0] =	ssyncset.done @!p0 $0x0  }
0x1b1: {  	[sflag:s0] =	ssyncadd.s32 @!p0 s1  }
0x1b2: {  	[bflag:$0x3] =	sbarrier.arrive $0xFFFF  }
0x1b3: {  	_ =	shalt  }

</sc_bundles>
